<compile_context>
chip_gen: v7x
topology: tpu7x:2x2x1
jax: 0.10.2.dev20260603
libtpu: 0.0.44.dev20260713+nightly
codegen_flags: <defaults>
</compile_context>

<pallas_src>
import functools

import jax
import jax.numpy as jnp
from jax import lax
from jax.experimental import pallas as pl
from jax.experimental.pallas import tpu as pltpu
from jax.experimental.pallas import tpu_sc as plsc

_NBINS = 16
_SLOTS = 17
_K = 1.875
_S = 64
_P = 256
_NW = 32


def _make_sc(B, CB):
    C = CB * _P
    BPW = B // _NW
    NCH = BPW // CB
    NPAIR = NCH // 2
    assert B % _NW == 0 and BPW % CB == 0 and NCH % 2 == 0

    def zero_hist(hist_ref):
        z16 = jnp.zeros((16,), jnp.float32)

        @plsc.parallel_loop(0, C * _SLOTS // 16, unroll=8)
        def _zloop(i):
            hist_ref[pl.ds(i * 16, 16)] = z16

    def bin_chunk(in_ref, hist_ref):
        ones = jnp.ones((16,), jnp.float32)
        iota = lax.iota(jnp.int32, 16)

        assert C == 512
        @plsc.parallel_loop(0, CB * _S, unroll=4)
        def _sloop(slab):
            bloc = slab // _S
            s = slab % _S
            rows0 = (bloc * _P + iota) ^ (-2147483648)

            for pg in range(_P // 16):
                v = in_ref[bloc, s, pl.ds(pg * 16, 16)]
                t = v * _K + 12582920.0
                t = jnp.minimum(jnp.maximum(t, 12582912.0), 12582928.0)
                ti = jax.lax.bitcast_convert_type(t, jnp.int32)
                b = ti * C + (rows0 + pg * 16)
                plsc.addupdate_scatter(hist_ref, [b], ones)

    def readout_chunk(hist_ref, out_ref):
        z16 = jnp.zeros((16,), jnp.float32)

        @plsc.parallel_loop(0, C // 16, unroll=2)
        def _gloop(g):
            bloc = g // (_P // 16)
            pp = (g % (_P // 16)) * 16
            c0 = hist_ref[pl.ds(g * 16, 16)]
            hist_ref[pl.ds(g * 16, 16)] = z16
            rinv = 1.0 / (64.0 - c0)
            for i in range(1, _SLOTS):
                cj = hist_ref[pl.ds(i * C + g * 16, 16)]
                hist_ref[pl.ds(i * C + g * 16, 16)] = z16
                out_ref[bloc, i - 1, pl.ds(pp, 16)] = cj * rinv

    def sc_body(x_hbm, out_hbm, in0, in1, ob0, ob1, hist,
                sem_i0, sem_i1, sem_o0, sem_o1):
        cid = lax.axis_index("c")
        sid = lax.axis_index("s")
        wid = sid * 2 + cid
        wbase = wid * BPW

        ins = (in0, in1)
        sis = (sem_i0, sem_i1)
        obs = (ob0, ob1)
        sos = (sem_o0, sem_o1)

        def in_copy(bbase, buf, sem):
            return pltpu.make_async_copy(
                x_hbm.at[pl.ds(bbase, CB)], buf, sem)

        def out_copy(bbase, buf, sem):
            return pltpu.make_async_copy(
                buf, out_hbm.at[pl.ds(bbase, CB)], sem)

        in_copy(wbase, in0, sem_i0).start()
        zero_hist(hist)

        def pair_body(p, carry):
            base0 = wbase + 2 * p * CB

            for b in range(2):
                base = base0 + b * CB
                nxt = base + CB

                if b == 0:
                    in_copy(nxt, ins[1], sis[1]).start()
                else:
                    @pl.when(p < NPAIR - 1)
                    def _prefetch():
                        in_copy(nxt, ins[0], sis[0]).start()

                in_copy(base, ins[b], sis[b]).wait()
                bin_chunk(ins[b], hist)

                @pl.when(p > 0)
                def _drain_prev_out():
                    out_copy(base, obs[b], sos[b]).wait()

                readout_chunk(hist, obs[b])
                out_copy(base, obs[b], sos[b]).start()
            return carry

        lax.fori_loop(0, NPAIR, pair_body, 0)

        last0 = wbase + (NCH - 2) * CB
        out_copy(last0, ob0, sem_o0).wait()
        out_copy(last0 + CB, ob1, sem_o1).wait()

    mesh = plsc.VectorSubcoreMesh(
        core_axis_name="c", subcore_axis_name="s",
        num_cores=2, num_subcores=16)
    return functools.partial(
        pl.kernel,
        mesh=mesh,
        out_type=jax.ShapeDtypeStruct((B, _NBINS, _P), jnp.float32),
        scratch_types=[
            pltpu.VMEM((CB, _S, _P), jnp.float32),
            pltpu.VMEM((CB, _S, _P), jnp.float32),
            pltpu.VMEM((CB, _NBINS, _P), jnp.float32),
            pltpu.VMEM((CB, _NBINS, _P), jnp.float32),
            pltpu.VMEM((C * _SLOTS,), jnp.float32),
            pltpu.SemaphoreType.DMA,
            pltpu.SemaphoreType.DMA,
            pltpu.SemaphoreType.DMA,
            pltpu.SemaphoreType.DMA,
        ],
        compiler_params=pltpu.CompilerParams(
            needs_layout_passes=False, use_tc_tiling_on_sc=True),
    )(sc_body)


def kernel(x):
    batch, patches, seq = x.shape
    xt = jnp.transpose(x, (0, 2, 1))
    run = _make_sc(batch, 2)
    zt = run(xt)
    return jnp.transpose(zt, (0, 2, 1))

# --- scband reference (transcript-rebuilt; emitter-appended) ---
"""Pipeline reference for scband-distribution-tokenizer-26577257627888 (READ-ONLY COPY).

The authoritative reference and input builder live on the scoring server;
editing this copy changes nothing except your own understanding.
"""

import jax, jax.numpy as jnp
import numpy as np

INR_OF_BINS = 16
F_MIN = -4.0
F_MAX = 4.0


def setup_inputs(seed: int = 0) -> dict:
    key = jax.random.key(seed)
    x = jax.random.normal(key, (2048, 256, 64), dtype=jnp.float32)
    return {"x": x}


def reference(x):
    # tf.linspace(fMin, fMax, iNrOfBins) boundaries
    boundaries = jnp.linspace(F_MIN, F_MAX, INR_OF_BINS).astype(jnp.float32)
    # tf.keras.layers.Discretization with explicit bin_boundaries == Bucketize:
    # bucket index = number of boundaries <= x  -> searchsorted side='right'
    y = jnp.searchsorted(boundaries, x, side='right')  # int buckets in 0..INR_OF_BINS, shape (B, P, S)
    # count_nonzero(y == i, axis=2) for i in 1..iNrOfBins, stacked on axis 2
    output_list = []
    for i in range(1, INR_OF_BINS + 1):
        output_list.append(jnp.sum((y == i).astype(jnp.float32), axis=2))
    z = jnp.stack(output_list, axis=2)  # (B, P, iNrOfBins)
    z = z / jnp.sum(z, axis=2, keepdims=True)
    return z

if __name__ == "__main__":
    import jax
    _d = setup_inputs()
    print(jax.jit(kernel)(*tuple(_d.values())))

</pallas_src>

<mosaic_0001>
#map = affine_map<(d0, d1) -> (0, 0, 0)>
module attributes {stable_mosaic.version = 14 : i64} {
  func.func @sc_body(%arg0: i32, %arg1: i32, %arg2: memref<2048x64x256xf32, #tpu.memory_space<hbm>>, %arg3: memref<2048x16x256xf32, #tpu.memory_space<hbm>>, %arg4: memref<2x64x256xf32, #tpu.memory_space<vmem>>, %arg5: memref<2x64x256xf32, #tpu.memory_space<vmem>>, %arg6: memref<2x16x256xf32, #tpu.memory_space<vmem>>, %arg7: memref<2x16x256xf32, #tpu.memory_space<vmem>>, %arg8: memref<8704xf32, #tpu.memory_space<vmem>>, %arg9: memref<!tpu.dma_semaphore, #tpu.memory_space<semaphore_mem>>, %arg10: memref<!tpu.dma_semaphore, #tpu.memory_space<semaphore_mem>>, %arg11: memref<!tpu.dma_semaphore, #tpu.memory_space<semaphore_mem>>, %arg12: memref<!tpu.dma_semaphore, #tpu.memory_space<semaphore_mem>>) attributes {dimension_semantics = [#tpu.dimension_semantics<core_parallel>, #tpu.dimension_semantics<subcore_parallel>], iteration_bounds = array<i64: 2, 16>, scalar_prefetch = 0 : i64, scratch_operands = 9 : i64, tpu.core_type = #tpu.core_type<sc_vector_subcore>, window_params = [{transform_indices = #map}, {transform_indices = #map}]} {
    %mul3A = arith.constant 2 : i32
    %mul3A_0 = arith.muli %arg1, %mul3A : i32
    %add3A = arith.addi %mul3A_0, %arg0 : i32
    %mul3A_1 = arith.constant 64 : i32
    %mul3A_2 = arith.muli %add3A, %mul3A_1 : i32
    %dma_start3A = arith.constant 0 : i32
    %dma_start3A_3 = arith.constant 0 : i32
    %dma_start3A_4 = tpu.memref_slice %arg2[%mul3A_2, %dma_start3A, %dma_start3A_3] : memref<2048x64x256xf32, #tpu.memory_space<hbm>> -> memref<2x64x256xf32, #tpu.memory_space<hbm>>
    %dma_start3A_5 = arith.constant 0 : i32
    %dma_start3A_6 = arith.constant 0 : i32
    %dma_start3A_7 = tpu.memref_slice %arg2[%mul3A_2, %dma_start3A_5, %dma_start3A_6] : memref<2048x64x256xf32, #tpu.memory_space<hbm>> -> memref<2x64x256xf32, #tpu.memory_space<hbm>>
    tpu.enqueue_dma source(%dma_start3A_7 : memref<2x64x256xf32, #tpu.memory_space<hbm>>) target(%arg4 : memref<2x64x256xf32, #tpu.memory_space<vmem>>) target_semaphore(%arg9 : memref<!tpu.dma_semaphore, #tpu.memory_space<semaphore_mem>>)
    %broadcast_in_dim3A = arith.constant 0.000000e+00 : f32
    %broadcast_in_dim3A_8 = vector.broadcast %broadcast_in_dim3A : f32 to vector<16xf32>
    %parallel_loop3A = arith.constant 0 : i32
    %parallel_loop3A_9 = arith.constant 544 : i32
    %parallel_loop3A_10 = arith.constant 1 : i32
    scf.for %parallel_loop3A_31 = %parallel_loop3A to %parallel_loop3A_9 step %parallel_loop3A_10  : i32 {
      %parallel_loop3A_32 = arith.constant 16 : i32
      %parallel_loop3A_33 = arith.muli %parallel_loop3A_31, %parallel_loop3A_32 : i32
      %parallel_loop3A_34 = arith.index_cast %parallel_loop3A_33 : i32 to index
      %parallel_loop3A_35 = tpu.vector_load %arg8[%parallel_loop3A_34] {strides = array<i32>} : memref<8704xf32, #tpu.memory_space<vmem>>, vector<16xf32>,
      tpu.vector_store %arg8[%parallel_loop3A_34], %broadcast_in_dim3A_8 {strides = array<i32>} : memref<8704xf32, #tpu.memory_space<vmem>>, vector<16xf32>,
    } {sc.loop_unroll_factor = 8 : i64, sc.parallel_access}
    %scan3A = arith.constant 0 : i32
    %scan3A_11 = arith.constant 0 : i32
    %scan3A_12 = arith.constant 16 : i32
    %scan3A_13 = arith.addi %scan3A_11, %scan3A_12 : i32
    %scan3A_14 = arith.constant 1 : i32
    scf.for %scan3A_31 = %scan3A_11 to %scan3A_13 step %scan3A_14  : i32 {
      %mul3A_32 = arith.constant 2 : i32
      %mul3A_33 = arith.muli %mul3A_32, %scan3A_31 : i32
      %mul3A_34 = arith.constant 2 : i32
      %mul3A_35 = arith.muli %mul3A_33, %mul3A_34 : i32
      %add3A_36 = arith.addi %mul3A_2, %mul3A_35 : i32
      %add3A_37 = arith.constant 0 : i32
      %add3A_38 = arith.addi %add3A_36, %add3A_37 : i32
      %add3A_39 = arith.constant 2 : i32
      %add3A_40 = arith.addi %add3A_38, %add3A_39 : i32
      %dma_start3A_41 = arith.constant 0 : i32
      %dma_start3A_42 = arith.constant 0 : i32
      %dma_start3A_43 = tpu.memref_slice %arg2[%add3A_40, %dma_start3A_41, %dma_start3A_42] : memref<2048x64x256xf32, #tpu.memory_space<hbm>> -> memref<2x64x256xf32, #tpu.memory_space<hbm>>
      %dma_start3A_44 = arith.constant 0 : i32
      %dma_start3A_45 = arith.constant 0 : i32
      %dma_start3A_46 = tpu.memref_slice %arg2[%add3A_40, %dma_start3A_44, %dma_start3A_45] : memref<2048x64x256xf32, #tpu.memory_space<hbm>> -> memref<2x64x256xf32, #tpu.memory_space<hbm>>
      tpu.enqueue_dma source(%dma_start3A_46 : memref<2x64x256xf32, #tpu.memory_space<hbm>>) target(%arg5 : memref<2x64x256xf32, #tpu.memory_space<vmem>>) target_semaphore(%arg10 : memref<!tpu.dma_semaphore, #tpu.memory_space<semaphore_mem>>)
      %dma_wait3A_47 = arith.constant 0 : i32
      %dma_wait3A_48 = arith.constant 0 : i32
      %dma_wait3A_49 = tpu.memref_slice %arg2[%add3A_38, %dma_wait3A_47, %dma_wait3A_48] : memref<2048x64x256xf32, #tpu.memory_space<hbm>> -> memref<2x64x256xf32, #tpu.memory_space<hbm>>
      %dma_wait3A_50 = arith.constant 0 : i32
      %dma_wait3A_51 = arith.constant 0 : i32
      %dma_wait3A_52 = tpu.memref_slice %arg2[%add3A_38, %dma_wait3A_50, %dma_wait3A_51] : memref<2048x64x256xf32, #tpu.memory_space<hbm>> -> memref<2x64x256xf32, #tpu.memory_space<hbm>>
      tpu.wait_dma2 semaphore(%arg9 : memref<!tpu.dma_semaphore, #tpu.memory_space<semaphore_mem>>) src(%dma_wait3A_52 : memref<2x64x256xf32, #tpu.memory_space<hbm>>) dst(%arg4 : memref<2x64x256xf32, #tpu.memory_space<vmem>>)
      %broadcast_in_dim3A_53 = arith.constant 1.000000e+00 : f32
      %broadcast_in_dim3A_54 = vector.broadcast %broadcast_in_dim3A_53 : f32 to vector<16xf32>
      %iota3A = tpu.iota {dimensions = array<i32: 0>} : vector<16xi32>
      %parallel_loop3A_55 = arith.constant 0 : i32
      %parallel_loop3A_56 = arith.constant 128 : i32
      %parallel_loop3A_57 = arith.constant 1 : i32
      scf.for %parallel_loop3A_107 = %parallel_loop3A_55 to %parallel_loop3A_56 step %parallel_loop3A_57  : i32 {
        %parallel_loop3A_108 = arith.constant 64 : i32
        %parallel_loop3A_109 = arith.divsi %parallel_loop3A_107, %parallel_loop3A_108 : i32
        %parallel_loop3A_110 = arith.constant 0 : i32
        %parallel_loop3A_111 = arith.cmpi sgt, %parallel_loop3A_107, %parallel_loop3A_110 : i32
        %parallel_loop3A_112 = arith.extui %parallel_loop3A_111 : i1 to i32
        %parallel_loop3A_113 = arith.constant 0 : i32
        %parallel_loop3A_114 = arith.cmpi slt, %parallel_loop3A_107, %parallel_loop3A_113 : i32
        %parallel_loop3A_115 = arith.extui %parallel_loop3A_114 : i1 to i32
        %parallel_loop3A_116 = arith.subi %parallel_loop3A_112, %parallel_loop3A_115 : i32
        %parallel_loop3A_117 = arith.constant 0 : i32
        %parallel_loop3A_118 = arith.cmpi sgt, %parallel_loop3A_108, %parallel_loop3A_117 : i32
        %parallel_loop3A_119 = arith.extui %parallel_loop3A_118 : i1 to i32
        %parallel_loop3A_120 = arith.constant 0 : i32
        %parallel_loop3A_121 = arith.cmpi slt, %parallel_loop3A_108, %parallel_loop3A_120 : i32
        %parallel_loop3A_122 = arith.extui %parallel_loop3A_121 : i1 to i32
        %parallel_loop3A_123 = arith.subi %parallel_loop3A_119, %parallel_loop3A_122 : i32
        %parallel_loop3A_124 = arith.cmpi ne, %parallel_loop3A_116, %parallel_loop3A_123 : i32
        %parallel_loop3A_125 = arith.remsi %parallel_loop3A_107, %parallel_loop3A_108 : i32
        %parallel_loop3A_126 = arith.constant 0 : i32
        %parallel_loop3A_127 = arith.cmpi ne, %parallel_loop3A_125, %parallel_loop3A_126 : i32
        %parallel_loop3A_128 = arith.andi %parallel_loop3A_124, %parallel_loop3A_127 : i1
        %parallel_loop3A_129 = arith.constant 1 : i32
        %parallel_loop3A_130 = arith.subi %parallel_loop3A_109, %parallel_loop3A_129 : i32
        %parallel_loop3A_131 = arith.select %parallel_loop3A_128, %parallel_loop3A_130, %parallel_loop3A_109 : i32
        %parallel_loop3A_132 = arith.constant 64 : i32
        %parallel_loop3A_133 = arith.constant 0 : i32
        %parallel_loop3A_134 = arith.cmpi eq, %parallel_loop3A_132, %parallel_loop3A_133 : i32
        %parallel_loop3A_135 = arith.constant 1 : i32
        %parallel_loop3A_136 = arith.select %parallel_loop3A_134, %parallel_loop3A_135, %parallel_loop3A_132 : i32
        %parallel_loop3A_137 = arith.remsi %parallel_loop3A_107, %parallel_loop3A_136 : i32
        %parallel_loop3A_138 = arith.constant 0 : i32
        %parallel_loop3A_139 = arith.cmpi ne, %parallel_loop3A_137, %parallel_loop3A_138 : i32
        %parallel_loop3A_140 = arith.constant 0 : i32
        %parallel_loop3A_141 = arith.cmpi slt, %parallel_loop3A_137, %parallel_loop3A_140 : i32
        %parallel_loop3A_142 = arith.constant 0 : i32
        %parallel_loop3A_143 = arith.cmpi slt, %parallel_loop3A_136, %parallel_loop3A_142 : i32
        %parallel_loop3A_144 = arith.xori %parallel_loop3A_141, %parallel_loop3A_143 : i1
        %parallel_loop3A_145 = arith.andi %parallel_loop3A_144, %parallel_loop3A_139 : i1
        %parallel_loop3A_146 = arith.addi %parallel_loop3A_137, %parallel_loop3A_136 : i32
        %parallel_loop3A_147 = arith.select %parallel_loop3A_145, %parallel_loop3A_146, %parallel_loop3A_137 : i32
        %parallel_loop3A_148 = arith.constant 256 : i32
        %parallel_loop3A_149 = arith.muli %parallel_loop3A_131, %parallel_loop3A_148 : i32
        %parallel_loop3A_150 = vector.broadcast %parallel_loop3A_149 : i32 to vector<16xi32>
        %parallel_loop3A_151 = arith.addi %parallel_loop3A_150, %iota3A : vector<16xi32>
        %parallel_loop3A_152 = arith.constant -2147483648 : i32
        %parallel_loop3A_153 = vector.broadcast %parallel_loop3A_152 : i32 to vector<16xi32>
        %parallel_loop3A_154 = arith.xori %parallel_loop3A_151, %parallel_loop3A_153 : vector<16xi32>
        %parallel_loop3A_155 = arith.index_cast %parallel_loop3A_131 : i32 to index
        %parallel_loop3A_156 = arith.index_cast %parallel_loop3A_147 : i32 to index
        %parallel_loop3A_157 = arith.constant 0 : index
        %parallel_loop3A_158 = tpu.vector_load %arg4[%parallel_loop3A_155, %parallel_loop3A_156, %parallel_loop3A_157] {strides = array<i32>} : memref<2x64x256xf32, #tpu.memory_space<vmem>>, vector<16xf32>,
        %parallel_loop3A_159 = arith.constant 1.875000e+00 : f32
        %parallel_loop3A_160 = vector.broadcast %parallel_loop3A_159 : f32 to vector<16xf32>
        %parallel_loop3A_161 = arith.mulf %parallel_loop3A_158, %parallel_loop3A_160 : vector<16xf32>
        %parallel_loop3A_162 = arith.constant 0x4B400008 : f32
        %parallel_loop3A_163 = vector.broadcast %parallel_loop3A_162 : f32 to vector<16xf32>
        %parallel_loop3A_164 = arith.addf %parallel_loop3A_161, %parallel_loop3A_163 : vector<16xf32>
        %parallel_loop3A_165 = arith.constant 0x4B400000 : f32
        %parallel_loop3A_166 = vector.broadcast %parallel_loop3A_165 : f32 to vector<16xf32>
        %parallel_loop3A_167 = arith.maximumf %parallel_loop3A_164, %parallel_loop3A_166 : vector<16xf32>
        %parallel_loop3A_168 = arith.constant 0x4B400010 : f32
        %parallel_loop3A_169 = vector.broadcast %parallel_loop3A_168 : f32 to vector<16xf32>
        %parallel_loop3A_170 = arith.minimumf %parallel_loop3A_167, %parallel_loop3A_169 : vector<16xf32>
        %parallel_loop3A_171 = tpu.bitcast %parallel_loop3A_170 : vector<16xf32> -> vector<16xi32>
        %parallel_loop3A_172 = arith.constant 512 : i32
        %parallel_loop3A_173 = vector.broadcast %parallel_loop3A_172 : i32 to vector<16xi32>
        %parallel_loop3A_174 = arith.muli %parallel_loop3A_171, %parallel_loop3A_173 : vector<16xi32>
        %parallel_loop3A_175 = arith.constant 0 : i32
        %parallel_loop3A_176 = vector.broadcast %parallel_loop3A_175 : i32 to vector<16xi32>
        %parallel_loop3A_177 = arith.addi %parallel_loop3A_154, %parallel_loop3A_176 : vector<16xi32>
        %parallel_loop3A_178 = arith.addi %parallel_loop3A_174, %parallel_loop3A_177 : vector<16xi32>
        tpu.vector_store_idx %arg8[%parallel_loop3A_178], %broadcast_in_dim3A_54 {add = true} : memref<8704xf32, #tpu.memory_space<vmem>>[vector<16xi32>], vector<16xf32>,
        %parallel_loop3A_179 = arith.index_cast %parallel_loop3A_131 : i32 to index
        %parallel_loop3A_180 = arith.index_cast %parallel_loop3A_147 : i32 to index
        %parallel_loop3A_181 = arith.constant 16 : index
        %parallel_loop3A_182 = tpu.vector_load %arg4[%parallel_loop3A_179, %parallel_loop3A_180, %parallel_loop3A_181] {strides = array<i32>} : memref<2x64x256xf32, #tpu.memory_space<vmem>>, vector<16xf32>,
        %parallel_loop3A_183 = arith.constant 1.875000e+00 : f32
        %parallel_loop3A_184 = vector.broadcast %parallel_loop3A_183 : f32 to vector<16xf32>
        %parallel_loop3A_185 = arith.mulf %parallel_loop3A_182, %parallel_loop3A_184 : vector<16xf32>
        %parallel_loop3A_186 = arith.constant 0x4B400008 : f32
        %parallel_loop3A_187 = vector.broadcast %parallel_loop3A_186 : f32 to vector<16xf32>
        %parallel_loop3A_188 = arith.addf %parallel_loop3A_185, %parallel_loop3A_187 : vector<16xf32>
        %parallel_loop3A_189 = arith.constant 0x4B400000 : f32
        %parallel_loop3A_190 = vector.broadcast %parallel_loop3A_189 : f32 to vector<16xf32>
        %parallel_loop3A_191 = arith.maximumf %parallel_loop3A_188, %parallel_loop3A_190 : vector<16xf32>
        %parallel_loop3A_192 = arith.constant 0x4B400010 : f32
        %parallel_loop3A_193 = vector.broadcast %parallel_loop3A_192 : f32 to vector<16xf32>
        %parallel_loop3A_194 = arith.minimumf %parallel_loop3A_191, %parallel_loop3A_193 : vector<16xf32>
        %parallel_loop3A_195 = tpu.bitcast %parallel_loop3A_194 : vector<16xf32> -> vector<16xi32>
        %parallel_loop3A_196 = arith.constant 512 : i32
        %parallel_loop3A_197 = vector.broadcast %parallel_loop3A_196 : i32 to vector<16xi32>
        %parallel_loop3A_198 = arith.muli %parallel_loop3A_195, %parallel_loop3A_197 : vector<16xi32>
        %parallel_loop3A_199 = arith.constant 16 : i32
        %parallel_loop3A_200 = vector.broadcast %parallel_loop3A_199 : i32 to vector<16xi32>
        %parallel_loop3A_201 = arith.addi %parallel_loop3A_154, %parallel_loop3A_200 : vector<16xi32>
        %parallel_loop3A_202 = arith.addi %parallel_loop3A_198, %parallel_loop3A_201 : vector<16xi32>
        tpu.vector_store_idx %arg8[%parallel_loop3A_202], %broadcast_in_dim3A_54 {add = true} : memref<8704xf32, #tpu.memory_space<vmem>>[vector<16xi32>], vector<16xf32>,
        %parallel_loop3A_203 = arith.index_cast %parallel_loop3A_131 : i32 to index
        %parallel_loop3A_204 = arith.index_cast %parallel_loop3A_147 : i32 to index
        %parallel_loop3A_205 = arith.constant 32 : index
        %parallel_loop3A_206 = tpu.vector_load %arg4[%parallel_loop3A_203, %parallel_loop3A_204, %parallel_loop3A_205] {strides = array<i32>} : memref<2x64x256xf32, #tpu.memory_space<vmem>>, vector<16xf32>,
        %parallel_loop3A_207 = arith.constant 1.875000e+00 : f32
        %parallel_loop3A_208 = vector.broadcast %parallel_loop3A_207 : f32 to vector<16xf32>
        %parallel_loop3A_209 = arith.mulf %parallel_loop3A_206, %parallel_loop3A_208 : vector<16xf32>
        %parallel_loop3A_210 = arith.constant 0x4B400008 : f32
        %parallel_loop3A_211 = vector.broadcast %parallel_loop3A_210 : f32 to vector<16xf32>
        %parallel_loop3A_212 = arith.addf %parallel_loop3A_209, %parallel_loop3A_211 : vector<16xf32>
        %parallel_loop3A_213 = arith.constant 0x4B400000 : f32
        %parallel_loop3A_214 = vector.broadcast %parallel_loop3A_213 : f32 to vector<16xf32>
        %parallel_loop3A_215 = arith.maximumf %parallel_loop3A_212, %parallel_loop3A_214 : vector<16xf32>
        %parallel_loop3A_216 = arith.constant 0x4B400010 : f32
        %parallel_loop3A_217 = vector.broadcast %parallel_loop3A_216 : f32 to vector<16xf32>
        %parallel_loop3A_218 = arith.minimumf %parallel_loop3A_215, %parallel_loop3A_217 : vector<16xf32>
        %parallel_loop3A_219 = tpu.bitcast %parallel_loop3A_218 : vector<16xf32> -> vector<16xi32>
        %parallel_loop3A_220 = arith.constant 512 : i32
        %parallel_loop3A_221 = vector.broadcast %parallel_loop3A_220 : i32 to vector<16xi32>
        %parallel_loop3A_222 = arith.muli %parallel_loop3A_219, %parallel_loop3A_221 : vector<16xi32>
        %parallel_loop3A_223 = arith.constant 32 : i32
        %parallel_loop3A_224 = vector.broadcast %parallel_loop3A_223 : i32 to vector<16xi32>
        %parallel_loop3A_225 = arith.addi %parallel_loop3A_154, %parallel_loop3A_224 : vector<16xi32>
        %parallel_loop3A_226 = arith.addi %parallel_loop3A_222, %parallel_loop3A_225 : vector<16xi32>
        tpu.vector_store_idx %arg8[%parallel_loop3A_226], %broadcast_in_dim3A_54 {add = true} : memref<8704xf32, #tpu.memory_space<vmem>>[vector<16xi32>], vector<16xf32>,
        %parallel_loop3A_227 = arith.index_cast %parallel_loop3A_131 : i32 to index
        %parallel_loop3A_228 = arith.index_cast %parallel_loop3A_147 : i32 to index
        %parallel_loop3A_229 = arith.constant 48 : index
        %parallel_loop3A_230 = tpu.vector_load %arg4[%parallel_loop3A_227, %parallel_loop3A_228, %parallel_loop3A_229] {strides = array<i32>} : memref<2x64x256xf32, #tpu.memory_space<vmem>>, vector<16xf32>,
        %parallel_loop3A_231 = arith.constant 1.875000e+00 : f32
        %parallel_loop3A_232 = vector.broadcast %parallel_loop3A_231 : f32 to vector<16xf32>
        %parallel_loop3A_233 = arith.mulf %parallel_loop3A_230, %parallel_loop3A_232 : vector<16xf32>
        %parallel_loop3A_234 = arith.constant 0x4B400008 : f32
        %parallel_loop3A_235 = vector.broadcast %parallel_loop3A_234 : f32 to vector<16xf32>
        %parallel_loop3A_236 = arith.addf %parallel_loop3A_233, %parallel_loop3A_235 : vector<16xf32>
        %parallel_loop3A_237 = arith.constant 0x4B400000 : f32
        %parallel_loop3A_238 = vector.broadcast %parallel_loop3A_237 : f32 to vector<16xf32>
        %parallel_loop3A_239 = arith.maximumf %parallel_loop3A_236, %parallel_loop3A_238 : vector<16xf32>
        %parallel_loop3A_240 = arith.constant 0x4B400010 : f32
        %parallel_loop3A_241 = vector.broadcast %parallel_loop3A_240 : f32 to vector<16xf32>
        %parallel_loop3A_242 = arith.minimumf %parallel_loop3A_239, %parallel_loop3A_241 : vector<16xf32>
        %parallel_loop3A_243 = tpu.bitcast %parallel_loop3A_242 : vector<16xf32> -> vector<16xi32>
        %parallel_loop3A_244 = arith.constant 512 : i32
        %parallel_loop3A_245 = vector.broadcast %parallel_loop3A_244 : i32 to vector<16xi32>
        %parallel_loop3A_246 = arith.muli %parallel_loop3A_243, %parallel_loop3A_245 : vector<16xi32>
        %parallel_loop3A_247 = arith.constant 48 : i32
        %parallel_loop3A_248 = vector.broadcast %parallel_loop3A_247 : i32 to vector<16xi32>
        %parallel_loop3A_249 = arith.addi %parallel_loop3A_154, %parallel_loop3A_248 : vector<16xi32>
        %parallel_loop3A_250 = arith.addi %parallel_loop3A_246, %parallel_loop3A_249 : vector<16xi32>
        tpu.vector_store_idx %arg8[%parallel_loop3A_250], %broadcast_in_dim3A_54 {add = true} : memref<8704xf32, #tpu.memory_space<vmem>>[vector<16xi32>], vector<16xf32>,
        %parallel_loop3A_251 = arith.index_cast %parallel_loop3A_131 : i32 to index
        %parallel_loop3A_252 = arith.index_cast %parallel_loop3A_147 : i32 to index
        %parallel_loop3A_253 = arith.constant 64 : index
        %parallel_loop3A_254 = tpu.vector_load %arg4[%parallel_loop3A_251, %parallel_loop3A_252, %parallel_loop3A_253] {strides = array<i32>} : memref<2x64x256xf32, #tpu.memory_space<vmem>>, vector<16xf32>,
        %parallel_loop3A_255 = arith.constant 1.875000e+00 : f32
        %parallel_loop3A_256 = vector.broadcast %parallel_loop3A_255 : f32 to vector<16xf32>
        %parallel_loop3A_257 = arith.mulf %parallel_loop3A_254, %parallel_loop3A_256 : vector<16xf32>
        %parallel_loop3A_258 = arith.constant 0x4B400008 : f32
        %parallel_loop3A_259 = vector.broadcast %parallel_loop3A_258 : f32 to vector<16xf32>
        %parallel_loop3A_260 = arith.addf %parallel_loop3A_257, %parallel_loop3A_259 : vector<16xf32>
        %parallel_loop3A_261 = arith.constant 0x4B400000 : f32
        %parallel_loop3A_262 = vector.broadcast %parallel_loop3A_261 : f32 to vector<16xf32>
        %parallel_loop3A_263 = arith.maximumf %parallel_loop3A_260, %parallel_loop3A_262 : vector<16xf32>
        %parallel_loop3A_264 = arith.constant 0x4B400010 : f32
        %parallel_loop3A_265 = vector.broadcast %parallel_loop3A_264 : f32 to vector<16xf32>
        %parallel_loop3A_266 = arith.minimumf %parallel_loop3A_263, %parallel_loop3A_265 : vector<16xf32>
        %parallel_loop3A_267 = tpu.bitcast %parallel_loop3A_266 : vector<16xf32> -> vector<16xi32>
        %parallel_loop3A_268 = arith.constant 512 : i32
        %parallel_loop3A_269 = vector.broadcast %parallel_loop3A_268 : i32 to vector<16xi32>
        %parallel_loop3A_270 = arith.muli %parallel_loop3A_267, %parallel_loop3A_269 : vector<16xi32>
        %parallel_loop3A_271 = arith.constant 64 : i32
        %parallel_loop3A_272 = vector.broadcast %parallel_loop3A_271 : i32 to vector<16xi32>
        %parallel_loop3A_273 = arith.addi %parallel_loop3A_154, %parallel_loop3A_272 : vector<16xi32>
        %parallel_loop3A_274 = arith.addi %parallel_loop3A_270, %parallel_loop3A_273 : vector<16xi32>
        tpu.vector_store_idx %arg8[%parallel_loop3A_274], %broadcast_in_dim3A_54 {add = true} : memref<8704xf32, #tpu.memory_space<vmem>>[vector<16xi32>], vector<16xf32>,
        %parallel_loop3A_275 = arith.index_cast %parallel_loop3A_131 : i32 to index
        %parallel_loop3A_276 = arith.index_cast %parallel_loop3A_147 : i32 to index
        %parallel_loop3A_277 = arith.constant 80 : index
        %parallel_loop3A_278 = tpu.vector_load %arg4[%parallel_loop3A_275, %parallel_loop3A_276, %parallel_loop3A_277] {strides = array<i32>} : memref<2x64x256xf32, #tpu.memory_space<vmem>>, vector<16xf32>,
        %parallel_loop3A_279 = arith.constant 1.875000e+00 : f32
        %parallel_loop3A_280 = vector.broadcast %parallel_loop3A_279 : f32 to vector<16xf32>
        %parallel_loop3A_281 = arith.mulf %parallel_loop3A_278, %parallel_loop3A_280 : vector<16xf32>
        %parallel_loop3A_282 = arith.constant 0x4B400008 : f32
        %parallel_loop3A_283 = vector.broadcast %parallel_loop3A_282 : f32 to vector<16xf32>
        %parallel_loop3A_284 = arith.addf %parallel_loop3A_281, %parallel_loop3A_283 : vector<16xf32>
        %parallel_loop3A_285 = arith.constant 0x4B400000 : f32
        %parallel_loop3A_286 = vector.broadcast %parallel_loop3A_285 : f32 to vector<16xf32>
        %parallel_loop3A_287 = arith.maximumf %parallel_loop3A_284, %parallel_loop3A_286 : vector<16xf32>
        %parallel_loop3A_288 = arith.constant 0x4B400010 : f32
        %parallel_loop3A_289 = vector.broadcast %parallel_loop3A_288 : f32 to vector<16xf32>
        %parallel_loop3A_290 = arith.minimumf %parallel_loop3A_287, %parallel_loop3A_289 : vector<16xf32>
        %parallel_loop3A_291 = tpu.bitcast %parallel_loop3A_290 : vector<16xf32> -> vector<16xi32>
        %parallel_loop3A_292 = arith.constant 512 : i32
        %parallel_loop3A_293 = vector.broadcast %parallel_loop3A_292 : i32 to vector<16xi32>
        %parallel_loop3A_294 = arith.muli %parallel_loop3A_291, %parallel_loop3A_293 : vector<16xi32>
        %parallel_loop3A_295 = arith.constant 80 : i32
        %parallel_loop3A_296 = vector.broadcast %parallel_loop3A_295 : i32 to vector<16xi32>
        %parallel_loop3A_297 = arith.addi %parallel_loop3A_154, %parallel_loop3A_296 : vector<16xi32>
        %parallel_loop3A_298 = arith.addi %parallel_loop3A_294, %parallel_loop3A_297 : vector<16xi32>
        tpu.vector_store_idx %arg8[%parallel_loop3A_298], %broadcast_in_dim3A_54 {add = true} : memref<8704xf32, #tpu.memory_space<vmem>>[vector<16xi32>], vector<16xf32>,
        %parallel_loop3A_299 = arith.index_cast %parallel_loop3A_131 : i32 to index
        %parallel_loop3A_300 = arith.index_cast %parallel_loop3A_147 : i32 to index
        %parallel_loop3A_301 = arith.constant 96 : index
        %parallel_loop3A_302 = tpu.vector_load %arg4[%parallel_loop3A_299, %parallel_loop3A_300, %parallel_loop3A_301] {strides = array<i32>} : memref<2x64x256xf32, #tpu.memory_space<vmem>>, vector<16xf32>,
        %parallel_loop3A_303 = arith.constant 1.875000e+00 : f32
        %parallel_loop3A_304 = vector.broadcast %parallel_loop3A_303 : f32 to vector<16xf32>
        %parallel_loop3A_305 = arith.mulf %parallel_loop3A_302, %parallel_loop3A_304 : vector<16xf32>
        %parallel_loop3A_306 = arith.constant 0x4B400008 : f32
        %parallel_loop3A_307 = vector.broadcast %parallel_loop3A_306 : f32 to vector<16xf32>
        %parallel_loop3A_308 = arith.addf %parallel_loop3A_305, %parallel_loop3A_307 : vector<16xf32>
        %parallel_loop3A_309 = arith.constant 0x4B400000 : f32
        %parallel_loop3A_310 = vector.broadcast %parallel_loop3A_309 : f32 to vector<16xf32>
        %parallel_loop3A_311 = arith.maximumf %parallel_loop3A_308, %parallel_loop3A_310 : vector<16xf32>
        %parallel_loop3A_312 = arith.constant 0x4B400010 : f32
        %parallel_loop3A_313 = vector.broadcast %parallel_loop3A_312 : f32 to vector<16xf32>
        %parallel_loop3A_314 = arith.minimumf %parallel_loop3A_311, %parallel_loop3A_313 : vector<16xf32>
        %parallel_loop3A_315 = tpu.bitcast %parallel_loop3A_314 : vector<16xf32> -> vector<16xi32>
        %parallel_loop3A_316 = arith.constant 512 : i32
        %parallel_loop3A_317 = vector.broadcast %parallel_loop3A_316 : i32 to vector<16xi32>
        %parallel_loop3A_318 = arith.muli %parallel_loop3A_315, %parallel_loop3A_317 : vector<16xi32>
        %parallel_loop3A_319 = arith.constant 96 : i32
        %parallel_loop3A_320 = vector.broadcast %parallel_loop3A_319 : i32 to vector<16xi32>
        %parallel_loop3A_321 = arith.addi %parallel_loop3A_154, %parallel_loop3A_320 : vector<16xi32>
        %parallel_loop3A_322 = arith.addi %parallel_loop3A_318, %parallel_loop3A_321 : vector<16xi32>
        tpu.vector_store_idx %arg8[%parallel_loop3A_322], %broadcast_in_dim3A_54 {add = true} : memref<8704xf32, #tpu.memory_space<vmem>>[vector<16xi32>], vector<16xf32>,
        %parallel_loop3A_323 = arith.index_cast %parallel_loop3A_131 : i32 to index
        %parallel_loop3A_324 = arith.index_cast %parallel_loop3A_147 : i32 to index
        %parallel_loop3A_325 = arith.constant 112 : index
        %parallel_loop3A_326 = tpu.vector_load %arg4[%parallel_loop3A_323, %parallel_loop3A_324, %parallel_loop3A_325] {strides = array<i32>} : memref<2x64x256xf32, #tpu.memory_space<vmem>>, vector<16xf32>,
        %parallel_loop3A_327 = arith.constant 1.875000e+00 : f32
        %parallel_loop3A_328 = vector.broadcast %parallel_loop3A_327 : f32 to vector<16xf32>
        %parallel_loop3A_329 = arith.mulf %parallel_loop3A_326, %parallel_loop3A_328 : vector<16xf32>
        %parallel_loop3A_330 = arith.constant 0x4B400008 : f32
        %parallel_loop3A_331 = vector.broadcast %parallel_loop3A_330 : f32 to vector<16xf32>
        %parallel_loop3A_332 = arith.addf %parallel_loop3A_329, %parallel_loop3A_331 : vector<16xf32>
        %parallel_loop3A_333 = arith.constant 0x4B400000 : f32
        %parallel_loop3A_334 = vector.broadcast %parallel_loop3A_333 : f32 to vector<16xf32>
        %parallel_loop3A_335 = arith.maximumf %parallel_loop3A_332, %parallel_loop3A_334 : vector<16xf32>
        %parallel_loop3A_336 = arith.constant 0x4B400010 : f32
        %parallel_loop3A_337 = vector.broadcast %parallel_loop3A_336 : f32 to vector<16xf32>
        %parallel_loop3A_338 = arith.minimumf %parallel_loop3A_335, %parallel_loop3A_337 : vector<16xf32>
        %parallel_loop3A_339 = tpu.bitcast %parallel_loop3A_338 : vector<16xf32> -> vector<16xi32>
        %parallel_loop3A_340 = arith.constant 512 : i32
        %parallel_loop3A_341 = vector.broadcast %parallel_loop3A_340 : i32 to vector<16xi32>
        %parallel_loop3A_342 = arith.muli %parallel_loop3A_339, %parallel_loop3A_341 : vector<16xi32>
        %parallel_loop3A_343 = arith.constant 112 : i32
        %parallel_loop3A_344 = vector.broadcast %parallel_loop3A_343 : i32 to vector<16xi32>
        %parallel_loop3A_345 = arith.addi %parallel_loop3A_154, %parallel_loop3A_344 : vector<16xi32>
        %parallel_loop3A_346 = arith.addi %parallel_loop3A_342, %parallel_loop3A_345 : vector<16xi32>
        tpu.vector_store_idx %arg8[%parallel_loop3A_346], %broadcast_in_dim3A_54 {add = true} : memref<8704xf32, #tpu.memory_space<vmem>>[vector<16xi32>], vector<16xf32>,
        %parallel_loop3A_347 = arith.index_cast %parallel_loop3A_131 : i32 to index
        %parallel_loop3A_348 = arith.index_cast %parallel_loop3A_147 : i32 to index
        %parallel_loop3A_349 = arith.constant 128 : index
        %parallel_loop3A_350 = tpu.vector_load %arg4[%parallel_loop3A_347, %parallel_loop3A_348, %parallel_loop3A_349] {strides = array<i32>} : memref<2x64x256xf32, #tpu.memory_space<vmem>>, vector<16xf32>,
        %parallel_loop3A_351 = arith.constant 1.875000e+00 : f32
        %parallel_loop3A_352 = vector.broadcast %parallel_loop3A_351 : f32 to vector<16xf32>
        %parallel_loop3A_353 = arith.mulf %parallel_loop3A_350, %parallel_loop3A_352 : vector<16xf32>
        %parallel_loop3A_354 = arith.constant 0x4B400008 : f32
        %parallel_loop3A_355 = vector.broadcast %parallel_loop3A_354 : f32 to vector<16xf32>
        %parallel_loop3A_356 = arith.addf %parallel_loop3A_353, %parallel_loop3A_355 : vector<16xf32>
        %parallel_loop3A_357 = arith.constant 0x4B400000 : f32
        %parallel_loop3A_358 = vector.broadcast %parallel_loop3A_357 : f32 to vector<16xf32>
        %parallel_loop3A_359 = arith.maximumf %parallel_loop3A_356, %parallel_loop3A_358 : vector<16xf32>
        %parallel_loop3A_360 = arith.constant 0x4B400010 : f32
        %parallel_loop3A_361 = vector.broadcast %parallel_loop3A_360 : f32 to vector<16xf32>
        %parallel_loop3A_362 = arith.minimumf %parallel_loop3A_359, %parallel_loop3A_361 : vector<16xf32>
        %parallel_loop3A_363 = tpu.bitcast %parallel_loop3A_362 : vector<16xf32> -> vector<16xi32>
        %parallel_loop3A_364 = arith.constant 512 : i32
        %parallel_loop3A_365 = vector.broadcast %parallel_loop3A_364 : i32 to vector<16xi32>
        %parallel_loop3A_366 = arith.muli %parallel_loop3A_363, %parallel_loop3A_365 : vector<16xi32>
        %parallel_loop3A_367 = arith.constant 128 : i32
        %parallel_loop3A_368 = vector.broadcast %parallel_loop3A_367 : i32 to vector<16xi32>
        %parallel_loop3A_369 = arith.addi %parallel_loop3A_154, %parallel_loop3A_368 : vector<16xi32>
        %parallel_loop3A_370 = arith.addi %parallel_loop3A_366, %parallel_loop3A_369 : vector<16xi32>
        tpu.vector_store_idx %arg8[%parallel_loop3A_370], %broadcast_in_dim3A_54 {add = true} : memref<8704xf32, #tpu.memory_space<vmem>>[vector<16xi32>], vector<16xf32>,
        %parallel_loop3A_371 = arith.index_cast %parallel_loop3A_131 : i32 to index
        %parallel_loop3A_372 = arith.index_cast %parallel_loop3A_147 : i32 to index
        %parallel_loop3A_373 = arith.constant 144 : index
        %parallel_loop3A_374 = tpu.vector_load %arg4[%parallel_loop3A_371, %parallel_loop3A_372, %parallel_loop3A_373] {strides = array<i32>} : memref<2x64x256xf32, #tpu.memory_space<vmem>>, vector<16xf32>,
        %parallel_loop3A_375 = arith.constant 1.875000e+00 : f32
        %parallel_loop3A_376 = vector.broadcast %parallel_loop3A_375 : f32 to vector<16xf32>
        %parallel_loop3A_377 = arith.mulf %parallel_loop3A_374, %parallel_loop3A_376 : vector<16xf32>
        %parallel_loop3A_378 = arith.constant 0x4B400008 : f32
        %parallel_loop3A_379 = vector.broadcast %parallel_loop3A_378 : f32 to vector<16xf32>
        %parallel_loop3A_380 = arith.addf %parallel_loop3A_377, %parallel_loop3A_379 : vector<16xf32>
        %parallel_loop3A_381 = arith.constant 0x4B400000 : f32
        %parallel_loop3A_382 = vector.broadcast %parallel_loop3A_381 : f32 to vector<16xf32>
        %parallel_loop3A_383 = arith.maximumf %parallel_loop3A_380, %parallel_loop3A_382 : vector<16xf32>
        %parallel_loop3A_384 = arith.constant 0x4B400010 : f32
        %parallel_loop3A_385 = vector.broadcast %parallel_loop3A_384 : f32 to vector<16xf32>
        %parallel_loop3A_386 = arith.minimumf %parallel_loop3A_383, %parallel_loop3A_385 : vector<16xf32>
        %parallel_loop3A_387 = tpu.bitcast %parallel_loop3A_386 : vector<16xf32> -> vector<16xi32>
        %parallel_loop3A_388 = arith.constant 512 : i32
        %parallel_loop3A_389 = vector.broadcast %parallel_loop3A_388 : i32 to vector<16xi32>
        %parallel_loop3A_390 = arith.muli %parallel_loop3A_387, %parallel_loop3A_389 : vector<16xi32>
        %parallel_loop3A_391 = arith.constant 144 : i32
        %parallel_loop3A_392 = vector.broadcast %parallel_loop3A_391 : i32 to vector<16xi32>
        %parallel_loop3A_393 = arith.addi %parallel_loop3A_154, %parallel_loop3A_392 : vector<16xi32>
        %parallel_loop3A_394 = arith.addi %parallel_loop3A_390, %parallel_loop3A_393 : vector<16xi32>
        tpu.vector_store_idx %arg8[%parallel_loop3A_394], %broadcast_in_dim3A_54 {add = true} : memref<8704xf32, #tpu.memory_space<vmem>>[vector<16xi32>], vector<16xf32>,
        %parallel_loop3A_395 = arith.index_cast %parallel_loop3A_131 : i32 to index
        %parallel_loop3A_396 = arith.index_cast %parallel_loop3A_147 : i32 to index
        %parallel_loop3A_397 = arith.constant 160 : index
        %parallel_loop3A_398 = tpu.vector_load %arg4[%parallel_loop3A_395, %parallel_loop3A_396, %parallel_loop3A_397] {strides = array<i32>} : memref<2x64x256xf32, #tpu.memory_space<vmem>>, vector<16xf32>,
        %parallel_loop3A_399 = arith.constant 1.875000e+00 : f32
        %parallel_loop3A_400 = vector.broadcast %parallel_loop3A_399 : f32 to vector<16xf32>
        %parallel_loop3A_401 = arith.mulf %parallel_loop3A_398, %parallel_loop3A_400 : vector<16xf32>
        %parallel_loop3A_402 = arith.constant 0x4B400008 : f32
        %parallel_loop3A_403 = vector.broadcast %parallel_loop3A_402 : f32 to vector<16xf32>
        %parallel_loop3A_404 = arith.addf %parallel_loop3A_401, %parallel_loop3A_403 : vector<16xf32>
        %parallel_loop3A_405 = arith.constant 0x4B400000 : f32
        %parallel_loop3A_406 = vector.broadcast %parallel_loop3A_405 : f32 to vector<16xf32>
        %parallel_loop3A_407 = arith.maximumf %parallel_loop3A_404, %parallel_loop3A_406 : vector<16xf32>
        %parallel_loop3A_408 = arith.constant 0x4B400010 : f32
        %parallel_loop3A_409 = vector.broadcast %parallel_loop3A_408 : f32 to vector<16xf32>
        %parallel_loop3A_410 = arith.minimumf %parallel_loop3A_407, %parallel_loop3A_409 : vector<16xf32>
        %parallel_loop3A_411 = tpu.bitcast %parallel_loop3A_410 : vector<16xf32> -> vector<16xi32>
        %parallel_loop3A_412 = arith.constant 512 : i32
        %parallel_loop3A_413 = vector.broadcast %parallel_loop3A_412 : i32 to vector<16xi32>
        %parallel_loop3A_414 = arith.muli %parallel_loop3A_411, %parallel_loop3A_413 : vector<16xi32>
        %parallel_loop3A_415 = arith.constant 160 : i32
        %parallel_loop3A_416 = vector.broadcast %parallel_loop3A_415 : i32 to vector<16xi32>
        %parallel_loop3A_417 = arith.addi %parallel_loop3A_154, %parallel_loop3A_416 : vector<16xi32>
        %parallel_loop3A_418 = arith.addi %parallel_loop3A_414, %parallel_loop3A_417 : vector<16xi32>
        tpu.vector_store_idx %arg8[%parallel_loop3A_418], %broadcast_in_dim3A_54 {add = true} : memref<8704xf32, #tpu.memory_space<vmem>>[vector<16xi32>], vector<16xf32>,
        %parallel_loop3A_419 = arith.index_cast %parallel_loop3A_131 : i32 to index
        %parallel_loop3A_420 = arith.index_cast %parallel_loop3A_147 : i32 to index
        %parallel_loop3A_421 = arith.constant 176 : index
        %parallel_loop3A_422 = tpu.vector_load %arg4[%parallel_loop3A_419, %parallel_loop3A_420, %parallel_loop3A_421] {strides = array<i32>} : memref<2x64x256xf32, #tpu.memory_space<vmem>>, vector<16xf32>,
        %parallel_loop3A_423 = arith.constant 1.875000e+00 : f32
        %parallel_loop3A_424 = vector.broadcast %parallel_loop3A_423 : f32 to vector<16xf32>
        %parallel_loop3A_425 = arith.mulf %parallel_loop3A_422, %parallel_loop3A_424 : vector<16xf32>
        %parallel_loop3A_426 = arith.constant 0x4B400008 : f32
        %parallel_loop3A_427 = vector.broadcast %parallel_loop3A_426 : f32 to vector<16xf32>
        %parallel_loop3A_428 = arith.addf %parallel_loop3A_425, %parallel_loop3A_427 : vector<16xf32>
        %parallel_loop3A_429 = arith.constant 0x4B400000 : f32
        %parallel_loop3A_430 = vector.broadcast %parallel_loop3A_429 : f32 to vector<16xf32>
        %parallel_loop3A_431 = arith.maximumf %parallel_loop3A_428, %parallel_loop3A_430 : vector<16xf32>
        %parallel_loop3A_432 = arith.constant 0x4B400010 : f32
        %parallel_loop3A_433 = vector.broadcast %parallel_loop3A_432 : f32 to vector<16xf32>
        %parallel_loop3A_434 = arith.minimumf %parallel_loop3A_431, %parallel_loop3A_433 : vector<16xf32>
        %parallel_loop3A_435 = tpu.bitcast %parallel_loop3A_434 : vector<16xf32> -> vector<16xi32>
        %parallel_loop3A_436 = arith.constant 512 : i32
        %parallel_loop3A_437 = vector.broadcast %parallel_loop3A_436 : i32 to vector<16xi32>
        %parallel_loop3A_438 = arith.muli %parallel_loop3A_435, %parallel_loop3A_437 : vector<16xi32>
        %parallel_loop3A_439 = arith.constant 176 : i32
        %parallel_loop3A_440 = vector.broadcast %parallel_loop3A_439 : i32 to vector<16xi32>
        %parallel_loop3A_441 = arith.addi %parallel_loop3A_154, %parallel_loop3A_440 : vector<16xi32>
        %parallel_loop3A_442 = arith.addi %parallel_loop3A_438, %parallel_loop3A_441 : vector<16xi32>
        tpu.vector_store_idx %arg8[%parallel_loop3A_442], %broadcast_in_dim3A_54 {add = true} : memref<8704xf32, #tpu.memory_space<vmem>>[vector<16xi32>], vector<16xf32>,
        %parallel_loop3A_443 = arith.index_cast %parallel_loop3A_131 : i32 to index
        %parallel_loop3A_444 = arith.index_cast %parallel_loop3A_147 : i32 to index
        %parallel_loop3A_445 = arith.constant 192 : index
        %parallel_loop3A_446 = tpu.vector_load %arg4[%parallel_loop3A_443, %parallel_loop3A_444, %parallel_loop3A_445] {strides = array<i32>} : memref<2x64x256xf32, #tpu.memory_space<vmem>>, vector<16xf32>,
        %parallel_loop3A_447 = arith.constant 1.875000e+00 : f32
        %parallel_loop3A_448 = vector.broadcast %parallel_loop3A_447 : f32 to vector<16xf32>
        %parallel_loop3A_449 = arith.mulf %parallel_loop3A_446, %parallel_loop3A_448 : vector<16xf32>
        %parallel_loop3A_450 = arith.constant 0x4B400008 : f32
        %parallel_loop3A_451 = vector.broadcast %parallel_loop3A_450 : f32 to vector<16xf32>
        %parallel_loop3A_452 = arith.addf %parallel_loop3A_449, %parallel_loop3A_451 : vector<16xf32>
        %parallel_loop3A_453 = arith.constant 0x4B400000 : f32
        %parallel_loop3A_454 = vector.broadcast %parallel_loop3A_453 : f32 to vector<16xf32>
        %parallel_loop3A_455 = arith.maximumf %parallel_loop3A_452, %parallel_loop3A_454 : vector<16xf32>
        %parallel_loop3A_456 = arith.constant 0x4B400010 : f32
        %parallel_loop3A_457 = vector.broadcast %parallel_loop3A_456 : f32 to vector<16xf32>
        %parallel_loop3A_458 = arith.minimumf %parallel_loop3A_455, %parallel_loop3A_457 : vector<16xf32>
        %parallel_loop3A_459 = tpu.bitcast %parallel_loop3A_458 : vector<16xf32> -> vector<16xi32>
        %parallel_loop3A_460 = arith.constant 512 : i32
        %parallel_loop3A_461 = vector.broadcast %parallel_loop3A_460 : i32 to vector<16xi32>
        %parallel_loop3A_462 = arith.muli %parallel_loop3A_459, %parallel_loop3A_461 : vector<16xi32>
        %parallel_loop3A_463 = arith.constant 192 : i32
        %parallel_loop3A_464 = vector.broadcast %parallel_loop3A_463 : i32 to vector<16xi32>
        %parallel_loop3A_465 = arith.addi %parallel_loop3A_154, %parallel_loop3A_464 : vector<16xi32>
        %parallel_loop3A_466 = arith.addi %parallel_loop3A_462, %parallel_loop3A_465 : vector<16xi32>
        tpu.vector_store_idx %arg8[%parallel_loop3A_466], %broadcast_in_dim3A_54 {add = true} : memref<8704xf32, #tpu.memory_space<vmem>>[vector<16xi32>], vector<16xf32>,
        %parallel_loop3A_467 = arith.index_cast %parallel_loop3A_131 : i32 to index
        %parallel_loop3A_468 = arith.index_cast %parallel_loop3A_147 : i32 to index
        %parallel_loop3A_469 = arith.constant 208 : index
        %parallel_loop3A_470 = tpu.vector_load %arg4[%parallel_loop3A_467, %parallel_loop3A_468, %parallel_loop3A_469] {strides = array<i32>} : memref<2x64x256xf32, #tpu.memory_space<vmem>>, vector<16xf32>,
        %parallel_loop3A_471 = arith.constant 1.875000e+00 : f32
        %parallel_loop3A_472 = vector.broadcast %parallel_loop3A_471 : f32 to vector<16xf32>
        %parallel_loop3A_473 = arith.mulf %parallel_loop3A_470, %parallel_loop3A_472 : vector<16xf32>
        %parallel_loop3A_474 = arith.constant 0x4B400008 : f32
        %parallel_loop3A_475 = vector.broadcast %parallel_loop3A_474 : f32 to vector<16xf32>
        %parallel_loop3A_476 = arith.addf %parallel_loop3A_473, %parallel_loop3A_475 : vector<16xf32>
        %parallel_loop3A_477 = arith.constant 0x4B400000 : f32
        %parallel_loop3A_478 = vector.broadcast %parallel_loop3A_477 : f32 to vector<16xf32>
        %parallel_loop3A_479 = arith.maximumf %parallel_loop3A_476, %parallel_loop3A_478 : vector<16xf32>
        %parallel_loop3A_480 = arith.constant 0x4B400010 : f32
        %parallel_loop3A_481 = vector.broadcast %parallel_loop3A_480 : f32 to vector<16xf32>
        %parallel_loop3A_482 = arith.minimumf %parallel_loop3A_479, %parallel_loop3A_481 : vector<16xf32>
        %parallel_loop3A_483 = tpu.bitcast %parallel_loop3A_482 : vector<16xf32> -> vector<16xi32>
        %parallel_loop3A_484 = arith.constant 512 : i32
        %parallel_loop3A_485 = vector.broadcast %parallel_loop3A_484 : i32 to vector<16xi32>
        %parallel_loop3A_486 = arith.muli %parallel_loop3A_483, %parallel_loop3A_485 : vector<16xi32>
        %parallel_loop3A_487 = arith.constant 208 : i32
        %parallel_loop3A_488 = vector.broadcast %parallel_loop3A_487 : i32 to vector<16xi32>
        %parallel_loop3A_489 = arith.addi %parallel_loop3A_154, %parallel_loop3A_488 : vector<16xi32>
        %parallel_loop3A_490 = arith.addi %parallel_loop3A_486, %parallel_loop3A_489 : vector<16xi32>
        tpu.vector_store_idx %arg8[%parallel_loop3A_490], %broadcast_in_dim3A_54 {add = true} : memref<8704xf32, #tpu.memory_space<vmem>>[vector<16xi32>], vector<16xf32>,
        %parallel_loop3A_491 = arith.index_cast %parallel_loop3A_131 : i32 to index
        %parallel_loop3A_492 = arith.index_cast %parallel_loop3A_147 : i32 to index
        %parallel_loop3A_493 = arith.constant 224 : index
        %parallel_loop3A_494 = tpu.vector_load %arg4[%parallel_loop3A_491, %parallel_loop3A_492, %parallel_loop3A_493] {strides = array<i32>} : memref<2x64x256xf32, #tpu.memory_space<vmem>>, vector<16xf32>,
        %parallel_loop3A_495 = arith.constant 1.875000e+00 : f32
        %parallel_loop3A_496 = vector.broadcast %parallel_loop3A_495 : f32 to vector<16xf32>
        %parallel_loop3A_497 = arith.mulf %parallel_loop3A_494, %parallel_loop3A_496 : vector<16xf32>
        %parallel_loop3A_498 = arith.constant 0x4B400008 : f32
        %parallel_loop3A_499 = vector.broadcast %parallel_loop3A_498 : f32 to vector<16xf32>
        %parallel_loop3A_500 = arith.addf %parallel_loop3A_497, %parallel_loop3A_499 : vector<16xf32>
        %parallel_loop3A_501 = arith.constant 0x4B400000 : f32
        %parallel_loop3A_502 = vector.broadcast %parallel_loop3A_501 : f32 to vector<16xf32>
        %parallel_loop3A_503 = arith.maximumf %parallel_loop3A_500, %parallel_loop3A_502 : vector<16xf32>
        %parallel_loop3A_504 = arith.constant 0x4B400010 : f32
        %parallel_loop3A_505 = vector.broadcast %parallel_loop3A_504 : f32 to vector<16xf32>
        %parallel_loop3A_506 = arith.minimumf %parallel_loop3A_503, %parallel_loop3A_505 : vector<16xf32>
        %parallel_loop3A_507 = tpu.bitcast %parallel_loop3A_506 : vector<16xf32> -> vector<16xi32>
        %parallel_loop3A_508 = arith.constant 512 : i32
        %parallel_loop3A_509 = vector.broadcast %parallel_loop3A_508 : i32 to vector<16xi32>
        %parallel_loop3A_510 = arith.muli %parallel_loop3A_507, %parallel_loop3A_509 : vector<16xi32>
        %parallel_loop3A_511 = arith.constant 224 : i32
        %parallel_loop3A_512 = vector.broadcast %parallel_loop3A_511 : i32 to vector<16xi32>
        %parallel_loop3A_513 = arith.addi %parallel_loop3A_154, %parallel_loop3A_512 : vector<16xi32>
        %parallel_loop3A_514 = arith.addi %parallel_loop3A_510, %parallel_loop3A_513 : vector<16xi32>
        tpu.vector_store_idx %arg8[%parallel_loop3A_514], %broadcast_in_dim3A_54 {add = true} : memref<8704xf32, #tpu.memory_space<vmem>>[vector<16xi32>], vector<16xf32>,
        %parallel_loop3A_515 = arith.index_cast %parallel_loop3A_131 : i32 to index
        %parallel_loop3A_516 = arith.index_cast %parallel_loop3A_147 : i32 to index
        %parallel_loop3A_517 = arith.constant 240 : index
        %parallel_loop3A_518 = tpu.vector_load %arg4[%parallel_loop3A_515, %parallel_loop3A_516, %parallel_loop3A_517] {strides = array<i32>} : memref<2x64x256xf32, #tpu.memory_space<vmem>>, vector<16xf32>,
        %parallel_loop3A_519 = arith.constant 1.875000e+00 : f32
        %parallel_loop3A_520 = vector.broadcast %parallel_loop3A_519 : f32 to vector<16xf32>
        %parallel_loop3A_521 = arith.mulf %parallel_loop3A_518, %parallel_loop3A_520 : vector<16xf32>
        %parallel_loop3A_522 = arith.constant 0x4B400008 : f32
        %parallel_loop3A_523 = vector.broadcast %parallel_loop3A_522 : f32 to vector<16xf32>
        %parallel_loop3A_524 = arith.addf %parallel_loop3A_521, %parallel_loop3A_523 : vector<16xf32>
        %parallel_loop3A_525 = arith.constant 0x4B400000 : f32
        %parallel_loop3A_526 = vector.broadcast %parallel_loop3A_525 : f32 to vector<16xf32>
        %parallel_loop3A_527 = arith.maximumf %parallel_loop3A_524, %parallel_loop3A_526 : vector<16xf32>
        %parallel_loop3A_528 = arith.constant 0x4B400010 : f32
        %parallel_loop3A_529 = vector.broadcast %parallel_loop3A_528 : f32 to vector<16xf32>
        %parallel_loop3A_530 = arith.minimumf %parallel_loop3A_527, %parallel_loop3A_529 : vector<16xf32>
        %parallel_loop3A_531 = tpu.bitcast %parallel_loop3A_530 : vector<16xf32> -> vector<16xi32>
        %parallel_loop3A_532 = arith.constant 512 : i32
        %parallel_loop3A_533 = vector.broadcast %parallel_loop3A_532 : i32 to vector<16xi32>
        %parallel_loop3A_534 = arith.muli %parallel_loop3A_531, %parallel_loop3A_533 : vector<16xi32>
        %parallel_loop3A_535 = arith.constant 240 : i32
        %parallel_loop3A_536 = vector.broadcast %parallel_loop3A_535 : i32 to vector<16xi32>
        %parallel_loop3A_537 = arith.addi %parallel_loop3A_154, %parallel_loop3A_536 : vector<16xi32>
        %parallel_loop3A_538 = arith.addi %parallel_loop3A_534, %parallel_loop3A_537 : vector<16xi32>
        tpu.vector_store_idx %arg8[%parallel_loop3A_538], %broadcast_in_dim3A_54 {add = true} : memref<8704xf32, #tpu.memory_space<vmem>>[vector<16xi32>], vector<16xf32>,
      } {sc.loop_unroll_factor = 4 : i64, sc.parallel_access}
      %gt3A = arith.constant 0 : i32
      %gt3A_58 = arith.cmpi sgt, %scan3A_31, %gt3A : i32
      %convert_element_type3A = arith.extui %gt3A_58 : i1 to i32
      %cond3A = arith.constant 0 : i32
      %cond3A_59 = arith.cmpi ne, %convert_element_type3A, %cond3A : i32
      scf.if %cond3A_59 {
        %dma_wait3A_107 = arith.constant 0 : i32
        %dma_wait3A_108 = arith.constant 0 : i32
        %dma_wait3A_109 = tpu.memref_slice %arg3[%add3A_38, %dma_wait3A_107, %dma_wait3A_108] : memref<2048x16x256xf32, #tpu.memory_space<hbm>> -> memref<2x16x256xf32, #tpu.memory_space<hbm>>
        %dma_wait3A_110 = arith.constant 0 : i32
        %dma_wait3A_111 = arith.constant 0 : i32
        %dma_wait3A_112 = tpu.memref_slice %arg3[%add3A_38, %dma_wait3A_110, %dma_wait3A_111] : memref<2048x16x256xf32, #tpu.memory_space<hbm>> -> memref<2x16x256xf32, #tpu.memory_space<hbm>>
        tpu.wait_dma2 semaphore(%arg11 : memref<!tpu.dma_semaphore, #tpu.memory_space<semaphore_mem>>) src(%arg6 : memref<2x16x256xf32, #tpu.memory_space<vmem>>) dst(%dma_wait3A_112 : memref<2x16x256xf32, #tpu.memory_space<hbm>>)
      } else {
      }
      %broadcast_in_dim3A_60 = arith.constant 0.000000e+00 : f32
      %broadcast_in_dim3A_61 = vector.broadcast %broadcast_in_dim3A_60 : f32 to vector<16xf32>
      %parallel_loop3A_62 = arith.constant 0 : i32
      %parallel_loop3A_63 = arith.constant 32 : i32
      %parallel_loop3A_64 = arith.constant 1 : i32
      scf.for %parallel_loop3A_107 = %parallel_loop3A_62 to %parallel_loop3A_63 step %parallel_loop3A_64  : i32 {
        %parallel_loop3A_108 = arith.constant 16 : i32
        %parallel_loop3A_109 = arith.divsi %parallel_loop3A_107, %parallel_loop3A_108 : i32
        %parallel_loop3A_110 = arith.constant 0 : i32
        %parallel_loop3A_111 = arith.cmpi sgt, %parallel_loop3A_107, %parallel_loop3A_110 : i32
        %parallel_loop3A_112 = arith.extui %parallel_loop3A_111 : i1 to i32
        %parallel_loop3A_113 = arith.constant 0 : i32
        %parallel_loop3A_114 = arith.cmpi slt, %parallel_loop3A_107, %parallel_loop3A_113 : i32
        %parallel_loop3A_115 = arith.extui %parallel_loop3A_114 : i1 to i32
        %parallel_loop3A_116 = arith.subi %parallel_loop3A_112, %parallel_loop3A_115 : i32
        %parallel_loop3A_117 = arith.constant 0 : i32
        %parallel_loop3A_118 = arith.cmpi sgt, %parallel_loop3A_108, %parallel_loop3A_117 : i32
        %parallel_loop3A_119 = arith.extui %parallel_loop3A_118 : i1 to i32
        %parallel_loop3A_120 = arith.constant 0 : i32
        %parallel_loop3A_121 = arith.cmpi slt, %parallel_loop3A_108, %parallel_loop3A_120 : i32
        %parallel_loop3A_122 = arith.extui %parallel_loop3A_121 : i1 to i32
        %parallel_loop3A_123 = arith.subi %parallel_loop3A_119, %parallel_loop3A_122 : i32
        %parallel_loop3A_124 = arith.cmpi ne, %parallel_loop3A_116, %parallel_loop3A_123 : i32
        %parallel_loop3A_125 = arith.remsi %parallel_loop3A_107, %parallel_loop3A_108 : i32
        %parallel_loop3A_126 = arith.constant 0 : i32
        %parallel_loop3A_127 = arith.cmpi ne, %parallel_loop3A_125, %parallel_loop3A_126 : i32
        %parallel_loop3A_128 = arith.andi %parallel_loop3A_124, %parallel_loop3A_127 : i1
        %parallel_loop3A_129 = arith.constant 1 : i32
        %parallel_loop3A_130 = arith.subi %parallel_loop3A_109, %parallel_loop3A_129 : i32
        %parallel_loop3A_131 = arith.select %parallel_loop3A_128, %parallel_loop3A_130, %parallel_loop3A_109 : i32
        %parallel_loop3A_132 = arith.constant 16 : i32
        %parallel_loop3A_133 = arith.constant 0 : i32
        %parallel_loop3A_134 = arith.cmpi eq, %parallel_loop3A_132, %parallel_loop3A_133 : i32
        %parallel_loop3A_135 = arith.constant 1 : i32
        %parallel_loop3A_136 = arith.select %parallel_loop3A_134, %parallel_loop3A_135, %parallel_loop3A_132 : i32
        %parallel_loop3A_137 = arith.remsi %parallel_loop3A_107, %parallel_loop3A_136 : i32
        %parallel_loop3A_138 = arith.constant 0 : i32
        %parallel_loop3A_139 = arith.cmpi ne, %parallel_loop3A_137, %parallel_loop3A_138 : i32
        %parallel_loop3A_140 = arith.constant 0 : i32
        %parallel_loop3A_141 = arith.cmpi slt, %parallel_loop3A_137, %parallel_loop3A_140 : i32
        %parallel_loop3A_142 = arith.constant 0 : i32
        %parallel_loop3A_143 = arith.cmpi slt, %parallel_loop3A_136, %parallel_loop3A_142 : i32
        %parallel_loop3A_144 = arith.xori %parallel_loop3A_141, %parallel_loop3A_143 : i1
        %parallel_loop3A_145 = arith.andi %parallel_loop3A_144, %parallel_loop3A_139 : i1
        %parallel_loop3A_146 = arith.addi %parallel_loop3A_137, %parallel_loop3A_136 : i32
        %parallel_loop3A_147 = arith.select %parallel_loop3A_145, %parallel_loop3A_146, %parallel_loop3A_137 : i32
        %parallel_loop3A_148 = arith.constant 16 : i32
        %parallel_loop3A_149 = arith.muli %parallel_loop3A_147, %parallel_loop3A_148 : i32
        %parallel_loop3A_150 = arith.constant 16 : i32
        %parallel_loop3A_151 = arith.muli %parallel_loop3A_107, %parallel_loop3A_150 : i32
        %parallel_loop3A_152 = arith.index_cast %parallel_loop3A_151 : i32 to index
        %parallel_loop3A_153 = tpu.vector_load %arg8[%parallel_loop3A_152] {strides = array<i32>} : memref<8704xf32, #tpu.memory_space<vmem>>, vector<16xf32>,
        %parallel_loop3A_154 = arith.constant 16 : i32
        %parallel_loop3A_155 = arith.muli %parallel_loop3A_107, %parallel_loop3A_154 : i32
        %parallel_loop3A_156 = arith.index_cast %parallel_loop3A_155 : i32 to index
        %parallel_loop3A_157 = tpu.vector_load %arg8[%parallel_loop3A_156] {strides = array<i32>} : memref<8704xf32, #tpu.memory_space<vmem>>, vector<16xf32>,
        tpu.vector_store %arg8[%parallel_loop3A_156], %broadcast_in_dim3A_61 {strides = array<i32>} : memref<8704xf32, #tpu.memory_space<vmem>>, vector<16xf32>,
        %parallel_loop3A_158 = arith.constant 6.400000e+01 : f32
        %parallel_loop3A_159 = vector.broadcast %parallel_loop3A_158 : f32 to vector<16xf32>
        %parallel_loop3A_160 = arith.subf %parallel_loop3A_159, %parallel_loop3A_153 : vector<16xf32>
        %parallel_loop3A_161 = arith.constant 1.000000e+00 : f32
        %parallel_loop3A_162 = vector.broadcast %parallel_loop3A_161 : f32 to vector<16xf32>
        %parallel_loop3A_163 = arith.divf %parallel_loop3A_162, %parallel_loop3A_160 : vector<16xf32>
        %parallel_loop3A_164 = arith.constant 16 : i32
        %parallel_loop3A_165 = arith.muli %parallel_loop3A_107, %parallel_loop3A_164 : i32
        %parallel_loop3A_166 = arith.constant 512 : i32
        %parallel_loop3A_167 = arith.addi %parallel_loop3A_166, %parallel_loop3A_165 : i32
        %parallel_loop3A_168 = arith.index_cast %parallel_loop3A_167 : i32 to index
        %parallel_loop3A_169 = tpu.vector_load %arg8[%parallel_loop3A_168] {strides = array<i32>} : memref<8704xf32, #tpu.memory_space<vmem>>, vector<16xf32>,
        %parallel_loop3A_170 = arith.constant 16 : i32
        %parallel_loop3A_171 = arith.muli %parallel_loop3A_107, %parallel_loop3A_170 : i32
        %parallel_loop3A_172 = arith.constant 512 : i32
        %parallel_loop3A_173 = arith.addi %parallel_loop3A_172, %parallel_loop3A_171 : i32
        %parallel_loop3A_174 = arith.index_cast %parallel_loop3A_173 : i32 to index
        %parallel_loop3A_175 = tpu.vector_load %arg8[%parallel_loop3A_174] {strides = array<i32>} : memref<8704xf32, #tpu.memory_space<vmem>>, vector<16xf32>,
        tpu.vector_store %arg8[%parallel_loop3A_174], %broadcast_in_dim3A_61 {strides = array<i32>} : memref<8704xf32, #tpu.memory_space<vmem>>, vector<16xf32>,
        %parallel_loop3A_176 = arith.mulf %parallel_loop3A_169, %parallel_loop3A_163 : vector<16xf32>
        %parallel_loop3A_177 = arith.constant 0 : i32
        %parallel_loop3A_178 = arith.index_cast %parallel_loop3A_131 : i32 to index
        %parallel_loop3A_179 = arith.index_cast %parallel_loop3A_177 : i32 to index
        %parallel_loop3A_180 = arith.index_cast %parallel_loop3A_149 : i32 to index
        %parallel_loop3A_181 = tpu.vector_load %arg6[%parallel_loop3A_178, %parallel_loop3A_179, %parallel_loop3A_180] {strides = array<i32>} : memref<2x16x256xf32, #tpu.memory_space<vmem>>, vector<16xf32>,
        tpu.vector_store %arg6[%parallel_loop3A_178, %parallel_loop3A_179, %parallel_loop3A_180], %parallel_loop3A_176 {strides = array<i32>} : memref<2x16x256xf32, #tpu.memory_space<vmem>>, vector<16xf32>,
        %parallel_loop3A_182 = arith.constant 16 : i32
        %parallel_loop3A_183 = arith.muli %parallel_loop3A_107, %parallel_loop3A_182 : i32
        %parallel_loop3A_184 = arith.constant 1024 : i32
        %parallel_loop3A_185 = arith.addi %parallel_loop3A_184, %parallel_loop3A_183 : i32
        %parallel_loop3A_186 = arith.index_cast %parallel_loop3A_185 : i32 to index
        %parallel_loop3A_187 = tpu.vector_load %arg8[%parallel_loop3A_186] {strides = array<i32>} : memref<8704xf32, #tpu.memory_space<vmem>>, vector<16xf32>,
        %parallel_loop3A_188 = arith.constant 16 : i32
        %parallel_loop3A_189 = arith.muli %parallel_loop3A_107, %parallel_loop3A_188 : i32
        %parallel_loop3A_190 = arith.constant 1024 : i32
        %parallel_loop3A_191 = arith.addi %parallel_loop3A_190, %parallel_loop3A_189 : i32
        %parallel_loop3A_192 = arith.index_cast %parallel_loop3A_191 : i32 to index
        %parallel_loop3A_193 = tpu.vector_load %arg8[%parallel_loop3A_192] {strides = array<i32>} : memref<8704xf32, #tpu.memory_space<vmem>>, vector<16xf32>,
        tpu.vector_store %arg8[%parallel_loop3A_192], %broadcast_in_dim3A_61 {strides = array<i32>} : memref<8704xf32, #tpu.memory_space<vmem>>, vector<16xf32>,
        %parallel_loop3A_194 = arith.mulf %parallel_loop3A_187, %parallel_loop3A_163 : vector<16xf32>
        %parallel_loop3A_195 = arith.constant 1 : i32
        %parallel_loop3A_196 = arith.index_cast %parallel_loop3A_131 : i32 to index
        %parallel_loop3A_197 = arith.index_cast %parallel_loop3A_195 : i32 to index
        %parallel_loop3A_198 = arith.index_cast %parallel_loop3A_149 : i32 to index
        %parallel_loop3A_199 = tpu.vector_load %arg6[%parallel_loop3A_196, %parallel_loop3A_197, %parallel_loop3A_198] {strides = array<i32>} : memref<2x16x256xf32, #tpu.memory_space<vmem>>, vector<16xf32>,
        tpu.vector_store %arg6[%parallel_loop3A_196, %parallel_loop3A_197, %parallel_loop3A_198], %parallel_loop3A_194 {strides = array<i32>} : memref<2x16x256xf32, #tpu.memory_space<vmem>>, vector<16xf32>,
        %parallel_loop3A_200 = arith.constant 16 : i32
        %parallel_loop3A_201 = arith.muli %parallel_loop3A_107, %parallel_loop3A_200 : i32
        %parallel_loop3A_202 = arith.constant 1536 : i32
        %parallel_loop3A_203 = arith.addi %parallel_loop3A_202, %parallel_loop3A_201 : i32
        %parallel_loop3A_204 = arith.index_cast %parallel_loop3A_203 : i32 to index
        %parallel_loop3A_205 = tpu.vector_load %arg8[%parallel_loop3A_204] {strides = array<i32>} : memref<8704xf32, #tpu.memory_space<vmem>>, vector<16xf32>,
        %parallel_loop3A_206 = arith.constant 16 : i32
        %parallel_loop3A_207 = arith.muli %parallel_loop3A_107, %parallel_loop3A_206 : i32
        %parallel_loop3A_208 = arith.constant 1536 : i32
        %parallel_loop3A_209 = arith.addi %parallel_loop3A_208, %parallel_loop3A_207 : i32
        %parallel_loop3A_210 = arith.index_cast %parallel_loop3A_209 : i32 to index
        %parallel_loop3A_211 = tpu.vector_load %arg8[%parallel_loop3A_210] {strides = array<i32>} : memref<8704xf32, #tpu.memory_space<vmem>>, vector<16xf32>,
        tpu.vector_store %arg8[%parallel_loop3A_210], %broadcast_in_dim3A_61 {strides = array<i32>} : memref<8704xf32, #tpu.memory_space<vmem>>, vector<16xf32>,
        %parallel_loop3A_212 = arith.mulf %parallel_loop3A_205, %parallel_loop3A_163 : vector<16xf32>
        %parallel_loop3A_213 = arith.constant 2 : i32
        %parallel_loop3A_214 = arith.index_cast %parallel_loop3A_131 : i32 to index
        %parallel_loop3A_215 = arith.index_cast %parallel_loop3A_213 : i32 to index
        %parallel_loop3A_216 = arith.index_cast %parallel_loop3A_149 : i32 to index
        %parallel_loop3A_217 = tpu.vector_load %arg6[%parallel_loop3A_214, %parallel_loop3A_215, %parallel_loop3A_216] {strides = array<i32>} : memref<2x16x256xf32, #tpu.memory_space<vmem>>, vector<16xf32>,
        tpu.vector_store %arg6[%parallel_loop3A_214, %parallel_loop3A_215, %parallel_loop3A_216], %parallel_loop3A_212 {strides = array<i32>} : memref<2x16x256xf32, #tpu.memory_space<vmem>>, vector<16xf32>,
        %parallel_loop3A_218 = arith.constant 16 : i32
        %parallel_loop3A_219 = arith.muli %parallel_loop3A_107, %parallel_loop3A_218 : i32
        %parallel_loop3A_220 = arith.constant 2048 : i32
        %parallel_loop3A_221 = arith.addi %parallel_loop3A_220, %parallel_loop3A_219 : i32
        %parallel_loop3A_222 = arith.index_cast %parallel_loop3A_221 : i32 to index
        %parallel_loop3A_223 = tpu.vector_load %arg8[%parallel_loop3A_222] {strides = array<i32>} : memref<8704xf32, #tpu.memory_space<vmem>>, vector<16xf32>,
        %parallel_loop3A_224 = arith.constant 16 : i32
        %parallel_loop3A_225 = arith.muli %parallel_loop3A_107, %parallel_loop3A_224 : i32
        %parallel_loop3A_226 = arith.constant 2048 : i32
        %parallel_loop3A_227 = arith.addi %parallel_loop3A_226, %parallel_loop3A_225 : i32
        %parallel_loop3A_228 = arith.index_cast %parallel_loop3A_227 : i32 to index
        %parallel_loop3A_229 = tpu.vector_load %arg8[%parallel_loop3A_228] {strides = array<i32>} : memref<8704xf32, #tpu.memory_space<vmem>>, vector<16xf32>,
        tpu.vector_store %arg8[%parallel_loop3A_228], %broadcast_in_dim3A_61 {strides = array<i32>} : memref<8704xf32, #tpu.memory_space<vmem>>, vector<16xf32>,
        %parallel_loop3A_230 = arith.mulf %parallel_loop3A_223, %parallel_loop3A_163 : vector<16xf32>
        %parallel_loop3A_231 = arith.constant 3 : i32
        %parallel_loop3A_232 = arith.index_cast %parallel_loop3A_131 : i32 to index
        %parallel_loop3A_233 = arith.index_cast %parallel_loop3A_231 : i32 to index
        %parallel_loop3A_234 = arith.index_cast %parallel_loop3A_149 : i32 to index
        %parallel_loop3A_235 = tpu.vector_load %arg6[%parallel_loop3A_232, %parallel_loop3A_233, %parallel_loop3A_234] {strides = array<i32>} : memref<2x16x256xf32, #tpu.memory_space<vmem>>, vector<16xf32>,
        tpu.vector_store %arg6[%parallel_loop3A_232, %parallel_loop3A_233, %parallel_loop3A_234], %parallel_loop3A_230 {strides = array<i32>} : memref<2x16x256xf32, #tpu.memory_space<vmem>>, vector<16xf32>,
        %parallel_loop3A_236 = arith.constant 16 : i32
        %parallel_loop3A_237 = arith.muli %parallel_loop3A_107, %parallel_loop3A_236 : i32
        %parallel_loop3A_238 = arith.constant 2560 : i32
        %parallel_loop3A_239 = arith.addi %parallel_loop3A_238, %parallel_loop3A_237 : i32
        %parallel_loop3A_240 = arith.index_cast %parallel_loop3A_239 : i32 to index
        %parallel_loop3A_241 = tpu.vector_load %arg8[%parallel_loop3A_240] {strides = array<i32>} : memref<8704xf32, #tpu.memory_space<vmem>>, vector<16xf32>,
        %parallel_loop3A_242 = arith.constant 16 : i32
        %parallel_loop3A_243 = arith.muli %parallel_loop3A_107, %parallel_loop3A_242 : i32
        %parallel_loop3A_244 = arith.constant 2560 : i32
        %parallel_loop3A_245 = arith.addi %parallel_loop3A_244, %parallel_loop3A_243 : i32
        %parallel_loop3A_246 = arith.index_cast %parallel_loop3A_245 : i32 to index
        %parallel_loop3A_247 = tpu.vector_load %arg8[%parallel_loop3A_246] {strides = array<i32>} : memref<8704xf32, #tpu.memory_space<vmem>>, vector<16xf32>,
        tpu.vector_store %arg8[%parallel_loop3A_246], %broadcast_in_dim3A_61 {strides = array<i32>} : memref<8704xf32, #tpu.memory_space<vmem>>, vector<16xf32>,
        %parallel_loop3A_248 = arith.mulf %parallel_loop3A_241, %parallel_loop3A_163 : vector<16xf32>
        %parallel_loop3A_249 = arith.constant 4 : i32
        %parallel_loop3A_250 = arith.index_cast %parallel_loop3A_131 : i32 to index
        %parallel_loop3A_251 = arith.index_cast %parallel_loop3A_249 : i32 to index
        %parallel_loop3A_252 = arith.index_cast %parallel_loop3A_149 : i32 to index
        %parallel_loop3A_253 = tpu.vector_load %arg6[%parallel_loop3A_250, %parallel_loop3A_251, %parallel_loop3A_252] {strides = array<i32>} : memref<2x16x256xf32, #tpu.memory_space<vmem>>, vector<16xf32>,
        tpu.vector_store %arg6[%parallel_loop3A_250, %parallel_loop3A_251, %parallel_loop3A_252], %parallel_loop3A_248 {strides = array<i32>} : memref<2x16x256xf32, #tpu.memory_space<vmem>>, vector<16xf32>,
        %parallel_loop3A_254 = arith.constant 16 : i32
        %parallel_loop3A_255 = arith.muli %parallel_loop3A_107, %parallel_loop3A_254 : i32
        %parallel_loop3A_256 = arith.constant 3072 : i32
        %parallel_loop3A_257 = arith.addi %parallel_loop3A_256, %parallel_loop3A_255 : i32
        %parallel_loop3A_258 = arith.index_cast %parallel_loop3A_257 : i32 to index
        %parallel_loop3A_259 = tpu.vector_load %arg8[%parallel_loop3A_258] {strides = array<i32>} : memref<8704xf32, #tpu.memory_space<vmem>>, vector<16xf32>,
        %parallel_loop3A_260 = arith.constant 16 : i32
        %parallel_loop3A_261 = arith.muli %parallel_loop3A_107, %parallel_loop3A_260 : i32
        %parallel_loop3A_262 = arith.constant 3072 : i32
        %parallel_loop3A_263 = arith.addi %parallel_loop3A_262, %parallel_loop3A_261 : i32
        %parallel_loop3A_264 = arith.index_cast %parallel_loop3A_263 : i32 to index
        %parallel_loop3A_265 = tpu.vector_load %arg8[%parallel_loop3A_264] {strides = array<i32>} : memref<8704xf32, #tpu.memory_space<vmem>>, vector<16xf32>,
        tpu.vector_store %arg8[%parallel_loop3A_264], %broadcast_in_dim3A_61 {strides = array<i32>} : memref<8704xf32, #tpu.memory_space<vmem>>, vector<16xf32>,
        %parallel_loop3A_266 = arith.mulf %parallel_loop3A_259, %parallel_loop3A_163 : vector<16xf32>
        %parallel_loop3A_267 = arith.constant 5 : i32
        %parallel_loop3A_268 = arith.index_cast %parallel_loop3A_131 : i32 to index
        %parallel_loop3A_269 = arith.index_cast %parallel_loop3A_267 : i32 to index
        %parallel_loop3A_270 = arith.index_cast %parallel_loop3A_149 : i32 to index
        %parallel_loop3A_271 = tpu.vector_load %arg6[%parallel_loop3A_268, %parallel_loop3A_269, %parallel_loop3A_270] {strides = array<i32>} : memref<2x16x256xf32, #tpu.memory_space<vmem>>, vector<16xf32>,
        tpu.vector_store %arg6[%parallel_loop3A_268, %parallel_loop3A_269, %parallel_loop3A_270], %parallel_loop3A_266 {strides = array<i32>} : memref<2x16x256xf32, #tpu.memory_space<vmem>>, vector<16xf32>,
        %parallel_loop3A_272 = arith.constant 16 : i32
        %parallel_loop3A_273 = arith.muli %parallel_loop3A_107, %parallel_loop3A_272 : i32
        %parallel_loop3A_274 = arith.constant 3584 : i32
        %parallel_loop3A_275 = arith.addi %parallel_loop3A_274, %parallel_loop3A_273 : i32
        %parallel_loop3A_276 = arith.index_cast %parallel_loop3A_275 : i32 to index
        %parallel_loop3A_277 = tpu.vector_load %arg8[%parallel_loop3A_276] {strides = array<i32>} : memref<8704xf32, #tpu.memory_space<vmem>>, vector<16xf32>,
        %parallel_loop3A_278 = arith.constant 16 : i32
        %parallel_loop3A_279 = arith.muli %parallel_loop3A_107, %parallel_loop3A_278 : i32
        %parallel_loop3A_280 = arith.constant 3584 : i32
        %parallel_loop3A_281 = arith.addi %parallel_loop3A_280, %parallel_loop3A_279 : i32
        %parallel_loop3A_282 = arith.index_cast %parallel_loop3A_281 : i32 to index
        %parallel_loop3A_283 = tpu.vector_load %arg8[%parallel_loop3A_282] {strides = array<i32>} : memref<8704xf32, #tpu.memory_space<vmem>>, vector<16xf32>,
        tpu.vector_store %arg8[%parallel_loop3A_282], %broadcast_in_dim3A_61 {strides = array<i32>} : memref<8704xf32, #tpu.memory_space<vmem>>, vector<16xf32>,
        %parallel_loop3A_284 = arith.mulf %parallel_loop3A_277, %parallel_loop3A_163 : vector<16xf32>
        %parallel_loop3A_285 = arith.constant 6 : i32
        %parallel_loop3A_286 = arith.index_cast %parallel_loop3A_131 : i32 to index
        %parallel_loop3A_287 = arith.index_cast %parallel_loop3A_285 : i32 to index
        %parallel_loop3A_288 = arith.index_cast %parallel_loop3A_149 : i32 to index
        %parallel_loop3A_289 = tpu.vector_load %arg6[%parallel_loop3A_286, %parallel_loop3A_287, %parallel_loop3A_288] {strides = array<i32>} : memref<2x16x256xf32, #tpu.memory_space<vmem>>, vector<16xf32>,
        tpu.vector_store %arg6[%parallel_loop3A_286, %parallel_loop3A_287, %parallel_loop3A_288], %parallel_loop3A_284 {strides = array<i32>} : memref<2x16x256xf32, #tpu.memory_space<vmem>>, vector<16xf32>,
        %parallel_loop3A_290 = arith.constant 16 : i32
        %parallel_loop3A_291 = arith.muli %parallel_loop3A_107, %parallel_loop3A_290 : i32
        %parallel_loop3A_292 = arith.constant 4096 : i32
        %parallel_loop3A_293 = arith.addi %parallel_loop3A_292, %parallel_loop3A_291 : i32
        %parallel_loop3A_294 = arith.index_cast %parallel_loop3A_293 : i32 to index
        %parallel_loop3A_295 = tpu.vector_load %arg8[%parallel_loop3A_294] {strides = array<i32>} : memref<8704xf32, #tpu.memory_space<vmem>>, vector<16xf32>,
        %parallel_loop3A_296 = arith.constant 16 : i32
        %parallel_loop3A_297 = arith.muli %parallel_loop3A_107, %parallel_loop3A_296 : i32
        %parallel_loop3A_298 = arith.constant 4096 : i32
        %parallel_loop3A_299 = arith.addi %parallel_loop3A_298, %parallel_loop3A_297 : i32
        %parallel_loop3A_300 = arith.index_cast %parallel_loop3A_299 : i32 to index
        %parallel_loop3A_301 = tpu.vector_load %arg8[%parallel_loop3A_300] {strides = array<i32>} : memref<8704xf32, #tpu.memory_space<vmem>>, vector<16xf32>,
        tpu.vector_store %arg8[%parallel_loop3A_300], %broadcast_in_dim3A_61 {strides = array<i32>} : memref<8704xf32, #tpu.memory_space<vmem>>, vector<16xf32>,
        %parallel_loop3A_302 = arith.mulf %parallel_loop3A_295, %parallel_loop3A_163 : vector<16xf32>
        %parallel_loop3A_303 = arith.constant 7 : i32
        %parallel_loop3A_304 = arith.index_cast %parallel_loop3A_131 : i32 to index
        %parallel_loop3A_305 = arith.index_cast %parallel_loop3A_303 : i32 to index
        %parallel_loop3A_306 = arith.index_cast %parallel_loop3A_149 : i32 to index
        %parallel_loop3A_307 = tpu.vector_load %arg6[%parallel_loop3A_304, %parallel_loop3A_305, %parallel_loop3A_306] {strides = array<i32>} : memref<2x16x256xf32, #tpu.memory_space<vmem>>, vector<16xf32>,
        tpu.vector_store %arg6[%parallel_loop3A_304, %parallel_loop3A_305, %parallel_loop3A_306], %parallel_loop3A_302 {strides = array<i32>} : memref<2x16x256xf32, #tpu.memory_space<vmem>>, vector<16xf32>,
        %parallel_loop3A_308 = arith.constant 16 : i32
        %parallel_loop3A_309 = arith.muli %parallel_loop3A_107, %parallel_loop3A_308 : i32
        %parallel_loop3A_310 = arith.constant 4608 : i32
        %parallel_loop3A_311 = arith.addi %parallel_loop3A_310, %parallel_loop3A_309 : i32
        %parallel_loop3A_312 = arith.index_cast %parallel_loop3A_311 : i32 to index
        %parallel_loop3A_313 = tpu.vector_load %arg8[%parallel_loop3A_312] {strides = array<i32>} : memref<8704xf32, #tpu.memory_space<vmem>>, vector<16xf32>,
        %parallel_loop3A_314 = arith.constant 16 : i32
        %parallel_loop3A_315 = arith.muli %parallel_loop3A_107, %parallel_loop3A_314 : i32
        %parallel_loop3A_316 = arith.constant 4608 : i32
        %parallel_loop3A_317 = arith.addi %parallel_loop3A_316, %parallel_loop3A_315 : i32
        %parallel_loop3A_318 = arith.index_cast %parallel_loop3A_317 : i32 to index
        %parallel_loop3A_319 = tpu.vector_load %arg8[%parallel_loop3A_318] {strides = array<i32>} : memref<8704xf32, #tpu.memory_space<vmem>>, vector<16xf32>,
        tpu.vector_store %arg8[%parallel_loop3A_318], %broadcast_in_dim3A_61 {strides = array<i32>} : memref<8704xf32, #tpu.memory_space<vmem>>, vector<16xf32>,
        %parallel_loop3A_320 = arith.mulf %parallel_loop3A_313, %parallel_loop3A_163 : vector<16xf32>
        %parallel_loop3A_321 = arith.constant 8 : i32
        %parallel_loop3A_322 = arith.index_cast %parallel_loop3A_131 : i32 to index
        %parallel_loop3A_323 = arith.index_cast %parallel_loop3A_321 : i32 to index
        %parallel_loop3A_324 = arith.index_cast %parallel_loop3A_149 : i32 to index
        %parallel_loop3A_325 = tpu.vector_load %arg6[%parallel_loop3A_322, %parallel_loop3A_323, %parallel_loop3A_324] {strides = array<i32>} : memref<2x16x256xf32, #tpu.memory_space<vmem>>, vector<16xf32>,
        tpu.vector_store %arg6[%parallel_loop3A_322, %parallel_loop3A_323, %parallel_loop3A_324], %parallel_loop3A_320 {strides = array<i32>} : memref<2x16x256xf32, #tpu.memory_space<vmem>>, vector<16xf32>,
        %parallel_loop3A_326 = arith.constant 16 : i32
        %parallel_loop3A_327 = arith.muli %parallel_loop3A_107, %parallel_loop3A_326 : i32
        %parallel_loop3A_328 = arith.constant 5120 : i32
        %parallel_loop3A_329 = arith.addi %parallel_loop3A_328, %parallel_loop3A_327 : i32
        %parallel_loop3A_330 = arith.index_cast %parallel_loop3A_329 : i32 to index
        %parallel_loop3A_331 = tpu.vector_load %arg8[%parallel_loop3A_330] {strides = array<i32>} : memref<8704xf32, #tpu.memory_space<vmem>>, vector<16xf32>,
        %parallel_loop3A_332 = arith.constant 16 : i32
        %parallel_loop3A_333 = arith.muli %parallel_loop3A_107, %parallel_loop3A_332 : i32
        %parallel_loop3A_334 = arith.constant 5120 : i32
        %parallel_loop3A_335 = arith.addi %parallel_loop3A_334, %parallel_loop3A_333 : i32
        %parallel_loop3A_336 = arith.index_cast %parallel_loop3A_335 : i32 to index
        %parallel_loop3A_337 = tpu.vector_load %arg8[%parallel_loop3A_336] {strides = array<i32>} : memref<8704xf32, #tpu.memory_space<vmem>>, vector<16xf32>,
        tpu.vector_store %arg8[%parallel_loop3A_336], %broadcast_in_dim3A_61 {strides = array<i32>} : memref<8704xf32, #tpu.memory_space<vmem>>, vector<16xf32>,
        %parallel_loop3A_338 = arith.mulf %parallel_loop3A_331, %parallel_loop3A_163 : vector<16xf32>
        %parallel_loop3A_339 = arith.constant 9 : i32
        %parallel_loop3A_340 = arith.index_cast %parallel_loop3A_131 : i32 to index
        %parallel_loop3A_341 = arith.index_cast %parallel_loop3A_339 : i32 to index
        %parallel_loop3A_342 = arith.index_cast %parallel_loop3A_149 : i32 to index
        %parallel_loop3A_343 = tpu.vector_load %arg6[%parallel_loop3A_340, %parallel_loop3A_341, %parallel_loop3A_342] {strides = array<i32>} : memref<2x16x256xf32, #tpu.memory_space<vmem>>, vector<16xf32>,
        tpu.vector_store %arg6[%parallel_loop3A_340, %parallel_loop3A_341, %parallel_loop3A_342], %parallel_loop3A_338 {strides = array<i32>} : memref<2x16x256xf32, #tpu.memory_space<vmem>>, vector<16xf32>,
        %parallel_loop3A_344 = arith.constant 16 : i32
        %parallel_loop3A_345 = arith.muli %parallel_loop3A_107, %parallel_loop3A_344 : i32
        %parallel_loop3A_346 = arith.constant 5632 : i32
        %parallel_loop3A_347 = arith.addi %parallel_loop3A_346, %parallel_loop3A_345 : i32
        %parallel_loop3A_348 = arith.index_cast %parallel_loop3A_347 : i32 to index
        %parallel_loop3A_349 = tpu.vector_load %arg8[%parallel_loop3A_348] {strides = array<i32>} : memref<8704xf32, #tpu.memory_space<vmem>>, vector<16xf32>,
        %parallel_loop3A_350 = arith.constant 16 : i32
        %parallel_loop3A_351 = arith.muli %parallel_loop3A_107, %parallel_loop3A_350 : i32
        %parallel_loop3A_352 = arith.constant 5632 : i32
        %parallel_loop3A_353 = arith.addi %parallel_loop3A_352, %parallel_loop3A_351 : i32
        %parallel_loop3A_354 = arith.index_cast %parallel_loop3A_353 : i32 to index
        %parallel_loop3A_355 = tpu.vector_load %arg8[%parallel_loop3A_354] {strides = array<i32>} : memref<8704xf32, #tpu.memory_space<vmem>>, vector<16xf32>,
        tpu.vector_store %arg8[%parallel_loop3A_354], %broadcast_in_dim3A_61 {strides = array<i32>} : memref<8704xf32, #tpu.memory_space<vmem>>, vector<16xf32>,
        %parallel_loop3A_356 = arith.mulf %parallel_loop3A_349, %parallel_loop3A_163 : vector<16xf32>
        %parallel_loop3A_357 = arith.constant 10 : i32
        %parallel_loop3A_358 = arith.index_cast %parallel_loop3A_131 : i32 to index
        %parallel_loop3A_359 = arith.index_cast %parallel_loop3A_357 : i32 to index
        %parallel_loop3A_360 = arith.index_cast %parallel_loop3A_149 : i32 to index
        %parallel_loop3A_361 = tpu.vector_load %arg6[%parallel_loop3A_358, %parallel_loop3A_359, %parallel_loop3A_360] {strides = array<i32>} : memref<2x16x256xf32, #tpu.memory_space<vmem>>, vector<16xf32>,
        tpu.vector_store %arg6[%parallel_loop3A_358, %parallel_loop3A_359, %parallel_loop3A_360], %parallel_loop3A_356 {strides = array<i32>} : memref<2x16x256xf32, #tpu.memory_space<vmem>>, vector<16xf32>,
        %parallel_loop3A_362 = arith.constant 16 : i32
        %parallel_loop3A_363 = arith.muli %parallel_loop3A_107, %parallel_loop3A_362 : i32
        %parallel_loop3A_364 = arith.constant 6144 : i32
        %parallel_loop3A_365 = arith.addi %parallel_loop3A_364, %parallel_loop3A_363 : i32
        %parallel_loop3A_366 = arith.index_cast %parallel_loop3A_365 : i32 to index
        %parallel_loop3A_367 = tpu.vector_load %arg8[%parallel_loop3A_366] {strides = array<i32>} : memref<8704xf32, #tpu.memory_space<vmem>>, vector<16xf32>,
        %parallel_loop3A_368 = arith.constant 16 : i32
        %parallel_loop3A_369 = arith.muli %parallel_loop3A_107, %parallel_loop3A_368 : i32
        %parallel_loop3A_370 = arith.constant 6144 : i32
        %parallel_loop3A_371 = arith.addi %parallel_loop3A_370, %parallel_loop3A_369 : i32
        %parallel_loop3A_372 = arith.index_cast %parallel_loop3A_371 : i32 to index
        %parallel_loop3A_373 = tpu.vector_load %arg8[%parallel_loop3A_372] {strides = array<i32>} : memref<8704xf32, #tpu.memory_space<vmem>>, vector<16xf32>,
        tpu.vector_store %arg8[%parallel_loop3A_372], %broadcast_in_dim3A_61 {strides = array<i32>} : memref<8704xf32, #tpu.memory_space<vmem>>, vector<16xf32>,
        %parallel_loop3A_374 = arith.mulf %parallel_loop3A_367, %parallel_loop3A_163 : vector<16xf32>
        %parallel_loop3A_375 = arith.constant 11 : i32
        %parallel_loop3A_376 = arith.index_cast %parallel_loop3A_131 : i32 to index
        %parallel_loop3A_377 = arith.index_cast %parallel_loop3A_375 : i32 to index
        %parallel_loop3A_378 = arith.index_cast %parallel_loop3A_149 : i32 to index
        %parallel_loop3A_379 = tpu.vector_load %arg6[%parallel_loop3A_376, %parallel_loop3A_377, %parallel_loop3A_378] {strides = array<i32>} : memref<2x16x256xf32, #tpu.memory_space<vmem>>, vector<16xf32>,
        tpu.vector_store %arg6[%parallel_loop3A_376, %parallel_loop3A_377, %parallel_loop3A_378], %parallel_loop3A_374 {strides = array<i32>} : memref<2x16x256xf32, #tpu.memory_space<vmem>>, vector<16xf32>,
        %parallel_loop3A_380 = arith.constant 16 : i32
        %parallel_loop3A_381 = arith.muli %parallel_loop3A_107, %parallel_loop3A_380 : i32
        %parallel_loop3A_382 = arith.constant 6656 : i32
        %parallel_loop3A_383 = arith.addi %parallel_loop3A_382, %parallel_loop3A_381 : i32
        %parallel_loop3A_384 = arith.index_cast %parallel_loop3A_383 : i32 to index
        %parallel_loop3A_385 = tpu.vector_load %arg8[%parallel_loop3A_384] {strides = array<i32>} : memref<8704xf32, #tpu.memory_space<vmem>>, vector<16xf32>,
        %parallel_loop3A_386 = arith.constant 16 : i32
        %parallel_loop3A_387 = arith.muli %parallel_loop3A_107, %parallel_loop3A_386 : i32
        %parallel_loop3A_388 = arith.constant 6656 : i32
        %parallel_loop3A_389 = arith.addi %parallel_loop3A_388, %parallel_loop3A_387 : i32
        %parallel_loop3A_390 = arith.index_cast %parallel_loop3A_389 : i32 to index
        %parallel_loop3A_391 = tpu.vector_load %arg8[%parallel_loop3A_390] {strides = array<i32>} : memref<8704xf32, #tpu.memory_space<vmem>>, vector<16xf32>,
        tpu.vector_store %arg8[%parallel_loop3A_390], %broadcast_in_dim3A_61 {strides = array<i32>} : memref<8704xf32, #tpu.memory_space<vmem>>, vector<16xf32>,
        %parallel_loop3A_392 = arith.mulf %parallel_loop3A_385, %parallel_loop3A_163 : vector<16xf32>
        %parallel_loop3A_393 = arith.constant 12 : i32
        %parallel_loop3A_394 = arith.index_cast %parallel_loop3A_131 : i32 to index
        %parallel_loop3A_395 = arith.index_cast %parallel_loop3A_393 : i32 to index
        %parallel_loop3A_396 = arith.index_cast %parallel_loop3A_149 : i32 to index
        %parallel_loop3A_397 = tpu.vector_load %arg6[%parallel_loop3A_394, %parallel_loop3A_395, %parallel_loop3A_396] {strides = array<i32>} : memref<2x16x256xf32, #tpu.memory_space<vmem>>, vector<16xf32>,
        tpu.vector_store %arg6[%parallel_loop3A_394, %parallel_loop3A_395, %parallel_loop3A_396], %parallel_loop3A_392 {strides = array<i32>} : memref<2x16x256xf32, #tpu.memory_space<vmem>>, vector<16xf32>,
        %parallel_loop3A_398 = arith.constant 16 : i32
        %parallel_loop3A_399 = arith.muli %parallel_loop3A_107, %parallel_loop3A_398 : i32
        %parallel_loop3A_400 = arith.constant 7168 : i32
        %parallel_loop3A_401 = arith.addi %parallel_loop3A_400, %parallel_loop3A_399 : i32
        %parallel_loop3A_402 = arith.index_cast %parallel_loop3A_401 : i32 to index
        %parallel_loop3A_403 = tpu.vector_load %arg8[%parallel_loop3A_402] {strides = array<i32>} : memref<8704xf32, #tpu.memory_space<vmem>>, vector<16xf32>,
        %parallel_loop3A_404 = arith.constant 16 : i32
        %parallel_loop3A_405 = arith.muli %parallel_loop3A_107, %parallel_loop3A_404 : i32
        %parallel_loop3A_406 = arith.constant 7168 : i32
        %parallel_loop3A_407 = arith.addi %parallel_loop3A_406, %parallel_loop3A_405 : i32
        %parallel_loop3A_408 = arith.index_cast %parallel_loop3A_407 : i32 to index
        %parallel_loop3A_409 = tpu.vector_load %arg8[%parallel_loop3A_408] {strides = array<i32>} : memref<8704xf32, #tpu.memory_space<vmem>>, vector<16xf32>,
        tpu.vector_store %arg8[%parallel_loop3A_408], %broadcast_in_dim3A_61 {strides = array<i32>} : memref<8704xf32, #tpu.memory_space<vmem>>, vector<16xf32>,
        %parallel_loop3A_410 = arith.mulf %parallel_loop3A_403, %parallel_loop3A_163 : vector<16xf32>
        %parallel_loop3A_411 = arith.constant 13 : i32
        %parallel_loop3A_412 = arith.index_cast %parallel_loop3A_131 : i32 to index
        %parallel_loop3A_413 = arith.index_cast %parallel_loop3A_411 : i32 to index
        %parallel_loop3A_414 = arith.index_cast %parallel_loop3A_149 : i32 to index
        %parallel_loop3A_415 = tpu.vector_load %arg6[%parallel_loop3A_412, %parallel_loop3A_413, %parallel_loop3A_414] {strides = array<i32>} : memref<2x16x256xf32, #tpu.memory_space<vmem>>, vector<16xf32>,
        tpu.vector_store %arg6[%parallel_loop3A_412, %parallel_loop3A_413, %parallel_loop3A_414], %parallel_loop3A_410 {strides = array<i32>} : memref<2x16x256xf32, #tpu.memory_space<vmem>>, vector<16xf32>,
        %parallel_loop3A_416 = arith.constant 16 : i32
        %parallel_loop3A_417 = arith.muli %parallel_loop3A_107, %parallel_loop3A_416 : i32
        %parallel_loop3A_418 = arith.constant 7680 : i32
        %parallel_loop3A_419 = arith.addi %parallel_loop3A_418, %parallel_loop3A_417 : i32
        %parallel_loop3A_420 = arith.index_cast %parallel_loop3A_419 : i32 to index
        %parallel_loop3A_421 = tpu.vector_load %arg8[%parallel_loop3A_420] {strides = array<i32>} : memref<8704xf32, #tpu.memory_space<vmem>>, vector<16xf32>,
        %parallel_loop3A_422 = arith.constant 16 : i32
        %parallel_loop3A_423 = arith.muli %parallel_loop3A_107, %parallel_loop3A_422 : i32
        %parallel_loop3A_424 = arith.constant 7680 : i32
        %parallel_loop3A_425 = arith.addi %parallel_loop3A_424, %parallel_loop3A_423 : i32
        %parallel_loop3A_426 = arith.index_cast %parallel_loop3A_425 : i32 to index
        %parallel_loop3A_427 = tpu.vector_load %arg8[%parallel_loop3A_426] {strides = array<i32>} : memref<8704xf32, #tpu.memory_space<vmem>>, vector<16xf32>,
        tpu.vector_store %arg8[%parallel_loop3A_426], %broadcast_in_dim3A_61 {strides = array<i32>} : memref<8704xf32, #tpu.memory_space<vmem>>, vector<16xf32>,
        %parallel_loop3A_428 = arith.mulf %parallel_loop3A_421, %parallel_loop3A_163 : vector<16xf32>
        %parallel_loop3A_429 = arith.constant 14 : i32
        %parallel_loop3A_430 = arith.index_cast %parallel_loop3A_131 : i32 to index
        %parallel_loop3A_431 = arith.index_cast %parallel_loop3A_429 : i32 to index
        %parallel_loop3A_432 = arith.index_cast %parallel_loop3A_149 : i32 to index
        %parallel_loop3A_433 = tpu.vector_load %arg6[%parallel_loop3A_430, %parallel_loop3A_431, %parallel_loop3A_432] {strides = array<i32>} : memref<2x16x256xf32, #tpu.memory_space<vmem>>, vector<16xf32>,
        tpu.vector_store %arg6[%parallel_loop3A_430, %parallel_loop3A_431, %parallel_loop3A_432], %parallel_loop3A_428 {strides = array<i32>} : memref<2x16x256xf32, #tpu.memory_space<vmem>>, vector<16xf32>,
        %parallel_loop3A_434 = arith.constant 16 : i32
        %parallel_loop3A_435 = arith.muli %parallel_loop3A_107, %parallel_loop3A_434 : i32
        %parallel_loop3A_436 = arith.constant 8192 : i32
        %parallel_loop3A_437 = arith.addi %parallel_loop3A_436, %parallel_loop3A_435 : i32
        %parallel_loop3A_438 = arith.index_cast %parallel_loop3A_437 : i32 to index
        %parallel_loop3A_439 = tpu.vector_load %arg8[%parallel_loop3A_438] {strides = array<i32>} : memref<8704xf32, #tpu.memory_space<vmem>>, vector<16xf32>,
        %parallel_loop3A_440 = arith.constant 16 : i32
        %parallel_loop3A_441 = arith.muli %parallel_loop3A_107, %parallel_loop3A_440 : i32
        %parallel_loop3A_442 = arith.constant 8192 : i32
        %parallel_loop3A_443 = arith.addi %parallel_loop3A_442, %parallel_loop3A_441 : i32
        %parallel_loop3A_444 = arith.index_cast %parallel_loop3A_443 : i32 to index
        %parallel_loop3A_445 = tpu.vector_load %arg8[%parallel_loop3A_444] {strides = array<i32>} : memref<8704xf32, #tpu.memory_space<vmem>>, vector<16xf32>,
        tpu.vector_store %arg8[%parallel_loop3A_444], %broadcast_in_dim3A_61 {strides = array<i32>} : memref<8704xf32, #tpu.memory_space<vmem>>, vector<16xf32>,
        %parallel_loop3A_446 = arith.mulf %parallel_loop3A_439, %parallel_loop3A_163 : vector<16xf32>
        %parallel_loop3A_447 = arith.constant 15 : i32
        %parallel_loop3A_448 = arith.index_cast %parallel_loop3A_131 : i32 to index
        %parallel_loop3A_449 = arith.index_cast %parallel_loop3A_447 : i32 to index
        %parallel_loop3A_450 = arith.index_cast %parallel_loop3A_149 : i32 to index
        %parallel_loop3A_451 = tpu.vector_load %arg6[%parallel_loop3A_448, %parallel_loop3A_449, %parallel_loop3A_450] {strides = array<i32>} : memref<2x16x256xf32, #tpu.memory_space<vmem>>, vector<16xf32>,
        tpu.vector_store %arg6[%parallel_loop3A_448, %parallel_loop3A_449, %parallel_loop3A_450], %parallel_loop3A_446 {strides = array<i32>} : memref<2x16x256xf32, #tpu.memory_space<vmem>>, vector<16xf32>,
      } {sc.loop_unroll_factor = 2 : i64, sc.parallel_access}
      %dma_start3A_65 = arith.constant 0 : i32
      %dma_start3A_66 = arith.constant 0 : i32
      %dma_start3A_67 = tpu.memref_slice %arg3[%add3A_38, %dma_start3A_65, %dma_start3A_66] : memref<2048x16x256xf32, #tpu.memory_space<hbm>> -> memref<2x16x256xf32, #tpu.memory_space<hbm>>
      %dma_start3A_68 = arith.constant 0 : i32
      %dma_start3A_69 = arith.constant 0 : i32
      %dma_start3A_70 = tpu.memref_slice %arg3[%add3A_38, %dma_start3A_68, %dma_start3A_69] : memref<2048x16x256xf32, #tpu.memory_space<hbm>> -> memref<2x16x256xf32, #tpu.memory_space<hbm>>
      tpu.enqueue_dma source(%arg6 : memref<2x16x256xf32, #tpu.memory_space<vmem>>) target(%dma_start3A_70 : memref<2x16x256xf32, #tpu.memory_space<hbm>>) target_semaphore(%arg11 : memref<!tpu.dma_semaphore, #tpu.memory_space<semaphore_mem>>)
      %add3A_71 = arith.constant 2 : i32
      %add3A_72 = arith.addi %add3A_36, %add3A_71 : i32
      %add3A_73 = arith.constant 2 : i32
      %add3A_74 = arith.addi %add3A_72, %add3A_73 : i32
      %lt3A = arith.constant 15 : i32
      %lt3A_75 = arith.cmpi slt, %scan3A_31, %lt3A : i32
      %convert_element_type3A_76 = arith.extui %lt3A_75 : i1 to i32
      %cond3A_77 = arith.constant 0 : i32
      %cond3A_78 = arith.cmpi ne, %convert_element_type3A_76, %cond3A_77 : i32
      scf.if %cond3A_78 {
        %dma_start3A_107 = arith.constant 0 : i32
        %dma_start3A_108 = arith.constant 0 : i32
        %dma_start3A_109 = tpu.memref_slice %arg2[%add3A_74, %dma_start3A_107, %dma_start3A_108] : memref<2048x64x256xf32, #tpu.memory_space<hbm>> -> memref<2x64x256xf32, #tpu.memory_space<hbm>>
        %dma_start3A_110 = arith.constant 0 : i32
        %dma_start3A_111 = arith.constant 0 : i32
        %dma_start3A_112 = tpu.memref_slice %arg2[%add3A_74, %dma_start3A_110, %dma_start3A_111] : memref<2048x64x256xf32, #tpu.memory_space<hbm>> -> memref<2x64x256xf32, #tpu.memory_space<hbm>>
        tpu.enqueue_dma source(%dma_start3A_112 : memref<2x64x256xf32, #tpu.memory_space<hbm>>) target(%arg4 : memref<2x64x256xf32, #tpu.memory_space<vmem>>) target_semaphore(%arg9 : memref<!tpu.dma_semaphore, #tpu.memory_space<semaphore_mem>>)
      } else {
      }
      %dma_wait3A_79 = arith.constant 0 : i32
      %dma_wait3A_80 = arith.constant 0 : i32
      %dma_wait3A_81 = tpu.memref_slice %arg2[%add3A_72, %dma_wait3A_79, %dma_wait3A_80] : memref<2048x64x256xf32, #tpu.memory_space<hbm>> -> memref<2x64x256xf32, #tpu.memory_space<hbm>>
      %dma_wait3A_82 = arith.constant 0 : i32
      %dma_wait3A_83 = arith.constant 0 : i32
      %dma_wait3A_84 = tpu.memref_slice %arg2[%add3A_72, %dma_wait3A_82, %dma_wait3A_83] : memref<2048x64x256xf32, #tpu.memory_space<hbm>> -> memref<2x64x256xf32, #tpu.memory_space<hbm>>
      tpu.wait_dma2 semaphore(%arg10 : memref<!tpu.dma_semaphore, #tpu.memory_space<semaphore_mem>>) src(%dma_wait3A_84 : memref<2x64x256xf32, #tpu.memory_space<hbm>>) dst(%arg5 : memref<2x64x256xf32, #tpu.memory_space<vmem>>)
      %broadcast_in_dim3A_85 = arith.constant 1.000000e+00 : f32
      %broadcast_in_dim3A_86 = vector.broadcast %broadcast_in_dim3A_85 : f32 to vector<16xf32>
      %iota3A_87 = tpu.iota {dimensions = array<i32: 0>} : vector<16xi32>
      %parallel_loop3A_88 = arith.constant 0 : i32
      %parallel_loop3A_89 = arith.constant 128 : i32
      %parallel_loop3A_90 = arith.constant 1 : i32
      scf.for %parallel_loop3A_107 = %parallel_loop3A_88 to %parallel_loop3A_89 step %parallel_loop3A_90  : i32 {
        %parallel_loop3A_108 = arith.constant 64 : i32
        %parallel_loop3A_109 = arith.divsi %parallel_loop3A_107, %parallel_loop3A_108 : i32
        %parallel_loop3A_110 = arith.constant 0 : i32
        %parallel_loop3A_111 = arith.cmpi sgt, %parallel_loop3A_107, %parallel_loop3A_110 : i32
        %parallel_loop3A_112 = arith.extui %parallel_loop3A_111 : i1 to i32
        %parallel_loop3A_113 = arith.constant 0 : i32
        %parallel_loop3A_114 = arith.cmpi slt, %parallel_loop3A_107, %parallel_loop3A_113 : i32
        %parallel_loop3A_115 = arith.extui %parallel_loop3A_114 : i1 to i32
        %parallel_loop3A_116 = arith.subi %parallel_loop3A_112, %parallel_loop3A_115 : i32
        %parallel_loop3A_117 = arith.constant 0 : i32
        %parallel_loop3A_118 = arith.cmpi sgt, %parallel_loop3A_108, %parallel_loop3A_117 : i32
        %parallel_loop3A_119 = arith.extui %parallel_loop3A_118 : i1 to i32
        %parallel_loop3A_120 = arith.constant 0 : i32
        %parallel_loop3A_121 = arith.cmpi slt, %parallel_loop3A_108, %parallel_loop3A_120 : i32
        %parallel_loop3A_122 = arith.extui %parallel_loop3A_121 : i1 to i32
        %parallel_loop3A_123 = arith.subi %parallel_loop3A_119, %parallel_loop3A_122 : i32
        %parallel_loop3A_124 = arith.cmpi ne, %parallel_loop3A_116, %parallel_loop3A_123 : i32
        %parallel_loop3A_125 = arith.remsi %parallel_loop3A_107, %parallel_loop3A_108 : i32
        %parallel_loop3A_126 = arith.constant 0 : i32
        %parallel_loop3A_127 = arith.cmpi ne, %parallel_loop3A_125, %parallel_loop3A_126 : i32
        %parallel_loop3A_128 = arith.andi %parallel_loop3A_124, %parallel_loop3A_127 : i1
        %parallel_loop3A_129 = arith.constant 1 : i32
        %parallel_loop3A_130 = arith.subi %parallel_loop3A_109, %parallel_loop3A_129 : i32
        %parallel_loop3A_131 = arith.select %parallel_loop3A_128, %parallel_loop3A_130, %parallel_loop3A_109 : i32
        %parallel_loop3A_132 = arith.constant 64 : i32
        %parallel_loop3A_133 = arith.constant 0 : i32
        %parallel_loop3A_134 = arith.cmpi eq, %parallel_loop3A_132, %parallel_loop3A_133 : i32
        %parallel_loop3A_135 = arith.constant 1 : i32
        %parallel_loop3A_136 = arith.select %parallel_loop3A_134, %parallel_loop3A_135, %parallel_loop3A_132 : i32
        %parallel_loop3A_137 = arith.remsi %parallel_loop3A_107, %parallel_loop3A_136 : i32
        %parallel_loop3A_138 = arith.constant 0 : i32
        %parallel_loop3A_139 = arith.cmpi ne, %parallel_loop3A_137, %parallel_loop3A_138 : i32
        %parallel_loop3A_140 = arith.constant 0 : i32
        %parallel_loop3A_141 = arith.cmpi slt, %parallel_loop3A_137, %parallel_loop3A_140 : i32
        %parallel_loop3A_142 = arith.constant 0 : i32
        %parallel_loop3A_143 = arith.cmpi slt, %parallel_loop3A_136, %parallel_loop3A_142 : i32
        %parallel_loop3A_144 = arith.xori %parallel_loop3A_141, %parallel_loop3A_143 : i1
        %parallel_loop3A_145 = arith.andi %parallel_loop3A_144, %parallel_loop3A_139 : i1
        %parallel_loop3A_146 = arith.addi %parallel_loop3A_137, %parallel_loop3A_136 : i32
        %parallel_loop3A_147 = arith.select %parallel_loop3A_145, %parallel_loop3A_146, %parallel_loop3A_137 : i32
        %parallel_loop3A_148 = arith.constant 256 : i32
        %parallel_loop3A_149 = arith.muli %parallel_loop3A_131, %parallel_loop3A_148 : i32
        %parallel_loop3A_150 = vector.broadcast %parallel_loop3A_149 : i32 to vector<16xi32>
        %parallel_loop3A_151 = arith.addi %parallel_loop3A_150, %iota3A_87 : vector<16xi32>
        %parallel_loop3A_152 = arith.constant -2147483648 : i32
        %parallel_loop3A_153 = vector.broadcast %parallel_loop3A_152 : i32 to vector<16xi32>
        %parallel_loop3A_154 = arith.xori %parallel_loop3A_151, %parallel_loop3A_153 : vector<16xi32>
        %parallel_loop3A_155 = arith.index_cast %parallel_loop3A_131 : i32 to index
        %parallel_loop3A_156 = arith.index_cast %parallel_loop3A_147 : i32 to index
        %parallel_loop3A_157 = arith.constant 0 : index
        %parallel_loop3A_158 = tpu.vector_load %arg5[%parallel_loop3A_155, %parallel_loop3A_156, %parallel_loop3A_157] {strides = array<i32>} : memref<2x64x256xf32, #tpu.memory_space<vmem>>, vector<16xf32>,
        %parallel_loop3A_159 = arith.constant 1.875000e+00 : f32
        %parallel_loop3A_160 = vector.broadcast %parallel_loop3A_159 : f32 to vector<16xf32>
        %parallel_loop3A_161 = arith.mulf %parallel_loop3A_158, %parallel_loop3A_160 : vector<16xf32>
        %parallel_loop3A_162 = arith.constant 0x4B400008 : f32
        %parallel_loop3A_163 = vector.broadcast %parallel_loop3A_162 : f32 to vector<16xf32>
        %parallel_loop3A_164 = arith.addf %parallel_loop3A_161, %parallel_loop3A_163 : vector<16xf32>
        %parallel_loop3A_165 = arith.constant 0x4B400000 : f32
        %parallel_loop3A_166 = vector.broadcast %parallel_loop3A_165 : f32 to vector<16xf32>
        %parallel_loop3A_167 = arith.maximumf %parallel_loop3A_164, %parallel_loop3A_166 : vector<16xf32>
        %parallel_loop3A_168 = arith.constant 0x4B400010 : f32
        %parallel_loop3A_169 = vector.broadcast %parallel_loop3A_168 : f32 to vector<16xf32>
        %parallel_loop3A_170 = arith.minimumf %parallel_loop3A_167, %parallel_loop3A_169 : vector<16xf32>
        %parallel_loop3A_171 = tpu.bitcast %parallel_loop3A_170 : vector<16xf32> -> vector<16xi32>
        %parallel_loop3A_172 = arith.constant 512 : i32
        %parallel_loop3A_173 = vector.broadcast %parallel_loop3A_172 : i32 to vector<16xi32>
        %parallel_loop3A_174 = arith.muli %parallel_loop3A_171, %parallel_loop3A_173 : vector<16xi32>
        %parallel_loop3A_175 = arith.constant 0 : i32
        %parallel_loop3A_176 = vector.broadcast %parallel_loop3A_175 : i32 to vector<16xi32>
        %parallel_loop3A_177 = arith.addi %parallel_loop3A_154, %parallel_loop3A_176 : vector<16xi32>
        %parallel_loop3A_178 = arith.addi %parallel_loop3A_174, %parallel_loop3A_177 : vector<16xi32>
        tpu.vector_store_idx %arg8[%parallel_loop3A_178], %broadcast_in_dim3A_86 {add = true} : memref<8704xf32, #tpu.memory_space<vmem>>[vector<16xi32>], vector<16xf32>,
        %parallel_loop3A_179 = arith.index_cast %parallel_loop3A_131 : i32 to index
        %parallel_loop3A_180 = arith.index_cast %parallel_loop3A_147 : i32 to index
        %parallel_loop3A_181 = arith.constant 16 : index
        %parallel_loop3A_182 = tpu.vector_load %arg5[%parallel_loop3A_179, %parallel_loop3A_180, %parallel_loop3A_181] {strides = array<i32>} : memref<2x64x256xf32, #tpu.memory_space<vmem>>, vector<16xf32>,
        %parallel_loop3A_183 = arith.constant 1.875000e+00 : f32
        %parallel_loop3A_184 = vector.broadcast %parallel_loop3A_183 : f32 to vector<16xf32>
        %parallel_loop3A_185 = arith.mulf %parallel_loop3A_182, %parallel_loop3A_184 : vector<16xf32>
        %parallel_loop3A_186 = arith.constant 0x4B400008 : f32
        %parallel_loop3A_187 = vector.broadcast %parallel_loop3A_186 : f32 to vector<16xf32>
        %parallel_loop3A_188 = arith.addf %parallel_loop3A_185, %parallel_loop3A_187 : vector<16xf32>
        %parallel_loop3A_189 = arith.constant 0x4B400000 : f32
        %parallel_loop3A_190 = vector.broadcast %parallel_loop3A_189 : f32 to vector<16xf32>
        %parallel_loop3A_191 = arith.maximumf %parallel_loop3A_188, %parallel_loop3A_190 : vector<16xf32>
        %parallel_loop3A_192 = arith.constant 0x4B400010 : f32
        %parallel_loop3A_193 = vector.broadcast %parallel_loop3A_192 : f32 to vector<16xf32>
        %parallel_loop3A_194 = arith.minimumf %parallel_loop3A_191, %parallel_loop3A_193 : vector<16xf32>
        %parallel_loop3A_195 = tpu.bitcast %parallel_loop3A_194 : vector<16xf32> -> vector<16xi32>
        %parallel_loop3A_196 = arith.constant 512 : i32
        %parallel_loop3A_197 = vector.broadcast %parallel_loop3A_196 : i32 to vector<16xi32>
        %parallel_loop3A_198 = arith.muli %parallel_loop3A_195, %parallel_loop3A_197 : vector<16xi32>
        %parallel_loop3A_199 = arith.constant 16 : i32
        %parallel_loop3A_200 = vector.broadcast %parallel_loop3A_199 : i32 to vector<16xi32>
        %parallel_loop3A_201 = arith.addi %parallel_loop3A_154, %parallel_loop3A_200 : vector<16xi32>
        %parallel_loop3A_202 = arith.addi %parallel_loop3A_198, %parallel_loop3A_201 : vector<16xi32>
        tpu.vector_store_idx %arg8[%parallel_loop3A_202], %broadcast_in_dim3A_86 {add = true} : memref<8704xf32, #tpu.memory_space<vmem>>[vector<16xi32>], vector<16xf32>,
        %parallel_loop3A_203 = arith.index_cast %parallel_loop3A_131 : i32 to index
        %parallel_loop3A_204 = arith.index_cast %parallel_loop3A_147 : i32 to index
        %parallel_loop3A_205 = arith.constant 32 : index
        %parallel_loop3A_206 = tpu.vector_load %arg5[%parallel_loop3A_203, %parallel_loop3A_204, %parallel_loop3A_205] {strides = array<i32>} : memref<2x64x256xf32, #tpu.memory_space<vmem>>, vector<16xf32>,
        %parallel_loop3A_207 = arith.constant 1.875000e+00 : f32
        %parallel_loop3A_208 = vector.broadcast %parallel_loop3A_207 : f32 to vector<16xf32>
        %parallel_loop3A_209 = arith.mulf %parallel_loop3A_206, %parallel_loop3A_208 : vector<16xf32>
        %parallel_loop3A_210 = arith.constant 0x4B400008 : f32
        %parallel_loop3A_211 = vector.broadcast %parallel_loop3A_210 : f32 to vector<16xf32>
        %parallel_loop3A_212 = arith.addf %parallel_loop3A_209, %parallel_loop3A_211 : vector<16xf32>
        %parallel_loop3A_213 = arith.constant 0x4B400000 : f32
        %parallel_loop3A_214 = vector.broadcast %parallel_loop3A_213 : f32 to vector<16xf32>
        %parallel_loop3A_215 = arith.maximumf %parallel_loop3A_212, %parallel_loop3A_214 : vector<16xf32>
        %parallel_loop3A_216 = arith.constant 0x4B400010 : f32
        %parallel_loop3A_217 = vector.broadcast %parallel_loop3A_216 : f32 to vector<16xf32>
        %parallel_loop3A_218 = arith.minimumf %parallel_loop3A_215, %parallel_loop3A_217 : vector<16xf32>
        %parallel_loop3A_219 = tpu.bitcast %parallel_loop3A_218 : vector<16xf32> -> vector<16xi32>
        %parallel_loop3A_220 = arith.constant 512 : i32
        %parallel_loop3A_221 = vector.broadcast %parallel_loop3A_220 : i32 to vector<16xi32>
        %parallel_loop3A_222 = arith.muli %parallel_loop3A_219, %parallel_loop3A_221 : vector<16xi32>
        %parallel_loop3A_223 = arith.constant 32 : i32
        %parallel_loop3A_224 = vector.broadcast %parallel_loop3A_223 : i32 to vector<16xi32>
        %parallel_loop3A_225 = arith.addi %parallel_loop3A_154, %parallel_loop3A_224 : vector<16xi32>
        %parallel_loop3A_226 = arith.addi %parallel_loop3A_222, %parallel_loop3A_225 : vector<16xi32>
        tpu.vector_store_idx %arg8[%parallel_loop3A_226], %broadcast_in_dim3A_86 {add = true} : memref<8704xf32, #tpu.memory_space<vmem>>[vector<16xi32>], vector<16xf32>,
        %parallel_loop3A_227 = arith.index_cast %parallel_loop3A_131 : i32 to index
        %parallel_loop3A_228 = arith.index_cast %parallel_loop3A_147 : i32 to index
        %parallel_loop3A_229 = arith.constant 48 : index
        %parallel_loop3A_230 = tpu.vector_load %arg5[%parallel_loop3A_227, %parallel_loop3A_228, %parallel_loop3A_229] {strides = array<i32>} : memref<2x64x256xf32, #tpu.memory_space<vmem>>, vector<16xf32>,
        %parallel_loop3A_231 = arith.constant 1.875000e+00 : f32
        %parallel_loop3A_232 = vector.broadcast %parallel_loop3A_231 : f32 to vector<16xf32>
        %parallel_loop3A_233 = arith.mulf %parallel_loop3A_230, %parallel_loop3A_232 : vector<16xf32>
        %parallel_loop3A_234 = arith.constant 0x4B400008 : f32
        %parallel_loop3A_235 = vector.broadcast %parallel_loop3A_234 : f32 to vector<16xf32>
        %parallel_loop3A_236 = arith.addf %parallel_loop3A_233, %parallel_loop3A_235 : vector<16xf32>
        %parallel_loop3A_237 = arith.constant 0x4B400000 : f32
        %parallel_loop3A_238 = vector.broadcast %parallel_loop3A_237 : f32 to vector<16xf32>
        %parallel_loop3A_239 = arith.maximumf %parallel_loop3A_236, %parallel_loop3A_238 : vector<16xf32>
        %parallel_loop3A_240 = arith.constant 0x4B400010 : f32
        %parallel_loop3A_241 = vector.broadcast %parallel_loop3A_240 : f32 to vector<16xf32>
        %parallel_loop3A_242 = arith.minimumf %parallel_loop3A_239, %parallel_loop3A_241 : vector<16xf32>
        %parallel_loop3A_243 = tpu.bitcast %parallel_loop3A_242 : vector<16xf32> -> vector<16xi32>
        %parallel_loop3A_244 = arith.constant 512 : i32
        %parallel_loop3A_245 = vector.broadcast %parallel_loop3A_244 : i32 to vector<16xi32>
        %parallel_loop3A_246 = arith.muli %parallel_loop3A_243, %parallel_loop3A_245 : vector<16xi32>
        %parallel_loop3A_247 = arith.constant 48 : i32
        %parallel_loop3A_248 = vector.broadcast %parallel_loop3A_247 : i32 to vector<16xi32>
        %parallel_loop3A_249 = arith.addi %parallel_loop3A_154, %parallel_loop3A_248 : vector<16xi32>
        %parallel_loop3A_250 = arith.addi %parallel_loop3A_246, %parallel_loop3A_249 : vector<16xi32>
        tpu.vector_store_idx %arg8[%parallel_loop3A_250], %broadcast_in_dim3A_86 {add = true} : memref<8704xf32, #tpu.memory_space<vmem>>[vector<16xi32>], vector<16xf32>,
        %parallel_loop3A_251 = arith.index_cast %parallel_loop3A_131 : i32 to index
        %parallel_loop3A_252 = arith.index_cast %parallel_loop3A_147 : i32 to index
        %parallel_loop3A_253 = arith.constant 64 : index
        %parallel_loop3A_254 = tpu.vector_load %arg5[%parallel_loop3A_251, %parallel_loop3A_252, %parallel_loop3A_253] {strides = array<i32>} : memref<2x64x256xf32, #tpu.memory_space<vmem>>, vector<16xf32>,
        %parallel_loop3A_255 = arith.constant 1.875000e+00 : f32
        %parallel_loop3A_256 = vector.broadcast %parallel_loop3A_255 : f32 to vector<16xf32>
        %parallel_loop3A_257 = arith.mulf %parallel_loop3A_254, %parallel_loop3A_256 : vector<16xf32>
        %parallel_loop3A_258 = arith.constant 0x4B400008 : f32
        %parallel_loop3A_259 = vector.broadcast %parallel_loop3A_258 : f32 to vector<16xf32>
        %parallel_loop3A_260 = arith.addf %parallel_loop3A_257, %parallel_loop3A_259 : vector<16xf32>
        %parallel_loop3A_261 = arith.constant 0x4B400000 : f32
        %parallel_loop3A_262 = vector.broadcast %parallel_loop3A_261 : f32 to vector<16xf32>
        %parallel_loop3A_263 = arith.maximumf %parallel_loop3A_260, %parallel_loop3A_262 : vector<16xf32>
        %parallel_loop3A_264 = arith.constant 0x4B400010 : f32
        %parallel_loop3A_265 = vector.broadcast %parallel_loop3A_264 : f32 to vector<16xf32>
        %parallel_loop3A_266 = arith.minimumf %parallel_loop3A_263, %parallel_loop3A_265 : vector<16xf32>
        %parallel_loop3A_267 = tpu.bitcast %parallel_loop3A_266 : vector<16xf32> -> vector<16xi32>
        %parallel_loop3A_268 = arith.constant 512 : i32
        %parallel_loop3A_269 = vector.broadcast %parallel_loop3A_268 : i32 to vector<16xi32>
        %parallel_loop3A_270 = arith.muli %parallel_loop3A_267, %parallel_loop3A_269 : vector<16xi32>
        %parallel_loop3A_271 = arith.constant 64 : i32
        %parallel_loop3A_272 = vector.broadcast %parallel_loop3A_271 : i32 to vector<16xi32>
        %parallel_loop3A_273 = arith.addi %parallel_loop3A_154, %parallel_loop3A_272 : vector<16xi32>
        %parallel_loop3A_274 = arith.addi %parallel_loop3A_270, %parallel_loop3A_273 : vector<16xi32>
        tpu.vector_store_idx %arg8[%parallel_loop3A_274], %broadcast_in_dim3A_86 {add = true} : memref<8704xf32, #tpu.memory_space<vmem>>[vector<16xi32>], vector<16xf32>,
        %parallel_loop3A_275 = arith.index_cast %parallel_loop3A_131 : i32 to index
        %parallel_loop3A_276 = arith.index_cast %parallel_loop3A_147 : i32 to index
        %parallel_loop3A_277 = arith.constant 80 : index
        %parallel_loop3A_278 = tpu.vector_load %arg5[%parallel_loop3A_275, %parallel_loop3A_276, %parallel_loop3A_277] {strides = array<i32>} : memref<2x64x256xf32, #tpu.memory_space<vmem>>, vector<16xf32>,
        %parallel_loop3A_279 = arith.constant 1.875000e+00 : f32
        %parallel_loop3A_280 = vector.broadcast %parallel_loop3A_279 : f32 to vector<16xf32>
        %parallel_loop3A_281 = arith.mulf %parallel_loop3A_278, %parallel_loop3A_280 : vector<16xf32>
        %parallel_loop3A_282 = arith.constant 0x4B400008 : f32
        %parallel_loop3A_283 = vector.broadcast %parallel_loop3A_282 : f32 to vector<16xf32>
        %parallel_loop3A_284 = arith.addf %parallel_loop3A_281, %parallel_loop3A_283 : vector<16xf32>
        %parallel_loop3A_285 = arith.constant 0x4B400000 : f32
        %parallel_loop3A_286 = vector.broadcast %parallel_loop3A_285 : f32 to vector<16xf32>
        %parallel_loop3A_287 = arith.maximumf %parallel_loop3A_284, %parallel_loop3A_286 : vector<16xf32>
        %parallel_loop3A_288 = arith.constant 0x4B400010 : f32
        %parallel_loop3A_289 = vector.broadcast %parallel_loop3A_288 : f32 to vector<16xf32>
        %parallel_loop3A_290 = arith.minimumf %parallel_loop3A_287, %parallel_loop3A_289 : vector<16xf32>
        %parallel_loop3A_291 = tpu.bitcast %parallel_loop3A_290 : vector<16xf32> -> vector<16xi32>
        %parallel_loop3A_292 = arith.constant 512 : i32
        %parallel_loop3A_293 = vector.broadcast %parallel_loop3A_292 : i32 to vector<16xi32>
        %parallel_loop3A_294 = arith.muli %parallel_loop3A_291, %parallel_loop3A_293 : vector<16xi32>
        %parallel_loop3A_295 = arith.constant 80 : i32
        %parallel_loop3A_296 = vector.broadcast %parallel_loop3A_295 : i32 to vector<16xi32>
        %parallel_loop3A_297 = arith.addi %parallel_loop3A_154, %parallel_loop3A_296 : vector<16xi32>
        %parallel_loop3A_298 = arith.addi %parallel_loop3A_294, %parallel_loop3A_297 : vector<16xi32>
        tpu.vector_store_idx %arg8[%parallel_loop3A_298], %broadcast_in_dim3A_86 {add = true} : memref<8704xf32, #tpu.memory_space<vmem>>[vector<16xi32>], vector<16xf32>,
        %parallel_loop3A_299 = arith.index_cast %parallel_loop3A_131 : i32 to index
        %parallel_loop3A_300 = arith.index_cast %parallel_loop3A_147 : i32 to index
        %parallel_loop3A_301 = arith.constant 96 : index
        %parallel_loop3A_302 = tpu.vector_load %arg5[%parallel_loop3A_299, %parallel_loop3A_300, %parallel_loop3A_301] {strides = array<i32>} : memref<2x64x256xf32, #tpu.memory_space<vmem>>, vector<16xf32>,
        %parallel_loop3A_303 = arith.constant 1.875000e+00 : f32
        %parallel_loop3A_304 = vector.broadcast %parallel_loop3A_303 : f32 to vector<16xf32>
        %parallel_loop3A_305 = arith.mulf %parallel_loop3A_302, %parallel_loop3A_304 : vector<16xf32>
        %parallel_loop3A_306 = arith.constant 0x4B400008 : f32
        %parallel_loop3A_307 = vector.broadcast %parallel_loop3A_306 : f32 to vector<16xf32>
        %parallel_loop3A_308 = arith.addf %parallel_loop3A_305, %parallel_loop3A_307 : vector<16xf32>
        %parallel_loop3A_309 = arith.constant 0x4B400000 : f32
        %parallel_loop3A_310 = vector.broadcast %parallel_loop3A_309 : f32 to vector<16xf32>
        %parallel_loop3A_311 = arith.maximumf %parallel_loop3A_308, %parallel_loop3A_310 : vector<16xf32>
        %parallel_loop3A_312 = arith.constant 0x4B400010 : f32
        %parallel_loop3A_313 = vector.broadcast %parallel_loop3A_312 : f32 to vector<16xf32>
        %parallel_loop3A_314 = arith.minimumf %parallel_loop3A_311, %parallel_loop3A_313 : vector<16xf32>
        %parallel_loop3A_315 = tpu.bitcast %parallel_loop3A_314 : vector<16xf32> -> vector<16xi32>
        %parallel_loop3A_316 = arith.constant 512 : i32
        %parallel_loop3A_317 = vector.broadcast %parallel_loop3A_316 : i32 to vector<16xi32>
        %parallel_loop3A_318 = arith.muli %parallel_loop3A_315, %parallel_loop3A_317 : vector<16xi32>
        %parallel_loop3A_319 = arith.constant 96 : i32
        %parallel_loop3A_320 = vector.broadcast %parallel_loop3A_319 : i32 to vector<16xi32>
        %parallel_loop3A_321 = arith.addi %parallel_loop3A_154, %parallel_loop3A_320 : vector<16xi32>
        %parallel_loop3A_322 = arith.addi %parallel_loop3A_318, %parallel_loop3A_321 : vector<16xi32>
        tpu.vector_store_idx %arg8[%parallel_loop3A_322], %broadcast_in_dim3A_86 {add = true} : memref<8704xf32, #tpu.memory_space<vmem>>[vector<16xi32>], vector<16xf32>,
        %parallel_loop3A_323 = arith.index_cast %parallel_loop3A_131 : i32 to index
        %parallel_loop3A_324 = arith.index_cast %parallel_loop3A_147 : i32 to index
        %parallel_loop3A_325 = arith.constant 112 : index
        %parallel_loop3A_326 = tpu.vector_load %arg5[%parallel_loop3A_323, %parallel_loop3A_324, %parallel_loop3A_325] {strides = array<i32>} : memref<2x64x256xf32, #tpu.memory_space<vmem>>, vector<16xf32>,
        %parallel_loop3A_327 = arith.constant 1.875000e+00 : f32
        %parallel_loop3A_328 = vector.broadcast %parallel_loop3A_327 : f32 to vector<16xf32>
        %parallel_loop3A_329 = arith.mulf %parallel_loop3A_326, %parallel_loop3A_328 : vector<16xf32>
        %parallel_loop3A_330 = arith.constant 0x4B400008 : f32
        %parallel_loop3A_331 = vector.broadcast %parallel_loop3A_330 : f32 to vector<16xf32>
        %parallel_loop3A_332 = arith.addf %parallel_loop3A_329, %parallel_loop3A_331 : vector<16xf32>
        %parallel_loop3A_333 = arith.constant 0x4B400000 : f32
        %parallel_loop3A_334 = vector.broadcast %parallel_loop3A_333 : f32 to vector<16xf32>
        %parallel_loop3A_335 = arith.maximumf %parallel_loop3A_332, %parallel_loop3A_334 : vector<16xf32>
        %parallel_loop3A_336 = arith.constant 0x4B400010 : f32
        %parallel_loop3A_337 = vector.broadcast %parallel_loop3A_336 : f32 to vector<16xf32>
        %parallel_loop3A_338 = arith.minimumf %parallel_loop3A_335, %parallel_loop3A_337 : vector<16xf32>
        %parallel_loop3A_339 = tpu.bitcast %parallel_loop3A_338 : vector<16xf32> -> vector<16xi32>
        %parallel_loop3A_340 = arith.constant 512 : i32
        %parallel_loop3A_341 = vector.broadcast %parallel_loop3A_340 : i32 to vector<16xi32>
        %parallel_loop3A_342 = arith.muli %parallel_loop3A_339, %parallel_loop3A_341 : vector<16xi32>
        %parallel_loop3A_343 = arith.constant 112 : i32
        %parallel_loop3A_344 = vector.broadcast %parallel_loop3A_343 : i32 to vector<16xi32>
        %parallel_loop3A_345 = arith.addi %parallel_loop3A_154, %parallel_loop3A_344 : vector<16xi32>
        %parallel_loop3A_346 = arith.addi %parallel_loop3A_342, %parallel_loop3A_345 : vector<16xi32>
        tpu.vector_store_idx %arg8[%parallel_loop3A_346], %broadcast_in_dim3A_86 {add = true} : memref<8704xf32, #tpu.memory_space<vmem>>[vector<16xi32>], vector<16xf32>,
        %parallel_loop3A_347 = arith.index_cast %parallel_loop3A_131 : i32 to index
        %parallel_loop3A_348 = arith.index_cast %parallel_loop3A_147 : i32 to index
        %parallel_loop3A_349 = arith.constant 128 : index
        %parallel_loop3A_350 = tpu.vector_load %arg5[%parallel_loop3A_347, %parallel_loop3A_348, %parallel_loop3A_349] {strides = array<i32>} : memref<2x64x256xf32, #tpu.memory_space<vmem>>, vector<16xf32>,
        %parallel_loop3A_351 = arith.constant 1.875000e+00 : f32
        %parallel_loop3A_352 = vector.broadcast %parallel_loop3A_351 : f32 to vector<16xf32>
        %parallel_loop3A_353 = arith.mulf %parallel_loop3A_350, %parallel_loop3A_352 : vector<16xf32>
        %parallel_loop3A_354 = arith.constant 0x4B400008 : f32
        %parallel_loop3A_355 = vector.broadcast %parallel_loop3A_354 : f32 to vector<16xf32>
        %parallel_loop3A_356 = arith.addf %parallel_loop3A_353, %parallel_loop3A_355 : vector<16xf32>
        %parallel_loop3A_357 = arith.constant 0x4B400000 : f32
        %parallel_loop3A_358 = vector.broadcast %parallel_loop3A_357 : f32 to vector<16xf32>
        %parallel_loop3A_359 = arith.maximumf %parallel_loop3A_356, %parallel_loop3A_358 : vector<16xf32>
        %parallel_loop3A_360 = arith.constant 0x4B400010 : f32
        %parallel_loop3A_361 = vector.broadcast %parallel_loop3A_360 : f32 to vector<16xf32>
        %parallel_loop3A_362 = arith.minimumf %parallel_loop3A_359, %parallel_loop3A_361 : vector<16xf32>
        %parallel_loop3A_363 = tpu.bitcast %parallel_loop3A_362 : vector<16xf32> -> vector<16xi32>
        %parallel_loop3A_364 = arith.constant 512 : i32
        %parallel_loop3A_365 = vector.broadcast %parallel_loop3A_364 : i32 to vector<16xi32>
        %parallel_loop3A_366 = arith.muli %parallel_loop3A_363, %parallel_loop3A_365 : vector<16xi32>
        %parallel_loop3A_367 = arith.constant 128 : i32
        %parallel_loop3A_368 = vector.broadcast %parallel_loop3A_367 : i32 to vector<16xi32>
        %parallel_loop3A_369 = arith.addi %parallel_loop3A_154, %parallel_loop3A_368 : vector<16xi32>
        %parallel_loop3A_370 = arith.addi %parallel_loop3A_366, %parallel_loop3A_369 : vector<16xi32>
        tpu.vector_store_idx %arg8[%parallel_loop3A_370], %broadcast_in_dim3A_86 {add = true} : memref<8704xf32, #tpu.memory_space<vmem>>[vector<16xi32>], vector<16xf32>,
        %parallel_loop3A_371 = arith.index_cast %parallel_loop3A_131 : i32 to index
        %parallel_loop3A_372 = arith.index_cast %parallel_loop3A_147 : i32 to index
        %parallel_loop3A_373 = arith.constant 144 : index
        %parallel_loop3A_374 = tpu.vector_load %arg5[%parallel_loop3A_371, %parallel_loop3A_372, %parallel_loop3A_373] {strides = array<i32>} : memref<2x64x256xf32, #tpu.memory_space<vmem>>, vector<16xf32>,
        %parallel_loop3A_375 = arith.constant 1.875000e+00 : f32
        %parallel_loop3A_376 = vector.broadcast %parallel_loop3A_375 : f32 to vector<16xf32>
        %parallel_loop3A_377 = arith.mulf %parallel_loop3A_374, %parallel_loop3A_376 : vector<16xf32>
        %parallel_loop3A_378 = arith.constant 0x4B400008 : f32
        %parallel_loop3A_379 = vector.broadcast %parallel_loop3A_378 : f32 to vector<16xf32>
        %parallel_loop3A_380 = arith.addf %parallel_loop3A_377, %parallel_loop3A_379 : vector<16xf32>
        %parallel_loop3A_381 = arith.constant 0x4B400000 : f32
        %parallel_loop3A_382 = vector.broadcast %parallel_loop3A_381 : f32 to vector<16xf32>
        %parallel_loop3A_383 = arith.maximumf %parallel_loop3A_380, %parallel_loop3A_382 : vector<16xf32>
        %parallel_loop3A_384 = arith.constant 0x4B400010 : f32
        %parallel_loop3A_385 = vector.broadcast %parallel_loop3A_384 : f32 to vector<16xf32>
        %parallel_loop3A_386 = arith.minimumf %parallel_loop3A_383, %parallel_loop3A_385 : vector<16xf32>
        %parallel_loop3A_387 = tpu.bitcast %parallel_loop3A_386 : vector<16xf32> -> vector<16xi32>
        %parallel_loop3A_388 = arith.constant 512 : i32
        %parallel_loop3A_389 = vector.broadcast %parallel_loop3A_388 : i32 to vector<16xi32>
        %parallel_loop3A_390 = arith.muli %parallel_loop3A_387, %parallel_loop3A_389 : vector<16xi32>
        %parallel_loop3A_391 = arith.constant 144 : i32
        %parallel_loop3A_392 = vector.broadcast %parallel_loop3A_391 : i32 to vector<16xi32>
        %parallel_loop3A_393 = arith.addi %parallel_loop3A_154, %parallel_loop3A_392 : vector<16xi32>
        %parallel_loop3A_394 = arith.addi %parallel_loop3A_390, %parallel_loop3A_393 : vector<16xi32>
        tpu.vector_store_idx %arg8[%parallel_loop3A_394], %broadcast_in_dim3A_86 {add = true} : memref<8704xf32, #tpu.memory_space<vmem>>[vector<16xi32>], vector<16xf32>,
        %parallel_loop3A_395 = arith.index_cast %parallel_loop3A_131 : i32 to index
        %parallel_loop3A_396 = arith.index_cast %parallel_loop3A_147 : i32 to index
        %parallel_loop3A_397 = arith.constant 160 : index
        %parallel_loop3A_398 = tpu.vector_load %arg5[%parallel_loop3A_395, %parallel_loop3A_396, %parallel_loop3A_397] {strides = array<i32>} : memref<2x64x256xf32, #tpu.memory_space<vmem>>, vector<16xf32>,
        %parallel_loop3A_399 = arith.constant 1.875000e+00 : f32
        %parallel_loop3A_400 = vector.broadcast %parallel_loop3A_399 : f32 to vector<16xf32>
        %parallel_loop3A_401 = arith.mulf %parallel_loop3A_398, %parallel_loop3A_400 : vector<16xf32>
        %parallel_loop3A_402 = arith.constant 0x4B400008 : f32
        %parallel_loop3A_403 = vector.broadcast %parallel_loop3A_402 : f32 to vector<16xf32>
        %parallel_loop3A_404 = arith.addf %parallel_loop3A_401, %parallel_loop3A_403 : vector<16xf32>
        %parallel_loop3A_405 = arith.constant 0x4B400000 : f32
        %parallel_loop3A_406 = vector.broadcast %parallel_loop3A_405 : f32 to vector<16xf32>
        %parallel_loop3A_407 = arith.maximumf %parallel_loop3A_404, %parallel_loop3A_406 : vector<16xf32>
        %parallel_loop3A_408 = arith.constant 0x4B400010 : f32
        %parallel_loop3A_409 = vector.broadcast %parallel_loop3A_408 : f32 to vector<16xf32>
        %parallel_loop3A_410 = arith.minimumf %parallel_loop3A_407, %parallel_loop3A_409 : vector<16xf32>
        %parallel_loop3A_411 = tpu.bitcast %parallel_loop3A_410 : vector<16xf32> -> vector<16xi32>
        %parallel_loop3A_412 = arith.constant 512 : i32
        %parallel_loop3A_413 = vector.broadcast %parallel_loop3A_412 : i32 to vector<16xi32>
        %parallel_loop3A_414 = arith.muli %parallel_loop3A_411, %parallel_loop3A_413 : vector<16xi32>
        %parallel_loop3A_415 = arith.constant 160 : i32
        %parallel_loop3A_416 = vector.broadcast %parallel_loop3A_415 : i32 to vector<16xi32>
        %parallel_loop3A_417 = arith.addi %parallel_loop3A_154, %parallel_loop3A_416 : vector<16xi32>
        %parallel_loop3A_418 = arith.addi %parallel_loop3A_414, %parallel_loop3A_417 : vector<16xi32>
        tpu.vector_store_idx %arg8[%parallel_loop3A_418], %broadcast_in_dim3A_86 {add = true} : memref<8704xf32, #tpu.memory_space<vmem>>[vector<16xi32>], vector<16xf32>,
        %parallel_loop3A_419 = arith.index_cast %parallel_loop3A_131 : i32 to index
        %parallel_loop3A_420 = arith.index_cast %parallel_loop3A_147 : i32 to index
        %parallel_loop3A_421 = arith.constant 176 : index
        %parallel_loop3A_422 = tpu.vector_load %arg5[%parallel_loop3A_419, %parallel_loop3A_420, %parallel_loop3A_421] {strides = array<i32>} : memref<2x64x256xf32, #tpu.memory_space<vmem>>, vector<16xf32>,
        %parallel_loop3A_423 = arith.constant 1.875000e+00 : f32
        %parallel_loop3A_424 = vector.broadcast %parallel_loop3A_423 : f32 to vector<16xf32>
        %parallel_loop3A_425 = arith.mulf %parallel_loop3A_422, %parallel_loop3A_424 : vector<16xf32>
        %parallel_loop3A_426 = arith.constant 0x4B400008 : f32
        %parallel_loop3A_427 = vector.broadcast %parallel_loop3A_426 : f32 to vector<16xf32>
        %parallel_loop3A_428 = arith.addf %parallel_loop3A_425, %parallel_loop3A_427 : vector<16xf32>
        %parallel_loop3A_429 = arith.constant 0x4B400000 : f32
        %parallel_loop3A_430 = vector.broadcast %parallel_loop3A_429 : f32 to vector<16xf32>
        %parallel_loop3A_431 = arith.maximumf %parallel_loop3A_428, %parallel_loop3A_430 : vector<16xf32>
        %parallel_loop3A_432 = arith.constant 0x4B400010 : f32
        %parallel_loop3A_433 = vector.broadcast %parallel_loop3A_432 : f32 to vector<16xf32>
        %parallel_loop3A_434 = arith.minimumf %parallel_loop3A_431, %parallel_loop3A_433 : vector<16xf32>
        %parallel_loop3A_435 = tpu.bitcast %parallel_loop3A_434 : vector<16xf32> -> vector<16xi32>
        %parallel_loop3A_436 = arith.constant 512 : i32
        %parallel_loop3A_437 = vector.broadcast %parallel_loop3A_436 : i32 to vector<16xi32>
        %parallel_loop3A_438 = arith.muli %parallel_loop3A_435, %parallel_loop3A_437 : vector<16xi32>
        %parallel_loop3A_439 = arith.constant 176 : i32
        %parallel_loop3A_440 = vector.broadcast %parallel_loop3A_439 : i32 to vector<16xi32>
        %parallel_loop3A_441 = arith.addi %parallel_loop3A_154, %parallel_loop3A_440 : vector<16xi32>
        %parallel_loop3A_442 = arith.addi %parallel_loop3A_438, %parallel_loop3A_441 : vector<16xi32>
        tpu.vector_store_idx %arg8[%parallel_loop3A_442], %broadcast_in_dim3A_86 {add = true} : memref<8704xf32, #tpu.memory_space<vmem>>[vector<16xi32>], vector<16xf32>,
        %parallel_loop3A_443 = arith.index_cast %parallel_loop3A_131 : i32 to index
        %parallel_loop3A_444 = arith.index_cast %parallel_loop3A_147 : i32 to index
        %parallel_loop3A_445 = arith.constant 192 : index
        %parallel_loop3A_446 = tpu.vector_load %arg5[%parallel_loop3A_443, %parallel_loop3A_444, %parallel_loop3A_445] {strides = array<i32>} : memref<2x64x256xf32, #tpu.memory_space<vmem>>, vector<16xf32>,
        %parallel_loop3A_447 = arith.constant 1.875000e+00 : f32
        %parallel_loop3A_448 = vector.broadcast %parallel_loop3A_447 : f32 to vector<16xf32>
        %parallel_loop3A_449 = arith.mulf %parallel_loop3A_446, %parallel_loop3A_448 : vector<16xf32>
        %parallel_loop3A_450 = arith.constant 0x4B400008 : f32
        %parallel_loop3A_451 = vector.broadcast %parallel_loop3A_450 : f32 to vector<16xf32>
        %parallel_loop3A_452 = arith.addf %parallel_loop3A_449, %parallel_loop3A_451 : vector<16xf32>
        %parallel_loop3A_453 = arith.constant 0x4B400000 : f32
        %parallel_loop3A_454 = vector.broadcast %parallel_loop3A_453 : f32 to vector<16xf32>
        %parallel_loop3A_455 = arith.maximumf %parallel_loop3A_452, %parallel_loop3A_454 : vector<16xf32>
        %parallel_loop3A_456 = arith.constant 0x4B400010 : f32
        %parallel_loop3A_457 = vector.broadcast %parallel_loop3A_456 : f32 to vector<16xf32>
        %parallel_loop3A_458 = arith.minimumf %parallel_loop3A_455, %parallel_loop3A_457 : vector<16xf32>
        %parallel_loop3A_459 = tpu.bitcast %parallel_loop3A_458 : vector<16xf32> -> vector<16xi32>
        %parallel_loop3A_460 = arith.constant 512 : i32
        %parallel_loop3A_461 = vector.broadcast %parallel_loop3A_460 : i32 to vector<16xi32>
        %parallel_loop3A_462 = arith.muli %parallel_loop3A_459, %parallel_loop3A_461 : vector<16xi32>
        %parallel_loop3A_463 = arith.constant 192 : i32
        %parallel_loop3A_464 = vector.broadcast %parallel_loop3A_463 : i32 to vector<16xi32>
        %parallel_loop3A_465 = arith.addi %parallel_loop3A_154, %parallel_loop3A_464 : vector<16xi32>
        %parallel_loop3A_466 = arith.addi %parallel_loop3A_462, %parallel_loop3A_465 : vector<16xi32>
        tpu.vector_store_idx %arg8[%parallel_loop3A_466], %broadcast_in_dim3A_86 {add = true} : memref<8704xf32, #tpu.memory_space<vmem>>[vector<16xi32>], vector<16xf32>,
        %parallel_loop3A_467 = arith.index_cast %parallel_loop3A_131 : i32 to index
        %parallel_loop3A_468 = arith.index_cast %parallel_loop3A_147 : i32 to index
        %parallel_loop3A_469 = arith.constant 208 : index
        %parallel_loop3A_470 = tpu.vector_load %arg5[%parallel_loop3A_467, %parallel_loop3A_468, %parallel_loop3A_469] {strides = array<i32>} : memref<2x64x256xf32, #tpu.memory_space<vmem>>, vector<16xf32>,
        %parallel_loop3A_471 = arith.constant 1.875000e+00 : f32
        %parallel_loop3A_472 = vector.broadcast %parallel_loop3A_471 : f32 to vector<16xf32>
        %parallel_loop3A_473 = arith.mulf %parallel_loop3A_470, %parallel_loop3A_472 : vector<16xf32>
        %parallel_loop3A_474 = arith.constant 0x4B400008 : f32
        %parallel_loop3A_475 = vector.broadcast %parallel_loop3A_474 : f32 to vector<16xf32>
        %parallel_loop3A_476 = arith.addf %parallel_loop3A_473, %parallel_loop3A_475 : vector<16xf32>
        %parallel_loop3A_477 = arith.constant 0x4B400000 : f32
        %parallel_loop3A_478 = vector.broadcast %parallel_loop3A_477 : f32 to vector<16xf32>
        %parallel_loop3A_479 = arith.maximumf %parallel_loop3A_476, %parallel_loop3A_478 : vector<16xf32>
        %parallel_loop3A_480 = arith.constant 0x4B400010 : f32
        %parallel_loop3A_481 = vector.broadcast %parallel_loop3A_480 : f32 to vector<16xf32>
        %parallel_loop3A_482 = arith.minimumf %parallel_loop3A_479, %parallel_loop3A_481 : vector<16xf32>
        %parallel_loop3A_483 = tpu.bitcast %parallel_loop3A_482 : vector<16xf32> -> vector<16xi32>
        %parallel_loop3A_484 = arith.constant 512 : i32
        %parallel_loop3A_485 = vector.broadcast %parallel_loop3A_484 : i32 to vector<16xi32>
        %parallel_loop3A_486 = arith.muli %parallel_loop3A_483, %parallel_loop3A_485 : vector<16xi32>
        %parallel_loop3A_487 = arith.constant 208 : i32
        %parallel_loop3A_488 = vector.broadcast %parallel_loop3A_487 : i32 to vector<16xi32>
        %parallel_loop3A_489 = arith.addi %parallel_loop3A_154, %parallel_loop3A_488 : vector<16xi32>
        %parallel_loop3A_490 = arith.addi %parallel_loop3A_486, %parallel_loop3A_489 : vector<16xi32>
        tpu.vector_store_idx %arg8[%parallel_loop3A_490], %broadcast_in_dim3A_86 {add = true} : memref<8704xf32, #tpu.memory_space<vmem>>[vector<16xi32>], vector<16xf32>,
        %parallel_loop3A_491 = arith.index_cast %parallel_loop3A_131 : i32 to index
        %parallel_loop3A_492 = arith.index_cast %parallel_loop3A_147 : i32 to index
        %parallel_loop3A_493 = arith.constant 224 : index
        %parallel_loop3A_494 = tpu.vector_load %arg5[%parallel_loop3A_491, %parallel_loop3A_492, %parallel_loop3A_493] {strides = array<i32>} : memref<2x64x256xf32, #tpu.memory_space<vmem>>, vector<16xf32>,
        %parallel_loop3A_495 = arith.constant 1.875000e+00 : f32
        %parallel_loop3A_496 = vector.broadcast %parallel_loop3A_495 : f32 to vector<16xf32>
        %parallel_loop3A_497 = arith.mulf %parallel_loop3A_494, %parallel_loop3A_496 : vector<16xf32>
        %parallel_loop3A_498 = arith.constant 0x4B400008 : f32
        %parallel_loop3A_499 = vector.broadcast %parallel_loop3A_498 : f32 to vector<16xf32>
        %parallel_loop3A_500 = arith.addf %parallel_loop3A_497, %parallel_loop3A_499 : vector<16xf32>
        %parallel_loop3A_501 = arith.constant 0x4B400000 : f32
        %parallel_loop3A_502 = vector.broadcast %parallel_loop3A_501 : f32 to vector<16xf32>
        %parallel_loop3A_503 = arith.maximumf %parallel_loop3A_500, %parallel_loop3A_502 : vector<16xf32>
        %parallel_loop3A_504 = arith.constant 0x4B400010 : f32
        %parallel_loop3A_505 = vector.broadcast %parallel_loop3A_504 : f32 to vector<16xf32>
        %parallel_loop3A_506 = arith.minimumf %parallel_loop3A_503, %parallel_loop3A_505 : vector<16xf32>
        %parallel_loop3A_507 = tpu.bitcast %parallel_loop3A_506 : vector<16xf32> -> vector<16xi32>
        %parallel_loop3A_508 = arith.constant 512 : i32
        %parallel_loop3A_509 = vector.broadcast %parallel_loop3A_508 : i32 to vector<16xi32>
        %parallel_loop3A_510 = arith.muli %parallel_loop3A_507, %parallel_loop3A_509 : vector<16xi32>
        %parallel_loop3A_511 = arith.constant 224 : i32
        %parallel_loop3A_512 = vector.broadcast %parallel_loop3A_511 : i32 to vector<16xi32>
        %parallel_loop3A_513 = arith.addi %parallel_loop3A_154, %parallel_loop3A_512 : vector<16xi32>
        %parallel_loop3A_514 = arith.addi %parallel_loop3A_510, %parallel_loop3A_513 : vector<16xi32>
        tpu.vector_store_idx %arg8[%parallel_loop3A_514], %broadcast_in_dim3A_86 {add = true} : memref<8704xf32, #tpu.memory_space<vmem>>[vector<16xi32>], vector<16xf32>,
        %parallel_loop3A_515 = arith.index_cast %parallel_loop3A_131 : i32 to index
        %parallel_loop3A_516 = arith.index_cast %parallel_loop3A_147 : i32 to index
        %parallel_loop3A_517 = arith.constant 240 : index
        %parallel_loop3A_518 = tpu.vector_load %arg5[%parallel_loop3A_515, %parallel_loop3A_516, %parallel_loop3A_517] {strides = array<i32>} : memref<2x64x256xf32, #tpu.memory_space<vmem>>, vector<16xf32>,
        %parallel_loop3A_519 = arith.constant 1.875000e+00 : f32
        %parallel_loop3A_520 = vector.broadcast %parallel_loop3A_519 : f32 to vector<16xf32>
        %parallel_loop3A_521 = arith.mulf %parallel_loop3A_518, %parallel_loop3A_520 : vector<16xf32>
        %parallel_loop3A_522 = arith.constant 0x4B400008 : f32
        %parallel_loop3A_523 = vector.broadcast %parallel_loop3A_522 : f32 to vector<16xf32>
        %parallel_loop3A_524 = arith.addf %parallel_loop3A_521, %parallel_loop3A_523 : vector<16xf32>
        %parallel_loop3A_525 = arith.constant 0x4B400000 : f32
        %parallel_loop3A_526 = vector.broadcast %parallel_loop3A_525 : f32 to vector<16xf32>
        %parallel_loop3A_527 = arith.maximumf %parallel_loop3A_524, %parallel_loop3A_526 : vector<16xf32>
        %parallel_loop3A_528 = arith.constant 0x4B400010 : f32
        %parallel_loop3A_529 = vector.broadcast %parallel_loop3A_528 : f32 to vector<16xf32>
        %parallel_loop3A_530 = arith.minimumf %parallel_loop3A_527, %parallel_loop3A_529 : vector<16xf32>
        %parallel_loop3A_531 = tpu.bitcast %parallel_loop3A_530 : vector<16xf32> -> vector<16xi32>
        %parallel_loop3A_532 = arith.constant 512 : i32
        %parallel_loop3A_533 = vector.broadcast %parallel_loop3A_532 : i32 to vector<16xi32>
        %parallel_loop3A_534 = arith.muli %parallel_loop3A_531, %parallel_loop3A_533 : vector<16xi32>
        %parallel_loop3A_535 = arith.constant 240 : i32
        %parallel_loop3A_536 = vector.broadcast %parallel_loop3A_535 : i32 to vector<16xi32>
        %parallel_loop3A_537 = arith.addi %parallel_loop3A_154, %parallel_loop3A_536 : vector<16xi32>
        %parallel_loop3A_538 = arith.addi %parallel_loop3A_534, %parallel_loop3A_537 : vector<16xi32>
        tpu.vector_store_idx %arg8[%parallel_loop3A_538], %broadcast_in_dim3A_86 {add = true} : memref<8704xf32, #tpu.memory_space<vmem>>[vector<16xi32>], vector<16xf32>,
      } {sc.loop_unroll_factor = 4 : i64, sc.parallel_access}
      %gt3A_91 = arith.constant 0 : i32
      %gt3A_92 = arith.cmpi sgt, %scan3A_31, %gt3A_91 : i32
      %convert_element_type3A_93 = arith.extui %gt3A_92 : i1 to i32
      %cond3A_94 = arith.constant 0 : i32
      %cond3A_95 = arith.cmpi ne, %convert_element_type3A_93, %cond3A_94 : i32
      scf.if %cond3A_95 {
        %dma_wait3A_107 = arith.constant 0 : i32
        %dma_wait3A_108 = arith.constant 0 : i32
        %dma_wait3A_109 = tpu.memref_slice %arg3[%add3A_72, %dma_wait3A_107, %dma_wait3A_108] : memref<2048x16x256xf32, #tpu.memory_space<hbm>> -> memref<2x16x256xf32, #tpu.memory_space<hbm>>
        %dma_wait3A_110 = arith.constant 0 : i32
        %dma_wait3A_111 = arith.constant 0 : i32
        %dma_wait3A_112 = tpu.memref_slice %arg3[%add3A_72, %dma_wait3A_110, %dma_wait3A_111] : memref<2048x16x256xf32, #tpu.memory_space<hbm>> -> memref<2x16x256xf32, #tpu.memory_space<hbm>>
        tpu.wait_dma2 semaphore(%arg12 : memref<!tpu.dma_semaphore, #tpu.memory_space<semaphore_mem>>) src(%arg7 : memref<2x16x256xf32, #tpu.memory_space<vmem>>) dst(%dma_wait3A_112 : memref<2x16x256xf32, #tpu.memory_space<hbm>>)
      } else {
      }
      %broadcast_in_dim3A_96 = arith.constant 0.000000e+00 : f32
      %broadcast_in_dim3A_97 = vector.broadcast %broadcast_in_dim3A_96 : f32 to vector<16xf32>
      %parallel_loop3A_98 = arith.constant 0 : i32
      %parallel_loop3A_99 = arith.constant 32 : i32
      %parallel_loop3A_100 = arith.constant 1 : i32
      scf.for %parallel_loop3A_107 = %parallel_loop3A_98 to %parallel_loop3A_99 step %parallel_loop3A_100  : i32 {
        %parallel_loop3A_108 = arith.constant 16 : i32
        %parallel_loop3A_109 = arith.divsi %parallel_loop3A_107, %parallel_loop3A_108 : i32
        %parallel_loop3A_110 = arith.constant 0 : i32
        %parallel_loop3A_111 = arith.cmpi sgt, %parallel_loop3A_107, %parallel_loop3A_110 : i32
        %parallel_loop3A_112 = arith.extui %parallel_loop3A_111 : i1 to i32
        %parallel_loop3A_113 = arith.constant 0 : i32
        %parallel_loop3A_114 = arith.cmpi slt, %parallel_loop3A_107, %parallel_loop3A_113 : i32
        %parallel_loop3A_115 = arith.extui %parallel_loop3A_114 : i1 to i32
        %parallel_loop3A_116 = arith.subi %parallel_loop3A_112, %parallel_loop3A_115 : i32
        %parallel_loop3A_117 = arith.constant 0 : i32
        %parallel_loop3A_118 = arith.cmpi sgt, %parallel_loop3A_108, %parallel_loop3A_117 : i32
        %parallel_loop3A_119 = arith.extui %parallel_loop3A_118 : i1 to i32
        %parallel_loop3A_120 = arith.constant 0 : i32
        %parallel_loop3A_121 = arith.cmpi slt, %parallel_loop3A_108, %parallel_loop3A_120 : i32
        %parallel_loop3A_122 = arith.extui %parallel_loop3A_121 : i1 to i32
        %parallel_loop3A_123 = arith.subi %parallel_loop3A_119, %parallel_loop3A_122 : i32
        %parallel_loop3A_124 = arith.cmpi ne, %parallel_loop3A_116, %parallel_loop3A_123 : i32
        %parallel_loop3A_125 = arith.remsi %parallel_loop3A_107, %parallel_loop3A_108 : i32
        %parallel_loop3A_126 = arith.constant 0 : i32
        %parallel_loop3A_127 = arith.cmpi ne, %parallel_loop3A_125, %parallel_loop3A_126 : i32
        %parallel_loop3A_128 = arith.andi %parallel_loop3A_124, %parallel_loop3A_127 : i1
        %parallel_loop3A_129 = arith.constant 1 : i32
        %parallel_loop3A_130 = arith.subi %parallel_loop3A_109, %parallel_loop3A_129 : i32
        %parallel_loop3A_131 = arith.select %parallel_loop3A_128, %parallel_loop3A_130, %parallel_loop3A_109 : i32
        %parallel_loop3A_132 = arith.constant 16 : i32
        %parallel_loop3A_133 = arith.constant 0 : i32
        %parallel_loop3A_134 = arith.cmpi eq, %parallel_loop3A_132, %parallel_loop3A_133 : i32
        %parallel_loop3A_135 = arith.constant 1 : i32
        %parallel_loop3A_136 = arith.select %parallel_loop3A_134, %parallel_loop3A_135, %parallel_loop3A_132 : i32
        %parallel_loop3A_137 = arith.remsi %parallel_loop3A_107, %parallel_loop3A_136 : i32
        %parallel_loop3A_138 = arith.constant 0 : i32
        %parallel_loop3A_139 = arith.cmpi ne, %parallel_loop3A_137, %parallel_loop3A_138 : i32
        %parallel_loop3A_140 = arith.constant 0 : i32
        %parallel_loop3A_141 = arith.cmpi slt, %parallel_loop3A_137, %parallel_loop3A_140 : i32
        %parallel_loop3A_142 = arith.constant 0 : i32
        %parallel_loop3A_143 = arith.cmpi slt, %parallel_loop3A_136, %parallel_loop3A_142 : i32
        %parallel_loop3A_144 = arith.xori %parallel_loop3A_141, %parallel_loop3A_143 : i1
        %parallel_loop3A_145 = arith.andi %parallel_loop3A_144, %parallel_loop3A_139 : i1
        %parallel_loop3A_146 = arith.addi %parallel_loop3A_137, %parallel_loop3A_136 : i32
        %parallel_loop3A_147 = arith.select %parallel_loop3A_145, %parallel_loop3A_146, %parallel_loop3A_137 : i32
        %parallel_loop3A_148 = arith.constant 16 : i32
        %parallel_loop3A_149 = arith.muli %parallel_loop3A_147, %parallel_loop3A_148 : i32
        %parallel_loop3A_150 = arith.constant 16 : i32
        %parallel_loop3A_151 = arith.muli %parallel_loop3A_107, %parallel_loop3A_150 : i32
        %parallel_loop3A_152 = arith.index_cast %parallel_loop3A_151 : i32 to index
        %parallel_loop3A_153 = tpu.vector_load %arg8[%parallel_loop3A_152] {strides = array<i32>} : memref<8704xf32, #tpu.memory_space<vmem>>, vector<16xf32>,
        %parallel_loop3A_154 = arith.constant 16 : i32
        %parallel_loop3A_155 = arith.muli %parallel_loop3A_107, %parallel_loop3A_154 : i32
        %parallel_loop3A_156 = arith.index_cast %parallel_loop3A_155 : i32 to index
        %parallel_loop3A_157 = tpu.vector_load %arg8[%parallel_loop3A_156] {strides = array<i32>} : memref<8704xf32, #tpu.memory_space<vmem>>, vector<16xf32>,
        tpu.vector_store %arg8[%parallel_loop3A_156], %broadcast_in_dim3A_97 {strides = array<i32>} : memref<8704xf32, #tpu.memory_space<vmem>>, vector<16xf32>,
        %parallel_loop3A_158 = arith.constant 6.400000e+01 : f32
        %parallel_loop3A_159 = vector.broadcast %parallel_loop3A_158 : f32 to vector<16xf32>
        %parallel_loop3A_160 = arith.subf %parallel_loop3A_159, %parallel_loop3A_153 : vector<16xf32>
        %parallel_loop3A_161 = arith.constant 1.000000e+00 : f32
        %parallel_loop3A_162 = vector.broadcast %parallel_loop3A_161 : f32 to vector<16xf32>
        %parallel_loop3A_163 = arith.divf %parallel_loop3A_162, %parallel_loop3A_160 : vector<16xf32>
        %parallel_loop3A_164 = arith.constant 16 : i32
        %parallel_loop3A_165 = arith.muli %parallel_loop3A_107, %parallel_loop3A_164 : i32
        %parallel_loop3A_166 = arith.constant 512 : i32
        %parallel_loop3A_167 = arith.addi %parallel_loop3A_166, %parallel_loop3A_165 : i32
        %parallel_loop3A_168 = arith.index_cast %parallel_loop3A_167 : i32 to index
        %parallel_loop3A_169 = tpu.vector_load %arg8[%parallel_loop3A_168] {strides = array<i32>} : memref<8704xf32, #tpu.memory_space<vmem>>, vector<16xf32>,
        %parallel_loop3A_170 = arith.constant 16 : i32
        %parallel_loop3A_171 = arith.muli %parallel_loop3A_107, %parallel_loop3A_170 : i32
        %parallel_loop3A_172 = arith.constant 512 : i32
        %parallel_loop3A_173 = arith.addi %parallel_loop3A_172, %parallel_loop3A_171 : i32
        %parallel_loop3A_174 = arith.index_cast %parallel_loop3A_173 : i32 to index
        %parallel_loop3A_175 = tpu.vector_load %arg8[%parallel_loop3A_174] {strides = array<i32>} : memref<8704xf32, #tpu.memory_space<vmem>>, vector<16xf32>,
        tpu.vector_store %arg8[%parallel_loop3A_174], %broadcast_in_dim3A_97 {strides = array<i32>} : memref<8704xf32, #tpu.memory_space<vmem>>, vector<16xf32>,
        %parallel_loop3A_176 = arith.mulf %parallel_loop3A_169, %parallel_loop3A_163 : vector<16xf32>
        %parallel_loop3A_177 = arith.constant 0 : i32
        %parallel_loop3A_178 = arith.index_cast %parallel_loop3A_131 : i32 to index
        %parallel_loop3A_179 = arith.index_cast %parallel_loop3A_177 : i32 to index
        %parallel_loop3A_180 = arith.index_cast %parallel_loop3A_149 : i32 to index
        %parallel_loop3A_181 = tpu.vector_load %arg7[%parallel_loop3A_178, %parallel_loop3A_179, %parallel_loop3A_180] {strides = array<i32>} : memref<2x16x256xf32, #tpu.memory_space<vmem>>, vector<16xf32>,
        tpu.vector_store %arg7[%parallel_loop3A_178, %parallel_loop3A_179, %parallel_loop3A_180], %parallel_loop3A_176 {strides = array<i32>} : memref<2x16x256xf32, #tpu.memory_space<vmem>>, vector<16xf32>,
        %parallel_loop3A_182 = arith.constant 16 : i32
        %parallel_loop3A_183 = arith.muli %parallel_loop3A_107, %parallel_loop3A_182 : i32
        %parallel_loop3A_184 = arith.constant 1024 : i32
        %parallel_loop3A_185 = arith.addi %parallel_loop3A_184, %parallel_loop3A_183 : i32
        %parallel_loop3A_186 = arith.index_cast %parallel_loop3A_185 : i32 to index
        %parallel_loop3A_187 = tpu.vector_load %arg8[%parallel_loop3A_186] {strides = array<i32>} : memref<8704xf32, #tpu.memory_space<vmem>>, vector<16xf32>,
        %parallel_loop3A_188 = arith.constant 16 : i32
        %parallel_loop3A_189 = arith.muli %parallel_loop3A_107, %parallel_loop3A_188 : i32
        %parallel_loop3A_190 = arith.constant 1024 : i32
        %parallel_loop3A_191 = arith.addi %parallel_loop3A_190, %parallel_loop3A_189 : i32
        %parallel_loop3A_192 = arith.index_cast %parallel_loop3A_191 : i32 to index
        %parallel_loop3A_193 = tpu.vector_load %arg8[%parallel_loop3A_192] {strides = array<i32>} : memref<8704xf32, #tpu.memory_space<vmem>>, vector<16xf32>,
        tpu.vector_store %arg8[%parallel_loop3A_192], %broadcast_in_dim3A_97 {strides = array<i32>} : memref<8704xf32, #tpu.memory_space<vmem>>, vector<16xf32>,
        %parallel_loop3A_194 = arith.mulf %parallel_loop3A_187, %parallel_loop3A_163 : vector<16xf32>
        %parallel_loop3A_195 = arith.constant 1 : i32
        %parallel_loop3A_196 = arith.index_cast %parallel_loop3A_131 : i32 to index
        %parallel_loop3A_197 = arith.index_cast %parallel_loop3A_195 : i32 to index
        %parallel_loop3A_198 = arith.index_cast %parallel_loop3A_149 : i32 to index
        %parallel_loop3A_199 = tpu.vector_load %arg7[%parallel_loop3A_196, %parallel_loop3A_197, %parallel_loop3A_198] {strides = array<i32>} : memref<2x16x256xf32, #tpu.memory_space<vmem>>, vector<16xf32>,
        tpu.vector_store %arg7[%parallel_loop3A_196, %parallel_loop3A_197, %parallel_loop3A_198], %parallel_loop3A_194 {strides = array<i32>} : memref<2x16x256xf32, #tpu.memory_space<vmem>>, vector<16xf32>,
        %parallel_loop3A_200 = arith.constant 16 : i32
        %parallel_loop3A_201 = arith.muli %parallel_loop3A_107, %parallel_loop3A_200 : i32
        %parallel_loop3A_202 = arith.constant 1536 : i32
        %parallel_loop3A_203 = arith.addi %parallel_loop3A_202, %parallel_loop3A_201 : i32
        %parallel_loop3A_204 = arith.index_cast %parallel_loop3A_203 : i32 to index
        %parallel_loop3A_205 = tpu.vector_load %arg8[%parallel_loop3A_204] {strides = array<i32>} : memref<8704xf32, #tpu.memory_space<vmem>>, vector<16xf32>,
        %parallel_loop3A_206 = arith.constant 16 : i32
        %parallel_loop3A_207 = arith.muli %parallel_loop3A_107, %parallel_loop3A_206 : i32
        %parallel_loop3A_208 = arith.constant 1536 : i32
        %parallel_loop3A_209 = arith.addi %parallel_loop3A_208, %parallel_loop3A_207 : i32
        %parallel_loop3A_210 = arith.index_cast %parallel_loop3A_209 : i32 to index
        %parallel_loop3A_211 = tpu.vector_load %arg8[%parallel_loop3A_210] {strides = array<i32>} : memref<8704xf32, #tpu.memory_space<vmem>>, vector<16xf32>,
        tpu.vector_store %arg8[%parallel_loop3A_210], %broadcast_in_dim3A_97 {strides = array<i32>} : memref<8704xf32, #tpu.memory_space<vmem>>, vector<16xf32>,
        %parallel_loop3A_212 = arith.mulf %parallel_loop3A_205, %parallel_loop3A_163 : vector<16xf32>
        %parallel_loop3A_213 = arith.constant 2 : i32
        %parallel_loop3A_214 = arith.index_cast %parallel_loop3A_131 : i32 to index
        %parallel_loop3A_215 = arith.index_cast %parallel_loop3A_213 : i32 to index
        %parallel_loop3A_216 = arith.index_cast %parallel_loop3A_149 : i32 to index
        %parallel_loop3A_217 = tpu.vector_load %arg7[%parallel_loop3A_214, %parallel_loop3A_215, %parallel_loop3A_216] {strides = array<i32>} : memref<2x16x256xf32, #tpu.memory_space<vmem>>, vector<16xf32>,
        tpu.vector_store %arg7[%parallel_loop3A_214, %parallel_loop3A_215, %parallel_loop3A_216], %parallel_loop3A_212 {strides = array<i32>} : memref<2x16x256xf32, #tpu.memory_space<vmem>>, vector<16xf32>,
        %parallel_loop3A_218 = arith.constant 16 : i32
        %parallel_loop3A_219 = arith.muli %parallel_loop3A_107, %parallel_loop3A_218 : i32
        %parallel_loop3A_220 = arith.constant 2048 : i32
        %parallel_loop3A_221 = arith.addi %parallel_loop3A_220, %parallel_loop3A_219 : i32
        %parallel_loop3A_222 = arith.index_cast %parallel_loop3A_221 : i32 to index
        %parallel_loop3A_223 = tpu.vector_load %arg8[%parallel_loop3A_222] {strides = array<i32>} : memref<8704xf32, #tpu.memory_space<vmem>>, vector<16xf32>,
        %parallel_loop3A_224 = arith.constant 16 : i32
        %parallel_loop3A_225 = arith.muli %parallel_loop3A_107, %parallel_loop3A_224 : i32
        %parallel_loop3A_226 = arith.constant 2048 : i32
        %parallel_loop3A_227 = arith.addi %parallel_loop3A_226, %parallel_loop3A_225 : i32
        %parallel_loop3A_228 = arith.index_cast %parallel_loop3A_227 : i32 to index
        %parallel_loop3A_229 = tpu.vector_load %arg8[%parallel_loop3A_228] {strides = array<i32>} : memref<8704xf32, #tpu.memory_space<vmem>>, vector<16xf32>,
        tpu.vector_store %arg8[%parallel_loop3A_228], %broadcast_in_dim3A_97 {strides = array<i32>} : memref<8704xf32, #tpu.memory_space<vmem>>, vector<16xf32>,
        %parallel_loop3A_230 = arith.mulf %parallel_loop3A_223, %parallel_loop3A_163 : vector<16xf32>
        %parallel_loop3A_231 = arith.constant 3 : i32
        %parallel_loop3A_232 = arith.index_cast %parallel_loop3A_131 : i32 to index
        %parallel_loop3A_233 = arith.index_cast %parallel_loop3A_231 : i32 to index
        %parallel_loop3A_234 = arith.index_cast %parallel_loop3A_149 : i32 to index
        %parallel_loop3A_235 = tpu.vector_load %arg7[%parallel_loop3A_232, %parallel_loop3A_233, %parallel_loop3A_234] {strides = array<i32>} : memref<2x16x256xf32, #tpu.memory_space<vmem>>, vector<16xf32>,
        tpu.vector_store %arg7[%parallel_loop3A_232, %parallel_loop3A_233, %parallel_loop3A_234], %parallel_loop3A_230 {strides = array<i32>} : memref<2x16x256xf32, #tpu.memory_space<vmem>>, vector<16xf32>,
        %parallel_loop3A_236 = arith.constant 16 : i32
        %parallel_loop3A_237 = arith.muli %parallel_loop3A_107, %parallel_loop3A_236 : i32
        %parallel_loop3A_238 = arith.constant 2560 : i32
        %parallel_loop3A_239 = arith.addi %parallel_loop3A_238, %parallel_loop3A_237 : i32
        %parallel_loop3A_240 = arith.index_cast %parallel_loop3A_239 : i32 to index
        %parallel_loop3A_241 = tpu.vector_load %arg8[%parallel_loop3A_240] {strides = array<i32>} : memref<8704xf32, #tpu.memory_space<vmem>>, vector<16xf32>,
        %parallel_loop3A_242 = arith.constant 16 : i32
        %parallel_loop3A_243 = arith.muli %parallel_loop3A_107, %parallel_loop3A_242 : i32
        %parallel_loop3A_244 = arith.constant 2560 : i32
        %parallel_loop3A_245 = arith.addi %parallel_loop3A_244, %parallel_loop3A_243 : i32
        %parallel_loop3A_246 = arith.index_cast %parallel_loop3A_245 : i32 to index
        %parallel_loop3A_247 = tpu.vector_load %arg8[%parallel_loop3A_246] {strides = array<i32>} : memref<8704xf32, #tpu.memory_space<vmem>>, vector<16xf32>,
        tpu.vector_store %arg8[%parallel_loop3A_246], %broadcast_in_dim3A_97 {strides = array<i32>} : memref<8704xf32, #tpu.memory_space<vmem>>, vector<16xf32>,
        %parallel_loop3A_248 = arith.mulf %parallel_loop3A_241, %parallel_loop3A_163 : vector<16xf32>
        %parallel_loop3A_249 = arith.constant 4 : i32
        %parallel_loop3A_250 = arith.index_cast %parallel_loop3A_131 : i32 to index
        %parallel_loop3A_251 = arith.index_cast %parallel_loop3A_249 : i32 to index
        %parallel_loop3A_252 = arith.index_cast %parallel_loop3A_149 : i32 to index
        %parallel_loop3A_253 = tpu.vector_load %arg7[%parallel_loop3A_250, %parallel_loop3A_251, %parallel_loop3A_252] {strides = array<i32>} : memref<2x16x256xf32, #tpu.memory_space<vmem>>, vector<16xf32>,
        tpu.vector_store %arg7[%parallel_loop3A_250, %parallel_loop3A_251, %parallel_loop3A_252], %parallel_loop3A_248 {strides = array<i32>} : memref<2x16x256xf32, #tpu.memory_space<vmem>>, vector<16xf32>,
        %parallel_loop3A_254 = arith.constant 16 : i32
        %parallel_loop3A_255 = arith.muli %parallel_loop3A_107, %parallel_loop3A_254 : i32
        %parallel_loop3A_256 = arith.constant 3072 : i32
        %parallel_loop3A_257 = arith.addi %parallel_loop3A_256, %parallel_loop3A_255 : i32
        %parallel_loop3A_258 = arith.index_cast %parallel_loop3A_257 : i32 to index
        %parallel_loop3A_259 = tpu.vector_load %arg8[%parallel_loop3A_258] {strides = array<i32>} : memref<8704xf32, #tpu.memory_space<vmem>>, vector<16xf32>,
        %parallel_loop3A_260 = arith.constant 16 : i32
        %parallel_loop3A_261 = arith.muli %parallel_loop3A_107, %parallel_loop3A_260 : i32
        %parallel_loop3A_262 = arith.constant 3072 : i32
        %parallel_loop3A_263 = arith.addi %parallel_loop3A_262, %parallel_loop3A_261 : i32
        %parallel_loop3A_264 = arith.index_cast %parallel_loop3A_263 : i32 to index
        %parallel_loop3A_265 = tpu.vector_load %arg8[%parallel_loop3A_264] {strides = array<i32>} : memref<8704xf32, #tpu.memory_space<vmem>>, vector<16xf32>,
        tpu.vector_store %arg8[%parallel_loop3A_264], %broadcast_in_dim3A_97 {strides = array<i32>} : memref<8704xf32, #tpu.memory_space<vmem>>, vector<16xf32>,
        %parallel_loop3A_266 = arith.mulf %parallel_loop3A_259, %parallel_loop3A_163 : vector<16xf32>
        %parallel_loop3A_267 = arith.constant 5 : i32
        %parallel_loop3A_268 = arith.index_cast %parallel_loop3A_131 : i32 to index
        %parallel_loop3A_269 = arith.index_cast %parallel_loop3A_267 : i32 to index
        %parallel_loop3A_270 = arith.index_cast %parallel_loop3A_149 : i32 to index
        %parallel_loop3A_271 = tpu.vector_load %arg7[%parallel_loop3A_268, %parallel_loop3A_269, %parallel_loop3A_270] {strides = array<i32>} : memref<2x16x256xf32, #tpu.memory_space<vmem>>, vector<16xf32>,
        tpu.vector_store %arg7[%parallel_loop3A_268, %parallel_loop3A_269, %parallel_loop3A_270], %parallel_loop3A_266 {strides = array<i32>} : memref<2x16x256xf32, #tpu.memory_space<vmem>>, vector<16xf32>,
        %parallel_loop3A_272 = arith.constant 16 : i32
        %parallel_loop3A_273 = arith.muli %parallel_loop3A_107, %parallel_loop3A_272 : i32
        %parallel_loop3A_274 = arith.constant 3584 : i32
        %parallel_loop3A_275 = arith.addi %parallel_loop3A_274, %parallel_loop3A_273 : i32
        %parallel_loop3A_276 = arith.index_cast %parallel_loop3A_275 : i32 to index
        %parallel_loop3A_277 = tpu.vector_load %arg8[%parallel_loop3A_276] {strides = array<i32>} : memref<8704xf32, #tpu.memory_space<vmem>>, vector<16xf32>,
        %parallel_loop3A_278 = arith.constant 16 : i32
        %parallel_loop3A_279 = arith.muli %parallel_loop3A_107, %parallel_loop3A_278 : i32
        %parallel_loop3A_280 = arith.constant 3584 : i32
        %parallel_loop3A_281 = arith.addi %parallel_loop3A_280, %parallel_loop3A_279 : i32
        %parallel_loop3A_282 = arith.index_cast %parallel_loop3A_281 : i32 to index
        %parallel_loop3A_283 = tpu.vector_load %arg8[%parallel_loop3A_282] {strides = array<i32>} : memref<8704xf32, #tpu.memory_space<vmem>>, vector<16xf32>,
        tpu.vector_store %arg8[%parallel_loop3A_282], %broadcast_in_dim3A_97 {strides = array<i32>} : memref<8704xf32, #tpu.memory_space<vmem>>, vector<16xf32>,
        %parallel_loop3A_284 = arith.mulf %parallel_loop3A_277, %parallel_loop3A_163 : vector<16xf32>
        %parallel_loop3A_285 = arith.constant 6 : i32
        %parallel_loop3A_286 = arith.index_cast %parallel_loop3A_131 : i32 to index
        %parallel_loop3A_287 = arith.index_cast %parallel_loop3A_285 : i32 to index
        %parallel_loop3A_288 = arith.index_cast %parallel_loop3A_149 : i32 to index
        %parallel_loop3A_289 = tpu.vector_load %arg7[%parallel_loop3A_286, %parallel_loop3A_287, %parallel_loop3A_288] {strides = array<i32>} : memref<2x16x256xf32, #tpu.memory_space<vmem>>, vector<16xf32>,
        tpu.vector_store %arg7[%parallel_loop3A_286, %parallel_loop3A_287, %parallel_loop3A_288], %parallel_loop3A_284 {strides = array<i32>} : memref<2x16x256xf32, #tpu.memory_space<vmem>>, vector<16xf32>,
        %parallel_loop3A_290 = arith.constant 16 : i32
        %parallel_loop3A_291 = arith.muli %parallel_loop3A_107, %parallel_loop3A_290 : i32
        %parallel_loop3A_292 = arith.constant 4096 : i32
        %parallel_loop3A_293 = arith.addi %parallel_loop3A_292, %parallel_loop3A_291 : i32
        %parallel_loop3A_294 = arith.index_cast %parallel_loop3A_293 : i32 to index
        %parallel_loop3A_295 = tpu.vector_load %arg8[%parallel_loop3A_294] {strides = array<i32>} : memref<8704xf32, #tpu.memory_space<vmem>>, vector<16xf32>,
        %parallel_loop3A_296 = arith.constant 16 : i32
        %parallel_loop3A_297 = arith.muli %parallel_loop3A_107, %parallel_loop3A_296 : i32
        %parallel_loop3A_298 = arith.constant 4096 : i32
        %parallel_loop3A_299 = arith.addi %parallel_loop3A_298, %parallel_loop3A_297 : i32
        %parallel_loop3A_300 = arith.index_cast %parallel_loop3A_299 : i32 to index
        %parallel_loop3A_301 = tpu.vector_load %arg8[%parallel_loop3A_300] {strides = array<i32>} : memref<8704xf32, #tpu.memory_space<vmem>>, vector<16xf32>,
        tpu.vector_store %arg8[%parallel_loop3A_300], %broadcast_in_dim3A_97 {strides = array<i32>} : memref<8704xf32, #tpu.memory_space<vmem>>, vector<16xf32>,
        %parallel_loop3A_302 = arith.mulf %parallel_loop3A_295, %parallel_loop3A_163 : vector<16xf32>
        %parallel_loop3A_303 = arith.constant 7 : i32
        %parallel_loop3A_304 = arith.index_cast %parallel_loop3A_131 : i32 to index
        %parallel_loop3A_305 = arith.index_cast %parallel_loop3A_303 : i32 to index
        %parallel_loop3A_306 = arith.index_cast %parallel_loop3A_149 : i32 to index
        %parallel_loop3A_307 = tpu.vector_load %arg7[%parallel_loop3A_304, %parallel_loop3A_305, %parallel_loop3A_306] {strides = array<i32>} : memref<2x16x256xf32, #tpu.memory_space<vmem>>, vector<16xf32>,
        tpu.vector_store %arg7[%parallel_loop3A_304, %parallel_loop3A_305, %parallel_loop3A_306], %parallel_loop3A_302 {strides = array<i32>} : memref<2x16x256xf32, #tpu.memory_space<vmem>>, vector<16xf32>,
        %parallel_loop3A_308 = arith.constant 16 : i32
        %parallel_loop3A_309 = arith.muli %parallel_loop3A_107, %parallel_loop3A_308 : i32
        %parallel_loop3A_310 = arith.constant 4608 : i32
        %parallel_loop3A_311 = arith.addi %parallel_loop3A_310, %parallel_loop3A_309 : i32
        %parallel_loop3A_312 = arith.index_cast %parallel_loop3A_311 : i32 to index
        %parallel_loop3A_313 = tpu.vector_load %arg8[%parallel_loop3A_312] {strides = array<i32>} : memref<8704xf32, #tpu.memory_space<vmem>>, vector<16xf32>,
        %parallel_loop3A_314 = arith.constant 16 : i32
        %parallel_loop3A_315 = arith.muli %parallel_loop3A_107, %parallel_loop3A_314 : i32
        %parallel_loop3A_316 = arith.constant 4608 : i32
        %parallel_loop3A_317 = arith.addi %parallel_loop3A_316, %parallel_loop3A_315 : i32
        %parallel_loop3A_318 = arith.index_cast %parallel_loop3A_317 : i32 to index
        %parallel_loop3A_319 = tpu.vector_load %arg8[%parallel_loop3A_318] {strides = array<i32>} : memref<8704xf32, #tpu.memory_space<vmem>>, vector<16xf32>,
        tpu.vector_store %arg8[%parallel_loop3A_318], %broadcast_in_dim3A_97 {strides = array<i32>} : memref<8704xf32, #tpu.memory_space<vmem>>, vector<16xf32>,
        %parallel_loop3A_320 = arith.mulf %parallel_loop3A_313, %parallel_loop3A_163 : vector<16xf32>
        %parallel_loop3A_321 = arith.constant 8 : i32
        %parallel_loop3A_322 = arith.index_cast %parallel_loop3A_131 : i32 to index
        %parallel_loop3A_323 = arith.index_cast %parallel_loop3A_321 : i32 to index
        %parallel_loop3A_324 = arith.index_cast %parallel_loop3A_149 : i32 to index
        %parallel_loop3A_325 = tpu.vector_load %arg7[%parallel_loop3A_322, %parallel_loop3A_323, %parallel_loop3A_324] {strides = array<i32>} : memref<2x16x256xf32, #tpu.memory_space<vmem>>, vector<16xf32>,
        tpu.vector_store %arg7[%parallel_loop3A_322, %parallel_loop3A_323, %parallel_loop3A_324], %parallel_loop3A_320 {strides = array<i32>} : memref<2x16x256xf32, #tpu.memory_space<vmem>>, vector<16xf32>,
        %parallel_loop3A_326 = arith.constant 16 : i32
        %parallel_loop3A_327 = arith.muli %parallel_loop3A_107, %parallel_loop3A_326 : i32
        %parallel_loop3A_328 = arith.constant 5120 : i32
        %parallel_loop3A_329 = arith.addi %parallel_loop3A_328, %parallel_loop3A_327 : i32
        %parallel_loop3A_330 = arith.index_cast %parallel_loop3A_329 : i32 to index
        %parallel_loop3A_331 = tpu.vector_load %arg8[%parallel_loop3A_330] {strides = array<i32>} : memref<8704xf32, #tpu.memory_space<vmem>>, vector<16xf32>,
        %parallel_loop3A_332 = arith.constant 16 : i32
        %parallel_loop3A_333 = arith.muli %parallel_loop3A_107, %parallel_loop3A_332 : i32
        %parallel_loop3A_334 = arith.constant 5120 : i32
        %parallel_loop3A_335 = arith.addi %parallel_loop3A_334, %parallel_loop3A_333 : i32
        %parallel_loop3A_336 = arith.index_cast %parallel_loop3A_335 : i32 to index
        %parallel_loop3A_337 = tpu.vector_load %arg8[%parallel_loop3A_336] {strides = array<i32>} : memref<8704xf32, #tpu.memory_space<vmem>>, vector<16xf32>,
        tpu.vector_store %arg8[%parallel_loop3A_336], %broadcast_in_dim3A_97 {strides = array<i32>} : memref<8704xf32, #tpu.memory_space<vmem>>, vector<16xf32>,
        %parallel_loop3A_338 = arith.mulf %parallel_loop3A_331, %parallel_loop3A_163 : vector<16xf32>
        %parallel_loop3A_339 = arith.constant 9 : i32
        %parallel_loop3A_340 = arith.index_cast %parallel_loop3A_131 : i32 to index
        %parallel_loop3A_341 = arith.index_cast %parallel_loop3A_339 : i32 to index
        %parallel_loop3A_342 = arith.index_cast %parallel_loop3A_149 : i32 to index
        %parallel_loop3A_343 = tpu.vector_load %arg7[%parallel_loop3A_340, %parallel_loop3A_341, %parallel_loop3A_342] {strides = array<i32>} : memref<2x16x256xf32, #tpu.memory_space<vmem>>, vector<16xf32>,
        tpu.vector_store %arg7[%parallel_loop3A_340, %parallel_loop3A_341, %parallel_loop3A_342], %parallel_loop3A_338 {strides = array<i32>} : memref<2x16x256xf32, #tpu.memory_space<vmem>>, vector<16xf32>,
        %parallel_loop3A_344 = arith.constant 16 : i32
        %parallel_loop3A_345 = arith.muli %parallel_loop3A_107, %parallel_loop3A_344 : i32
        %parallel_loop3A_346 = arith.constant 5632 : i32
        %parallel_loop3A_347 = arith.addi %parallel_loop3A_346, %parallel_loop3A_345 : i32
        %parallel_loop3A_348 = arith.index_cast %parallel_loop3A_347 : i32 to index
        %parallel_loop3A_349 = tpu.vector_load %arg8[%parallel_loop3A_348] {strides = array<i32>} : memref<8704xf32, #tpu.memory_space<vmem>>, vector<16xf32>,
        %parallel_loop3A_350 = arith.constant 16 : i32
        %parallel_loop3A_351 = arith.muli %parallel_loop3A_107, %parallel_loop3A_350 : i32
        %parallel_loop3A_352 = arith.constant 5632 : i32
        %parallel_loop3A_353 = arith.addi %parallel_loop3A_352, %parallel_loop3A_351 : i32
        %parallel_loop3A_354 = arith.index_cast %parallel_loop3A_353 : i32 to index
        %parallel_loop3A_355 = tpu.vector_load %arg8[%parallel_loop3A_354] {strides = array<i32>} : memref<8704xf32, #tpu.memory_space<vmem>>, vector<16xf32>,
        tpu.vector_store %arg8[%parallel_loop3A_354], %broadcast_in_dim3A_97 {strides = array<i32>} : memref<8704xf32, #tpu.memory_space<vmem>>, vector<16xf32>,
        %parallel_loop3A_356 = arith.mulf %parallel_loop3A_349, %parallel_loop3A_163 : vector<16xf32>
        %parallel_loop3A_357 = arith.constant 10 : i32
        %parallel_loop3A_358 = arith.index_cast %parallel_loop3A_131 : i32 to index
        %parallel_loop3A_359 = arith.index_cast %parallel_loop3A_357 : i32 to index
        %parallel_loop3A_360 = arith.index_cast %parallel_loop3A_149 : i32 to index
        %parallel_loop3A_361 = tpu.vector_load %arg7[%parallel_loop3A_358, %parallel_loop3A_359, %parallel_loop3A_360] {strides = array<i32>} : memref<2x16x256xf32, #tpu.memory_space<vmem>>, vector<16xf32>,
        tpu.vector_store %arg7[%parallel_loop3A_358, %parallel_loop3A_359, %parallel_loop3A_360], %parallel_loop3A_356 {strides = array<i32>} : memref<2x16x256xf32, #tpu.memory_space<vmem>>, vector<16xf32>,
        %parallel_loop3A_362 = arith.constant 16 : i32
        %parallel_loop3A_363 = arith.muli %parallel_loop3A_107, %parallel_loop3A_362 : i32
        %parallel_loop3A_364 = arith.constant 6144 : i32
        %parallel_loop3A_365 = arith.addi %parallel_loop3A_364, %parallel_loop3A_363 : i32
        %parallel_loop3A_366 = arith.index_cast %parallel_loop3A_365 : i32 to index
        %parallel_loop3A_367 = tpu.vector_load %arg8[%parallel_loop3A_366] {strides = array<i32>} : memref<8704xf32, #tpu.memory_space<vmem>>, vector<16xf32>,
        %parallel_loop3A_368 = arith.constant 16 : i32
        %parallel_loop3A_369 = arith.muli %parallel_loop3A_107, %parallel_loop3A_368 : i32
        %parallel_loop3A_370 = arith.constant 6144 : i32
        %parallel_loop3A_371 = arith.addi %parallel_loop3A_370, %parallel_loop3A_369 : i32
        %parallel_loop3A_372 = arith.index_cast %parallel_loop3A_371 : i32 to index
        %parallel_loop3A_373 = tpu.vector_load %arg8[%parallel_loop3A_372] {strides = array<i32>} : memref<8704xf32, #tpu.memory_space<vmem>>, vector<16xf32>,
        tpu.vector_store %arg8[%parallel_loop3A_372], %broadcast_in_dim3A_97 {strides = array<i32>} : memref<8704xf32, #tpu.memory_space<vmem>>, vector<16xf32>,
        %parallel_loop3A_374 = arith.mulf %parallel_loop3A_367, %parallel_loop3A_163 : vector<16xf32>
        %parallel_loop3A_375 = arith.constant 11 : i32
        %parallel_loop3A_376 = arith.index_cast %parallel_loop3A_131 : i32 to index
        %parallel_loop3A_377 = arith.index_cast %parallel_loop3A_375 : i32 to index
        %parallel_loop3A_378 = arith.index_cast %parallel_loop3A_149 : i32 to index
        %parallel_loop3A_379 = tpu.vector_load %arg7[%parallel_loop3A_376, %parallel_loop3A_377, %parallel_loop3A_378] {strides = array<i32>} : memref<2x16x256xf32, #tpu.memory_space<vmem>>, vector<16xf32>,
        tpu.vector_store %arg7[%parallel_loop3A_376, %parallel_loop3A_377, %parallel_loop3A_378], %parallel_loop3A_374 {strides = array<i32>} : memref<2x16x256xf32, #tpu.memory_space<vmem>>, vector<16xf32>,
        %parallel_loop3A_380 = arith.constant 16 : i32
        %parallel_loop3A_381 = arith.muli %parallel_loop3A_107, %parallel_loop3A_380 : i32
        %parallel_loop3A_382 = arith.constant 6656 : i32
        %parallel_loop3A_383 = arith.addi %parallel_loop3A_382, %parallel_loop3A_381 : i32
        %parallel_loop3A_384 = arith.index_cast %parallel_loop3A_383 : i32 to index
        %parallel_loop3A_385 = tpu.vector_load %arg8[%parallel_loop3A_384] {strides = array<i32>} : memref<8704xf32, #tpu.memory_space<vmem>>, vector<16xf32>,
        %parallel_loop3A_386 = arith.constant 16 : i32
        %parallel_loop3A_387 = arith.muli %parallel_loop3A_107, %parallel_loop3A_386 : i32
        %parallel_loop3A_388 = arith.constant 6656 : i32
        %parallel_loop3A_389 = arith.addi %parallel_loop3A_388, %parallel_loop3A_387 : i32
        %parallel_loop3A_390 = arith.index_cast %parallel_loop3A_389 : i32 to index
        %parallel_loop3A_391 = tpu.vector_load %arg8[%parallel_loop3A_390] {strides = array<i32>} : memref<8704xf32, #tpu.memory_space<vmem>>, vector<16xf32>,
        tpu.vector_store %arg8[%parallel_loop3A_390], %broadcast_in_dim3A_97 {strides = array<i32>} : memref<8704xf32, #tpu.memory_space<vmem>>, vector<16xf32>,
        %parallel_loop3A_392 = arith.mulf %parallel_loop3A_385, %parallel_loop3A_163 : vector<16xf32>
        %parallel_loop3A_393 = arith.constant 12 : i32
        %parallel_loop3A_394 = arith.index_cast %parallel_loop3A_131 : i32 to index
        %parallel_loop3A_395 = arith.index_cast %parallel_loop3A_393 : i32 to index
        %parallel_loop3A_396 = arith.index_cast %parallel_loop3A_149 : i32 to index
        %parallel_loop3A_397 = tpu.vector_load %arg7[%parallel_loop3A_394, %parallel_loop3A_395, %parallel_loop3A_396] {strides = array<i32>} : memref<2x16x256xf32, #tpu.memory_space<vmem>>, vector<16xf32>,
        tpu.vector_store %arg7[%parallel_loop3A_394, %parallel_loop3A_395, %parallel_loop3A_396], %parallel_loop3A_392 {strides = array<i32>} : memref<2x16x256xf32, #tpu.memory_space<vmem>>, vector<16xf32>,
        %parallel_loop3A_398 = arith.constant 16 : i32
        %parallel_loop3A_399 = arith.muli %parallel_loop3A_107, %parallel_loop3A_398 : i32
        %parallel_loop3A_400 = arith.constant 7168 : i32
        %parallel_loop3A_401 = arith.addi %parallel_loop3A_400, %parallel_loop3A_399 : i32
        %parallel_loop3A_402 = arith.index_cast %parallel_loop3A_401 : i32 to index
        %parallel_loop3A_403 = tpu.vector_load %arg8[%parallel_loop3A_402] {strides = array<i32>} : memref<8704xf32, #tpu.memory_space<vmem>>, vector<16xf32>,
        %parallel_loop3A_404 = arith.constant 16 : i32
        %parallel_loop3A_405 = arith.muli %parallel_loop3A_107, %parallel_loop3A_404 : i32
        %parallel_loop3A_406 = arith.constant 7168 : i32
        %parallel_loop3A_407 = arith.addi %parallel_loop3A_406, %parallel_loop3A_405 : i32
        %parallel_loop3A_408 = arith.index_cast %parallel_loop3A_407 : i32 to index
        %parallel_loop3A_409 = tpu.vector_load %arg8[%parallel_loop3A_408] {strides = array<i32>} : memref<8704xf32, #tpu.memory_space<vmem>>, vector<16xf32>,
        tpu.vector_store %arg8[%parallel_loop3A_408], %broadcast_in_dim3A_97 {strides = array<i32>} : memref<8704xf32, #tpu.memory_space<vmem>>, vector<16xf32>,
        %parallel_loop3A_410 = arith.mulf %parallel_loop3A_403, %parallel_loop3A_163 : vector<16xf32>
        %parallel_loop3A_411 = arith.constant 13 : i32
        %parallel_loop3A_412 = arith.index_cast %parallel_loop3A_131 : i32 to index
        %parallel_loop3A_413 = arith.index_cast %parallel_loop3A_411 : i32 to index
        %parallel_loop3A_414 = arith.index_cast %parallel_loop3A_149 : i32 to index
        %parallel_loop3A_415 = tpu.vector_load %arg7[%parallel_loop3A_412, %parallel_loop3A_413, %parallel_loop3A_414] {strides = array<i32>} : memref<2x16x256xf32, #tpu.memory_space<vmem>>, vector<16xf32>,
        tpu.vector_store %arg7[%parallel_loop3A_412, %parallel_loop3A_413, %parallel_loop3A_414], %parallel_loop3A_410 {strides = array<i32>} : memref<2x16x256xf32, #tpu.memory_space<vmem>>, vector<16xf32>,
        %parallel_loop3A_416 = arith.constant 16 : i32
        %parallel_loop3A_417 = arith.muli %parallel_loop3A_107, %parallel_loop3A_416 : i32
        %parallel_loop3A_418 = arith.constant 7680 : i32
        %parallel_loop3A_419 = arith.addi %parallel_loop3A_418, %parallel_loop3A_417 : i32
        %parallel_loop3A_420 = arith.index_cast %parallel_loop3A_419 : i32 to index
        %parallel_loop3A_421 = tpu.vector_load %arg8[%parallel_loop3A_420] {strides = array<i32>} : memref<8704xf32, #tpu.memory_space<vmem>>, vector<16xf32>,
        %parallel_loop3A_422 = arith.constant 16 : i32
        %parallel_loop3A_423 = arith.muli %parallel_loop3A_107, %parallel_loop3A_422 : i32
        %parallel_loop3A_424 = arith.constant 7680 : i32
        %parallel_loop3A_425 = arith.addi %parallel_loop3A_424, %parallel_loop3A_423 : i32
        %parallel_loop3A_426 = arith.index_cast %parallel_loop3A_425 : i32 to index
        %parallel_loop3A_427 = tpu.vector_load %arg8[%parallel_loop3A_426] {strides = array<i32>} : memref<8704xf32, #tpu.memory_space<vmem>>, vector<16xf32>,
        tpu.vector_store %arg8[%parallel_loop3A_426], %broadcast_in_dim3A_97 {strides = array<i32>} : memref<8704xf32, #tpu.memory_space<vmem>>, vector<16xf32>,
        %parallel_loop3A_428 = arith.mulf %parallel_loop3A_421, %parallel_loop3A_163 : vector<16xf32>
        %parallel_loop3A_429 = arith.constant 14 : i32
        %parallel_loop3A_430 = arith.index_cast %parallel_loop3A_131 : i32 to index
        %parallel_loop3A_431 = arith.index_cast %parallel_loop3A_429 : i32 to index
        %parallel_loop3A_432 = arith.index_cast %parallel_loop3A_149 : i32 to index
        %parallel_loop3A_433 = tpu.vector_load %arg7[%parallel_loop3A_430, %parallel_loop3A_431, %parallel_loop3A_432] {strides = array<i32>} : memref<2x16x256xf32, #tpu.memory_space<vmem>>, vector<16xf32>,
        tpu.vector_store %arg7[%parallel_loop3A_430, %parallel_loop3A_431, %parallel_loop3A_432], %parallel_loop3A_428 {strides = array<i32>} : memref<2x16x256xf32, #tpu.memory_space<vmem>>, vector<16xf32>,
        %parallel_loop3A_434 = arith.constant 16 : i32
        %parallel_loop3A_435 = arith.muli %parallel_loop3A_107, %parallel_loop3A_434 : i32
        %parallel_loop3A_436 = arith.constant 8192 : i32
        %parallel_loop3A_437 = arith.addi %parallel_loop3A_436, %parallel_loop3A_435 : i32
        %parallel_loop3A_438 = arith.index_cast %parallel_loop3A_437 : i32 to index
        %parallel_loop3A_439 = tpu.vector_load %arg8[%parallel_loop3A_438] {strides = array<i32>} : memref<8704xf32, #tpu.memory_space<vmem>>, vector<16xf32>,
        %parallel_loop3A_440 = arith.constant 16 : i32
        %parallel_loop3A_441 = arith.muli %parallel_loop3A_107, %parallel_loop3A_440 : i32
        %parallel_loop3A_442 = arith.constant 8192 : i32
        %parallel_loop3A_443 = arith.addi %parallel_loop3A_442, %parallel_loop3A_441 : i32
        %parallel_loop3A_444 = arith.index_cast %parallel_loop3A_443 : i32 to index
        %parallel_loop3A_445 = tpu.vector_load %arg8[%parallel_loop3A_444] {strides = array<i32>} : memref<8704xf32, #tpu.memory_space<vmem>>, vector<16xf32>,
        tpu.vector_store %arg8[%parallel_loop3A_444], %broadcast_in_dim3A_97 {strides = array<i32>} : memref<8704xf32, #tpu.memory_space<vmem>>, vector<16xf32>,
        %parallel_loop3A_446 = arith.mulf %parallel_loop3A_439, %parallel_loop3A_163 : vector<16xf32>
        %parallel_loop3A_447 = arith.constant 15 : i32
        %parallel_loop3A_448 = arith.index_cast %parallel_loop3A_131 : i32 to index
        %parallel_loop3A_449 = arith.index_cast %parallel_loop3A_447 : i32 to index
        %parallel_loop3A_450 = arith.index_cast %parallel_loop3A_149 : i32 to index
        %parallel_loop3A_451 = tpu.vector_load %arg7[%parallel_loop3A_448, %parallel_loop3A_449, %parallel_loop3A_450] {strides = array<i32>} : memref<2x16x256xf32, #tpu.memory_space<vmem>>, vector<16xf32>,
        tpu.vector_store %arg7[%parallel_loop3A_448, %parallel_loop3A_449, %parallel_loop3A_450], %parallel_loop3A_446 {strides = array<i32>} : memref<2x16x256xf32, #tpu.memory_space<vmem>>, vector<16xf32>,
      } {sc.loop_unroll_factor = 2 : i64, sc.parallel_access}
      %dma_start3A_101 = arith.constant 0 : i32
      %dma_start3A_102 = arith.constant 0 : i32
      %dma_start3A_103 = tpu.memref_slice %arg3[%add3A_72, %dma_start3A_101, %dma_start3A_102] : memref<2048x16x256xf32, #tpu.memory_space<hbm>> -> memref<2x16x256xf32, #tpu.memory_space<hbm>>
      %dma_start3A_104 = arith.constant 0 : i32
      %dma_start3A_105 = arith.constant 0 : i32
      %dma_start3A_106 = tpu.memref_slice %arg3[%add3A_72, %dma_start3A_104, %dma_start3A_105] : memref<2048x16x256xf32, #tpu.memory_space<hbm>> -> memref<2x16x256xf32, #tpu.memory_space<hbm>>
      tpu.enqueue_dma source(%arg7 : memref<2x16x256xf32, #tpu.memory_space<vmem>>) target(%dma_start3A_106 : memref<2x16x256xf32, #tpu.memory_space<hbm>>) target_semaphore(%arg12 : memref<!tpu.dma_semaphore, #tpu.memory_space<semaphore_mem>>)
    }
    %scan3A_15 = arith.constant 16 : i32
    %add3A_16 = arith.constant 60 : i32
    %add3A_17 = arith.addi %mul3A_2, %add3A_16 : i32
    %dma_wait3A = arith.constant 0 : i32
    %dma_wait3A_18 = arith.constant 0 : i32
    %dma_wait3A_19 = tpu.memref_slice %arg3[%add3A_17, %dma_wait3A, %dma_wait3A_18] : memref<2048x16x256xf32, #tpu.memory_space<hbm>> -> memref<2x16x256xf32, #tpu.memory_space<hbm>>
    %dma_wait3A_20 = arith.constant 0 : i32
    %dma_wait3A_21 = arith.constant 0 : i32
    %dma_wait3A_22 = tpu.memref_slice %arg3[%add3A_17, %dma_wait3A_20, %dma_wait3A_21] : memref<2048x16x256xf32, #tpu.memory_space<hbm>> -> memref<2x16x256xf32, #tpu.memory_space<hbm>>
    tpu.wait_dma2 semaphore(%arg11 : memref<!tpu.dma_semaphore, #tpu.memory_space<semaphore_mem>>) src(%arg6 : memref<2x16x256xf32, #tpu.memory_space<vmem>>) dst(%dma_wait3A_22 : memref<2x16x256xf32, #tpu.memory_space<hbm>>)
    %add3A_23 = arith.constant 2 : i32
    %add3A_24 = arith.addi %add3A_17, %add3A_23 : i32
    %dma_wait3A_25 = arith.constant 0 : i32
    %dma_wait3A_26 = arith.constant 0 : i32
    %dma_wait3A_27 = tpu.memref_slice %arg3[%add3A_24, %dma_wait3A_25, %dma_wait3A_26] : memref<2048x16x256xf32, #tpu.memory_space<hbm>> -> memref<2x16x256xf32, #tpu.memory_space<hbm>>
    %dma_wait3A_28 = arith.constant 0 : i32
    %dma_wait3A_29 = arith.constant 0 : i32
    %dma_wait3A_30 = tpu.memref_slice %arg3[%add3A_24, %dma_wait3A_28, %dma_wait3A_29] : memref<2048x16x256xf32, #tpu.memory_space<hbm>> -> memref<2x16x256xf32, #tpu.memory_space<hbm>>
    tpu.wait_dma2 semaphore(%arg12 : memref<!tpu.dma_semaphore, #tpu.memory_space<semaphore_mem>>) src(%arg7 : memref<2x16x256xf32, #tpu.memory_space<vmem>>) dst(%dma_wait3A_30 : memref<2x16x256xf32, #tpu.memory_space<hbm>>)
    return
  }
}

</mosaic_0001>

<sc_bundles>
// kernel: kernel.3.cloned.1.call-start
scs
__scs_entry_jumppad:
0x0: {  	(pc) =	sbr.rel $0x88, $3  }
0x1: {  	(tag) =	ssettag $0x0;
	lr =	simm.s32 $0x1  }
0x2: {  	[smem:$0x3FA0] =	sst lr;
	_ =	strace $0xD0000000  }
0x3: {  	_ = 	snop  }
0x4: {  	_ = 	snop  }
0x5: {  	_ = 	snop  }
0x6: {  	_ = 	snop  }
0x7: {  	_ = 	snop  }
__scs_overlays_trampoline_lowered:
0x8: {  	[smem:$0x3FAF] =	sst s0  }
0x9: {  	[smem:$0x3FB0] =	sst s1  }
0xa: {  	[smem:$0x3FB1] =	sst s2  }
0xb: {  	[smem:$0x3FB2] =	sst s3  }
0xc: {  	[smem:$0x3FB3] =	sst s4  }
0xd: {  	[smem:$0x3FB4] =	sst s5  }
0xe: {  	[smem:$0x3FB5] =	sst s6  }
0xf: {  	[smem:$0x3FB6] =	sst s7  }
0x10: {  	[smem:$0x3FB7] =	sst s8  }
0x11: {  	[smem:$0x3FB8] =	sst s9;
	s0 =	simm.s32 @!p0 $0x0  }
0x12: {  	s1 =	sld [smem:$0x3F9E];
	s0 =	simm.s32 @p0 $0x1  }
0x13: {  	[smem:$0x3FB9] =	sst s0;
	s0 =	simm.s32 @!p1 $0x0  }
0x14: {  	s2 =	sld [smem:$0x3F9D];
	s0 =	simm.s32 @p1 $0x1  }
0x15: {  	[smem:$0x3FBA] =	sst s0;
	s0 =	simm.s32 @!p2 $0x0  }
0x16: {  	s3 =	sld [smem:$0x3FDB];
	s0 =	simm.s32 @p2 $0x1  }
0x17: {  	s4 =	simm.s32 $0x1BF5;
	[smem:$0x3FBC] =	sst s0  }
0x18: {  	s0 =	sld [smem:$0x3F9F];
	_ =	swait.ge [sflag:s4], $0x0  }
0x19: {  	s7 =	sld [smem:$0x3FA0]  }
0x1a: {  	s8 =	sadd.s32 $0xFFFFE003, lr  }
0x1b: {  	s9 =	sadd.s32 $0xFFFFFEF7, lr;
	s5 =	simm.s32 $0xFFFFFFFF;
	p2 =	slt.u32 s8, $0xFFFFF086  }
0x1c: {  	p1 =	slt.u32 s9, $0xF7A;
	s5 =	simm.s32 @!p2 $0x0  }
0x1d: {  	s5 =	simm.s32 @p1 $0x1;
	p0 =	seq.s32 s7, s2  }
0x1e: {  	s7 =	smul.u32 @!p0 $0xF7A, s2;
	p2 =	seq.s32 @!p0 s5, $0x0  }
0x1f: {  	s9 =	smul.u32 $0xF7A, s1;
	s8 =	simm.s32 @!p0 $0x1BF5;
	p2 =	por !p2, p0  }
0x20: {  	[sflag:s8] =	ssyncset.s32 @!p0 $0xFFFFF086;
	s6 =	sadd.s32 @!p0 s3, s7;
	s7 =	simm.s32 @!p0 $0x108  }
0x21: {  	s3 =	sadd.s32 s3, s9;
	s6 =	sadd.s32 @!p0 $0x88, s6;
	s7 =	simm.s32 @p2 $0x1082  }
0x22: {  	[simem:s7], [sflag:s8] =	dma.local @!p0 [hbm:s6], $0xF7A  }
0x23: {  	s9 =	sor.u32 $0xD0000000, s2;
	s6 =	simm.s32 $0x108;
	_ =	swait.ge @!p0 [sflag:s8], $0x0  }
0x24: {  	s3 =	sadd.s32 $0x88, s3;
	s6 =	simm.s32 @!p1 $0x1082;
	[sflag:s4] =	ssyncset.s32 $0xFFFFF086  }
0x25: {  	[simem:s6], [sflag:s4] =	dma.local [hbm:s3], $0xF7A  }
0x26: {  	[smem:$0x3FA0] =	sst s1;
	(tag) =	ssettag s2;
	_ =	strace s9  }
0x27: {  	s1 =	sld [smem:$0x3FB0]  }
0x28: {  	s2 =	sld [smem:$0x3FB1]  }
0x29: {  	s4 =	sld [smem:$0x3FB3]  }
0x2a: {  	p0 =	seq.s32 s5, $0x0;
	s5 =	sld [smem:$0x3FB4]  }
0x2b: {  	s6 =	sld [smem:$0x3FB5]  }
0x2c: {  	s7 =	sld [smem:$0x3FB6]  }
0x2d: {  	s3 =	simm.s32 $0x108;
	s8 =	sld [smem:$0x3FB7]  }
0x2e: {  	s3 =	simm.s32 @!p0 $0x1082;
	s9 =	sld [smem:$0x3FB8]  }
0x2f: {  	lr =	sadd.s32 s0, s3;
	s0 =	sld [smem:$0x3FAF]  }
0x30: {  	s3 =	sld [smem:$0x3FB2]  }
0x31: {  	[smem:$0x3FBB] =	sst s10  }
0x32: {  	s10 =	sld [smem:$0x3FB9];
	_ =	sdelay $0x3  }
0x33: {  	p0 =	seq.s32 s10, $0x1;
	s10 =	sld [smem:$0x3FBB];
	_ =	sdelay $0x3  }
0x34: {  	[smem:$0x3FBB] =	sst s10  }
0x35: {  	s10 =	sld [smem:$0x3FBA];
	_ =	sdelay $0x3  }
0x36: {  	p1 =	seq.s32 s10, $0x1;
	s10 =	sld [smem:$0x3FBB];
	_ =	sdelay $0x3  }
0x37: {  	[smem:$0x3FBB] =	sst s10  }
0x38: {  	s10 =	sld [smem:$0x3FBC]  }
0x39: {  	_ = 	snop;
	(pc) =	sbr.ind lr, $3  }
0x3a: {  	_ = 	snop  }
0x3b: {  	_ = 	snop  }
0x3c: {  	p2 =	seq.s32 s10, $0x1;
	s10 =	sld [smem:$0x3FBB]  }
0x3d: {  	_ =	shalt  }
0x3e: {  	_ =	shalt  }
0x3f: {  	_ =	shalt  }
0x40: {  	_ =	shalt  }
0x41: {  	_ =	shalt  }
0x42: {  	_ =	shalt  }
0x43: {  	_ =	shalt  }
0x44: {  	_ =	shalt  }
0x45: {  	_ =	shalt  }
0x46: {  	_ =	shalt  }
0x47: {  	_ =	shalt  }
0x48: {  	_ =	shalt  }
0x49: {  	_ =	shalt  }
0x4a: {  	_ =	shalt  }
0x4b: {  	_ =	shalt  }
0x4c: {  	_ =	shalt  }
0x4d: {  	_ =	shalt  }
0x4e: {  	_ =	shalt  }
0x4f: {  	_ =	shalt  }
0x50: {  	_ =	shalt  }
0x51: {  	_ =	shalt  }
0x52: {  	_ =	shalt  }
0x53: {  	_ =	shalt  }
0x54: {  	_ =	shalt  }
0x55: {  	_ =	shalt  }
0x56: {  	_ =	shalt  }
0x57: {  	_ =	shalt  }
0x58: {  	_ =	shalt  }
0x59: {  	_ =	shalt  }
0x5a: {  	_ =	shalt  }
0x5b: {  	_ =	shalt  }
0x5c: {  	_ =	shalt  }
0x5d: {  	_ =	shalt  }
0x5e: {  	_ =	shalt  }
0x5f: {  	_ =	shalt  }
0x60: {  	_ =	shalt  }
0x61: {  	_ =	shalt  }
0x62: {  	_ =	shalt  }
0x63: {  	_ =	shalt  }
0x64: {  	_ =	shalt  }
0x65: {  	_ =	shalt  }
0x66: {  	_ =	shalt  }
0x67: {  	_ =	shalt  }
0x68: {  	_ =	shalt  }
0x69: {  	_ =	shalt  }
0x6a: {  	_ =	shalt  }
0x6b: {  	_ =	shalt  }
0x6c: {  	_ =	shalt  }
0x6d: {  	_ =	shalt  }
0x6e: {  	_ =	shalt  }
0x6f: {  	_ =	shalt  }
0x70: {  	_ =	shalt  }
0x71: {  	_ =	shalt  }
0x72: {  	_ =	shalt  }
0x73: {  	_ =	shalt  }
0x74: {  	_ =	shalt  }
0x75: {  	_ =	shalt  }
0x76: {  	_ =	shalt  }
0x77: {  	_ =	shalt  }
0x78: {  	_ =	shalt  }
0x79: {  	_ =	shalt  }
0x7a: {  	_ =	shalt  }
0x7b: {  	_ =	shalt  }
0x7c: {  	_ =	shalt  }
0x7d: {  	_ =	shalt  }
0x7e: {  	_ =	shalt  }
0x7f: {  	_ =	shalt  }
0x80: {  	_ =	shalt  }
0x81: {  	_ =	shalt  }
0x82: {  	_ =	shalt  }
0x83: {  	_ =	shalt  }
0x84: {  	_ =	shalt  }
0x85: {  	_ =	shalt  }
0x86: {  	_ =	shalt  }
0x87: {  	_ =	shalt  }
.Lfunc_end0:
.L_simem_size_0:
called_computation_lowered:
.L_overlay_start_0:
0x88: {  	s2 =	sld [smem:$0x3FD9]  }
0x89: {  	s3 =	sld [smem:$0x3FFE];
	_ =	sdelay $0x1  }
0x8a: {  	s1 =	srdreg.scid  }
0x8b: {  	s0 =	sand.u32 $0x1, s1  }
0x8c: {  	s18 =	sshll.u32 s0, $0xA;
	s2 =	sadd.s32 s3, s2  }
0x8d: {  	s2 =	sadd.s32 s2, s18  }
0x8e: {  	[smem:$0x3FC7] =	sst s2  }
0x8f: {  	_ = 	snop  }
0x90: {  	s2 =	sld [smem:$0x3FC9]  }
0x91: {  	s19 =	sld [smem:$0x3FD0];
	(tm) =	ssettm $0x1  }
0x92: {  	s4 =	sld [smem:$0x3FFB];
	_ =	sdelay $0x3  }
0x93: {  	_ =	strace s4  }
0x94: {  	s4 =	sld [smem:$0x3FFC];
	_ =	sdelay $0x3  }
0x95: {  	_ =	strace s4  }
0x96: {  	s4 =	sld [smem:$0x3FFD];
	_ =	sdelay $0x3  }
0x97: {  	_ =	strace s4  }
0x98: {  	_ =	strace $0x8FFFFFFF  }
0x99: {  	s20 =	sld [smem:$0x3FDB];
	_ =	sdelay $0x1  }
0x9a: {  	s5 =	simm.s32 $_scs_section_size  }
0x9b: {  	s6 =	simm.s32 $_size__tile_overlayer_lowered;
	s7 =	simm.s32 $_tile_overlayer_lowered  }
0x9c: {  	s23 =	simm.s32 $0x1BFF;
	s22 =	sshll.u32 s7, $0x1;
	s4 =	sadd.s32 s5, s20  }
0x9d: {  	s8 =	simm.s32 $0x0;
	s21 =	sshll.u32 s6, $0x1;
	s6 =	sadd.s32 s22, s4  }
0x9e: {  	[timem:s8], [sflag:s23] =	dma.local [hbm:s6], s21  }
0x9f: {  	_ =	swait.ge [sflag:s23], s21  }
0xa0: {  	s5 =	ssub.s32 $0x0, s21;
	[sflag:s23] =	ssyncset.done $0x0  }
0xa1: {  	[sflag:s23] =	ssyncadd.s32 s5;
	_ =	sdelay $0x1  }
0xa2: {  	s24 =	simm.s32 $0x1B8B  }
0xa3: {  	_ =	swait.ge [sflag:s24], $0x1  }
0xa4: {  	[sflag:s24] =	ssyncset.done $0x0  }
0xa5: {  	s25 =	simm.s32 $0x1B8E;
	[sflag:s24] =	ssyncadd.s32 $0xFFFFFFFF  }
0xa6: {  	s26 =	simm.s32 $execute0_lowered;
	[smem:$0x3FD2] =	sst s25  }
0xa7: {  	s5 =	sshll.u32 s26, $0x1;
	_ =	strace $0x80000046;
	[dreg:$0x1] =	wrdreg $0xFFFFFFFF  }
0xa8: {  	s28 =	simm.s32 $_size_execute0_lowered;
	s4 =	sadd.s32 s4, s5;
	[dreg:$0x0] =	wrdreg $0x0  }
0xa9: {  	s5 =	sshll.u32 s28, $0x1;
	[dreg:$0x2] =	wrdreg s4  }
0xaa: {  	[dreg:$0x3] =	wrdreg s5  }
0xab: {  	[dreg:$0x4] =	wrdreg $0xC0  }
0xac: {  	_ =	task [dreg:s8], $0x5FFFF  }
0xad: {  	[dreg:$0x1] =	wrdreg $0xFFFFFFFF  }
0xae: {  	[dreg:$0x0] =	wrdreg $0x60  }
0xaf: {  	[dreg:$0x2] =	wrdreg s2  }
0xb0: {  	[dreg:$0x3] =	wrdreg s19  }
0xb1: {  	[dreg:$0x4] =	wrdreg $0x9  }
0xb2: {  	_ =	task.clear_ibuf [dreg:s8], $0x5FFFF;
	_ =	strace $0x90000046  }
0xb3: {  	s29 =	simm.s32 $0x9;
	_ =	strace $0x80000048  }
0xb4: {  	_ =	swait.ge [sflag:s29], $0x1  }
0xb5: {  	[sflag:s29] =	ssyncadd.s32 $0xFFFFFFFF  }
0xb6: {  	_ =	strace $0x90000048  }
0xb7: {  	_ =	sfence  }
0xb8: {  	s30 =	sld [smem:$0x0];
	_ =	sdelay $0x2  }
0xb9: {  	s31 =	sshll.u32 s1, $0xD;
	s1 =	sshrl.u32 s1, $0x2  }
0xba: {  	s3 =	sand.u32 $0x4000, s31;
	s1 =	sadd.s32 s1, s30  }
0xbb: {  	s0 =	sor.u32 s3, s0;
	s1 =	sshll.u32 s1, $0x11  }
0xbc: {  	s0 =	sor.u32 s1, s0  }
0xbd: {  	s0 =	sadd.s32 $0x8F2B, s0  }
0xbe: {  	[sflag:s0] =	ssyncadd.remote.s32 $0x1  }
0xbf: {  	_ =	sfence.sel $0xFFFF  }
0xc0: {  	[dreg:$0x0] =	wrdreg $0xFFFFFFFF;
	(pc) =	sbr.abs _section_cstart, $3  }
0xc1: {  	[dreg:$0x1] =	wrdreg $0xFFFFFFFF  }
0xc2: {  	_ =	task.clear_ibuf [dreg:s8], $0x2FFFF;
	_ =	strace $0x9FFFFFFF  }
0xc3: {  	(tm) =	ssettm $0x7FFFFFFF  }
tec
execute0_lowered:
.L_overlay_start_1:
0x0: {  	(tag) =	ssettag $0x1  }
0x1: {  	s2 =	rddreg [dreg:$0x0]  }
0x2: {  	s7 =	rddreg [dreg:$0x1];
	s3 =	simm.s32 $0x0;
	v0 =	vimm.f32 $0.0e+00;
	v1 =	vlaneseq.u32  }
0x3: {  	s0 =	srdreg.scid;
	s4 =	stileid.u32;
	s8 =	simm.s32 $0x14000;
	v20 =	vimm.f32 $1.000000000e+00;
	v2 =	vor.u32 $0x80000000, v1;
	v3 =	vor.u32 $0x80000010, v1  }
0x4: {  	s11 =	simm.s32 $0x1;
	[smem:$0x7FF] =	sst s3;
	s0 =	sand.u32 $0x1, s0;
	v4 =	vor.u32 $0x10, v1;
	v5 =	vor.u32 $0x80000020, v1;
	v6 =	vor.u32 $0x20, v1  }
0x5: {  	s4 =	sshll.u32 s4, $0x7;
	v7 =	vor.u32 $0x80000030, v1;
	v8 =	vor.u32 $0x30, v1;
	v9 =	vor.u32 $0x80000040, v1;
	s1 =	ssub.s32 $0x2, s0;
	s0 =	sshll.u32 s0, $0x6  }
0x6: {  	v10 =	vor.u32 $0x40, v1;
	v11 =	vor.u32 $0x80000050, v1;
	v12 =	vor.u32 $0x50, v1;
	s31 =	sadd.s32 $0x2000, s2;
	_ =	strace $0x80000047;
	s4 =	sor.u32 s0, s4  }
0x7: {  	v13 =	vor.u32 $0x80000060, v1;
	v14 =	vor.u32 $0x60, v1;
	v15 =	vor.u32 $0x80000070, v1;
	[dreg:$0x5] =	wrdreg s31;
	s6 =	sshrl.u32 s1, $0x1;
	s30 =	sshll.u32 s4, $0xB  }
0x8: {  	v16 =	vor.u32 $0x70, v1;
	v17 =	vor.u32 $0x80000080, v1;
	v18 =	vor.u32 $0x80000090, v1;
	s29 =	ssub.s32 s1, s6;
	[dreg:$0x3] =	wrdreg s4;
	s1 =	sadd.s32 s2, s30  }
0x9: {  	s13 =	simm.s32 $0x2;
	v19 =	vor.u32 $0x800000A0, v1;
	v21 =	vor.u32 $0x800000B0, v1;
	v22 =	vor.u32 $0x800000C0, v1;
	s0 =	smax.u32 s29, $0x1;
	[dreg:$0x4] =	wrdreg s1  }
0xa: {  	s18 =	simm.s32 $0x0;
	v23 =	vor.u32 $0x800000D0, v1;
	v24 =	vor.u32 $0x800000E0, v1;
	v25 =	vor.u32 $0x800000F0, v1;
	s2 =	simm.s32 $0x0;
	[dreg:$0x6] =	wrdreg s0  }
.LBB2_1:
0xb: {  	s0 =	rddreg [dreg:$0x4]  }
0xc: {  	[tilespmem:s3], [sflag:$0x1] =	stream.linear.gather [hbm4b:s0+s3], $0x8000, $0x38;
	[tilespmem:$0x16200] =	vst v63  }
0xd: {  	[dreg:$0x7] =	wrdreg s2;
	s0 =	simm.s32 $0x14040  }
0xe: {  	[tilespmem:s0+$0xFFFFFFC0] =	vst v0  }
0xf: {  	[tilespmem:s0+$0x30] =	vst v0  }
0x10: {  	[tilespmem:s0+$0x20] =	vst v0  }
0x11: {  	[tilespmem:s0+$0x10] =	vst v0  }
0x12: {  	[tilespmem:s0+$0x0] =	vst v0  }
0x13: {  	[tilespmem:s0+$0xFFFFFFF0] =	vst v0  }
0x14: {  	s1 =	simm.s32 $0x0;
	[tilespmem:s0+$0xFFFFFFE0] =	vst v0  }
.LBB2_2:
0x15: {  	s1 =	sadd.s32 $0x8, s1;
	[tilespmem:s0+$0xFFFFFFD0] =	vst v0;
	s0 =	sadd.s32 $0x80, s0  }
0x16: {  	[tilespmem:s0+$0xFFFFFFC0] =	vst v0;
	p0 =	slt.u32 s1, $0x218  }
0x17: {  	[tilespmem:s0+$0x30] =	vst v0  }
.Ltmp0:
0x18: {  	[tilespmem:s0+$0x20] =	vst v0;
	(pc) =	sbr.rel @p0 .LBB2_2-.Ltmp0, $4  }
0x19: {  	[tilespmem:s0+$0x10] =	vst v0  }
0x1a: {  	[tilespmem:s0+$0x0] =	vst v0  }
0x1b: {  	[tilespmem:s0+$0xFFFFFFF0] =	vst v0  }
0x1c: {  	[tilespmem:s0+$0xFFFFFFE0] =	vst v0  }
0x1d: {  	[tilespmem:s0+$0xFFFFFFD0] =	vst v0;
	s19 =	simm.s32 $0x0  }
.LBB2_4:
0x1e: {  	s0 =	sshll.u32 s19, $0x2;
	s1 =	rddreg [dreg:$0x3]  }
0x1f: {  	s21 =	sadd.s32 s1, s0  }
0x20: {  	s20 =	sor.u32 $0x2, s21  }
0x21: {  	s4 =	sshll.u32 s20, $0xB  }
0x22: {  	s5 =	rddreg [dreg:$0x0];
	s0 =	sand.u32 $0x1FFFF000, s4  }
0x23: {  	s6 =	simm.s32 $0x8000;
	s9 =	simm.s32 $0x0;
	s0 =	sadd.s32 s5, s0  }
0x24: {  	[tilespmem:s6], [sflag:$0x2] =	stream.linear.gather [hbm4b:s0+s18], $0x8000, $0x38;
	[tilespmem:$0x16200] =	vst v63  }
0x25: {  	s10 =	sand.u32 $0x3800, s18;
	s0 =	sand.u32 $0x3FFFC000, s9;
	_ =	swait.ge [sflag:s11], $0x8000  }
0x26: {  	s4 =	sand.u32 $0x200, s18;
	s0 =	sor.u32 s10, s0;
	[sflag:s11] =	ssyncset.done $0x0  }
0x27: {  	s22 =	sor.u32 s4, s0;
	[sflag:s11] =	ssyncadd.s32 $0xFFFF8000  }
0x28: {  	v26 =	vld [tilespmem:s22+$0x180];
	_ =	sdelay $0x4  }
0x29: {  	v26 =	vmul.f32 $1.875000000e+00, v26;
	_ =	sdelay $0x1  }
0x2a: {  	v26 =	vadd.f32 $1.258292000e+07, v26;
	_ =	sdelay $0x1  }
0x2b: {  	s12 =	simm.s32 $0x0;
	v26 =	vmax.f32 v26, $1.258291200e+07  }
0x2c: {  	s24 =	sand.u32 $0xFFFFFF00, s12;
	v26 =	vmin.f32 v26, $1.258292800e+07  }
0x2d: {  	v27 =	vor.u32 s24, v2;
	v26 =	vshll.u32 v26, $0x9  }
0x2e: {  	v26 =	vadd.s32 v27, v26  }
0x2f: {  	v26 =	vand.u32 $0xFFFFFF00, v26  }
0x30: {  	v26 =	vor.u32 v1, v26;
	_ =	sdelay $0x4  }
0x31: {  	[tilespmem:v26+s8+$0x0] =	vst.idx.add.f32.msk $0xffff, v20  }
0x32: {  	v26 =	vld [tilespmem:s22+$0x190];
	_ =	sdelay $0x4  }
0x33: {  	v26 =	vmul.f32 $1.875000000e+00, v26;
	_ =	sdelay $0x1  }
0x34: {  	v26 =	vadd.f32 $1.258292000e+07, v26;
	_ =	sdelay $0x1  }
0x35: {  	v26 =	vmax.f32 v26, $1.258291200e+07  }
0x36: {  	v26 =	vmin.f32 v26, $1.258292800e+07  }
0x37: {  	v28 =	vor.u32 s24, v3;
	v26 =	vshll.u32 v26, $0x9  }
0x38: {  	v26 =	vadd.s32 v28, v26  }
0x39: {  	v29 =	vld [tilespmem:s22+$0x0];
	v26 =	vand.u32 $0xFFFFFF00, v26  }
0x3a: {  	v31 =	vld [tilespmem:s22+$0x100];
	v26 =	vor.u32 v4, v26  }
0x3b: {  	v30 =	vld [tilespmem:s22+$0x80];
	_ =	sdelay $0x3  }
0x3c: {  	v31 =	vmul.f32 $1.875000000e+00, v31;
	[tilespmem:v26+s8+$0x0] =	vst.idx.add.f32.msk $0xffff, v20  }
0x3d: {  	v26 =	vmul.f32 $1.875000000e+00, v29;
	v29 =	vmul.f32 $1.875000000e+00, v30;
	v30 =	vld [tilespmem:s22+$0x1A0]  }
0x3e: {  	v31 =	vadd.f32 $1.258292000e+07, v31  }
0x3f: {  	v26 =	vadd.f32 $1.258292000e+07, v26  }
0x40: {  	v31 =	vmax.f32 v31, $1.258291200e+07;
	v29 =	vadd.f32 $1.258292000e+07, v29  }
0x41: {  	v31 =	vmin.f32 v31, $1.258292800e+07;
	v26 =	vmax.f32 v26, $1.258291200e+07  }
0x42: {  	v29 =	vmax.f32 v29, $1.258291200e+07;
	v26 =	vmin.f32 v26, $1.258292800e+07;
	v30 =	vmul.f32 $1.875000000e+00, v30  }
0x43: {  	v31 =	vshll.u32 v31, $0x9;
	v29 =	vmin.f32 v29, $1.258292800e+07;
	v26 =	vshll.u32 v26, $0x9  }
0x44: {  	v29 =	vshll.u32 v29, $0x9;
	v26 =	vadd.s32 v27, v26;
	v30 =	vadd.f32 $1.258292000e+07, v30  }
0x45: {  	v29 =	vadd.s32 v27, v29;
	v27 =	vadd.s32 v27, v31;
	v26 =	vand.u32 $0xFFFFFF00, v26  }
0x46: {  	v29 =	vand.u32 $0xFFFFFF00, v29;
	v26 =	vor.u32 v1, v26;
	v30 =	vmax.f32 v30, $1.258291200e+07  }
0x47: {  	v27 =	vand.u32 $0xFFFFFF00, v27;
	v29 =	vor.u32 v1, v29;
	v30 =	vmin.f32 v30, $1.258292800e+07  }
0x48: {  	v31 =	vor.u32 s24, v5;
	v27 =	vor.u32 v1, v27;
	v30 =	vshll.u32 v30, $0x9  }
0x49: {  	v30 =	vadd.s32 v31, v30  }
0x4a: {  	v30 =	vand.u32 $0xFFFFFF00, v30  }
0x4b: {  	[tilespmem:v26+s8+$0x0] =	vst.idx.add.f32.msk $0xffff, v20;
	v30 =	vor.u32 v6, v30  }
0x4c: {  	[tilespmem:v29+s8+$0x0] =	vst.idx.add.f32.msk $0xffff, v20  }
0x4d: {  	[tilespmem:v27+s8+$0x0] =	vst.idx.add.f32.msk $0xffff, v20  }
0x4e: {  	v26 =	vld [tilespmem:s22+$0x10]  }
0x4f: {  	v29 =	vld [tilespmem:s22+$0x90]  }
0x50: {  	[tilespmem:v30+s8+$0x0] =	vst.idx.add.f32.msk $0xffff, v20  }
0x51: {  	v27 =	vld [tilespmem:s22+$0x1B0];
	_ =	sdelay $0x3  }
0x52: {  	v26 =	vmul.f32 $1.875000000e+00, v26  }
0x53: {  	v30 =	vld [tilespmem:s22+$0x110];
	v29 =	vmul.f32 $1.875000000e+00, v29;
	v27 =	vmul.f32 $1.875000000e+00, v27  }
0x54: {  	v26 =	vadd.f32 $1.258292000e+07, v26  }
0x55: {  	v29 =	vadd.f32 $1.258292000e+07, v29;
	v27 =	vadd.f32 $1.258292000e+07, v27  }
0x56: {  	v32 =	vor.u32 s24, v7;
	v26 =	vmax.f32 v26, $1.258291200e+07  }
0x57: {  	v29 =	vmax.f32 v29, $1.258291200e+07;
	v26 =	vmin.f32 v26, $1.258292800e+07;
	v27 =	vmax.f32 v27, $1.258291200e+07  }
0x58: {  	v30 =	vmul.f32 $1.875000000e+00, v30;
	v26 =	vshll.u32 v26, $0x9;
	v27 =	vmin.f32 v27, $1.258292800e+07  }
0x59: {  	v29 =	vmin.f32 v29, $1.258292800e+07;
	v26 =	vadd.s32 v28, v26;
	v27 =	vshll.u32 v27, $0x9  }
0x5a: {  	v29 =	vshll.u32 v29, $0x9;
	v26 =	vand.u32 $0xFFFFFF00, v26;
	v27 =	vadd.s32 v32, v27  }
0x5b: {  	v30 =	vadd.f32 $1.258292000e+07, v30;
	v26 =	vor.u32 v4, v26;
	v27 =	vand.u32 $0xFFFFFF00, v27  }
0x5c: {  	v29 =	vadd.s32 v28, v29;
	v27 =	vor.u32 v8, v27  }
0x5d: {  	v29 =	vand.u32 $0xFFFFFF00, v29;
	v30 =	vmax.f32 v30, $1.258291200e+07  }
0x5e: {  	v29 =	vor.u32 v4, v29;
	v30 =	vmin.f32 v30, $1.258292800e+07  }
0x5f: {  	v30 =	vshll.u32 v30, $0x9  }
0x60: {  	v28 =	vadd.s32 v28, v30;
	[tilespmem:v26+s8+$0x0] =	vst.idx.add.f32.msk $0xffff, v20  }
0x61: {  	v28 =	vand.u32 $0xFFFFFF00, v28;
	[tilespmem:v27+s8+$0x0] =	vst.idx.add.f32.msk $0xffff, v20  }
0x62: {  	v26 =	vor.u32 v4, v28;
	v27 =	vld [tilespmem:s22+$0x1C0]  }
0x63: {  	[tilespmem:v29+s8+$0x0] =	vst.idx.add.f32.msk $0xffff, v20  }
0x64: {  	v28 =	vld [tilespmem:s22+$0x20]  }
0x65: {  	v29 =	vld [tilespmem:s22+$0xA0];
	_ =	sdelay $0x1  }
0x66: {  	[tilespmem:v26+s8+$0x0] =	vst.idx.add.f32.msk $0xffff, v20;
	v27 =	vmul.f32 $1.875000000e+00, v27  }
0x67: {  	v26 =	vld [tilespmem:s22+$0x120]  }
0x68: {  	v27 =	vadd.f32 $1.258292000e+07, v27  }
0x69: {  	v28 =	vmul.f32 $1.875000000e+00, v28;
	v29 =	vmul.f32 $1.875000000e+00, v29  }
0x6a: {  	v27 =	vmax.f32 v27, $1.258291200e+07  }
0x6b: {  	v28 =	vadd.f32 $1.258292000e+07, v28;
	v29 =	vadd.f32 $1.258292000e+07, v29;
	v27 =	vmin.f32 v27, $1.258292800e+07  }
0x6c: {  	v30 =	vor.u32 s24, v9;
	v26 =	vmul.f32 $1.875000000e+00, v26;
	v27 =	vshll.u32 v27, $0x9  }
0x6d: {  	v28 =	vmax.f32 v28, $1.258291200e+07;
	v29 =	vmax.f32 v29, $1.258291200e+07;
	v27 =	vadd.s32 v30, v27  }
0x6e: {  	v28 =	vmin.f32 v28, $1.258292800e+07;
	v26 =	vadd.f32 $1.258292000e+07, v26;
	v27 =	vand.u32 $0xFFFFFF00, v27  }
0x6f: {  	v29 =	vmin.f32 v29, $1.258292800e+07;
	v28 =	vshll.u32 v28, $0x9;
	v27 =	vor.u32 v10, v27  }
0x70: {  	v29 =	vshll.u32 v29, $0x9;
	v28 =	vadd.s32 v31, v28;
	v26 =	vmax.f32 v26, $1.258291200e+07  }
0x71: {  	v29 =	vadd.s32 v31, v29;
	v28 =	vand.u32 $0xFFFFFF00, v28;
	v26 =	vmin.f32 v26, $1.258292800e+07  }
0x72: {  	v29 =	vand.u32 $0xFFFFFF00, v29;
	v28 =	vor.u32 v6, v28;
	v26 =	vshll.u32 v26, $0x9  }
0x73: {  	v29 =	vor.u32 v6, v29;
	v26 =	vadd.s32 v31, v26  }
0x74: {  	v26 =	vand.u32 $0xFFFFFF00, v26;
	[tilespmem:v27+s8+$0x0] =	vst.idx.add.f32.msk $0xffff, v20  }
0x75: {  	v26 =	vor.u32 v6, v26;
	v27 =	vld [tilespmem:s22+$0x1D0];
	_ =	sdelay $0x1  }
0x76: {  	[tilespmem:v28+s8+$0x0] =	vst.idx.add.f32.msk $0xffff, v20  }
0x77: {  	[tilespmem:v29+s8+$0x0] =	vst.idx.add.f32.msk $0xffff, v20  }
0x78: {  	v28 =	vld [tilespmem:s22+$0xB0]  }
0x79: {  	[tilespmem:v26+s8+$0x0] =	vst.idx.add.f32.msk $0xffff, v20;
	v27 =	vmul.f32 $1.875000000e+00, v27  }
0x7a: {  	v26 =	vld [tilespmem:s22+$0x30]  }
0x7b: {  	v29 =	vld [tilespmem:s22+$0x130];
	v27 =	vadd.f32 $1.258292000e+07, v27;
	_ =	sdelay $0x1  }
0x7c: {  	v27 =	vmax.f32 v27, $1.258291200e+07  }
0x7d: {  	v28 =	vmul.f32 $1.875000000e+00, v28;
	v27 =	vmin.f32 v27, $1.258292800e+07  }
0x7e: {  	v31 =	vor.u32 s24, v11;
	v26 =	vmul.f32 $1.875000000e+00, v26;
	v27 =	vshll.u32 v27, $0x9  }
0x7f: {  	v28 =	vadd.f32 $1.258292000e+07, v28;
	v29 =	vmul.f32 $1.875000000e+00, v29;
	v27 =	vadd.s32 v31, v27  }
0x80: {  	v26 =	vadd.f32 $1.258292000e+07, v26;
	v27 =	vand.u32 $0xFFFFFF00, v27  }
0x81: {  	v28 =	vmax.f32 v28, $1.258291200e+07;
	v29 =	vadd.f32 $1.258292000e+07, v29;
	v27 =	vor.u32 v12, v27  }
0x82: {  	v28 =	vmin.f32 v28, $1.258292800e+07;
	v26 =	vmax.f32 v26, $1.258291200e+07  }
0x83: {  	v28 =	vshll.u32 v28, $0x9;
	v26 =	vmin.f32 v26, $1.258292800e+07;
	v29 =	vmax.f32 v29, $1.258291200e+07  }
0x84: {  	v28 =	vadd.s32 v32, v28;
	v26 =	vshll.u32 v26, $0x9;
	v29 =	vmin.f32 v29, $1.258292800e+07  }
0x85: {  	v28 =	vand.u32 $0xFFFFFF00, v28;
	v26 =	vadd.s32 v32, v26;
	v29 =	vshll.u32 v29, $0x9  }
0x86: {  	v28 =	vor.u32 v8, v28;
	v26 =	vand.u32 $0xFFFFFF00, v26;
	v29 =	vadd.s32 v32, v29;
	[tilespmem:v27+s8+$0x0] =	vst.idx.add.f32.msk $0xffff, v20  }
0x87: {  	v26 =	vor.u32 v8, v26;
	v27 =	vand.u32 $0xFFFFFF00, v29;
	v29 =	vld [tilespmem:s22+$0x1E0]  }
0x88: {  	v27 =	vor.u32 v8, v27;
	_ =	sdelay $0x2  }
0x89: {  	[tilespmem:v28+s8+$0x0] =	vst.idx.add.f32.msk $0xffff, v20  }
0x8a: {  	[tilespmem:v26+s8+$0x0] =	vst.idx.add.f32.msk $0xffff, v20;
	v26 =	vmul.f32 $1.875000000e+00, v29  }
0x8b: {  	[tilespmem:v27+s8+$0x0] =	vst.idx.add.f32.msk $0xffff, v20  }
0x8c: {  	v27 =	vld [tilespmem:s22+$0x40];
	v26 =	vadd.f32 $1.258292000e+07, v26  }
0x8d: {  	v29 =	vld [tilespmem:s22+$0xC0]  }
0x8e: {  	v26 =	vmax.f32 v26, $1.258291200e+07  }
0x8f: {  	v41 =	vld [tilespmem:s22+$0x140];
	v26 =	vmin.f32 v26, $1.258292800e+07  }
0x90: {  	v28 =	vor.u32 s24, v13;
	v26 =	vshll.u32 v26, $0x9  }
0x91: {  	v27 =	vmul.f32 $1.875000000e+00, v27;
	v26 =	vadd.s32 v28, v26  }
0x92: {  	v29 =	vmul.f32 $1.875000000e+00, v29;
	v26 =	vand.u32 $0xFFFFFF00, v26  }
0x93: {  	v27 =	vadd.f32 $1.258292000e+07, v27;
	v26 =	vor.u32 v14, v26  }
0x94: {  	v32 =	vmul.f32 $1.875000000e+00, v41;
	v29 =	vadd.f32 $1.258292000e+07, v29  }
0x95: {  	v27 =	vmax.f32 v27, $1.258291200e+07  }
0x96: {  	v32 =	vadd.f32 $1.258292000e+07, v32;
	v29 =	vmax.f32 v29, $1.258291200e+07;
	v27 =	vmin.f32 v27, $1.258292800e+07  }
0x97: {  	v29 =	vmin.f32 v29, $1.258292800e+07;
	v27 =	vshll.u32 v27, $0x9  }
0x98: {  	v32 =	vmax.f32 v32, $1.258291200e+07;
	v29 =	vshll.u32 v29, $0x9;
	v27 =	vadd.s32 v30, v27;
	[tilespmem:v26+s8+$0x0] =	vst.idx.add.f32.msk $0xffff, v20  }
0x99: {  	v32 =	vmin.f32 v32, $1.258292800e+07;
	v29 =	vadd.s32 v30, v29;
	v27 =	vand.u32 $0xFFFFFF00, v27;
	v42 =	vld [tilespmem:s22+$0x1F0]  }
0x9a: {  	v29 =	vand.u32 $0xFFFFFF00, v29;
	v26 =	vshll.u32 v32, $0x9;
	v27 =	vor.u32 v10, v27  }
0x9b: {  	v29 =	vor.u32 v10, v29;
	v26 =	vadd.s32 v30, v26  }
0x9c: {  	v26 =	vand.u32 $0xFFFFFF00, v26  }
0x9d: {  	v26 =	vor.u32 v10, v26  }
0x9e: {  	v30 =	vmul.f32 $1.875000000e+00, v42  }
0x9f: {  	[tilespmem:v27+s8+$0x0] =	vst.idx.add.f32.msk $0xffff, v20  }
0xa0: {  	[tilespmem:v29+s8+$0x0] =	vst.idx.add.f32.msk $0xffff, v20;
	v27 =	vadd.f32 $1.258292000e+07, v30  }
0xa1: {  	v29 =	vld [tilespmem:s22+$0x50]  }
0xa2: {  	[tilespmem:v26+s8+$0x0] =	vst.idx.add.f32.msk $0xffff, v20;
	v26 =	vmax.f32 v27, $1.258291200e+07  }
0xa3: {  	v27 =	vld [tilespmem:s22+$0xD0];
	v30 =	vmin.f32 v26, $1.258292800e+07  }
0xa4: {  	v43 =	vld [tilespmem:s22+$0x150];
	v26 =	vor.u32 s24, v15;
	v30 =	vshll.u32 v30, $0x9  }
0xa5: {  	v30 =	vadd.s32 v26, v30  }
0xa6: {  	v30 =	vand.u32 $0xFFFFFF00, v30  }
0xa7: {  	v29 =	vmul.f32 $1.875000000e+00, v29;
	v30 =	vor.u32 v16, v30  }
0xa8: {  	v27 =	vmul.f32 $1.875000000e+00, v27  }
0xa9: {  	v29 =	vadd.f32 $1.258292000e+07, v29;
	v32 =	vmul.f32 $1.875000000e+00, v43  }
0xaa: {  	v27 =	vadd.f32 $1.258292000e+07, v27  }
0xab: {  	s14 =	simm.s32 $0x400;
	s15 =	simm.s32 $0x400;
	v29 =	vmax.f32 v29, $1.258291200e+07;
	v32 =	vadd.f32 $1.258292000e+07, v32  }
0xac: {  	s16 =	simm.s32 $0x200;
	s1 =	sand.u32 $0x3800, s15;
	v29 =	vmin.f32 v29, $1.258292800e+07;
	v27 =	vmax.f32 v27, $1.258291200e+07;
	[tilespmem:v30+s8+$0x0] =	vst.idx.add.f32.msk $0xffff, v20  }
0xad: {  	s0 =	sand.u32 $0x3FFFC000, s14;
	v29 =	vshll.u32 v29, $0x9;
	v32 =	vmax.f32 v32, $1.258291200e+07;
	v27 =	vmin.f32 v27, $1.258292800e+07;
	v30 =	vld [tilespmem:s22+$0x580]  }
0xae: {  	s4 =	sand.u32 $0x200, s16;
	s0 =	sor.u32 s1, s0;
	v29 =	vadd.s32 v31, v29;
	v32 =	vmin.f32 v32, $1.258292800e+07;
	v27 =	vshll.u32 v27, $0x9  }
0xaf: {  	s23 =	sor.u32 s4, s0;
	v29 =	vand.u32 $0xFFFFFF00, v29;
	v32 =	vshll.u32 v32, $0x9;
	v27 =	vadd.s32 v31, v27  }
0xb0: {  	v33 =	vld [tilespmem:s23+$0x180];
	v29 =	vor.u32 v12, v29;
	v31 =	vadd.s32 v31, v32;
	v27 =	vand.u32 $0xFFFFFF00, v27  }
0xb1: {  	v31 =	vand.u32 $0xFFFFFF00, v31;
	v27 =	vor.u32 v12, v27  }
0xb2: {  	v31 =	vor.u32 v12, v31;
	v30 =	vmul.f32 $1.875000000e+00, v30;
	_ =	sdelay $0x1  }
0xb3: {  	v30 =	vadd.f32 $1.258292000e+07, v30  }
0xb4: {  	v44 =	vmul.f32 $1.875000000e+00, v33;
	[tilespmem:v29+s8+$0x0] =	vst.idx.add.f32.msk $0xffff, v20  }
0xb5: {  	[tilespmem:v27+s8+$0x0] =	vst.idx.add.f32.msk $0xffff, v20;
	v29 =	vmax.f32 v30, $1.258291200e+07  }
0xb6: {  	[tilespmem:v31+s8+$0x0] =	vst.idx.add.f32.msk $0xffff, v20;
	v30 =	vadd.f32 $1.258292000e+07, v44;
	v29 =	vmin.f32 v29, $1.258292800e+07  }
0xb7: {  	v27 =	vor.u32 s24, v17;
	v31 =	vld [tilespmem:s22+$0x60];
	v29 =	vshll.u32 v29, $0x9  }
0xb8: {  	s17 =	simm.s32 $0x10;
	v45 =	vld [tilespmem:s22+$0xE0];
	v30 =	vmax.f32 v30, $1.258291200e+07;
	v29 =	vadd.s32 v27, v29  }
0xb9: {  	s29 =	sand.u32 $0xFFFFFF00, s17;
	v34 =	vld [tilespmem:s22+$0x160];
	v30 =	vmin.f32 v30, $1.258292800e+07;
	v29 =	vand.u32 $0xFFFFFF80, v29  }
0xba: {  	v46 =	vor.u32 s29, v2;
	v30 =	vshll.u32 v30, $0x9;
	v29 =	vor.u32 v1, v29  }
0xbb: {  	v30 =	vadd.s32 v46, v30  }
0xbc: {  	v36 =	vld [tilespmem:s23+$0x80];
	v30 =	vand.u32 $0xFFFFFF00, v30  }
0xbd: {  	v31 =	vmul.f32 $1.875000000e+00, v31;
	v32 =	vmul.f32 $1.875000000e+00, v45;
	v30 =	vor.u32 v1, v30  }
0xbe: {  	v34 =	vmul.f32 $1.875000000e+00, v34  }
0xbf: {  	v31 =	vadd.f32 $1.258292000e+07, v31;
	[tilespmem:v29+s8+$0x0] =	vst.idx.add.f32.msk $0xffff, v20;
	v29 =	vadd.f32 $1.258292000e+07, v32  }
0xc0: {  	v34 =	vadd.f32 $1.258292000e+07, v34;
	v47 =	vld [tilespmem:s22+$0x590]  }
0xc1: {  	v35 =	vld [tilespmem:s23+$0x0];
	v50 =	vmul.f32 $1.875000000e+00, v36;
	v31 =	vmax.f32 v31, $1.258291200e+07;
	v29 =	vmax.f32 v29, $1.258291200e+07  }
0xc2: {  	v34 =	vmax.f32 v34, $1.258291200e+07;
	[tilespmem:v30+s8+$0x0] =	vst.idx.add.f32.msk $0xffff, v20;
	v30 =	vmin.f32 v31, $1.258292800e+07;
	v29 =	vmin.f32 v29, $1.258292800e+07  }
0xc3: {  	v34 =	vmin.f32 v34, $1.258292800e+07;
	v31 =	vld [tilespmem:s23+$0x190];
	v30 =	vshll.u32 v30, $0x9;
	v29 =	vshll.u32 v29, $0x9  }
0xc4: {  	v34 =	vshll.u32 v34, $0x9;
	v30 =	vadd.s32 v28, v30;
	v29 =	vadd.s32 v28, v29  }
0xc5: {  	v28 =	vadd.s32 v28, v34;
	v32 =	vmul.f32 $1.875000000e+00, v47;
	v29 =	vand.u32 $0xFFFFFF00, v29  }
0xc6: {  	v37 =	vld [tilespmem:s23+$0x100];
	v30 =	vand.u32 $0xFFFFFF00, v30;
	v28 =	vand.u32 $0xFFFFFF00, v28;
	v29 =	vor.u32 v14, v29  }
0xc7: {  	v48 =	vor.u32 v14, v30;
	v28 =	vor.u32 v14, v28;
	v30 =	vadd.f32 $1.258292000e+07, v32  }
0xc8: {  	v49 =	vmul.f32 $1.875000000e+00, v35;
	v31 =	vmul.f32 $1.875000000e+00, v31  }
0xc9: {  	v38 =	vor.u32 s29, v3;
	v52 =	vadd.f32 $1.258292000e+07, v50;
	v30 =	vmax.f32 v30, $1.258291200e+07  }
0xca: {  	v32 =	vadd.f32 $1.258292000e+07, v49;
	v31 =	vadd.f32 $1.258292000e+07, v31;
	v51 =	vmin.f32 v30, $1.258292800e+07  }
0xcb: {  	v37 =	vmul.f32 $1.875000000e+00, v37;
	v30 =	vor.u32 s24, v18;
	v36 =	vshll.u32 v51, $0x9;
	[tilespmem:v29+s8+$0x0] =	vst.idx.add.f32.msk $0xffff, v20  }
0xcc: {  	v31 =	vmax.f32 v31, $1.258291200e+07;
	v29 =	vmax.f32 v32, $1.258291200e+07;
	[tilespmem:v28+s8+$0x0] =	vst.idx.add.f32.msk $0xffff, v20;
	v28 =	vmax.f32 v52, $1.258291200e+07  }
0xcd: {  	v36 =	vadd.s32 v30, v36;
	v31 =	vmin.f32 v31, $1.258292800e+07;
	v29 =	vmin.f32 v29, $1.258292800e+07  }
0xce: {  	v28 =	vmin.f32 v28, $1.258292800e+07;
	v36 =	vand.u32 $0xFFFFFF80, v36;
	v31 =	vshll.u32 v31, $0x9  }
0xcf: {  	v29 =	vshll.u32 v29, $0x9;
	v53 =	vor.u32 v4, v36;
	v31 =	vadd.s32 v38, v31  }
0xd0: {  	[tilespmem:v48+s8+$0x0] =	vst.idx.add.f32.msk $0xffff, v20;
	v28 =	vshll.u32 v28, $0x9;
	v29 =	vadd.s32 v46, v29;
	v31 =	vand.u32 $0xFFFFFF00, v31  }
0xd1: {  	v55 =	vld [tilespmem:s22+$0x70];
	v28 =	vadd.s32 v46, v28;
	v29 =	vand.u32 $0xFFFFFF00, v29;
	v31 =	vor.u32 v4, v31  }
0xd2: {  	v58 =	vld [tilespmem:s22+$0x170];
	v28 =	vand.u32 $0xFFFFFF00, v28;
	v29 =	vor.u32 v1, v29  }
0xd3: {  	v54 =	vadd.f32 $1.258292000e+07, v37;
	v56 =	vld [tilespmem:s22+$0xF0];
	v28 =	vor.u32 v1, v28  }
0xd4: {  	[tilespmem:v53+s8+$0x0] =	vst.idx.add.f32.msk $0xffff, v20  }
0xd5: {  	v32 =	vmax.f32 v54, $1.258291200e+07;
	v35 =	vld [tilespmem:s22+$0x5A0]  }
0xd6: {  	v32 =	vmin.f32 v32, $1.258292800e+07;
	v34 =	vmul.f32 $1.875000000e+00, v55;
	[tilespmem:v31+s8+$0x0] =	vst.idx.add.f32.msk $0xffff, v20  }
0xd7: {  	v32 =	vshll.u32 v32, $0x9;
	v33 =	vmul.f32 $1.875000000e+00, v58;
	[tilespmem:v29+s8+$0x0] =	vst.idx.add.f32.msk $0xffff, v20  }
0xd8: {  	v32 =	vadd.s32 v46, v32;
	v34 =	vadd.f32 $1.258292000e+07, v34;
	[tilespmem:v28+s8+$0x0] =	vst.idx.add.f32.msk $0xffff, v20  }
0xd9: {  	v33 =	vadd.f32 $1.258292000e+07, v33;
	v31 =	vand.u32 $0xFFFFFF00, v32;
	v57 =	vld [tilespmem:s23+$0x1A0]  }
0xda: {  	v34 =	vmax.f32 v34, $1.258291200e+07;
	v28 =	vmul.f32 $1.875000000e+00, v56;
	v31 =	vor.u32 v1, v31;
	v59 =	vld [tilespmem:s23+$0x10]  }
0xdb: {  	v34 =	vmin.f32 v34, $1.258292800e+07;
	v33 =	vmax.f32 v33, $1.258291200e+07  }
0xdc: {  	v33 =	vmin.f32 v33, $1.258292800e+07;
	v28 =	vadd.f32 $1.258292000e+07, v28;
	v29 =	vmul.f32 $1.875000000e+00, v35  }
0xdd: {  	v39 =	vor.u32 s29, v5;
	v34 =	vshll.u32 v34, $0x9;
	v33 =	vshll.u32 v33, $0x9  }
0xde: {  	v28 =	vmax.f32 v28, $1.258291200e+07;
	v29 =	vadd.f32 $1.258292000e+07, v29;
	v32 =	vmul.f32 $1.875000000e+00, v57  }
0xdf: {  	v34 =	vadd.s32 v26, v34;
	v28 =	vmin.f32 v28, $1.258292800e+07;
	[tilespmem:v31+s8+$0x0] =	vst.idx.add.f32.msk $0xffff, v20;
	v35 =	vmul.f32 $1.875000000e+00, v59  }
0xe0: {  	v31 =	vld [tilespmem:s23+$0x90];
	v28 =	vshll.u32 v28, $0x9;
	v29 =	vmax.f32 v29, $1.258291200e+07;
	v32 =	vadd.f32 $1.258292000e+07, v32  }
0xe1: {  	v60 =	vld [tilespmem:s23+$0x110];
	v28 =	vadd.s32 v26, v28;
	v26 =	vadd.s32 v26, v33;
	v61 =	vmin.f32 v29, $1.258292800e+07  }
0xe2: {  	v29 =	vor.u32 s24, v19;
	v37 =	vshll.u32 v61, $0x9;
	v32 =	vmax.f32 v32, $1.258291200e+07  }
0xe3: {  	v35 =	vadd.f32 $1.258292000e+07, v35;
	v37 =	vadd.s32 v29, v37;
	v32 =	vmin.f32 v32, $1.258292800e+07  }
0xe4: {  	v28 =	vand.u32 $0xFFFFFF00, v28;
	v37 =	vand.u32 $0xFFFFFF80, v37;
	v32 =	vshll.u32 v32, $0x9  }
0xe5: {  	v31 =	vmul.f32 $1.875000000e+00, v31;
	v37 =	vor.u32 v6, v37;
	v32 =	vadd.s32 v39, v32  }
0xe6: {  	v26 =	vand.u32 $0xFFFFFF00, v26;
	v36 =	vmul.f32 $1.875000000e+00, v60;
	v32 =	vand.u32 $0xFFFFFF00, v32  }
0xe7: {  	v35 =	vmax.f32 v35, $1.258291200e+07;
	v31 =	vadd.f32 $1.258292000e+07, v31;
	v32 =	vor.u32 v6, v32  }
0xe8: {  	v28 =	vor.u32 v16, v28;
	v35 =	vmin.f32 v35, $1.258292800e+07;
	v36 =	vadd.f32 $1.258292000e+07, v36  }
0xe9: {  	v43 =	vor.u32 v16, v26;
	v35 =	vshll.u32 v35, $0x9;
	v31 =	vmax.f32 v31, $1.258291200e+07  }
0xea: {  	v35 =	vadd.s32 v38, v35;
	v31 =	vmin.f32 v31, $1.258292800e+07;
	v36 =	vmax.f32 v36, $1.258291200e+07;
	[tilespmem:v37+s8+$0x0] =	vst.idx.add.f32.msk $0xffff, v20  }
0xeb: {  	v35 =	vand.u32 $0xFFFFFF00, v35;
	v31 =	vshll.u32 v31, $0x9;
	v36 =	vmin.f32 v36, $1.258292800e+07;
	v37 =	vld [tilespmem:s22+$0x5B0]  }
0xec: {  	v35 =	vor.u32 v4, v35;
	v31 =	vadd.s32 v38, v31;
	v36 =	vshll.u32 v36, $0x9;
	[tilespmem:v32+s8+$0x0] =	vst.idx.add.f32.msk $0xffff, v20  }
0xed: {  	v31 =	vand.u32 $0xFFFFFF00, v31;
	v62 =	vadd.s32 v38, v36;
	v63 =	vld [tilespmem:s23+$0x1B0]  }
0xee: {  	[tilespmem:v28+s8+$0x0] =	vst.idx.add.f32.msk $0xffff, v20;
	v32 =	vand.u32 $0xFFFFFF00, v62;
	v31 =	vor.u32 v4, v31  }
0xef: {  	[tilespmem:v43+s8+$0x0] =	vst.idx.add.f32.msk $0xffff, v20;
	v32 =	vor.u32 v4, v32  }
0xf0: {  	v49 =	vld [tilespmem:s22+$0x480];
	v37 =	vmul.f32 $1.875000000e+00, v37  }
0xf1: {  	[tilespmem:v35+s8+$0x0] =	vst.idx.add.f32.msk $0xffff, v20  }
0xf2: {  	v38 =	vand.u32 $0xFFFFFF00, v34;
	v44 =	vld [tilespmem:s23+$0x20];
	v40 =	vadd.f32 $1.258292000e+07, v37;
	v41 =	vmul.f32 $1.875000000e+00, v63  }
0xf3: {  	v33 =	vor.u32 v16, v38;
	[tilespmem:v31+s8+$0x0] =	vst.idx.add.f32.msk $0xffff, v20  }
0xf4: {  	[tilespmem:v32+s8+$0x0] =	vst.idx.add.f32.msk $0xffff, v20;
	v31 =	vmax.f32 v40, $1.258291200e+07;
	v42 =	vadd.f32 $1.258292000e+07, v41  }
0xf5: {  	v45 =	vld [tilespmem:s23+$0xA0];
	v31 =	vmin.f32 v31, $1.258292800e+07  }
0xf6: {  	v26 =	vor.u32 s24, v21;
	v46 =	vld [tilespmem:s23+$0x120];
	v31 =	vshll.u32 v31, $0x9;
	v32 =	vmax.f32 v42, $1.258291200e+07  }
0xf7: {  	v50 =	vld [tilespmem:s22+$0x500];
	v36 =	vmul.f32 $1.875000000e+00, v49;
	v31 =	vadd.s32 v26, v31;
	v32 =	vmin.f32 v32, $1.258292800e+07  }
0xf8: {  	[tilespmem:v33+s8+$0x0] =	vst.idx.add.f32.msk $0xffff, v20;
	v33 =	vor.u32 s29, v7;
	v31 =	vand.u32 $0xFFFFFF80, v31;
	v32 =	vshll.u32 v32, $0x9  }
0xf9: {  	v36 =	vadd.f32 $1.258292000e+07, v36;
	v28 =	vor.u32 v8, v31;
	v31 =	vadd.s32 v33, v32  }
0xfa: {  	v35 =	vmul.f32 $1.875000000e+00, v44;
	v48 =	vmul.f32 $1.875000000e+00, v45;
	v31 =	vand.u32 $0xFFFFFF00, v31  }
0xfb: {  	v36 =	vmax.f32 v36, $1.258291200e+07;
	v37 =	vmul.f32 $1.875000000e+00, v46;
	v31 =	vor.u32 v8, v31  }
0xfc: {  	v36 =	vmin.f32 v36, $1.258292800e+07;
	v35 =	vadd.f32 $1.258292000e+07, v35;
	v34 =	vadd.f32 $1.258292000e+07, v48  }
0xfd: {  	v38 =	vmul.f32 $1.875000000e+00, v50;
	v47 =	vld [tilespmem:s22+$0x400];
	v36 =	vshll.u32 v36, $0x9;
	v37 =	vadd.f32 $1.258292000e+07, v37  }
0xfe: {  	v36 =	vadd.s32 v27, v36;
	v35 =	vmax.f32 v35, $1.258291200e+07;
	v34 =	vmax.f32 v34, $1.258291200e+07;
	[tilespmem:v28+s8+$0x0] =	vst.idx.add.f32.msk $0xffff, v20  }
0xff: {  	v51 =	vmin.f32 v35, $1.258292800e+07;
	v34 =	vmin.f32 v34, $1.258292800e+07;
	v37 =	vmax.f32 v37, $1.258291200e+07;
	v52 =	vld [tilespmem:s22+$0x5C0]  }
0x100: {  	v32 =	vshll.u32 v51, $0x9;
	v53 =	vmin.f32 v37, $1.258292800e+07;
	[tilespmem:v31+s8+$0x0] =	vst.idx.add.f32.msk $0xffff, v20;
	v31 =	vshll.u32 v34, $0x9  }
0x101: {  	v32 =	vadd.s32 v39, v32;
	v34 =	vshll.u32 v53, $0x9;
	v54 =	vld [tilespmem:s23+$0x1C0];
	v31 =	vadd.s32 v39, v31  }
0x102: {  	v28 =	vmul.f32 $1.875000000e+00, v47;
	v34 =	vadd.s32 v39, v34;
	v31 =	vand.u32 $0xFFFFFF00, v31  }
0x103: {  	v32 =	vand.u32 $0xFFFFFF00, v32;
	v34 =	vand.u32 $0xFFFFFF00, v34;
	v31 =	vor.u32 v6, v31  }
0x104: {  	v28 =	vadd.f32 $1.258292000e+07, v28;
	v34 =	vor.u32 v6, v34;
	v35 =	vmul.f32 $1.875000000e+00, v52  }
0x105: {  	v38 =	vadd.f32 $1.258292000e+07, v38;
	v36 =	vand.u32 $0xFFFFFF80, v36;
	v32 =	vor.u32 v6, v32  }
0x106: {  	v28 =	vmax.f32 v28, $1.258291200e+07;
	v35 =	vadd.f32 $1.258292000e+07, v35;
	v37 =	vmul.f32 $1.875000000e+00, v54  }
0x107: {  	v59 =	vmax.f32 v38, $1.258291200e+07;
	v36 =	vor.u32 v1, v36;
	v57 =	vmin.f32 v28, $1.258292800e+07  }
0x108: {  	v28 =	vor.u32 s24, v22;
	v55 =	vmax.f32 v35, $1.258291200e+07;
	v56 =	vadd.f32 $1.258292000e+07, v37;
	[tilespmem:v31+s8+$0x0] =	vst.idx.add.f32.msk $0xffff, v20  }
0x109: {  	[tilespmem:v34+s8+$0x0] =	vst.idx.add.f32.msk $0xffff, v20;
	v34 =	vmin.f32 v59, $1.258292800e+07;
	v37 =	vshll.u32 v57, $0x9;
	v31 =	vmin.f32 v55, $1.258292800e+07  }
0x10a: {  	v37 =	vadd.s32 v27, v37;
	v34 =	vshll.u32 v34, $0x9;
	v31 =	vshll.u32 v31, $0x9  }
0x10b: {  	[tilespmem:v32+s8+$0x0] =	vst.idx.add.f32.msk $0xffff, v20;
	v58 =	vmax.f32 v56, $1.258291200e+07;
	v27 =	vadd.s32 v27, v34;
	v31 =	vadd.s32 v28, v31  }
0x10c: {  	v61 =	vld [tilespmem:s23+$0xB0];
	v32 =	vmin.f32 v58, $1.258292800e+07;
	v27 =	vand.u32 $0xFFFFFF80, v27;
	v62 =	vand.u32 $0xFFFFFF80, v31  }
0x10d: {  	v60 =	vld [tilespmem:s23+$0x30];
	v31 =	vor.u32 s29, v9;
	v32 =	vshll.u32 v32, $0x9;
	v27 =	vor.u32 v1, v27  }
0x10e: {  	v40 =	vld [tilespmem:s23+$0x130];
	v39 =	vor.u32 v10, v62;
	v32 =	vadd.s32 v31, v32  }
0x10f: {  	v32 =	vand.u32 $0xFFFFFF00, v32  }
0x110: {  	v32 =	vor.u32 v10, v32  }
0x111: {  	[tilespmem:v36+s8+$0x0] =	vst.idx.add.f32.msk $0xffff, v20;
	v38 =	vmul.f32 $1.875000000e+00, v61  }
0x112: {  	v35 =	vmul.f32 $1.875000000e+00, v60;
	[tilespmem:v27+s8+$0x0] =	vst.idx.add.f32.msk $0xffff, v20  }
0x113: {  	v37 =	vand.u32 $0xFFFFFF80, v37;
	v40 =	vmul.f32 $1.875000000e+00, v40;
	v38 =	vadd.f32 $1.258292000e+07, v38;
	[tilespmem:v39+s8+$0x0] =	vst.idx.add.f32.msk $0xffff, v20  }
0x114: {  	v63 =	vadd.f32 $1.258292000e+07, v35;
	v37 =	vor.u32 v1, v37;
	v52 =	vld [tilespmem:s22+$0x510]  }
0x115: {  	v43 =	vadd.f32 $1.258292000e+07, v40;
	v46 =	vmax.f32 v38, $1.258291200e+07;
	[tilespmem:v32+s8+$0x0] =	vst.idx.add.f32.msk $0xffff, v20  }
0x116: {  	v44 =	vmax.f32 v63, $1.258291200e+07;
	v48 =	vmin.f32 v46, $1.258292800e+07;
	v45 =	vld [tilespmem:s23+$0x1D0]  }
0x117: {  	v47 =	vmax.f32 v43, $1.258291200e+07;
	v42 =	vld [tilespmem:s22+$0x5D0];
	v32 =	vmin.f32 v44, $1.258292800e+07;
	v36 =	vshll.u32 v48, $0x9  }
0x118: {  	v51 =	vld [tilespmem:s22+$0x490];
	v49 =	vmin.f32 v47, $1.258292800e+07;
	v32 =	vshll.u32 v32, $0x9;
	v36 =	vadd.s32 v33, v36  }
0x119: {  	[tilespmem:v37+s8+$0x0] =	vst.idx.add.f32.msk $0xffff, v20;
	v37 =	vshll.u32 v49, $0x9;
	v32 =	vadd.s32 v33, v32;
	v27 =	vand.u32 $0xFFFFFF00, v36  }
0x11a: {  	v50 =	vld [tilespmem:s22+$0x410];
	v33 =	vadd.s32 v33, v37;
	v32 =	vand.u32 $0xFFFFFF00, v32;
	v53 =	vor.u32 v8, v27  }
0x11b: {  	v33 =	vand.u32 $0xFFFFFF00, v33;
	v32 =	vor.u32 v8, v32;
	v34 =	vmul.f32 $1.875000000e+00, v45  }
0x11c: {  	v36 =	vmul.f32 $1.875000000e+00, v52;
	v35 =	vmul.f32 $1.875000000e+00, v42;
	v33 =	vor.u32 v8, v33  }
0x11d: {  	v37 =	vmul.f32 $1.875000000e+00, v51;
	v34 =	vadd.f32 $1.258292000e+07, v34  }
0x11e: {  	v36 =	vadd.f32 $1.258292000e+07, v36;
	v35 =	vadd.f32 $1.258292000e+07, v35  }
0x11f: {  	v54 =	vmul.f32 $1.875000000e+00, v50;
	v57 =	vadd.f32 $1.258292000e+07, v37;
	[tilespmem:v53+s8+$0x0] =	vst.idx.add.f32.msk $0xffff, v20;
	v34 =	vmax.f32 v34, $1.258291200e+07  }
0x120: {  	v36 =	vmax.f32 v36, $1.258291200e+07;
	v27 =	vmax.f32 v35, $1.258291200e+07;
	[tilespmem:v32+s8+$0x0] =	vst.idx.add.f32.msk $0xffff, v20;
	v34 =	vmin.f32 v34, $1.258292800e+07  }
0x121: {  	v35 =	vadd.f32 $1.258292000e+07, v54;
	v32 =	vor.u32 s29, v11;
	[tilespmem:v33+s8+$0x0] =	vst.idx.add.f32.msk $0xffff, v20;
	v34 =	vshll.u32 v34, $0x9  }
0x122: {  	v36 =	vmin.f32 v36, $1.258292800e+07;
	v55 =	vmin.f32 v27, $1.258292800e+07;
	v58 =	vld [tilespmem:s23+$0x40];
	v34 =	vadd.s32 v32, v34  }
0x123: {  	v27 =	vor.u32 s24, v23;
	v35 =	vmax.f32 v35, $1.258291200e+07;
	v59 =	vld [tilespmem:s23+$0x140];
	v56 =	vand.u32 $0xFFFFFF00, v34  }
0x124: {  	v39 =	vld [tilespmem:s23+$0xC0];
	v38 =	vshll.u32 v55, $0x9;
	v35 =	vmin.f32 v35, $1.258292800e+07;
	v33 =	vor.u32 v12, v56  }
0x125: {  	v36 =	vshll.u32 v36, $0x9;
	v38 =	vadd.s32 v27, v38;
	v35 =	vshll.u32 v35, $0x9  }
0x126: {  	v38 =	vand.u32 $0xFFFFFF80, v38;
	v35 =	vadd.s32 v30, v35;
	v34 =	vmax.f32 v57, $1.258291200e+07  }
0x127: {  	v38 =	vor.u32 v12, v38;
	v35 =	vand.u32 $0xFFFFFF80, v35;
	v34 =	vmin.f32 v34, $1.258292800e+07  }
0x128: {  	v37 =	vmul.f32 $1.875000000e+00, v58;
	v63 =	vmul.f32 $1.875000000e+00, v59;
	v34 =	vshll.u32 v34, $0x9  }
0x129: {  	v61 =	vmul.f32 $1.875000000e+00, v39;
	v35 =	vor.u32 v4, v35;
	v34 =	vadd.s32 v30, v34;
	[tilespmem:v33+s8+$0x0] =	vst.idx.add.f32.msk $0xffff, v20  }
0x12a: {  	v30 =	vadd.s32 v30, v36;
	v37 =	vadd.f32 $1.258292000e+07, v37;
	v39 =	vadd.f32 $1.258292000e+07, v63;
	v62 =	vld [tilespmem:s23+$0x1E0]  }
0x12b: {  	v60 =	vand.u32 $0xFFFFFF80, v34;
	v30 =	vand.u32 $0xFFFFFF80, v30;
	v34 =	vadd.f32 $1.258292000e+07, v61  }
0x12c: {  	[tilespmem:v38+s8+$0x0] =	vst.idx.add.f32.msk $0xffff, v20;
	v30 =	vor.u32 v4, v30;
	v37 =	vmax.f32 v37, $1.258291200e+07;
	v39 =	vmax.f32 v39, $1.258291200e+07  }
0x12d: {  	v38 =	vld [tilespmem:s22+$0x5E0];
	v33 =	vor.u32 v4, v60;
	v37 =	vmin.f32 v37, $1.258292800e+07;
	v34 =	vmax.f32 v34, $1.258291200e+07  }
0x12e: {  	v39 =	vmin.f32 v39, $1.258292800e+07;
	v34 =	vmin.f32 v34, $1.258292800e+07;
	v37 =	vshll.u32 v37, $0x9  }
0x12f: {  	[tilespmem:v35+s8+$0x0] =	vst.idx.add.f32.msk $0xffff, v20;
	v34 =	vshll.u32 v34, $0x9;
	v40 =	vadd.s32 v31, v37;
	v36 =	vmul.f32 $1.875000000e+00, v62  }
0x130: {  	v41 =	vshll.u32 v39, $0x9;
	v43 =	vld [tilespmem:s22+$0x420];
	v34 =	vadd.s32 v31, v34;
	v35 =	vand.u32 $0xFFFFFF00, v40  }
0x131: {  	[tilespmem:v30+s8+$0x0] =	vst.idx.add.f32.msk $0xffff, v20;
	v30 =	vadd.s32 v31, v41;
	v31 =	vor.u32 v10, v35;
	v36 =	vadd.f32 $1.258292000e+07, v36  }
0x132: {  	v38 =	vmul.f32 $1.875000000e+00, v38;
	v34 =	vand.u32 $0xFFFFFF00, v34;
	[tilespmem:v33+s8+$0x0] =	vst.idx.add.f32.msk $0xffff, v20  }
0x133: {  	v44 =	vor.u32 v10, v34;
	v30 =	vand.u32 $0xFFFFFF00, v30;
	v45 =	vld [tilespmem:s22+$0x4A0];
	v42 =	vmax.f32 v36, $1.258291200e+07  }
0x134: {  	v46 =	vld [tilespmem:s22+$0x520];
	v30 =	vor.u32 v10, v30;
	v38 =	vadd.f32 $1.258292000e+07, v38;
	v33 =	vmin.f32 v42, $1.258292800e+07  }
0x135: {  	v34 =	vor.u32 s29, v13;
	v35 =	vmul.f32 $1.875000000e+00, v43;
	v33 =	vshll.u32 v33, $0x9  }
0x136: {  	[tilespmem:v31+s8+$0x0] =	vst.idx.add.f32.msk $0xffff, v20;
	v31 =	vmax.f32 v38, $1.258291200e+07;
	v33 =	vadd.s32 v34, v33  }
0x137: {  	v35 =	vadd.f32 $1.258292000e+07, v35;
	v47 =	vmin.f32 v31, $1.258292800e+07;
	v33 =	vand.u32 $0xFFFFFF00, v33  }
0x138: {  	[tilespmem:v44+s8+$0x0] =	vst.idx.add.f32.msk $0xffff, v20;
	v31 =	vor.u32 s24, v24;
	v37 =	vmul.f32 $1.875000000e+00, v45;
	v33 =	vor.u32 v14, v33  }
0x139: {  	v48 =	vmul.f32 $1.875000000e+00, v46;
	v35 =	vmax.f32 v35, $1.258291200e+07;
	[tilespmem:v30+s8+$0x0] =	vst.idx.add.f32.msk $0xffff, v20;
	v30 =	vshll.u32 v47, $0x9  }
0x13a: {  	v50 =	vld [tilespmem:s23+$0xD0];
	v35 =	vmin.f32 v35, $1.258292800e+07;
	v30 =	vadd.s32 v31, v30;
	v37 =	vadd.f32 $1.258292000e+07, v37  }
0x13b: {  	v36 =	vadd.f32 $1.258292000e+07, v48;
	v35 =	vshll.u32 v35, $0x9;
	v53 =	vld [tilespmem:s23+$0x150];
	v30 =	vand.u32 $0xFFFFFF80, v30  }
0x13c: {  	v49 =	vld [tilespmem:s23+$0x50];
	v35 =	vadd.s32 v29, v35;
	v30 =	vor.u32 v14, v30;
	v51 =	vmax.f32 v37, $1.258291200e+07  }
0x13d: {  	v36 =	vmax.f32 v36, $1.258291200e+07;
	v35 =	vand.u32 $0xFFFFFF80, v35;
	[tilespmem:v33+s8+$0x0] =	vst.idx.add.f32.msk $0xffff, v20;
	v33 =	vmin.f32 v51, $1.258292800e+07  }
0x13e: {  	v36 =	vmin.f32 v36, $1.258292800e+07;
	v35 =	vor.u32 v6, v35;
	v33 =	vshll.u32 v33, $0x9  }
0x13f: {  	v36 =	vshll.u32 v36, $0x9;
	v55 =	vmul.f32 $1.875000000e+00, v50;
	v52 =	vld [tilespmem:s23+$0x1F0];
	v33 =	vadd.s32 v29, v33  }
0x140: {  	v56 =	vmul.f32 $1.875000000e+00, v53;
	v29 =	vadd.s32 v29, v36;
	v33 =	vand.u32 $0xFFFFFF80, v33  }
0x141: {  	[tilespmem:v30+s8+$0x0] =	vst.idx.add.f32.msk $0xffff, v20;
	v30 =	vadd.f32 $1.258292000e+07, v55;
	v29 =	vand.u32 $0xFFFFFF80, v29;
	v33 =	vor.u32 v6, v33  }
0x142: {  	v54 =	vmul.f32 $1.875000000e+00, v49;
	v29 =	vor.u32 v6, v29  }
0x143: {  	v57 =	vadd.f32 $1.258292000e+07, v56;
	[tilespmem:v35+s8+$0x0] =	vst.idx.add.f32.msk $0xffff, v20;
	v30 =	vmax.f32 v30, $1.258291200e+07  }
0x144: {  	v59 =	vld [tilespmem:s22+$0x430];
	v36 =	vadd.f32 $1.258292000e+07, v54;
	v30 =	vmin.f32 v30, $1.258292800e+07;
	v37 =	vmul.f32 $1.875000000e+00, v52  }
0x145: {  	v38 =	vmax.f32 v57, $1.258291200e+07;
	v30 =	vshll.u32 v30, $0x9  }
0x146: {  	v36 =	vmax.f32 v36, $1.258291200e+07;
	v30 =	vadd.s32 v32, v30;
	v37 =	vadd.f32 $1.258292000e+07, v37;
	[tilespmem:v33+s8+$0x0] =	vst.idx.add.f32.msk $0xffff, v20  }
0x147: {  	v60 =	vmin.f32 v38, $1.258292800e+07;
	v36 =	vmin.f32 v36, $1.258292800e+07;
	v30 =	vand.u32 $0xFFFFFF00, v30;
	[tilespmem:v29+s8+$0x0] =	vst.idx.add.f32.msk $0xffff, v20  }
0x148: {  	v36 =	vshll.u32 v36, $0x9;
	v30 =	vor.u32 v12, v30;
	v58 =	vmax.f32 v37, $1.258291200e+07;
	v61 =	vld [tilespmem:s22+$0x4B0]  }
0x149: {  	v36 =	vadd.s32 v32, v36;
	v62 =	vld [tilespmem:s22+$0x530];
	v37 =	vmul.f32 $1.875000000e+00, v59;
	v35 =	vmin.f32 v58, $1.258292800e+07  }
0x14a: {  	v36 =	vand.u32 $0xFFFFFF00, v36;
	v33 =	vor.u32 s29, v15;
	v35 =	vshll.u32 v35, $0x9  }
0x14b: {  	v44 =	vor.u32 v12, v36;
	v45 =	vadd.f32 $1.258292000e+07, v37;
	v29 =	vadd.s32 v33, v35  }
0x14c: {  	v35 =	vshll.u32 v60, $0x9;
	v29 =	vand.u32 $0xFFFFFF00, v29  }
0x14d: {  	v63 =	vld [tilespmem:s22+$0x5F0];
	v32 =	vadd.s32 v32, v35;
	v36 =	vmax.f32 v45, $1.258291200e+07;
	v29 =	vor.u32 v16, v29  }
0x14e: {  	[tilespmem:v30+s8+$0x0] =	vst.idx.add.f32.msk $0xffff, v20;
	v32 =	vand.u32 $0xFFFFFF00, v32;
	v46 =	vmul.f32 $1.875000000e+00, v61;
	v47 =	vmul.f32 $1.875000000e+00, v62  }
0x14f: {  	v55 =	vld [tilespmem:s23+$0xE0];
	v36 =	vmin.f32 v36, $1.258292800e+07;
	v32 =	vor.u32 v12, v32  }
0x150: {  	[tilespmem:v44+s8+$0x0] =	vst.idx.add.f32.msk $0xffff, v20;
	v49 =	vshll.u32 v36, $0x9;
	v37 =	vadd.f32 $1.258292000e+07, v46;
	v50 =	vadd.f32 $1.258292000e+07, v47  }
0x151: {  	v54 =	vld [tilespmem:s23+$0x60];
	v30 =	vadd.s32 v26, v49  }
0x152: {  	v30 =	vand.u32 $0xFFFFFF80, v30;
	v51 =	vmax.f32 v37, $1.258291200e+07;
	v53 =	vmax.f32 v50, $1.258291200e+07;
	[tilespmem:v29+s8+$0x0] =	vst.idx.add.f32.msk $0xffff, v20  }
0x153: {  	v30 =	vor.u32 v8, v30;
	v52 =	vmin.f32 v51, $1.258292800e+07;
	v35 =	vmin.f32 v53, $1.258292800e+07;
	v48 =	vld [tilespmem:s23+$0x580]  }
0x154: {  	v37 =	vmul.f32 $1.875000000e+00, v55;
	[tilespmem:v32+s8+$0x0] =	vst.idx.add.f32.msk $0xffff, v20;
	v32 =	vshll.u32 v52, $0x9;
	v35 =	vshll.u32 v35, $0x9  }
0x155: {  	v29 =	vmul.f32 $1.875000000e+00, v63;
	v32 =	vadd.s32 v26, v32;
	v26 =	vadd.s32 v26, v35  }
0x156: {  	s26 =	simm.s32 $0x800;
	v36 =	vmul.f32 $1.875000000e+00, v54;
	v37 =	vadd.f32 $1.258292000e+07, v37;
	v26 =	vand.u32 $0xFFFFFF80, v26  }
0x157: {  	s28 =	simm.s32 $0x400;
	s25 =	sand.u32 $0x3800, s26;
	v29 =	vadd.f32 $1.258292000e+07, v29;
	v59 =	vor.u32 v8, v26;
	v26 =	vor.u32 s24, v25;
	s24 =	simm.s32 $0x800  }
0x158: {  	v57 =	vld [tilespmem:s23+$0x160];
	v36 =	vadd.f32 $1.258292000e+07, v36;
	v32 =	vand.u32 $0xFFFFFF80, v32;
	s0 =	sand.u32 $0x3FFFC000, s24;
	v56 =	vmul.f32 $1.875000000e+00, v48  }
0x159: {  	s30 =	sand.u32 $0x200, s28;
	v37 =	vmax.f32 v37, $1.258291200e+07;
	v29 =	vmax.f32 v29, $1.258291200e+07;
	v32 =	vor.u32 v8, v32;
	[tilespmem:v30+s8+$0x0] =	vst.idx.add.f32.msk $0xffff, v20;
	s0 =	sor.u32 s25, s0  }
0x15a: {  	v30 =	vor.u32 s29, v17;
	v36 =	vmax.f32 v36, $1.258291200e+07;
	v60 =	vld [tilespmem:s22+$0x440];
	s24 =	sor.u32 s30, s0;
	v58 =	vadd.f32 $1.258292000e+07, v56  }
0x15b: {  	v37 =	vmin.f32 v37, $1.258292800e+07;
	v29 =	vmin.f32 v29, $1.258292800e+07;
	v36 =	vmin.f32 v36, $1.258292800e+07;
	v62 =	vld [tilespmem:s24+$0x180]  }
0x15c: {  	v37 =	vshll.u32 v37, $0x9;
	v29 =	vshll.u32 v29, $0x9;
	v42 =	vld [tilespmem:s24+$0x80];
	v35 =	vmax.f32 v58, $1.258291200e+07  }
0x15d: {  	s31 =	simm.s32 $0x20;
	v36 =	vshll.u32 v36, $0x9;
	v37 =	vadd.s32 v34, v37;
	v44 =	vld [tilespmem:s24+$0x100];
	v35 =	vmin.f32 v35, $1.258292800e+07  }
0x15e: {  	s25 =	sand.u32 $0xFFFFFF00, s31;
	v39 =	vmul.f32 $1.875000000e+00, v57;
	v36 =	vadd.s32 v34, v36;
	[tilespmem:v32+s8+$0x0] =	vst.idx.add.f32.msk $0xffff, v20;
	v35 =	vshll.u32 v35, $0x9  }
0x15f: {  	v46 =	vand.u32 $0xFFFFFF00, v37;
	v43 =	vor.u32 s25, v2;
	[tilespmem:v59+s8+$0x0] =	vst.idx.add.f32.msk $0xffff, v20;
	v35 =	vadd.s32 v30, v35  }
0x160: {  	v32 =	vadd.s32 v26, v29;
	v29 =	vadd.f32 $1.258292000e+07, v39;
	v61 =	vld [tilespmem:s22+$0x4C0];
	v35 =	vand.u32 $0xFFFFFF80, v35  }
0x161: {  	v36 =	vand.u32 $0xFFFFFF00, v36;
	v41 =	vld [tilespmem:s22+$0x540];
	v40 =	vmul.f32 $1.875000000e+00, v60;
	v35 =	vor.u32 v1, v35  }
0x162: {  	v52 =	vld [tilespmem:s24+$0x0];
	v63 =	vor.u32 v14, v36;
	v36 =	vor.u32 v14, v46;
	v29 =	vmax.f32 v29, $1.258291200e+07  }
0x163: {  	v29 =	vmin.f32 v29, $1.258292800e+07;
	v47 =	vadd.f32 $1.258292000e+07, v40;
	v49 =	vmul.f32 $1.875000000e+00, v62  }
0x164: {  	v29 =	vshll.u32 v29, $0x9;
	v55 =	vmul.f32 $1.875000000e+00, v42;
	v57 =	vmul.f32 $1.875000000e+00, v44  }
0x165: {  	v29 =	vadd.s32 v34, v29;
	v37 =	vmax.f32 v47, $1.258291200e+07;
	v34 =	vor.u32 s29, v18  }
0x166: {  	v29 =	vand.u32 $0xFFFFFF00, v29;
	v48 =	vmul.f32 $1.875000000e+00, v61;
	v51 =	vmul.f32 $1.875000000e+00, v41;
	[tilespmem:v35+s8+$0x0] =	vst.idx.add.f32.msk $0xffff, v20  }
0x167: {  	v37 =	vmin.f32 v37, $1.258292800e+07;
	v38 =	vadd.f32 $1.258292000e+07, v49;
	v41 =	vmul.f32 $1.875000000e+00, v52;
	v50 =	vld [tilespmem:s23+$0x590]  }
0x168: {  	v59 =	vadd.f32 $1.258292000e+07, v55;
	v29 =	vor.u32 v14, v29;
	v37 =	vshll.u32 v37, $0x9  }
0x169: {  	[tilespmem:v63+s8+$0x0] =	vst.idx.add.f32.msk $0xffff, v20;
	v40 =	vadd.f32 $1.258292000e+07, v51;
	v38 =	vmax.f32 v38, $1.258291200e+07;
	v56 =	vadd.f32 $1.258292000e+07, v41  }
0x16a: {  	[tilespmem:v36+s8+$0x0] =	vst.idx.add.f32.msk $0xffff, v20;
	v41 =	vadd.f32 $1.258292000e+07, v57;
	v36 =	vmax.f32 v59, $1.258291200e+07;
	v38 =	vmin.f32 v38, $1.258292800e+07  }
0x16b: {  	v58 =	vld [tilespmem:s23+$0x70];
	v37 =	vadd.s32 v28, v37;
	v36 =	vmin.f32 v36, $1.258292800e+07;
	v38 =	vshll.u32 v38, $0x9  }
0x16c: {  	v40 =	vmax.f32 v40, $1.258291200e+07;
	v41 =	vmax.f32 v41, $1.258291200e+07;
	v39 =	vmul.f32 $1.875000000e+00, v50  }
0x16d: {  	v36 =	vshll.u32 v36, $0x9;
	v35 =	vadd.f32 $1.258292000e+07, v48;
	v38 =	vadd.s32 v43, v38  }
0x16e: {  	v40 =	vmin.f32 v40, $1.258292800e+07;
	v38 =	vand.u32 $0xFFFFFF00, v38;
	v39 =	vadd.f32 $1.258292000e+07, v39  }
0x16f: {  	v41 =	vmin.f32 v41, $1.258292800e+07;
	v36 =	vadd.s32 v43, v36;
	v38 =	vor.u32 v1, v38  }
0x170: {  	v42 =	vmul.f32 $1.875000000e+00, v58;
	v36 =	vand.u32 $0xFFFFFF00, v36;
	v53 =	vmax.f32 v39, $1.258291200e+07  }
0x171: {  	v41 =	vshll.u32 v41, $0x9;
	v36 =	vor.u32 v1, v36;
	v39 =	vmin.f32 v53, $1.258292800e+07  }
0x172: {  	v54 =	vshll.u32 v40, $0x9;
	[tilespmem:v29+s8+$0x0] =	vst.idx.add.f32.msk $0xffff, v20;
	v41 =	vadd.s32 v43, v41;
	v29 =	vshll.u32 v39, $0x9  }
0x173: {  	v35 =	vmax.f32 v35, $1.258291200e+07;
	v63 =	vld [tilespmem:s23+$0x170];
	v41 =	vand.u32 $0xFFFFFF00, v41;
	v29 =	vadd.s32 v34, v29  }
0x174: {  	v42 =	vadd.f32 $1.258292000e+07, v42;
	v41 =	vor.u32 v1, v41;
	[tilespmem:v38+s8+$0x0] =	vst.idx.add.f32.msk $0xffff, v20;
	v29 =	vand.u32 $0xFFFFFF80, v29  }
0x175: {  	v35 =	vmin.f32 v35, $1.258292800e+07;
	v62 =	vld [tilespmem:s24+$0x190];
	v39 =	vmax.f32 v56, $1.258291200e+07;
	v29 =	vor.u32 v4, v29  }
0x176: {  	v35 =	vshll.u32 v35, $0x9;
	v42 =	vmax.f32 v42, $1.258291200e+07;
	[tilespmem:v36+s8+$0x0] =	vst.idx.add.f32.msk $0xffff, v20;
	v61 =	vmin.f32 v39, $1.258292800e+07  }
0x177: {  	v35 =	vadd.s32 v28, v35;
	v28 =	vadd.s32 v28, v54;
	v54 =	vld [tilespmem:s24+$0x90];
	v38 =	vshll.u32 v61, $0x9  }
0x178: {  	v60 =	vld [tilespmem:s23+$0xF0];
	v37 =	vand.u32 $0xFFFFFF80, v37;
	v42 =	vmin.f32 v42, $1.258292800e+07;
	v38 =	vadd.s32 v43, v38  }
0x179: {  	v42 =	vshll.u32 v42, $0x9;
	v50 =	vmul.f32 $1.875000000e+00, v63;
	[tilespmem:v41+s8+$0x0] =	vst.idx.add.f32.msk $0xffff, v20;
	v38 =	vand.u32 $0xFFFFFF00, v38  }
0x17a: {  	v42 =	vadd.s32 v33, v42;
	v39 =	vmul.f32 $1.875000000e+00, v62;
	[tilespmem:v29+s8+$0x0] =	vst.idx.add.f32.msk $0xffff, v20;
	v29 =	vor.u32 v1, v38  }
0x17b: {  	v37 =	vor.u32 v10, v37;
	v42 =	vand.u32 $0xFFFFFF00, v42;
	v49 =	vld [tilespmem:s23+$0x5A0]  }
0x17c: {  	v57 =	vld [tilespmem:s24+$0x110];
	v44 =	vmul.f32 $1.875000000e+00, v54;
	v39 =	vadd.f32 $1.258292000e+07, v39;
	v43 =	vadd.f32 $1.258292000e+07, v50  }
0x17d: {  	v48 =	vmul.f32 $1.875000000e+00, v60;
	v36 =	vor.u32 s25, v3;
	v42 =	vor.u32 v16, v42  }
0x17e: {  	v60 =	vadd.f32 $1.258292000e+07, v44;
	v39 =	vmax.f32 v39, $1.258291200e+07;
	v52 =	vmax.f32 v43, $1.258291200e+07  }
0x17f: {  	v40 =	vmin.f32 v52, $1.258292800e+07;
	v38 =	vadd.f32 $1.258292000e+07, v48;
	[tilespmem:v29+s8+$0x0] =	vst.idx.add.f32.msk $0xffff, v20;
	v29 =	vmin.f32 v39, $1.258292800e+07  }
0x180: {  	v56 =	vshll.u32 v40, $0x9;
	v51 =	vmul.f32 $1.875000000e+00, v49;
	v29 =	vshll.u32 v29, $0x9;
	v53 =	vld [tilespmem:s24+$0x10]  }
0x181: {  	v40 =	vmul.f32 $1.875000000e+00, v57;
	v38 =	vmax.f32 v38, $1.258291200e+07;
	v29 =	vadd.s32 v36, v29  }
0x182: {  	v38 =	vmin.f32 v38, $1.258292800e+07;
	v39 =	vadd.f32 $1.258292000e+07, v51;
	v29 =	vand.u32 $0xFFFFFF00, v29  }
0x183: {  	v40 =	vadd.f32 $1.258292000e+07, v40;
	v38 =	vshll.u32 v38, $0x9;
	v55 =	vor.u32 v4, v29  }
0x184: {  	v38 =	vadd.s32 v33, v38;
	v33 =	vadd.s32 v33, v56;
	v29 =	vmax.f32 v39, $1.258291200e+07  }
0x185: {  	v38 =	vand.u32 $0xFFFFFF00, v38;
	v45 =	vmin.f32 v29, $1.258292800e+07;
	v43 =	vmul.f32 $1.875000000e+00, v53  }
0x186: {  	[tilespmem:v42+s8+$0x0] =	vst.idx.add.f32.msk $0xffff, v20;
	v33 =	vand.u32 $0xFFFFFF00, v33;
	v29 =	vor.u32 s29, v19;
	v45 =	vshll.u32 v45, $0x9  }
0x187: {  	v38 =	vor.u32 v16, v38;
	v51 =	vld [tilespmem:s23+$0x400];
	v45 =	vadd.s32 v29, v45;
	v58 =	vadd.f32 $1.258292000e+07, v43  }
0x188: {  	v33 =	vor.u32 v16, v33;
	v43 =	vmax.f32 v60, $1.258291200e+07;
	v45 =	vand.u32 $0xFFFFFF80, v45;
	[tilespmem:v55+s8+$0x0] =	vst.idx.add.f32.msk $0xffff, v20  }
0x189: {  	v59 =	vor.u32 v6, v45;
	v61 =	vld [tilespmem:s24+$0x1A0];
	v62 =	vmax.f32 v58, $1.258291200e+07;
	v45 =	vmin.f32 v43, $1.258292800e+07  }
0x18a: {  	[tilespmem:v37+s8+$0x0] =	vst.idx.add.f32.msk $0xffff, v20;
	v40 =	vmax.f32 v40, $1.258291200e+07;
	v37 =	vmin.f32 v62, $1.258292800e+07;
	v42 =	vshll.u32 v45, $0x9  }
0x18b: {  	v63 =	vld [tilespmem:s22+$0x450];
	v49 =	vmin.f32 v40, $1.258292800e+07;
	v37 =	vshll.u32 v37, $0x9;
	v46 =	vadd.s32 v36, v42  }
0x18c: {  	[tilespmem:v38+s8+$0x0] =	vst.idx.add.f32.msk $0xffff, v20;
	v38 =	vshll.u32 v49, $0x9;
	v37 =	vadd.s32 v36, v37;
	v50 =	vand.u32 $0xFFFFFF00, v46  }
0x18d: {  	[tilespmem:v33+s8+$0x0] =	vst.idx.add.f32.msk $0xffff, v20;
	v41 =	vmul.f32 $1.875000000e+00, v51;
	v37 =	vand.u32 $0xFFFFFF00, v37;
	v40 =	vor.u32 v4, v50  }
0x18e: {  	v52 =	vld [tilespmem:s23+$0x480];
	v36 =	vadd.s32 v36, v38;
	v47 =	vmul.f32 $1.875000000e+00, v61;
	v37 =	vor.u32 v4, v37  }
0x18f: {  	v35 =	vand.u32 $0xFFFFFF80, v35;
	v55 =	vld [tilespmem:s23+$0x500];
	v53 =	vand.u32 $0xFFFFFF00, v36  }
0x190: {  	v41 =	vadd.f32 $1.258292000e+07, v41;
	[tilespmem:v59+s8+$0x0] =	vst.idx.add.f32.msk $0xffff, v20;
	v33 =	vor.u32 v4, v53;
	v42 =	vadd.f32 $1.258292000e+07, v47  }
0x191: {  	v28 =	vand.u32 $0xFFFFFF80, v28;
	v35 =	vor.u32 v10, v35;
	v48 =	vld [tilespmem:s23+$0x5B0]  }
0x192: {  	v28 =	vor.u32 v10, v28;
	v41 =	vmax.f32 v41, $1.258291200e+07;
	v54 =	vmax.f32 v42, $1.258291200e+07;
	[tilespmem:v40+s8+$0x0] =	vst.idx.add.f32.msk $0xffff, v20  }
0x193: {  	v57 =	vor.u32 s25, v5;
	v41 =	vmin.f32 v41, $1.258292800e+07;
	v36 =	vmin.f32 v54, $1.258292800e+07;
	[tilespmem:v37+s8+$0x0] =	vst.idx.add.f32.msk $0xffff, v20  }
0x194: {  	v38 =	vmul.f32 $1.875000000e+00, v55;
	v41 =	vshll.u32 v41, $0x9;
	v61 =	vld [tilespmem:s24+$0xA0];
	v36 =	vshll.u32 v36, $0x9  }
0x195: {  	v39 =	vmul.f32 $1.875000000e+00, v63;
	v41 =	vadd.s32 v30, v41;
	[tilespmem:v33+s8+$0x0] =	vst.idx.add.f32.msk $0xffff, v20;
	v36 =	vadd.s32 v57, v36  }
0x196: {  	v38 =	vadd.f32 $1.258292000e+07, v38;
	v56 =	vmul.f32 $1.875000000e+00, v48;
	v60 =	vld [tilespmem:s24+$0x20];
	v36 =	vand.u32 $0xFFFFFF00, v36  }
0x197: {  	v59 =	vmul.f32 $1.875000000e+00, v52;
	v41 =	vand.u32 $0xFFFFFF80, v41;
	v62 =	vld [tilespmem:s24+$0x120];
	v36 =	vor.u32 v6, v36  }
0x198: {  	v41 =	vor.u32 v1, v41;
	v38 =	vmax.f32 v38, $1.258291200e+07;
	v58 =	vadd.f32 $1.258292000e+07, v56  }
0x199: {  	v42 =	vadd.f32 $1.258292000e+07, v59;
	v38 =	vmin.f32 v38, $1.258292800e+07;
	v33 =	vor.u32 s29, v21  }
0x19a: {  	v38 =	vshll.u32 v38, $0x9;
	v40 =	vmax.f32 v58, $1.258291200e+07;
	v44 =	vmul.f32 $1.875000000e+00, v61  }
0x19b: {  	v42 =	vmax.f32 v42, $1.258291200e+07;
	v40 =	vmin.f32 v40, $1.258292800e+07;
	v43 =	vmul.f32 $1.875000000e+00, v60  }
0x19c: {  	v45 =	vmul.f32 $1.875000000e+00, v62;
	v40 =	vshll.u32 v40, $0x9;
	v44 =	vadd.f32 $1.258292000e+07, v44;
	[tilespmem:v36+s8+$0x0] =	vst.idx.add.f32.msk $0xffff, v20  }
0x19d: {  	v48 =	vmin.f32 v42, $1.258292800e+07;
	v40 =	vadd.s32 v33, v40;
	v49 =	vadd.f32 $1.258292000e+07, v43;
	v50 =	vld [tilespmem:s24+$0x1B0]  }
0x19e: {  	v45 =	vadd.f32 $1.258292000e+07, v45;
	v40 =	vand.u32 $0xFFFFFF80, v40;
	v44 =	vmax.f32 v44, $1.258291200e+07  }
0x19f: {  	v63 =	vor.u32 v8, v40;
	v40 =	vshll.u32 v48, $0x9;
	v42 =	vmax.f32 v49, $1.258291200e+07  }
0x1a0: {  	v44 =	vmin.f32 v44, $1.258292800e+07;
	v51 =	vmax.f32 v45, $1.258291200e+07;
	v45 =	vor.u32 s25, v7  }
0x1a1: {  	[tilespmem:v35+s8+$0x0] =	vst.idx.add.f32.msk $0xffff, v20;
	v42 =	vmin.f32 v42, $1.258292800e+07;
	v44 =	vshll.u32 v44, $0x9;
	v36 =	vmin.f32 v51, $1.258292800e+07  }
0x1a2: {  	[tilespmem:v28+s8+$0x0] =	vst.idx.add.f32.msk $0xffff, v20;
	v40 =	vadd.s32 v30, v40;
	v30 =	vadd.s32 v30, v38;
	v43 =	vmul.f32 $1.875000000e+00, v50  }
0x1a3: {  	v58 =	vld [tilespmem:s22+$0x4D0];
	v42 =	vshll.u32 v42, $0x9;
	v44 =	vadd.s32 v57, v44;
	v36 =	vshll.u32 v36, $0x9  }
0x1a4: {  	v60 =	vld [tilespmem:s22+$0x550];
	v38 =	vand.u32 $0xFFFFFF80, v30;
	v42 =	vadd.s32 v57, v42;
	v43 =	vadd.f32 $1.258292000e+07, v43  }
0x1a5: {  	v53 =	vadd.s32 v57, v36;
	v55 =	vand.u32 $0xFFFFFF00, v44;
	v38 =	vor.u32 v1, v38  }
0x1a6: {  	v42 =	vand.u32 $0xFFFFFF00, v42;
	v56 =	vor.u32 v6, v55;
	v57 =	vmax.f32 v43, $1.258291200e+07  }
0x1a7: {  	v28 =	vand.u32 $0xFFFFFF00, v53;
	[tilespmem:v63+s8+$0x0] =	vst.idx.add.f32.msk $0xffff, v20;
	v54 =	vor.u32 v6, v42;
	v37 =	vmin.f32 v57, $1.258292800e+07  }
0x1a8: {  	v47 =	vmul.f32 $1.875000000e+00, v58;
	v28 =	vor.u32 v6, v28;
	v52 =	vld [tilespmem:s23+$0x5C0];
	v37 =	vshll.u32 v37, $0x9  }
0x1a9: {  	v39 =	vadd.f32 $1.258292000e+07, v39;
	[tilespmem:v41+s8+$0x0] =	vst.idx.add.f32.msk $0xffff, v20;
	v48 =	vmul.f32 $1.875000000e+00, v60;
	v37 =	vadd.s32 v45, v37  }
0x1aa: {  	v62 =	vand.u32 $0xFFFFFF80, v40;
	v40 =	vadd.f32 $1.258292000e+07, v47;
	[tilespmem:v38+s8+$0x0] =	vst.idx.add.f32.msk $0xffff, v20;
	v61 =	vand.u32 $0xFFFFFF00, v37  }
0x1ab: {  	v36 =	vadd.f32 $1.258292000e+07, v48;
	[tilespmem:v56+s8+$0x0] =	vst.idx.add.f32.msk $0xffff, v20;
	v63 =	vor.u32 v8, v61  }
0x1ac: {  	v39 =	vmax.f32 v39, $1.258291200e+07;
	v30 =	vor.u32 s29, v22;
	v40 =	vmax.f32 v40, $1.258291200e+07;
	[tilespmem:v54+s8+$0x0] =	vst.idx.add.f32.msk $0xffff, v20  }
0x1ad: {  	v36 =	vmax.f32 v36, $1.258291200e+07;
	v53 =	vmin.f32 v40, $1.258292800e+07;
	[tilespmem:v28+s8+$0x0] =	vst.idx.add.f32.msk $0xffff, v20;
	v59 =	vmul.f32 $1.875000000e+00, v52  }
0x1ae: {  	v36 =	vmin.f32 v36, $1.258292800e+07;
	v50 =	vld [tilespmem:s24+$0xB0];
	v52 =	vmin.f32 v39, $1.258292800e+07;
	v39 =	vshll.u32 v53, $0x9  }
0x1af: {  	v51 =	vld [tilespmem:s24+$0x130];
	v35 =	vshll.u32 v52, $0x9;
	v39 =	vadd.s32 v27, v39;
	v43 =	vadd.f32 $1.258292000e+07, v59  }
0x1b0: {  	v36 =	vshll.u32 v36, $0x9;
	v37 =	vor.u32 v1, v62;
	v35 =	vadd.s32 v27, v35;
	[tilespmem:v63+s8+$0x0] =	vst.idx.add.f32.msk $0xffff, v20  }
0x1b1: {  	v27 =	vadd.s32 v27, v36;
	v35 =	vand.u32 $0xFFFFFF80, v35;
	v46 =	vmax.f32 v43, $1.258291200e+07;
	v54 =	vld [tilespmem:s24+$0x1C0]  }
0x1b2: {  	v48 =	vld [tilespmem:s23+$0x510];
	v27 =	vand.u32 $0xFFFFFF80, v27;
	v35 =	vor.u32 v12, v35;
	v28 =	vmin.f32 v46, $1.258292800e+07  }
0x1b3: {  	v49 =	vld [tilespmem:s24+$0x30];
	v56 =	vmul.f32 $1.875000000e+00, v50;
	v27 =	vor.u32 v12, v27;
	v28 =	vshll.u32 v28, $0x9  }
0x1b4: {  	v39 =	vand.u32 $0xFFFFFF80, v39;
	v61 =	vld [tilespmem:s23+$0x410];
	v57 =	vmul.f32 $1.875000000e+00, v51;
	v28 =	vadd.s32 v30, v28  }
0x1b5: {  	v39 =	vor.u32 v12, v39;
	v42 =	vadd.f32 $1.258292000e+07, v56;
	[tilespmem:v37+s8+$0x0] =	vst.idx.add.f32.msk $0xffff, v20;
	v28 =	vand.u32 $0xFFFFFF80, v28  }
0x1b6: {  	v36 =	vadd.f32 $1.258292000e+07, v57;
	v63 =	vld [tilespmem:s23+$0x490];
	v28 =	vor.u32 v10, v28;
	v40 =	vmul.f32 $1.875000000e+00, v54  }
0x1b7: {  	v44 =	vmul.f32 $1.875000000e+00, v48;
	v43 =	vor.u32 s25, v9;
	v59 =	vmax.f32 v42, $1.258291200e+07;
	[tilespmem:v35+s8+$0x0] =	vst.idx.add.f32.msk $0xffff, v20  }
0x1b8: {  	v37 =	vmin.f32 v59, $1.258292800e+07;
	v36 =	vmax.f32 v36, $1.258291200e+07;
	[tilespmem:v27+s8+$0x0] =	vst.idx.add.f32.msk $0xffff, v20;
	v40 =	vadd.f32 $1.258292000e+07, v40  }
0x1b9: {  	v55 =	vmul.f32 $1.875000000e+00, v49;
	v37 =	vshll.u32 v37, $0x9;
	v36 =	vmin.f32 v36, $1.258292800e+07;
	v51 =	vld [tilespmem:s22+$0x460]  }
0x1ba: {  	v46 =	vld [tilespmem:s22+$0x560];
	v36 =	vshll.u32 v36, $0x9;
	v37 =	vadd.s32 v45, v37;
	v60 =	vmax.f32 v40, $1.258291200e+07  }
0x1bb: {  	v37 =	vand.u32 $0xFFFFFF00, v37;
	v36 =	vadd.s32 v45, v36;
	[tilespmem:v28+s8+$0x0] =	vst.idx.add.f32.msk $0xffff, v20;
	v38 =	vmin.f32 v60, $1.258292800e+07  }
0x1bc: {  	v37 =	vor.u32 v8, v37;
	v42 =	vmul.f32 $1.875000000e+00, v63;
	v58 =	vld [tilespmem:s23+$0x5D0];
	v38 =	vshll.u32 v38, $0x9  }
0x1bd: {  	[tilespmem:v39+s8+$0x0] =	vst.idx.add.f32.msk $0xffff, v20;
	v36 =	vand.u32 $0xFFFFFF00, v36;
	v28 =	vadd.f32 $1.258292000e+07, v55;
	v38 =	vadd.s32 v43, v38  }
0x1be: {  	v52 =	vld [tilespmem:s22+$0x4E0];
	v55 =	vadd.f32 $1.258292000e+07, v44;
	v36 =	vor.u32 v8, v36;
	v49 =	vand.u32 $0xFFFFFF00, v38  }
0x1bf: {  	v54 =	vadd.f32 $1.258292000e+07, v42;
	v28 =	vmax.f32 v28, $1.258291200e+07;
	v35 =	vor.u32 v10, v49  }
0x1c0: {  	v39 =	vmul.f32 $1.875000000e+00, v51;
	v51 =	vmul.f32 $1.875000000e+00, v46;
	v28 =	vmin.f32 v28, $1.258292800e+07  }
0x1c1: {  	v57 =	vmax.f32 v55, $1.258291200e+07;
	v28 =	vshll.u32 v28, $0x9;
	v62 =	vmul.f32 $1.875000000e+00, v58  }
0x1c2: {  	v39 =	vadd.f32 $1.258292000e+07, v39;
	v40 =	vmul.f32 $1.875000000e+00, v61;
	v28 =	vadd.s32 v45, v28  }
0x1c3: {  	v61 =	vmul.f32 $1.875000000e+00, v52;
	v27 =	vand.u32 $0xFFFFFF00, v28;
	v41 =	vadd.f32 $1.258292000e+07, v62  }
0x1c4: {  	v45 =	vor.u32 s25, v11;
	v39 =	vmax.f32 v39, $1.258291200e+07;
	v27 =	vor.u32 v8, v27;
	[tilespmem:v35+s8+$0x0] =	vst.idx.add.f32.msk $0xffff, v20  }
0x1c5: {  	v28 =	vor.u32 s29, v23;
	v40 =	vadd.f32 $1.258292000e+07, v40;
	v50 =	vmax.f32 v41, $1.258291200e+07;
	v56 =	vld [tilespmem:s24+$0x1D0]  }
0x1c6: {  	v58 =	vmin.f32 v57, $1.258292800e+07;
	v39 =	vmin.f32 v39, $1.258292800e+07;
	v38 =	vmin.f32 v50, $1.258292800e+07  }
0x1c7: {  	[tilespmem:v37+s8+$0x0] =	vst.idx.add.f32.msk $0xffff, v20;
	v37 =	vshll.u32 v58, $0x9;
	v40 =	vmax.f32 v40, $1.258291200e+07;
	v38 =	vshll.u32 v38, $0x9  }
0x1c8: {  	v39 =	vshll.u32 v39, $0x9;
	v40 =	vmin.f32 v40, $1.258292800e+07;
	v49 =	vld [tilespmem:s24+$0xC0];
	v38 =	vadd.s32 v28, v38  }
0x1c9: {  	v59 =	vshll.u32 v40, $0x9;
	[tilespmem:v27+s8+$0x0] =	vst.idx.add.f32.msk $0xffff, v20;
	v27 =	vmax.f32 v54, $1.258291200e+07;
	v38 =	vand.u32 $0xFFFFFF80, v38  }
0x1ca: {  	v27 =	vmin.f32 v27, $1.258292800e+07;
	v53 =	vor.u32 v12, v38;
	v62 =	vmul.f32 $1.875000000e+00, v56  }
0x1cb: {  	v39 =	vadd.s32 v31, v39;
	v60 =	vld [tilespmem:s24+$0x40];
	v27 =	vshll.u32 v27, $0x9;
	v38 =	vadd.s32 v34, v59  }
0x1cc: {  	v27 =	vadd.s32 v34, v27;
	v34 =	vadd.s32 v34, v37;
	v50 =	vadd.f32 $1.258292000e+07, v62  }
0x1cd: {  	[tilespmem:v36+s8+$0x0] =	vst.idx.add.f32.msk $0xffff, v20;
	v37 =	vmul.f32 $1.875000000e+00, v49;
	v48 =	vand.u32 $0xFFFFFF80, v38;
	v27 =	vand.u32 $0xFFFFFF80, v27  }
0x1ce: {  	v52 =	vld [tilespmem:s24+$0x140];
	v34 =	vand.u32 $0xFFFFFF80, v34;
	v36 =	vor.u32 v4, v48;
	v38 =	vmax.f32 v50, $1.258291200e+07  }
0x1cf: {  	v27 =	vor.u32 v4, v27;
	v34 =	vor.u32 v4, v34;
	[tilespmem:v53+s8+$0x0] =	vst.idx.add.f32.msk $0xffff, v20;
	v38 =	vmin.f32 v38, $1.258292800e+07  }
0x1d0: {  	v37 =	vadd.f32 $1.258292000e+07, v37;
	v40 =	vmul.f32 $1.875000000e+00, v60;
	v63 =	vld [tilespmem:s23+$0x5E0];
	v38 =	vshll.u32 v38, $0x9  }
0x1d1: {  	v39 =	vand.u32 $0xFFFFFF80, v39;
	v41 =	vadd.f32 $1.258292000e+07, v51;
	v38 =	vadd.s32 v45, v38  }
0x1d2: {  	v37 =	vmax.f32 v37, $1.258291200e+07;
	v40 =	vadd.f32 $1.258292000e+07, v40;
	v38 =	vand.u32 $0xFFFFFF00, v38  }
0x1d3: {  	v53 =	vmul.f32 $1.875000000e+00, v52;
	v37 =	vmin.f32 v37, $1.258292800e+07;
	[tilespmem:v36+s8+$0x0] =	vst.idx.add.f32.msk $0xffff, v20;
	v38 =	vor.u32 v12, v38  }
0x1d4: {  	v39 =	vor.u32 v14, v39;
	v41 =	vmax.f32 v41, $1.258291200e+07;
	v37 =	vshll.u32 v37, $0x9;
	[tilespmem:v27+s8+$0x0] =	vst.idx.add.f32.msk $0xffff, v20  }
0x1d5: {  	v40 =	vmax.f32 v40, $1.258291200e+07;
	[tilespmem:v34+s8+$0x0] =	vst.idx.add.f32.msk $0xffff, v20;
	v36 =	vadd.f32 $1.258292000e+07, v53;
	v42 =	vmul.f32 $1.875000000e+00, v63  }
0x1d6: {  	v41 =	vmin.f32 v41, $1.258292800e+07;
	v37 =	vadd.s32 v43, v37;
	v54 =	vmin.f32 v40, $1.258292800e+07;
	v57 =	vld [tilespmem:s23+$0x4A0]  }
0x1d7: {  	v58 =	vld [tilespmem:s23+$0x520];
	v37 =	vand.u32 $0xFFFFFF00, v37;
	v36 =	vmax.f32 v36, $1.258291200e+07;
	v42 =	vadd.f32 $1.258292000e+07, v42  }
0x1d8: {  	v34 =	vshll.u32 v54, $0x9;
	v37 =	vor.u32 v10, v37;
	v36 =	vmin.f32 v36, $1.258292800e+07;
	[tilespmem:v38+s8+$0x0] =	vst.idx.add.f32.msk $0xffff, v20  }
0x1d9: {  	v34 =	vadd.s32 v43, v34;
	v36 =	vshll.u32 v36, $0x9;
	v27 =	vmax.f32 v42, $1.258291200e+07;
	v60 =	vld [tilespmem:s24+$0x1E0]  }
0x1da: {  	v56 =	vld [tilespmem:s23+$0x420];
	v34 =	vand.u32 $0xFFFFFF00, v34;
	v36 =	vadd.s32 v43, v36;
	v55 =	vmin.f32 v27, $1.258292800e+07  }
0x1db: {  	v34 =	vor.u32 v10, v34;
	v27 =	vor.u32 s29, v24;
	v40 =	vshll.u32 v55, $0x9  }
0x1dc: {  	v35 =	vadd.f32 $1.258292000e+07, v61;
	v36 =	vand.u32 $0xFFFFFF00, v36;
	v40 =	vadd.s32 v27, v40  }
0x1dd: {  	v61 =	vmul.f32 $1.875000000e+00, v57;
	v36 =	vor.u32 v10, v36;
	v40 =	vand.u32 $0xFFFFFF80, v40  }
0x1de: {  	v62 =	vmul.f32 $1.875000000e+00, v58;
	[tilespmem:v37+s8+$0x0] =	vst.idx.add.f32.msk $0xffff, v20;
	v59 =	vor.u32 v14, v40;
	v63 =	vmul.f32 $1.875000000e+00, v60  }
0x1df: {  	v35 =	vmax.f32 v35, $1.258291200e+07;
	v42 =	vmul.f32 $1.875000000e+00, v56;
	v49 =	vadd.f32 $1.258292000e+07, v61;
	v58 =	vld [tilespmem:s24+$0xD0]  }
0x1e0: {  	v35 =	vmin.f32 v35, $1.258292800e+07;
	v44 =	vadd.f32 $1.258292000e+07, v62;
	[tilespmem:v34+s8+$0x0] =	vst.idx.add.f32.msk $0xffff, v20;
	v51 =	vadd.f32 $1.258292000e+07, v63  }
0x1e1: {  	v41 =	vshll.u32 v41, $0x9;
	v35 =	vshll.u32 v35, $0x9;
	v48 =	vadd.f32 $1.258292000e+07, v42;
	v57 =	vld [tilespmem:s24+$0x50]  }
0x1e2: {  	v53 =	vmax.f32 v49, $1.258291200e+07;
	v56 =	vmax.f32 v44, $1.258291200e+07;
	[tilespmem:v36+s8+$0x0] =	vst.idx.add.f32.msk $0xffff, v20;
	v34 =	vmax.f32 v51, $1.258291200e+07  }
0x1e3: {  	v52 =	vmax.f32 v48, $1.258291200e+07;
	v36 =	vmin.f32 v56, $1.258292800e+07;
	[tilespmem:v59+s8+$0x0] =	vst.idx.add.f32.msk $0xffff, v20;
	v34 =	vmin.f32 v34, $1.258292800e+07  }
0x1e4: {  	v59 =	vshll.u32 v36, $0x9;
	v36 =	vor.u32 s25, v13;
	v50 =	vld [tilespmem:s23+$0x5F0];
	v34 =	vshll.u32 v34, $0x9  }
0x1e5: {  	v55 =	vmin.f32 v53, $1.258292800e+07;
	v54 =	vmin.f32 v52, $1.258292800e+07;
	v34 =	vadd.s32 v36, v34  }
0x1e6: {  	v38 =	vshll.u32 v55, $0x9;
	v37 =	vshll.u32 v54, $0x9;
	v60 =	vld [tilespmem:s24+$0x150];
	v34 =	vand.u32 $0xFFFFFF00, v34  }
0x1e7: {  	v38 =	vadd.s32 v29, v38;
	v37 =	vadd.s32 v29, v37;
	v34 =	vor.u32 v14, v34  }
0x1e8: {  	v42 =	vmul.f32 $1.875000000e+00, v58;
	v37 =	vand.u32 $0xFFFFFF80, v37;
	v40 =	vmul.f32 $1.875000000e+00, v57  }
0x1e9: {  	v37 =	vor.u32 v6, v37;
	v29 =	vadd.s32 v29, v59;
	v43 =	vmul.f32 $1.875000000e+00, v50  }
0x1ea: {  	v42 =	vadd.f32 $1.258292000e+07, v42;
	v40 =	vadd.f32 $1.258292000e+07, v40;
	v44 =	vand.u32 $0xFFFFFF80, v29  }
0x1eb: {  	v44 =	vor.u32 v6, v44;
	v61 =	vmul.f32 $1.875000000e+00, v60;
	v43 =	vadd.f32 $1.258292000e+07, v43  }
0x1ec: {  	v38 =	vand.u32 $0xFFFFFF80, v38;
	v47 =	vmax.f32 v42, $1.258291200e+07;
	v63 =	vmax.f32 v40, $1.258291200e+07;
	[tilespmem:v34+s8+$0x0] =	vst.idx.add.f32.msk $0xffff, v20  }
0x1ed: {  	v40 =	vmin.f32 v47, $1.258292800e+07;
	v29 =	vmax.f32 v43, $1.258291200e+07;
	v43 =	vadd.f32 $1.258292000e+07, v61;
	v49 =	vld [tilespmem:s24+$0x1F0]  }
0x1ee: {  	v35 =	vadd.s32 v31, v35;
	v38 =	vor.u32 v6, v38;
	[tilespmem:v37+s8+$0x0] =	vst.idx.add.f32.msk $0xffff, v20;
	v50 =	vshll.u32 v40, $0x9  }
0x1ef: {  	v52 =	vld [tilespmem:s23+$0x430];
	v37 =	vadd.s32 v45, v50;
	v48 =	vmax.f32 v43, $1.258291200e+07;
	v34 =	vmin.f32 v63, $1.258292800e+07  }
0x1f0: {  	v37 =	vand.u32 $0xFFFFFF00, v37;
	[tilespmem:v44+s8+$0x0] =	vst.idx.add.f32.msk $0xffff, v20;
	v42 =	vmin.f32 v48, $1.258292800e+07;
	v34 =	vshll.u32 v34, $0x9  }
0x1f1: {  	v37 =	vor.u32 v12, v37;
	v44 =	vld [tilespmem:s23+$0x530];
	v51 =	vshll.u32 v42, $0x9;
	v34 =	vadd.s32 v45, v34  }
0x1f2: {  	v40 =	vadd.s32 v45, v51;
	v34 =	vand.u32 $0xFFFFFF00, v34;
	v54 =	vmul.f32 $1.875000000e+00, v49  }
0x1f3: {  	v31 =	vadd.s32 v31, v41;
	[tilespmem:v38+s8+$0x0] =	vst.idx.add.f32.msk $0xffff, v20;
	v53 =	vand.u32 $0xFFFFFF00, v40;
	v34 =	vor.u32 v12, v34  }
0x1f4: {  	v35 =	vand.u32 $0xFFFFFF80, v35;
	v55 =	vld [tilespmem:s23+$0x4B0];
	v38 =	vor.u32 v12, v53;
	v40 =	vadd.f32 $1.258292000e+07, v54  }
0x1f5: {  	v35 =	vor.u32 v14, v35;
	v62 =	vmin.f32 v29, $1.258292800e+07;
	v42 =	vmul.f32 $1.875000000e+00, v52  }
0x1f6: {  	v29 =	vor.u32 s29, v25;
	[tilespmem:v37+s8+$0x0] =	vst.idx.add.f32.msk $0xffff, v20;
	v60 =	vmul.f32 $1.875000000e+00, v44;
	v40 =	vmax.f32 v40, $1.258291200e+07  }
0x1f7: {  	v46 =	vshll.u32 v62, $0x9;
	v62 =	vld [tilespmem:s24+$0xE0];
	v56 =	vadd.f32 $1.258292000e+07, v42;
	v40 =	vmin.f32 v40, $1.258292800e+07  }
0x1f8: {  	v41 =	vadd.f32 $1.258292000e+07, v60;
	[tilespmem:v34+s8+$0x0] =	vst.idx.add.f32.msk $0xffff, v20;
	v34 =	vor.u32 s25, v15;
	v57 =	vshll.u32 v40, $0x9  }
0x1f9: {  	v58 =	vmul.f32 $1.875000000e+00, v55;
	v45 =	vadd.s32 v29, v46;
	[tilespmem:v38+s8+$0x0] =	vst.idx.add.f32.msk $0xffff, v20;
	v37 =	vadd.s32 v34, v57  }
0x1fa: {  	v59 =	vmax.f32 v56, $1.258291200e+07;
	v49 =	vmax.f32 v41, $1.258291200e+07;
	v63 =	vld [tilespmem:s24+$0x160];
	v37 =	vand.u32 $0xFFFFFF00, v37  }
0x1fb: {  	v38 =	vmin.f32 v59, $1.258292800e+07;
	v61 =	vld [tilespmem:s24+$0x60];
	v40 =	vadd.f32 $1.258292000e+07, v58;
	v37 =	vor.u32 v16, v37  }
0x1fc: {  	v53 =	vmul.f32 $1.875000000e+00, v62;
	v50 =	vmin.f32 v49, $1.258292800e+07;
	v38 =	vshll.u32 v38, $0x9  }
0x1fd: {  	[tilespmem:v39+s8+$0x0] =	vst.idx.add.f32.msk $0xffff, v20;
	v39 =	vshll.u32 v50, $0x9;
	v38 =	vadd.s32 v33, v38;
	v40 =	vmax.f32 v40, $1.258291200e+07  }
0x1fe: {  	[tilespmem:v32+s8+$0x0] =	vst.idx.add.f32.msk $0xffff, v20;
	v42 =	vadd.f32 $1.258292000e+07, v53;
	v47 =	vand.u32 $0xFFFFFF80, v38;
	v48 =	vmin.f32 v40, $1.258292800e+07  }
0x1ff: {  	v51 =	vld [tilespmem:s22+$0x470];
	v32 =	vor.u32 v8, v47;
	v56 =	vmul.f32 $1.875000000e+00, v63;
	v38 =	vshll.u32 v48, $0x9  }
0x200: {  	v52 =	vmul.f32 $1.875000000e+00, v61;
	v38 =	vadd.s32 v33, v38;
	v33 =	vadd.s32 v33, v39;
	[tilespmem:v37+s8+$0x0] =	vst.idx.add.f32.msk $0xffff, v20  }
0x201: {  	v62 =	vmax.f32 v42, $1.258291200e+07;
	v60 =	vadd.f32 $1.258292000e+07, v56;
	v33 =	vand.u32 $0xFFFFFF80, v33;
	v57 =	vld [tilespmem:s24+$0x580]  }
0x202: {  	[tilespmem:v35+s8+$0x0] =	vst.idx.add.f32.msk $0xffff, v20;
	v55 =	vadd.f32 $1.258292000e+07, v52;
	v54 =	vand.u32 $0xFFFFFF80, v38;
	v58 =	vor.u32 v8, v33  }
0x203: {  	v31 =	vand.u32 $0xFFFFFF80, v31;
	[tilespmem:v45+s8+$0x0] =	vst.idx.add.f32.msk $0xffff, v20;
	v39 =	vmin.f32 v62, $1.258292800e+07;
	v37 =	vor.u32 v8, v54  }
0x204: {  	[tilespmem:v32+s8+$0x0] =	vst.idx.add.f32.msk $0xffff, v20;
	v38 =	vmax.f32 v60, $1.258291200e+07;
	v39 =	vshll.u32 v39, $0x9;
	v59 =	vmax.f32 v55, $1.258291200e+07  }
0x205: {  	v32 =	vld [tilespmem:s22+$0x4F0];
	v33 =	vor.u32 v14, v31;
	v31 =	vmul.f32 $1.875000000e+00, v51;
	v61 =	vmin.f32 v59, $1.258292800e+07  }
0x206: {  	v35 =	vld [tilespmem:s23+$0x440];
	v38 =	vmin.f32 v38, $1.258292800e+07;
	v63 =	vshll.u32 v61, $0x9;
	v41 =	vmul.f32 $1.875000000e+00, v57  }
0x207: {  	v39 =	vadd.s32 v36, v39;
	v38 =	vshll.u32 v38, $0x9;
	v40 =	vadd.s32 v36, v63;
	[tilespmem:v58+s8+$0x0] =	vst.idx.add.f32.msk $0xffff, v20  }
0x208: {  	v36 =	vadd.s32 v36, v38;
	v40 =	vand.u32 $0xFFFFFF00, v40;
	[tilespmem:v37+s8+$0x0] =	vst.idx.add.f32.msk $0xffff, v20;
	v37 =	vadd.f32 $1.258292000e+07, v41  }
0x209: {  	s29 =	simm.s32 $0x8;
	v39 =	vand.u32 $0xFFFFFF00, v39;
	v38 =	vor.u32 v14, v40;
	v40 =	vand.u32 $0xFFFFFF00, v36;
	v36 =	vld [tilespmem:s23+$0x4C0]  }
.LBB2_5:
0x20a: {  	s29 =	sadd.s32 $0x4, s29;
	v39 =	vor.u32 v14, v39;
	v40 =	vor.u32 v14, v40;
	v37 =	vmax.f32 v37, $1.258291200e+07;
	v41 =	vld [tilespmem:s23+$0x540]  }
0x20b: {  	s26 =	sadd.s32 $0x400, s26;
	v42 =	vmul.f32 $1.875000000e+00, v35;
	v32 =	vmul.f32 $1.875000000e+00, v32;
	s0 =	sshll.u32 s29, $0x8;
	p0 =	slt.u32 s29, $0x7C;
	v37 =	vmin.f32 v37, $1.258292800e+07;
	[tilespmem:v33+s8+$0x0] =	vst.idx.add.f32.msk $0xffff, v20  }
0x20c: {  	v35 =	vor.u32 s25, v17;
	s28 =	sadd.s32 $0x200, s28;
	s1 =	sand.u32 $0x3800, s26;
	s0 =	sand.u32 $0x3FFFC000, s0;
	v33 =	vshll.u32 v37, $0x9;
	v37 =	vld [tilespmem:s22+$0x570]  }
0x20d: {  	v31 =	vadd.f32 $1.258292000e+07, v31;
	s4 =	sand.u32 $0x200, s28;
	v42 =	vadd.f32 $1.258292000e+07, v42;
	s22 =	smov.u32 s23;
	s0 =	sor.u32 s1, s0;
	v33 =	vadd.s32 v35, v33  }
0x20e: {  	v32 =	vadd.f32 $1.258292000e+07, v32;
	s23 =	smov.u32 s24;
	[tilespmem:v38+s8+$0x0] =	vst.idx.add.f32.msk $0xffff, v20;
	v33 =	vand.u32 $0xFFFFFF80, v33;
	v36 =	vmul.f32 $1.875000000e+00, v36;
	s24 =	sor.u32 s4, s0  }
0x20f: {  	v42 =	vmax.f32 v42, $1.258291200e+07;
	v38 =	vld [tilespmem:s24+$0x180];
	v33 =	vor.u32 v1, v33;
	v41 =	vmul.f32 $1.875000000e+00, v41  }
0x210: {  	v44 =	vmax.f32 v31, $1.258291200e+07;
	v42 =	vmin.f32 v42, $1.258292800e+07;
	v43 =	vld [tilespmem:s24+$0x0];
	v36 =	vadd.f32 $1.258292000e+07, v36  }
0x211: {  	v31 =	vshll.u32 v42, $0x9;
	v45 =	vld [tilespmem:s24+$0x80];
	v41 =	vadd.f32 $1.258292000e+07, v41;
	v37 =	vmul.f32 $1.875000000e+00, v37  }
0x212: {  	v46 =	vadd.s32 v30, v31;
	v31 =	vmax.f32 v32, $1.258291200e+07;
	v42 =	vld [tilespmem:s24+$0x100];
	v36 =	vmax.f32 v36, $1.258291200e+07  }
0x213: {  	v32 =	vand.u32 $0xFFFFFF80, v46;
	[tilespmem:v39+s8+$0x0] =	vst.idx.add.f32.msk $0xffff, v20;
	v36 =	vmin.f32 v36, $1.258292800e+07;
	v39 =	vmax.f32 v41, $1.258291200e+07  }
0x214: {  	v38 =	vmul.f32 $1.875000000e+00, v38;
	[tilespmem:v33+s8+$0x0] =	vst.idx.add.f32.msk $0xffff, v20;
	v33 =	vshll.u32 v36, $0x9;
	v36 =	vmin.f32 v39, $1.258292800e+07  }
0x215: {  	v39 =	vmul.f32 $1.875000000e+00, v43;
	v41 =	vld [tilespmem:s23+$0x590];
	v33 =	vadd.s32 v30, v33;
	v36 =	vshll.u32 v36, $0x9  }
0x216: {  	v43 =	vmul.f32 $1.875000000e+00, v45;
	v38 =	vadd.f32 $1.258292000e+07, v38;
	[tilespmem:v40+s8+$0x0] =	vst.idx.add.f32.msk $0xffff, v20;
	v30 =	vadd.s32 v30, v36  }
0x217: {  	v36 =	vadd.f32 $1.258292000e+07, v39;
	v39 =	vmul.f32 $1.875000000e+00, v42;
	v40 =	vld [tilespmem:s23+$0x70];
	v42 =	vand.u32 $0xFFFFFF80, v33  }
0x218: {  	s0 =	sshll.u32 s29, $0x2;
	v30 =	vand.u32 $0xFFFFFF80, v30;
	v33 =	vadd.f32 $1.258292000e+07, v43;
	v38 =	vmax.f32 v38, $1.258291200e+07;
	v43 =	vld [tilespmem:s23+$0xF0]  }
0x219: {  	s30 =	sand.u32 $0xFFFFFF00, s0;
	v36 =	vmax.f32 v36, $1.258291200e+07;
	v39 =	vadd.f32 $1.258292000e+07, v39;
	v38 =	vmin.f32 v38, $1.258292800e+07  }
0x21a: {  	v45 =	vor.u32 s30, v2;
	v38 =	vshll.u32 v38, $0x9;
	v46 =	vld [tilespmem:s23+$0x170];
	v41 =	vmul.f32 $1.875000000e+00, v41  }
0x21b: {  	v33 =	vmax.f32 v33, $1.258291200e+07;
	v39 =	vmax.f32 v39, $1.258291200e+07;
	v38 =	vadd.s32 v45, v38  }
0x21c: {  	v36 =	vmin.f32 v36, $1.258292800e+07;
	v38 =	vand.u32 $0xFFFFFF00, v38;
	v41 =	vadd.f32 $1.258292000e+07, v41  }
0x21d: {  	v33 =	vmin.f32 v33, $1.258292800e+07;
	v39 =	vmin.f32 v39, $1.258292800e+07;
	v38 =	vor.u32 v1, v38  }
0x21e: {  	v36 =	vshll.u32 v36, $0x9;
	v33 =	vshll.u32 v33, $0x9;
	v41 =	vmax.f32 v41, $1.258291200e+07  }
0x21f: {  	v36 =	vadd.s32 v45, v36;
	v39 =	vshll.u32 v39, $0x9;
	v41 =	vmin.f32 v41, $1.258292800e+07  }
0x220: {  	v47 =	vadd.s32 v45, v33;
	v33 =	vor.u32 s25, v18;
	v41 =	vshll.u32 v41, $0x9  }
0x221: {  	v36 =	vand.u32 $0xFFFFFF00, v36;
	v39 =	vadd.s32 v45, v39;
	v41 =	vadd.s32 v33, v41  }
0x222: {  	v45 =	vand.u32 $0xFFFFFF00, v47;
	v39 =	vand.u32 $0xFFFFFF00, v39;
	[tilespmem:v38+s8+$0x0] =	vst.idx.add.f32.msk $0xffff, v20;
	v38 =	vand.u32 $0xFFFFFF80, v41  }
0x223: {  	v36 =	vor.u32 v1, v36;
	v41 =	vor.u32 v1, v45;
	v45 =	vld [tilespmem:s24+$0x190];
	v38 =	vor.u32 v4, v38  }
0x224: {  	v40 =	vmul.f32 $1.875000000e+00, v40;
	v43 =	vmul.f32 $1.875000000e+00, v43;
	v39 =	vor.u32 v1, v39  }
0x225: {  	v32 =	vor.u32 v10, v32;
	v42 =	vor.u32 v10, v42;
	v46 =	vmul.f32 $1.875000000e+00, v46  }
0x226: {  	v30 =	vor.u32 v10, v30;
	v40 =	vadd.f32 $1.258292000e+07, v40;
	v43 =	vadd.f32 $1.258292000e+07, v43  }
0x227: {  	v44 =	vmin.f32 v44, $1.258292800e+07;
	v37 =	vadd.f32 $1.258292000e+07, v37;
	v46 =	vadd.f32 $1.258292000e+07, v46  }
0x228: {  	v40 =	vmax.f32 v40, $1.258291200e+07;
	v43 =	vmax.f32 v43, $1.258291200e+07;
	v45 =	vmul.f32 $1.875000000e+00, v45;
	[tilespmem:v38+s8+$0x0] =	vst.idx.add.f32.msk $0xffff, v20  }
0x229: {  	v38 =	vmin.f32 v40, $1.258292800e+07;
	v40 =	vmin.f32 v43, $1.258292800e+07;
	v43 =	vmax.f32 v46, $1.258291200e+07;
	v46 =	vld [tilespmem:s23+$0x5A0]  }
0x22a: {  	v38 =	vshll.u32 v38, $0x9;
	v43 =	vmin.f32 v43, $1.258292800e+07;
	[tilespmem:v36+s8+$0x0] =	vst.idx.add.f32.msk $0xffff, v20;
	v36 =	vadd.f32 $1.258292000e+07, v45  }
0x22b: {  	v40 =	vshll.u32 v40, $0x9;
	v38 =	vadd.s32 v34, v38;
	[tilespmem:v41+s8+$0x0] =	vst.idx.add.f32.msk $0xffff, v20;
	v41 =	vshll.u32 v43, $0x9  }
0x22c: {  	[tilespmem:v39+s8+$0x0] =	vst.idx.add.f32.msk $0xffff, v20;
	v36 =	vmax.f32 v36, $1.258291200e+07;
	v39 =	vadd.s32 v34, v40;
	v34 =	vadd.s32 v34, v41  }
0x22d: {  	v38 =	vand.u32 $0xFFFFFF00, v38;
	v40 =	vld [tilespmem:s24+$0x10];
	v36 =	vmin.f32 v36, $1.258292800e+07;
	v39 =	vand.u32 $0xFFFFFF00, v39  }
0x22e: {  	v41 =	vor.u32 s30, v3;
	v43 =	vld [tilespmem:s24+$0x90];
	v36 =	vshll.u32 v36, $0x9;
	v45 =	vmul.f32 $1.875000000e+00, v46  }
0x22f: {  	v38 =	vor.u32 v16, v38;
	v34 =	vand.u32 $0xFFFFFF00, v34;
	v46 =	vld [tilespmem:s24+$0x110];
	v36 =	vadd.s32 v41, v36  }
0x230: {  	v39 =	vor.u32 v16, v39;
	v36 =	vand.u32 $0xFFFFFF00, v36;
	v45 =	vadd.f32 $1.258292000e+07, v45;
	[tilespmem:v32+s8+$0x0] =	vst.idx.add.f32.msk $0xffff, v20  }
0x231: {  	v34 =	vor.u32 v16, v34;
	v32 =	vmax.f32 v37, $1.258291200e+07;
	v36 =	vor.u32 v4, v36;
	[tilespmem:v42+s8+$0x0] =	vst.idx.add.f32.msk $0xffff, v20  }
0x232: {  	v37 =	vmul.f32 $1.875000000e+00, v40;
	v40 =	vmax.f32 v45, $1.258291200e+07;
	[tilespmem:v30+s8+$0x0] =	vst.idx.add.f32.msk $0xffff, v20;
	v30 =	vmin.f32 v31, $1.258292800e+07  }
0x233: {  	v31 =	vmul.f32 $1.875000000e+00, v43;
	v40 =	vmin.f32 v40, $1.258292800e+07;
	v42 =	vld [tilespmem:s22+$0x450];
	v43 =	vmin.f32 v32, $1.258292800e+07  }
0x234: {  	v32 =	vor.u32 s25, v19;
	v45 =	vmul.f32 $1.875000000e+00, v46;
	[tilespmem:v38+s8+$0x0] =	vst.idx.add.f32.msk $0xffff, v20;
	v38 =	vshll.u32 v40, $0x9  }
0x235: {  	v37 =	vadd.f32 $1.258292000e+07, v37;
	v31 =	vadd.f32 $1.258292000e+07, v31;
	[tilespmem:v39+s8+$0x0] =	vst.idx.add.f32.msk $0xffff, v20;
	v38 =	vadd.s32 v32, v38  }
0x236: {  	v39 =	vadd.f32 $1.258292000e+07, v45;
	[tilespmem:v36+s8+$0x0] =	vst.idx.add.f32.msk $0xffff, v20;
	v38 =	vand.u32 $0xFFFFFF80, v38;
	v36 =	vshll.u32 v44, $0x9  }
0x237: {  	v37 =	vmax.f32 v37, $1.258291200e+07;
	v31 =	vmax.f32 v31, $1.258291200e+07;
	v40 =	vld [tilespmem:s24+$0x1A0];
	v38 =	vor.u32 v6, v38  }
0x238: {  	v37 =	vmin.f32 v37, $1.258292800e+07;
	v31 =	vmin.f32 v31, $1.258292800e+07;
	v39 =	vmax.f32 v39, $1.258291200e+07;
	[tilespmem:v34+s8+$0x0] =	vst.idx.add.f32.msk $0xffff, v20  }
0x239: {  	v34 =	vshll.u32 v37, $0x9;
	v31 =	vshll.u32 v31, $0x9;
	v37 =	vmin.f32 v39, $1.258292800e+07;
	v39 =	vld [tilespmem:s23+$0x400]  }
0x23a: {  	v34 =	vadd.s32 v41, v34;
	v31 =	vadd.s32 v41, v31;
	v37 =	vshll.u32 v37, $0x9;
	v44 =	vld [tilespmem:s23+$0x480]  }
0x23b: {  	v34 =	vand.u32 $0xFFFFFF00, v34;
	v31 =	vand.u32 $0xFFFFFF00, v31;
	v37 =	vadd.s32 v41, v37;
	v41 =	vld [tilespmem:s23+$0x500]  }
0x23c: {  	v45 =	vor.u32 v4, v34;
	v34 =	vand.u32 $0xFFFFFF00, v37;
	v37 =	vmul.f32 $1.875000000e+00, v40;
	[tilespmem:v38+s8+$0x0] =	vst.idx.add.f32.msk $0xffff, v20  }
0x23d: {  	v31 =	vor.u32 v4, v31;
	v38 =	vor.u32 v4, v34;
	v40 =	vld [tilespmem:s23+$0x5B0];
	v34 =	vmul.f32 $1.875000000e+00, v42  }
0x23e: {  	v42 =	vadd.f32 $1.258292000e+07, v37;
	v39 =	vmul.f32 $1.875000000e+00, v39;
	v46 =	vld [tilespmem:s22+$0x4D0];
	v37 =	vshll.u32 v30, $0x9  }
0x23f: {  	v30 =	vmul.f32 $1.875000000e+00, v44;
	v44 =	vadd.f32 $1.258292000e+07, v34;
	v47 =	vld [tilespmem:s22+$0x550];
	v34 =	vshll.u32 v43, $0x9  }
0x240: {  	v42 =	vmax.f32 v42, $1.258291200e+07;
	v39 =	vadd.f32 $1.258292000e+07, v39;
	v41 =	vmul.f32 $1.875000000e+00, v41  }
0x241: {  	[tilespmem:v45+s8+$0x0] =	vst.idx.add.f32.msk $0xffff, v20;
	v42 =	vmin.f32 v42, $1.258292800e+07;
	v30 =	vadd.f32 $1.258292000e+07, v30;
	v43 =	vmax.f32 v44, $1.258291200e+07  }
0x242: {  	v44 =	vor.u32 s30, v5;
	[tilespmem:v31+s8+$0x0] =	vst.idx.add.f32.msk $0xffff, v20;
	v31 =	vshll.u32 v42, $0x9;
	v40 =	vmul.f32 $1.875000000e+00, v40  }
0x243: {  	[tilespmem:v38+s8+$0x0] =	vst.idx.add.f32.msk $0xffff, v20;
	v31 =	vadd.s32 v44, v31;
	v38 =	vmax.f32 v39, $1.258291200e+07;
	v39 =	vadd.f32 $1.258292000e+07, v41  }
0x244: {  	v30 =	vmax.f32 v30, $1.258291200e+07;
	v41 =	vld [tilespmem:s24+$0x20];
	v31 =	vand.u32 $0xFFFFFF00, v31;
	v40 =	vadd.f32 $1.258292000e+07, v40  }
0x245: {  	v42 =	vld [tilespmem:s24+$0xA0];
	v45 =	vor.u32 v6, v31;
	v31 =	vmin.f32 v38, $1.258292800e+07;
	v38 =	vmax.f32 v39, $1.258291200e+07  }
0x246: {  	v30 =	vmin.f32 v30, $1.258292800e+07;
	v39 =	vld [tilespmem:s24+$0x120];
	v38 =	vmin.f32 v38, $1.258292800e+07;
	v40 =	vmax.f32 v40, $1.258291200e+07  }
0x247: {  	v30 =	vshll.u32 v30, $0x9;
	v48 =	vshll.u32 v31, $0x9;
	v40 =	vmin.f32 v40, $1.258292800e+07  }
0x248: {  	v31 =	vor.u32 s25, v21;
	v38 =	vshll.u32 v38, $0x9;
	v40 =	vshll.u32 v40, $0x9  }
0x249: {  	v48 =	vadd.s32 v35, v48;
	v41 =	vmul.f32 $1.875000000e+00, v41;
	v40 =	vadd.s32 v31, v40  }
0x24a: {  	v30 =	vadd.s32 v35, v30;
	v42 =	vmul.f32 $1.875000000e+00, v42;
	[tilespmem:v45+s8+$0x0] =	vst.idx.add.f32.msk $0xffff, v20;
	v40 =	vand.u32 $0xFFFFFF80, v40  }
0x24b: {  	v41 =	vadd.f32 $1.258292000e+07, v41;
	v39 =	vmul.f32 $1.875000000e+00, v39;
	v45 =	vld [tilespmem:s24+$0x1B0];
	v40 =	vor.u32 v8, v40  }
0x24c: {  	v48 =	vand.u32 $0xFFFFFF80, v48;
	v35 =	vadd.s32 v35, v38;
	v42 =	vadd.f32 $1.258292000e+07, v42  }
0x24d: {  	v30 =	vand.u32 $0xFFFFFF80, v30;
	v38 =	vmax.f32 v41, $1.258291200e+07;
	v39 =	vadd.f32 $1.258292000e+07, v39  }
0x24e: {  	v35 =	vand.u32 $0xFFFFFF80, v35;
	v38 =	vmin.f32 v38, $1.258292800e+07;
	v41 =	vmax.f32 v42, $1.258291200e+07  }
0x24f: {  	v38 =	vshll.u32 v38, $0x9;
	v41 =	vmin.f32 v41, $1.258292800e+07;
	v39 =	vmax.f32 v39, $1.258291200e+07  }
0x250: {  	v41 =	vshll.u32 v41, $0x9;
	v39 =	vmin.f32 v39, $1.258292800e+07;
	v42 =	vmul.f32 $1.875000000e+00, v45;
	[tilespmem:v40+s8+$0x0] =	vst.idx.add.f32.msk $0xffff, v20  }
0x251: {  	v38 =	vadd.s32 v44, v38;
	v40 =	vadd.s32 v44, v41;
	v39 =	vshll.u32 v39, $0x9;
	v41 =	vld [tilespmem:s23+$0x5C0]  }
0x252: {  	v38 =	vand.u32 $0xFFFFFF00, v38;
	v39 =	vadd.s32 v44, v39;
	v42 =	vadd.f32 $1.258292000e+07, v42  }
0x253: {  	v38 =	vor.u32 v6, v38;
	v40 =	vand.u32 $0xFFFFFF00, v40;
	v39 =	vand.u32 $0xFFFFFF00, v39  }
0x254: {  	v40 =	vor.u32 v6, v40;
	v39 =	vor.u32 v6, v39;
	v42 =	vmax.f32 v42, $1.258291200e+07  }
0x255: {  	v45 =	vor.u32 v1, v30;
	v44 =	vor.u32 v1, v48;
	v42 =	vmin.f32 v42, $1.258292800e+07  }
0x256: {  	v48 =	vor.u32 s30, v7;
	v30 =	vshll.u32 v42, $0x9;
	v41 =	vmul.f32 $1.875000000e+00, v41  }
0x257: {  	v35 =	vor.u32 v1, v35;
	v42 =	vmul.f32 $1.875000000e+00, v46;
	v30 =	vadd.s32 v48, v30  }
0x258: {  	[tilespmem:v38+s8+$0x0] =	vst.idx.add.f32.msk $0xffff, v20;
	v30 =	vand.u32 $0xFFFFFF00, v30;
	v38 =	vadd.f32 $1.258292000e+07, v41;
	v41 =	vmul.f32 $1.875000000e+00, v47  }
0x259: {  	v42 =	vadd.f32 $1.258292000e+07, v42;
	[tilespmem:v40+s8+$0x0] =	vst.idx.add.f32.msk $0xffff, v20;
	v40 =	vor.u32 v8, v30;
	v30 =	vmin.f32 v43, $1.258292800e+07  }
0x25a: {  	[tilespmem:v39+s8+$0x0] =	vst.idx.add.f32.msk $0xffff, v20;
	v38 =	vmax.f32 v38, $1.258291200e+07;
	v30 =	vshll.u32 v30, $0x9;
	v39 =	vadd.f32 $1.258292000e+07, v41  }
0x25b: {  	v42 =	vmax.f32 v42, $1.258291200e+07;
	v41 =	vld [tilespmem:s24+$0x30];
	v38 =	vmin.f32 v38, $1.258292800e+07;
	v43 =	vadd.s32 v28, v30  }
0x25c: {  	v30 =	vor.u32 s25, v22;
	v46 =	vld [tilespmem:s24+$0xB0];
	v38 =	vshll.u32 v38, $0x9;
	v39 =	vmax.f32 v39, $1.258291200e+07  }
0x25d: {  	v42 =	vmin.f32 v42, $1.258292800e+07;
	v47 =	vld [tilespmem:s24+$0x130];
	v38 =	vadd.s32 v30, v38;
	v39 =	vmin.f32 v39, $1.258292800e+07  }
0x25e: {  	[tilespmem:v40+s8+$0x0] =	vst.idx.add.f32.msk $0xffff, v20;
	v38 =	vand.u32 $0xFFFFFF80, v38;
	v40 =	vshll.u32 v42, $0x9;
	v39 =	vshll.u32 v39, $0x9  }
0x25f: {  	v42 =	vld [tilespmem:s24+$0x1C0];
	v38 =	vor.u32 v10, v38;
	v40 =	vadd.s32 v28, v40;
	v28 =	vadd.s32 v28, v39  }
0x260: {  	v39 =	vmul.f32 $1.875000000e+00, v41;
	[tilespmem:v44+s8+$0x0] =	vst.idx.add.f32.msk $0xffff, v20;
	v41 =	vand.u32 $0xFFFFFF80, v43;
	v40 =	vand.u32 $0xFFFFFF80, v40  }
0x261: {  	v28 =	vand.u32 $0xFFFFFF80, v28;
	v43 =	vmul.f32 $1.875000000e+00, v46;
	[tilespmem:v45+s8+$0x0] =	vst.idx.add.f32.msk $0xffff, v20;
	v41 =	vor.u32 v12, v41  }
0x262: {  	v39 =	vadd.f32 $1.258292000e+07, v39;
	v44 =	vmul.f32 $1.875000000e+00, v47;
	[tilespmem:v35+s8+$0x0] =	vst.idx.add.f32.msk $0xffff, v20;
	v35 =	vor.u32 v12, v40  }
0x263: {  	v36 =	vadd.s32 v26, v36;
	v28 =	vor.u32 v12, v28;
	v40 =	vadd.f32 $1.258292000e+07, v43;
	v43 =	vld [tilespmem:s23+$0x410]  }
0x264: {  	v39 =	vmax.f32 v39, $1.258291200e+07;
	v44 =	vadd.f32 $1.258292000e+07, v44;
	v42 =	vmul.f32 $1.875000000e+00, v42;
	[tilespmem:v38+s8+$0x0] =	vst.idx.add.f32.msk $0xffff, v20  }
0x265: {  	v37 =	vadd.s32 v26, v37;
	v38 =	vmin.f32 v39, $1.258292800e+07;
	v39 =	vmax.f32 v40, $1.258291200e+07;
	v40 =	vld [tilespmem:s23+$0x5D0]  }
0x266: {  	v39 =	vmin.f32 v39, $1.258292800e+07;
	v44 =	vmax.f32 v44, $1.258291200e+07;
	v42 =	vadd.f32 $1.258292000e+07, v42;
	v45 =	vld [tilespmem:s23+$0x490]  }
0x267: {  	v38 =	vshll.u32 v38, $0x9;
	v39 =	vshll.u32 v39, $0x9;
	v44 =	vmin.f32 v44, $1.258292800e+07;
	v46 =	vld [tilespmem:s23+$0x510]  }
0x268: {  	v38 =	vadd.s32 v48, v38;
	v44 =	vshll.u32 v44, $0x9;
	v42 =	vmax.f32 v42, $1.258291200e+07;
	[tilespmem:v41+s8+$0x0] =	vst.idx.add.f32.msk $0xffff, v20  }
0x269: {  	v39 =	vadd.s32 v48, v39;
	v41 =	vadd.s32 v48, v44;
	v42 =	vmin.f32 v42, $1.258292800e+07;
	[tilespmem:v35+s8+$0x0] =	vst.idx.add.f32.msk $0xffff, v20  }
0x26a: {  	v35 =	vor.u32 s30, v9;
	v42 =	vshll.u32 v42, $0x9;
	v40 =	vmul.f32 $1.875000000e+00, v40;
	[tilespmem:v28+s8+$0x0] =	vst.idx.add.f32.msk $0xffff, v20  }
0x26b: {  	v28 =	vand.u32 $0xFFFFFF00, v38;
	v38 =	vand.u32 $0xFFFFFF00, v39;
	v39 =	vadd.s32 v35, v42;
	v42 =	vld [tilespmem:s22+$0x460]  }
0x26c: {  	v41 =	vand.u32 $0xFFFFFF00, v41;
	v39 =	vand.u32 $0xFFFFFF00, v39;
	v40 =	vadd.f32 $1.258292000e+07, v40;
	v44 =	vld [tilespmem:s22+$0x4E0]  }
0x26d: {  	v47 =	vor.u32 v8, v28;
	v38 =	vor.u32 v8, v38;
	v39 =	vor.u32 v10, v39;
	v48 =	vld [tilespmem:s22+$0x560]  }
0x26e: {  	v41 =	vor.u32 v8, v41;
	v28 =	vmul.f32 $1.875000000e+00, v43;
	v40 =	vmax.f32 v40, $1.258291200e+07;
	[tilespmem:v36+s8+$0x0] =	vst.idx.add.f32.msk $0xffff, v20  }
0x26f: {  	v43 =	vmul.f32 $1.875000000e+00, v46;
	v36 =	vmul.f32 $1.875000000e+00, v45;
	v40 =	vmin.f32 v40, $1.258292800e+07;
	[tilespmem:v37+s8+$0x0] =	vst.idx.add.f32.msk $0xffff, v20  }
0x270: {  	v37 =	vadd.f32 $1.258292000e+07, v28;
	v28 =	vor.u32 s25, v23;
	v40 =	vshll.u32 v40, $0x9  }
0x271: {  	v43 =	vadd.f32 $1.258292000e+07, v43;
	v36 =	vadd.f32 $1.258292000e+07, v36;
	v40 =	vadd.s32 v28, v40  }
0x272: {  	v37 =	vmax.f32 v37, $1.258291200e+07;
	[tilespmem:v39+s8+$0x0] =	vst.idx.add.f32.msk $0xffff, v20;
	v39 =	vand.u32 $0xFFFFFF80, v40;
	v40 =	vmul.f32 $1.875000000e+00, v42  }
0x273: {  	v43 =	vmax.f32 v43, $1.258291200e+07;
	v36 =	vmax.f32 v36, $1.258291200e+07;
	v42 =	vld [tilespmem:s24+$0x1D0];
	v39 =	vor.u32 v12, v39  }
0x274: {  	v43 =	vmin.f32 v43, $1.258292800e+07;
	v37 =	vmin.f32 v37, $1.258292800e+07;
	v36 =	vmin.f32 v36, $1.258292800e+07;
	[tilespmem:v47+s8+$0x0] =	vst.idx.add.f32.msk $0xffff, v20  }
0x275: {  	v37 =	vshll.u32 v37, $0x9;
	v36 =	vshll.u32 v36, $0x9;
	[tilespmem:v38+s8+$0x0] =	vst.idx.add.f32.msk $0xffff, v20;
	v38 =	vshll.u32 v43, $0x9  }
0x276: {  	v37 =	vadd.s32 v33, v37;
	v36 =	vadd.s32 v33, v36;
	[tilespmem:v41+s8+$0x0] =	vst.idx.add.f32.msk $0xffff, v20;
	v41 =	vmul.f32 $1.875000000e+00, v44  }
0x277: {  	v37 =	vand.u32 $0xFFFFFF80, v37;
	v36 =	vand.u32 $0xFFFFFF80, v36;
	v33 =	vadd.s32 v33, v38;
	v43 =	vld [tilespmem:s24+$0x40]  }
0x278: {  	v37 =	vor.u32 v4, v37;
	v33 =	vand.u32 $0xFFFFFF80, v33;
	v38 =	vmul.f32 $1.875000000e+00, v42;
	[tilespmem:v39+s8+$0x0] =	vst.idx.add.f32.msk $0xffff, v20  }
0x279: {  	v36 =	vor.u32 v4, v36;
	v39 =	vor.u32 v4, v33;
	v33 =	vmul.f32 $1.875000000e+00, v48;
	v42 =	vld [tilespmem:s23+$0x5E0]  }
0x27a: {  	v34 =	vadd.s32 v26, v34;
	v26 =	vmovc v29;
	v40 =	vadd.f32 $1.258292000e+07, v40;
	v44 =	vld [tilespmem:s24+$0xC0];
	v38 =	vadd.f32 $1.258292000e+07, v38  }
0x27b: {  	v41 =	vadd.f32 $1.258292000e+07, v41;
	v33 =	vadd.f32 $1.258292000e+07, v33;
	v29 =	vld [tilespmem:s24+$0x140]  }
0x27c: {  	v40 =	vmax.f32 v40, $1.258291200e+07;
	v43 =	vmul.f32 $1.875000000e+00, v43;
	v38 =	vmax.f32 v38, $1.258291200e+07  }
0x27d: {  	v38 =	vmin.f32 v38, $1.258292800e+07;
	[tilespmem:v37+s8+$0x0] =	vst.idx.add.f32.msk $0xffff, v20;
	v37 =	vmax.f32 v41, $1.258291200e+07;
	v41 =	vmax.f32 v33, $1.258291200e+07  }
0x27e: {  	v33 =	vor.u32 s30, v11;
	v38 =	vshll.u32 v38, $0x9;
	[tilespmem:v36+s8+$0x0] =	vst.idx.add.f32.msk $0xffff, v20;
	v36 =	vmul.f32 $1.875000000e+00, v42  }
0x27f: {  	v42 =	vadd.f32 $1.258292000e+07, v43;
	v43 =	vmul.f32 $1.875000000e+00, v44;
	v38 =	vadd.s32 v33, v38;
	[tilespmem:v39+s8+$0x0] =	vst.idx.add.f32.msk $0xffff, v20  }
0x280: {  	v29 =	vmul.f32 $1.875000000e+00, v29;
	v38 =	vand.u32 $0xFFFFFF00, v38;
	v39 =	vld [tilespmem:s23+$0x420];
	v36 =	vadd.f32 $1.258292000e+07, v36  }
0x281: {  	v42 =	vmax.f32 v42, $1.258291200e+07;
	v43 =	vadd.f32 $1.258292000e+07, v43;
	v38 =	vor.u32 v12, v38;
	v44 =	vld [tilespmem:s23+$0x4A0]  }
0x282: {  	v42 =	vmin.f32 v42, $1.258292800e+07;
	v29 =	vadd.f32 $1.258292000e+07, v29;
	v45 =	vld [tilespmem:s23+$0x520];
	v36 =	vmax.f32 v36, $1.258291200e+07  }
0x283: {  	v42 =	vshll.u32 v42, $0x9;
	v43 =	vmax.f32 v43, $1.258291200e+07;
	v36 =	vmin.f32 v36, $1.258292800e+07;
	[tilespmem:v34+s8+$0x0] =	vst.idx.add.f32.msk $0xffff, v20  }
0x284: {  	v34 =	vor.u32 s25, v24;
	v29 =	vmax.f32 v29, $1.258291200e+07;
	v36 =	vshll.u32 v36, $0x9  }
0x285: {  	v43 =	vmin.f32 v43, $1.258292800e+07;
	v29 =	vmin.f32 v29, $1.258292800e+07;
	v36 =	vadd.s32 v34, v36  }
0x286: {  	v43 =	vshll.u32 v43, $0x9;
	v29 =	vshll.u32 v29, $0x9;
	[tilespmem:v38+s8+$0x0] =	vst.idx.add.f32.msk $0xffff, v20;
	v36 =	vand.u32 $0xFFFFFF80, v36  }
0x287: {  	v38 =	vadd.s32 v35, v42;
	v42 =	vadd.s32 v35, v43;
	v43 =	vld [tilespmem:s24+$0x1E0];
	v36 =	vor.u32 v14, v36  }
0x288: {  	v38 =	vand.u32 $0xFFFFFF00, v38;
	v42 =	vand.u32 $0xFFFFFF00, v42;
	v29 =	vadd.s32 v35, v29  }
0x289: {  	v35 =	vor.u32 v10, v38;
	v38 =	vor.u32 v10, v42;
	v29 =	vand.u32 $0xFFFFFF00, v29  }
0x28a: {  	v39 =	vmul.f32 $1.875000000e+00, v39;
	v42 =	vmul.f32 $1.875000000e+00, v44;
	v29 =	vor.u32 v10, v29  }
0x28b: {  	v40 =	vmin.f32 v40, $1.258292800e+07;
	v37 =	vmin.f32 v37, $1.258292800e+07;
	v44 =	vmul.f32 $1.875000000e+00, v45  }
0x28c: {  	v39 =	vadd.f32 $1.258292000e+07, v39;
	v42 =	vadd.f32 $1.258292000e+07, v42;
	v43 =	vmul.f32 $1.875000000e+00, v43;
	[tilespmem:v36+s8+$0x0] =	vst.idx.add.f32.msk $0xffff, v20  }
0x28d: {  	v40 =	vshll.u32 v40, $0x9;
	v41 =	vmin.f32 v41, $1.258292800e+07;
	v36 =	vadd.f32 $1.258292000e+07, v44;
	v44 =	vld [tilespmem:s23+$0x5F0]  }
0x28e: {  	v39 =	vmax.f32 v39, $1.258291200e+07;
	v42 =	vmax.f32 v42, $1.258291200e+07;
	[tilespmem:v35+s8+$0x0] =	vst.idx.add.f32.msk $0xffff, v20;
	v35 =	vadd.f32 $1.258292000e+07, v43  }
0x28f: {  	v36 =	vmax.f32 v36, $1.258291200e+07;
	[tilespmem:v38+s8+$0x0] =	vst.idx.add.f32.msk $0xffff, v20;
	v38 =	vmin.f32 v39, $1.258292800e+07;
	v39 =	vmin.f32 v42, $1.258292800e+07  }
0x290: {  	v36 =	vmin.f32 v36, $1.258292800e+07;
	[tilespmem:v29+s8+$0x0] =	vst.idx.add.f32.msk $0xffff, v20;
	v29 =	vmax.f32 v35, $1.258291200e+07;
	v35 =	vshll.u32 v38, $0x9  }
0x291: {  	v39 =	vshll.u32 v39, $0x9;
	v42 =	vshll.u32 v36, $0x9;
	v38 =	vld [tilespmem:s24+$0x50];
	v29 =	vmin.f32 v29, $1.258292800e+07  }
0x292: {  	v36 =	vor.u32 s30, v13;
	v43 =	vld [tilespmem:s24+$0xD0];
	v29 =	vshll.u32 v29, $0x9;
	v44 =	vmul.f32 $1.875000000e+00, v44  }
0x293: {  	v35 =	vadd.s32 v32, v35;
	v39 =	vadd.s32 v32, v39;
	v45 =	vld [tilespmem:s24+$0x150];
	v29 =	vadd.s32 v36, v29  }
0x294: {  	v32 =	vadd.s32 v32, v42;
	v29 =	vand.u32 $0xFFFFFF00, v29;
	v42 =	vadd.f32 $1.258292000e+07, v44  }
0x295: {  	v44 =	vor.u32 v14, v29;
	v29 =	vand.u32 $0xFFFFFF80, v35;
	v35 =	vand.u32 $0xFFFFFF80, v39  }
0x296: {  	v32 =	vand.u32 $0xFFFFFF80, v32;
	v38 =	vmul.f32 $1.875000000e+00, v38;
	v39 =	vmax.f32 v42, $1.258291200e+07  }
0x297: {  	v42 =	vmul.f32 $1.875000000e+00, v43;
	v43 =	vor.u32 v6, v29;
	v39 =	vmin.f32 v39, $1.258292800e+07  }
0x298: {  	v29 =	vor.u32 s25, v25;
	s25 =	smov.u32 s30;
	v45 =	vmul.f32 $1.875000000e+00, v45;
	v39 =	vshll.u32 v39, $0x9  }
0x299: {  	v38 =	vadd.f32 $1.258292000e+07, v38;
	v42 =	vadd.f32 $1.258292000e+07, v42;
	v39 =	vadd.s32 v29, v39  }
0x29a: {  	v32 =	vor.u32 v6, v32;
	v35 =	vor.u32 v6, v35;
	v45 =	vadd.f32 $1.258292000e+07, v45;
	[tilespmem:v44+s8+$0x0] =	vst.idx.add.f32.msk $0xffff, v20  }
0x29b: {  	v37 =	vshll.u32 v37, $0x9;
	v38 =	vmax.f32 v38, $1.258291200e+07;
	v42 =	vmax.f32 v42, $1.258291200e+07;
	v44 =	vld [tilespmem:s24+$0x1F0]  }
0x29c: {  	v38 =	vmin.f32 v38, $1.258292800e+07;
	v42 =	vmin.f32 v42, $1.258292800e+07;
	v45 =	vmax.f32 v45, $1.258291200e+07;
	[tilespmem:v43+s8+$0x0] =	vst.idx.add.f32.msk $0xffff, v20  }
0x29d: {  	v38 =	vshll.u32 v38, $0x9;
	v42 =	vshll.u32 v42, $0x9;
	v43 =	vmin.f32 v45, $1.258292800e+07;
	v45 =	vld [tilespmem:s23+$0x430]  }
0x29e: {  	v38 =	vadd.s32 v33, v38;
	v42 =	vadd.s32 v33, v42;
	v43 =	vshll.u32 v43, $0x9;
	[tilespmem:v39+s8+$0x0] =	vst.idx.add.f32.msk $0xffff, v20  }
0x29f: {  	v38 =	vand.u32 $0xFFFFFF00, v38;
	v39 =	vand.u32 $0xFFFFFF00, v42;
	v33 =	vadd.s32 v33, v43;
	[tilespmem:v35+s8+$0x0] =	vst.idx.add.f32.msk $0xffff, v20  }
0x2a0: {  	v35 =	vor.u32 v12, v38;
	v33 =	vand.u32 $0xFFFFFF00, v33;
	v38 =	vmul.f32 $1.875000000e+00, v44;
	[tilespmem:v32+s8+$0x0] =	vst.idx.add.f32.msk $0xffff, v20  }
0x2a1: {  	v41 =	vshll.u32 v41, $0x9;
	v32 =	vor.u32 v12, v39;
	v33 =	vor.u32 v12, v33;
	v39 =	vld [tilespmem:s23+$0x4B0]  }
0x2a2: {  	v40 =	vadd.s32 v27, v40;
	v38 =	vadd.f32 $1.258292000e+07, v38;
	v42 =	vmul.f32 $1.875000000e+00, v45;
	v43 =	vld [tilespmem:s23+$0x530]  }
0x2a3: {  	v40 =	vand.u32 $0xFFFFFF80, v40;
	v37 =	vadd.s32 v27, v37;
	v41 =	vadd.s32 v27, v41;
	v27 =	vmovc v34  }
0x2a4: {  	v37 =	vand.u32 $0xFFFFFF80, v37;
	v34 =	vmax.f32 v38, $1.258291200e+07;
	v38 =	vadd.f32 $1.258292000e+07, v42  }
0x2a5: {  	v40 =	vor.u32 v14, v40;
	v41 =	vand.u32 $0xFFFFFF80, v41;
	[tilespmem:v35+s8+$0x0] =	vst.idx.add.f32.msk $0xffff, v20;
	v35 =	vmin.f32 v34, $1.258292800e+07  }
0x2a6: {  	v34 =	vor.u32 s25, v15;
	[tilespmem:v32+s8+$0x0] =	vst.idx.add.f32.msk $0xffff, v20;
	v32 =	vshll.u32 v35, $0x9;
	v35 =	vmul.f32 $1.875000000e+00, v39  }
0x2a7: {  	[tilespmem:v33+s8+$0x0] =	vst.idx.add.f32.msk $0xffff, v20;
	v32 =	vadd.s32 v34, v32;
	v33 =	vmax.f32 v38, $1.258291200e+07;
	v38 =	vmul.f32 $1.875000000e+00, v43  }
0x2a8: {  	v39 =	vld [tilespmem:s24+$0x60];
	v32 =	vand.u32 $0xFFFFFF00, v32;
	v33 =	vmin.f32 v33, $1.258292800e+07;
	v35 =	vadd.f32 $1.258292000e+07, v35  }
0x2a9: {  	v42 =	vld [tilespmem:s24+$0xE0];
	v32 =	vor.u32 v16, v32;
	v33 =	vshll.u32 v33, $0x9;
	v38 =	vadd.f32 $1.258292000e+07, v38  }
0x2aa: {  	v37 =	vor.u32 v14, v37;
	v43 =	vld [tilespmem:s24+$0x160];
	v33 =	vadd.s32 v31, v33;
	v35 =	vmax.f32 v35, $1.258291200e+07  }
0x2ab: {  	v33 =	vand.u32 $0xFFFFFF80, v33;
	v35 =	vmin.f32 v35, $1.258292800e+07;
	v38 =	vmax.f32 v38, $1.258291200e+07;
	[tilespmem:v40+s8+$0x0] =	vst.idx.add.f32.msk $0xffff, v20  }
0x2ac: {  	v33 =	vor.u32 v8, v33;
	v35 =	vshll.u32 v35, $0x9;
	v38 =	vmin.f32 v38, $1.258292800e+07;
	v40 =	vld [tilespmem:s22+$0x470]  }
0x2ad: {  	v39 =	vmul.f32 $1.875000000e+00, v39;
	v35 =	vadd.s32 v31, v35;
	v38 =	vshll.u32 v38, $0x9  }
0x2ae: {  	v42 =	vmul.f32 $1.875000000e+00, v42;
	[tilespmem:v32+s8+$0x0] =	vst.idx.add.f32.msk $0xffff, v20;
	v32 =	vand.u32 $0xFFFFFF80, v35;
	v31 =	vadd.s32 v31, v38  }
0x2af: {  	v35 =	vadd.f32 $1.258292000e+07, v39;
	v38 =	vmul.f32 $1.875000000e+00, v43;
	v39 =	vld [tilespmem:s24+$0x580];
	v31 =	vand.u32 $0xFFFFFF80, v31  }
0x2b0: {  	v43 =	vor.u32 v8, v32;
	v42 =	vadd.f32 $1.258292000e+07, v42;
	v44 =	vor.u32 v8, v31;
	[tilespmem:v37+s8+$0x0] =	vst.idx.add.f32.msk $0xffff, v20  }
0x2b1: {  	v31 =	vmax.f32 v35, $1.258291200e+07;
	v32 =	vadd.f32 $1.258292000e+07, v38;
	[tilespmem:v33+s8+$0x0] =	vst.idx.add.f32.msk $0xffff, v20;
	v33 =	vor.u32 v14, v41  }
0x2b2: {  	v37 =	vmin.f32 v31, $1.258292800e+07;
	v38 =	vmax.f32 v42, $1.258291200e+07;
	v35 =	vld [tilespmem:s23+$0x440];
	v31 =	vmul.f32 $1.875000000e+00, v40  }
.Ltmp1:
0x2b3: {  	v37 =	vshll.u32 v37, $0x9;
	v38 =	vmin.f32 v38, $1.258292800e+07;
	v40 =	vmax.f32 v32, $1.258291200e+07;
	v32 =	vld [tilespmem:s22+$0x4F0];
	(pc) =	sbr.rel @p0 .LBB2_5-.Ltmp1, $4  }
0x2b4: {  	v38 =	vshll.u32 v38, $0x9;
	v40 =	vmin.f32 v40, $1.258292800e+07;
	v39 =	vmul.f32 $1.875000000e+00, v39  }
0x2b5: {  	v37 =	vadd.s32 v36, v37;
	v41 =	vadd.s32 v36, v38;
	v38 =	vshll.u32 v40, $0x9;
	[tilespmem:v43+s8+$0x0] =	vst.idx.add.f32.msk $0xffff, v20  }
0x2b6: {  	v40 =	vand.u32 $0xFFFFFF00, v37;
	v36 =	vadd.s32 v36, v38;
	v37 =	vadd.f32 $1.258292000e+07, v39;
	[tilespmem:v44+s8+$0x0] =	vst.idx.add.f32.msk $0xffff, v20  }
0x2b7: {  	v38 =	vor.u32 v14, v40;
	v39 =	vand.u32 $0xFFFFFF00, v41;
	v40 =	vand.u32 $0xFFFFFF00, v36;
	v36 =	vld [tilespmem:s23+$0x4C0]  }
0x2b8: {  	_ = 	snop  }
0x2b9: {  	v39 =	vor.u32 v14, v39  }
0x2ba: {  	v40 =	vor.u32 v14, v40;
	_ =	sdelay $0x1  }
0x2bb: {  	[tilespmem:v38+s8+$0x0] =	vst.idx.add.f32.msk $0xffff, v20  }
0x2bc: {  	v38 =	vld [tilespmem:s24+$0x70]  }
0x2bd: {  	[tilespmem:v39+s8+$0x0] =	vst.idx.add.f32.msk $0xffff, v20  }
0x2be: {  	[tilespmem:v40+s8+$0x0] =	vst.idx.add.f32.msk $0xffff, v20  }
0x2bf: {  	v39 =	vld [tilespmem:s24+$0xF0]  }
0x2c0: {  	v40 =	vld [tilespmem:s24+$0x170];
	_ =	sdelay $0x1  }
0x2c1: {  	v38 =	vmul.f32 $1.875000000e+00, v38;
	_ =	sdelay $0x1  }
0x2c2: {  	v38 =	vadd.f32 $1.258292000e+07, v38;
	v39 =	vmul.f32 $1.875000000e+00, v39  }
0x2c3: {  	v40 =	vmul.f32 $1.875000000e+00, v40  }
0x2c4: {  	v38 =	vmax.f32 v38, $1.258291200e+07;
	v39 =	vadd.f32 $1.258292000e+07, v39  }
0x2c5: {  	v38 =	vmin.f32 v38, $1.258292800e+07;
	v40 =	vadd.f32 $1.258292000e+07, v40  }
0x2c6: {  	v38 =	vshll.u32 v38, $0x9;
	v39 =	vmax.f32 v39, $1.258291200e+07  }
0x2c7: {  	v38 =	vadd.s32 v34, v38;
	v40 =	vmax.f32 v40, $1.258291200e+07;
	v39 =	vmin.f32 v39, $1.258292800e+07  }
0x2c8: {  	v38 =	vand.u32 $0xFFFFFF00, v38;
	v40 =	vmin.f32 v40, $1.258292800e+07;
	v39 =	vshll.u32 v39, $0x9  }
0x2c9: {  	v38 =	vor.u32 v16, v38;
	v40 =	vshll.u32 v40, $0x9;
	v39 =	vadd.s32 v34, v39  }
0x2ca: {  	v54 =	vadd.s32 v34, v40;
	v39 =	vand.u32 $0xFFFFFF00, v39  }
0x2cb: {  	v34 =	vand.u32 $0xFFFFFF00, v54;
	v39 =	vor.u32 v16, v39  }
0x2cc: {  	v34 =	vor.u32 v16, v34;
	_ =	sdelay $0x1  }
0x2cd: {  	[tilespmem:v38+s8+$0x0] =	vst.idx.add.f32.msk $0xffff, v20  }
0x2ce: {  	v38 =	vld [tilespmem:s24+$0x400]  }
0x2cf: {  	[tilespmem:v39+s8+$0x0] =	vst.idx.add.f32.msk $0xffff, v20  }
0x2d0: {  	[tilespmem:v34+s8+$0x0] =	vst.idx.add.f32.msk $0xffff, v20  }
0x2d1: {  	v37 =	vmax.f32 v37, $1.258291200e+07;
	v39 =	vld [tilespmem:s24+$0x480]  }
0x2d2: {  	v37 =	vmin.f32 v37, $1.258292800e+07;
	v57 =	vld [tilespmem:s24+$0x500]  }
0x2d3: {  	v55 =	vor.u32 s25, v17;
	v37 =	vshll.u32 v37, $0x9  }
0x2d4: {  	v37 =	vadd.s32 v55, v37;
	v38 =	vmul.f32 $1.875000000e+00, v38  }
0x2d5: {  	v37 =	vand.u32 $0xFFFFFF80, v37  }
0x2d6: {  	v56 =	vor.u32 v1, v37;
	v38 =	vadd.f32 $1.258292000e+07, v38;
	v39 =	vmul.f32 $1.875000000e+00, v39  }
0x2d7: {  	v58 =	vmul.f32 $1.875000000e+00, v57  }
0x2d8: {  	v38 =	vmax.f32 v38, $1.258291200e+07;
	v59 =	vadd.f32 $1.258292000e+07, v39  }
0x2d9: {  	v38 =	vmin.f32 v38, $1.258292800e+07;
	v34 =	vadd.f32 $1.258292000e+07, v58  }
0x2da: {  	v38 =	vshll.u32 v38, $0x9;
	v37 =	vmax.f32 v59, $1.258291200e+07  }
0x2db: {  	[tilespmem:v56+s8+$0x0] =	vst.idx.add.f32.msk $0xffff, v20;
	v38 =	vadd.s32 v55, v38;
	v34 =	vmax.f32 v34, $1.258291200e+07;
	v37 =	vmin.f32 v37, $1.258292800e+07  }
0x2dc: {  	v60 =	vld [tilespmem:s24+$0x590];
	v38 =	vand.u32 $0xFFFFFF80, v38;
	v34 =	vmin.f32 v34, $1.258292800e+07;
	v37 =	vshll.u32 v37, $0x9  }
0x2dd: {  	v38 =	vor.u32 v1, v38;
	v34 =	vshll.u32 v34, $0x9;
	v37 =	vadd.s32 v55, v37  }
0x2de: {  	v34 =	vadd.s32 v55, v34;
	v37 =	vand.u32 $0xFFFFFF80, v37  }
0x2df: {  	v34 =	vand.u32 $0xFFFFFF80, v34;
	v37 =	vor.u32 v1, v37  }
0x2e0: {  	v34 =	vor.u32 v1, v34  }
0x2e1: {  	v39 =	vmul.f32 $1.875000000e+00, v60  }
0x2e2: {  	[tilespmem:v38+s8+$0x0] =	vst.idx.add.f32.msk $0xffff, v20  }
0x2e3: {  	v39 =	vadd.f32 $1.258292000e+07, v39;
	v62 =	vld [tilespmem:s24+$0x410]  }
0x2e4: {  	[tilespmem:v37+s8+$0x0] =	vst.idx.add.f32.msk $0xffff, v20  }
0x2e5: {  	v39 =	vmax.f32 v39, $1.258291200e+07;
	[tilespmem:v34+s8+$0x0] =	vst.idx.add.f32.msk $0xffff, v20  }
0x2e6: {  	v61 =	vmin.f32 v39, $1.258292800e+07;
	v44 =	vld [tilespmem:s24+$0x490]  }
0x2e7: {  	v63 =	vor.u32 s25, v18;
	v38 =	vshll.u32 v61, $0x9;
	v46 =	vld [tilespmem:s24+$0x510]  }
0x2e8: {  	v43 =	vadd.s32 v63, v38  }
0x2e9: {  	v37 =	vand.u32 $0xFFFFFF80, v43;
	v39 =	vmul.f32 $1.875000000e+00, v62  }
0x2ea: {  	v45 =	vor.u32 v4, v37  }
0x2eb: {  	v39 =	vadd.f32 $1.258292000e+07, v39;
	v38 =	vmul.f32 $1.875000000e+00, v44  }
0x2ec: {  	v47 =	vmul.f32 $1.875000000e+00, v46  }
0x2ed: {  	v49 =	vmax.f32 v39, $1.258291200e+07;
	v48 =	vadd.f32 $1.258292000e+07, v38  }
0x2ee: {  	v38 =	vmin.f32 v49, $1.258292800e+07;
	v34 =	vadd.f32 $1.258292000e+07, v47  }
0x2ef: {  	[tilespmem:v45+s8+$0x0] =	vst.idx.add.f32.msk $0xffff, v20;
	v38 =	vshll.u32 v38, $0x9;
	v37 =	vmax.f32 v48, $1.258291200e+07  }
0x2f0: {  	v50 =	vld [tilespmem:s24+$0x5A0];
	v38 =	vadd.s32 v63, v38;
	v34 =	vmax.f32 v34, $1.258291200e+07;
	v37 =	vmin.f32 v37, $1.258292800e+07  }
0x2f1: {  	v38 =	vand.u32 $0xFFFFFF80, v38;
	v34 =	vmin.f32 v34, $1.258292800e+07;
	v37 =	vshll.u32 v37, $0x9  }
0x2f2: {  	v38 =	vor.u32 v4, v38;
	v34 =	vshll.u32 v34, $0x9;
	v37 =	vadd.s32 v63, v37  }
0x2f3: {  	v34 =	vadd.s32 v63, v34;
	v37 =	vand.u32 $0xFFFFFF80, v37  }
0x2f4: {  	v34 =	vand.u32 $0xFFFFFF80, v34;
	v37 =	vor.u32 v4, v37  }
0x2f5: {  	v39 =	vmul.f32 $1.875000000e+00, v50;
	v34 =	vor.u32 v4, v34;
	_ =	sdelay $0x1  }
0x2f6: {  	v39 =	vadd.f32 $1.258292000e+07, v39;
	[tilespmem:v38+s8+$0x0] =	vst.idx.add.f32.msk $0xffff, v20  }
0x2f7: {  	v52 =	vld [tilespmem:s24+$0x420]  }
0x2f8: {  	v39 =	vmax.f32 v39, $1.258291200e+07;
	[tilespmem:v37+s8+$0x0] =	vst.idx.add.f32.msk $0xffff, v20  }
0x2f9: {  	v51 =	vmin.f32 v39, $1.258292800e+07;
	[tilespmem:v34+s8+$0x0] =	vst.idx.add.f32.msk $0xffff, v20  }
0x2fa: {  	v53 =	vor.u32 s25, v19;
	v38 =	vshll.u32 v51, $0x9;
	v55 =	vld [tilespmem:s24+$0x4A0]  }
0x2fb: {  	v54 =	vadd.s32 v53, v38;
	v57 =	vld [tilespmem:s24+$0x520]  }
0x2fc: {  	v37 =	vand.u32 $0xFFFFFF80, v54  }
0x2fd: {  	v56 =	vor.u32 v6, v37;
	v39 =	vmul.f32 $1.875000000e+00, v52;
	_ =	sdelay $0x1  }
0x2fe: {  	v39 =	vadd.f32 $1.258292000e+07, v39;
	v38 =	vmul.f32 $1.875000000e+00, v55  }
0x2ff: {  	v58 =	vmul.f32 $1.875000000e+00, v57  }
0x300: {  	v60 =	vmax.f32 v39, $1.258291200e+07;
	v59 =	vadd.f32 $1.258292000e+07, v38  }
0x301: {  	[tilespmem:v56+s8+$0x0] =	vst.idx.add.f32.msk $0xffff, v20;
	v38 =	vmin.f32 v60, $1.258292800e+07;
	v34 =	vadd.f32 $1.258292000e+07, v58  }
0x302: {  	v61 =	vld [tilespmem:s24+$0x5B0];
	v38 =	vshll.u32 v38, $0x9;
	v37 =	vmax.f32 v59, $1.258291200e+07  }
0x303: {  	v38 =	vadd.s32 v53, v38;
	v34 =	vmax.f32 v34, $1.258291200e+07;
	v37 =	vmin.f32 v37, $1.258292800e+07  }
0x304: {  	v38 =	vand.u32 $0xFFFFFF80, v38;
	v34 =	vmin.f32 v34, $1.258292800e+07;
	v37 =	vshll.u32 v37, $0x9  }
0x305: {  	v38 =	vor.u32 v6, v38;
	v34 =	vshll.u32 v34, $0x9;
	v37 =	vadd.s32 v53, v37  }
0x306: {  	v35 =	vmul.f32 $1.875000000e+00, v35;
	v34 =	vadd.s32 v53, v34;
	v37 =	vand.u32 $0xFFFFFF80, v37  }
0x307: {  	v41 =	vld [tilespmem:s23+$0x540];
	v39 =	vmul.f32 $1.875000000e+00, v61;
	v34 =	vand.u32 $0xFFFFFF80, v34;
	v37 =	vor.u32 v6, v37  }
0x308: {  	v34 =	vor.u32 v6, v34  }
0x309: {  	v35 =	vadd.f32 $1.258292000e+07, v35;
	v39 =	vadd.f32 $1.258292000e+07, v39  }
0x30a: {  	[tilespmem:v38+s8+$0x0] =	vst.idx.add.f32.msk $0xffff, v20  }
0x30b: {  	v36 =	vmul.f32 $1.875000000e+00, v36;
	v35 =	vmax.f32 v35, $1.258291200e+07;
	v39 =	vmax.f32 v39, $1.258291200e+07;
	v44 =	vld [tilespmem:s24+$0x430]  }
0x30c: {  	v35 =	vmin.f32 v35, $1.258292800e+07;
	v62 =	vmul.f32 $1.875000000e+00, v41;
	v63 =	vmin.f32 v39, $1.258292800e+07;
	[tilespmem:v37+s8+$0x0] =	vst.idx.add.f32.msk $0xffff, v20  }
0x30d: {  	v36 =	vadd.f32 $1.258292000e+07, v36;
	v45 =	vor.u32 s25, v21;
	v38 =	vshll.u32 v63, $0x9;
	[tilespmem:v34+s8+$0x0] =	vst.idx.add.f32.msk $0xffff, v20  }
0x30e: {  	v35 =	vshll.u32 v35, $0x9;
	v40 =	vadd.f32 $1.258292000e+07, v62;
	v46 =	vadd.s32 v45, v38;
	v47 =	vld [tilespmem:s24+$0x4B0]  }
0x30f: {  	v35 =	vadd.s32 v30, v35;
	v36 =	vmax.f32 v36, $1.258291200e+07;
	v37 =	vand.u32 $0xFFFFFF80, v46;
	v50 =	vld [tilespmem:s24+$0x530]  }
0x310: {  	v35 =	vand.u32 $0xFFFFFF80, v35;
	v40 =	vmax.f32 v40, $1.258291200e+07;
	v37 =	vor.u32 v8, v37  }
0x311: {  	v49 =	vmin.f32 v40, $1.258292800e+07;
	v48 =	vmin.f32 v36, $1.258292800e+07;
	v39 =	vmul.f32 $1.875000000e+00, v44  }
0x312: {  	v35 =	vor.u32 v10, v35;
	v36 =	vshll.u32 v49, $0x9;
	v34 =	vshll.u32 v48, $0x9  }
0x313: {  	v34 =	vadd.s32 v30, v34;
	v51 =	vadd.f32 $1.258292000e+07, v39;
	v38 =	vmul.f32 $1.875000000e+00, v47  }
0x314: {  	v30 =	vadd.s32 v30, v36;
	v34 =	vand.u32 $0xFFFFFF80, v34;
	v52 =	vmul.f32 $1.875000000e+00, v50  }
0x315: {  	v30 =	vand.u32 $0xFFFFFF80, v30;
	[tilespmem:v37+s8+$0x0] =	vst.idx.add.f32.msk $0xffff, v20;
	v36 =	vmax.f32 v51, $1.258291200e+07;
	v38 =	vadd.f32 $1.258292000e+07, v38  }
0x316: {  	v30 =	vor.u32 v10, v30;
	v53 =	vld [tilespmem:s24+$0x5C0];
	v36 =	vmin.f32 v36, $1.258292800e+07;
	v37 =	vadd.f32 $1.258292000e+07, v52  }
0x317: {  	v34 =	vor.u32 v10, v34;
	v36 =	vshll.u32 v36, $0x9;
	v38 =	vmax.f32 v38, $1.258291200e+07  }
0x318: {  	v36 =	vadd.s32 v45, v36;
	v55 =	vmax.f32 v37, $1.258291200e+07;
	v38 =	vmin.f32 v38, $1.258292800e+07  }
0x319: {  	[tilespmem:v35+s8+$0x0] =	vst.idx.add.f32.msk $0xffff, v20;
	v54 =	vand.u32 $0xFFFFFF80, v36;
	v58 =	vmin.f32 v55, $1.258292800e+07;
	v56 =	vshll.u32 v38, $0x9  }
0x31a: {  	v60 =	vld [tilespmem:s23+$0x450];
	v57 =	vor.u32 v8, v54;
	v35 =	vshll.u32 v58, $0x9;
	v59 =	vadd.s32 v45, v56  }
0x31b: {  	[tilespmem:v30+s8+$0x0] =	vst.idx.add.f32.msk $0xffff, v20;
	v30 =	vmul.f32 $1.875000000e+00, v53;
	v35 =	vadd.s32 v45, v35;
	v36 =	vand.u32 $0xFFFFFF80, v59  }
0x31c: {  	[tilespmem:v34+s8+$0x0] =	vst.idx.add.f32.msk $0xffff, v20;
	v35 =	vand.u32 $0xFFFFFF80, v35;
	v36 =	vor.u32 v8, v36  }
0x31d: {  	v61 =	vld [tilespmem:s23+$0x4D0];
	v30 =	vadd.f32 $1.258292000e+07, v30;
	v35 =	vor.u32 v8, v35  }
0x31e: {  	v62 =	vld [tilespmem:s23+$0x550]  }
0x31f: {  	v30 =	vmax.f32 v30, $1.258291200e+07;
	[tilespmem:v57+s8+$0x0] =	vst.idx.add.f32.msk $0xffff, v20  }
0x320: {  	v30 =	vmin.f32 v30, $1.258292800e+07;
	v34 =	vld [tilespmem:s24+$0x440]  }
0x321: {  	v63 =	vor.u32 s25, v22;
	v30 =	vshll.u32 v30, $0x9;
	[tilespmem:v36+s8+$0x0] =	vst.idx.add.f32.msk $0xffff, v20  }
0x322: {  	v30 =	vadd.s32 v63, v30;
	[tilespmem:v35+s8+$0x0] =	vst.idx.add.f32.msk $0xffff, v20  }
0x323: {  	v30 =	vand.u32 $0xFFFFFF80, v30;
	v36 =	vld [tilespmem:s24+$0x4C0]  }
0x324: {  	v30 =	vor.u32 v10, v30;
	v45 =	vld [tilespmem:s24+$0x540]  }
0x325: {  	v34 =	vmul.f32 $1.875000000e+00, v34  }
0x326: {  	v38 =	vmul.f32 $1.875000000e+00, v61  }
0x327: {  	v44 =	vmul.f32 $1.875000000e+00, v60;
	v39 =	vmul.f32 $1.875000000e+00, v62;
	v34 =	vadd.f32 $1.258292000e+07, v34  }
0x328: {  	v50 =	vor.u32 s25, v23;
	v47 =	vadd.f32 $1.258292000e+07, v38;
	v36 =	vmul.f32 $1.875000000e+00, v36  }
0x329: {  	v39 =	vadd.f32 $1.258292000e+07, v39;
	[tilespmem:v30+s8+$0x0] =	vst.idx.add.f32.msk $0xffff, v20;
	v46 =	vmul.f32 $1.875000000e+00, v45;
	v30 =	vmax.f32 v34, $1.258291200e+07  }
0x32a: {  	v37 =	vmax.f32 v47, $1.258291200e+07;
	v48 =	vld [tilespmem:s24+$0x5D0];
	v36 =	vadd.f32 $1.258292000e+07, v36;
	v30 =	vmin.f32 v30, $1.258292800e+07  }
0x32b: {  	v39 =	vmax.f32 v39, $1.258291200e+07;
	v34 =	vadd.f32 $1.258292000e+07, v46;
	v30 =	vshll.u32 v30, $0x9  }
0x32c: {  	v35 =	vadd.f32 $1.258292000e+07, v44;
	v36 =	vmax.f32 v36, $1.258291200e+07;
	v30 =	vadd.s32 v63, v30  }
0x32d: {  	v34 =	vmax.f32 v34, $1.258291200e+07;
	v36 =	vmin.f32 v36, $1.258292800e+07;
	v30 =	vand.u32 $0xFFFFFF80, v30  }
0x32e: {  	v34 =	vmin.f32 v34, $1.258292800e+07;
	v36 =	vshll.u32 v36, $0x9;
	v30 =	vor.u32 v10, v30  }
0x32f: {  	v38 =	vmul.f32 $1.875000000e+00, v48;
	v34 =	vshll.u32 v34, $0x9;
	v36 =	vadd.s32 v63, v36  }
0x330: {  	v35 =	vmax.f32 v35, $1.258291200e+07;
	v34 =	vadd.s32 v63, v34;
	v36 =	vand.u32 $0xFFFFFF80, v36  }
0x331: {  	v38 =	vadd.f32 $1.258292000e+07, v38;
	v34 =	vand.u32 $0xFFFFFF80, v34;
	v36 =	vor.u32 v10, v36  }
0x332: {  	v37 =	vmin.f32 v37, $1.258292800e+07;
	v35 =	vmin.f32 v35, $1.258292800e+07;
	v34 =	vor.u32 v10, v34  }
0x333: {  	v37 =	vshll.u32 v37, $0x9;
	v35 =	vshll.u32 v35, $0x9;
	v38 =	vmax.f32 v38, $1.258291200e+07  }
0x334: {  	v37 =	vadd.s32 v28, v37;
	v35 =	vadd.s32 v28, v35;
	[tilespmem:v30+s8+$0x0] =	vst.idx.add.f32.msk $0xffff, v20;
	v38 =	vmin.f32 v38, $1.258292800e+07  }
0x335: {  	v51 =	vand.u32 $0xFFFFFF80, v37;
	v35 =	vand.u32 $0xFFFFFF80, v35;
	v49 =	vld [tilespmem:s24+$0x450];
	v38 =	vshll.u32 v38, $0x9  }
0x336: {  	v35 =	vor.u32 v12, v35;
	v30 =	vmin.f32 v39, $1.258292800e+07;
	v52 =	vadd.s32 v50, v38;
	[tilespmem:v36+s8+$0x0] =	vst.idx.add.f32.msk $0xffff, v20  }
0x337: {  	v30 =	vshll.u32 v30, $0x9;
	v36 =	vor.u32 v12, v51;
	v37 =	vand.u32 $0xFFFFFF80, v52;
	[tilespmem:v34+s8+$0x0] =	vst.idx.add.f32.msk $0xffff, v20  }
0x338: {  	v28 =	vadd.s32 v28, v30;
	v53 =	vld [tilespmem:s24+$0x4D0];
	v30 =	vor.u32 v12, v37  }
0x339: {  	v28 =	vand.u32 $0xFFFFFF80, v28;
	v34 =	vld [tilespmem:s24+$0x550]  }
0x33a: {  	[tilespmem:v33+s8+$0x0] =	vst.idx.add.f32.msk $0xffff, v20;
	v28 =	vor.u32 v12, v28;
	v54 =	vmul.f32 $1.875000000e+00, v49  }
0x33b: {  	[tilespmem:v35+s8+$0x0] =	vst.idx.add.f32.msk $0xffff, v20  }
0x33c: {  	v33 =	vadd.f32 $1.258292000e+07, v54;
	[tilespmem:v36+s8+$0x0] =	vst.idx.add.f32.msk $0xffff, v20  }
0x33d: {  	v56 =	vmul.f32 $1.875000000e+00, v53;
	[tilespmem:v30+s8+$0x0] =	vst.idx.add.f32.msk $0xffff, v20  }
0x33e: {  	v57 =	vmul.f32 $1.875000000e+00, v34;
	v36 =	vld [tilespmem:s23+$0x4E0];
	v30 =	vmax.f32 v33, $1.258291200e+07  }
0x33f: {  	[tilespmem:v28+s8+$0x0] =	vst.idx.add.f32.msk $0xffff, v20;
	v58 =	vadd.f32 $1.258292000e+07, v56;
	v30 =	vmin.f32 v30, $1.258292800e+07  }
0x340: {  	v59 =	vld [tilespmem:s24+$0x5E0];
	v28 =	vshll.u32 v30, $0x9;
	v30 =	vadd.f32 $1.258292000e+07, v57  }
0x341: {  	v62 =	vld [tilespmem:s23+$0x560];
	v60 =	vmax.f32 v58, $1.258291200e+07  }
0x342: {  	v61 =	vld [tilespmem:s23+$0x460];
	v28 =	vadd.s32 v50, v28;
	v33 =	vmin.f32 v60, $1.258292800e+07;
	v30 =	vmax.f32 v30, $1.258291200e+07  }
0x343: {  	v28 =	vand.u32 $0xFFFFFF80, v28;
	v36 =	vmul.f32 $1.875000000e+00, v36;
	v33 =	vshll.u32 v33, $0x9  }
0x344: {  	v30 =	vmin.f32 v30, $1.258292800e+07;
	v28 =	vor.u32 v12, v28;
	v33 =	vadd.s32 v50, v33  }
0x345: {  	v35 =	vmul.f32 $1.875000000e+00, v59;
	v30 =	vshll.u32 v30, $0x9;
	v33 =	vand.u32 $0xFFFFFF80, v33  }
0x346: {  	v38 =	vmul.f32 $1.875000000e+00, v62;
	v30 =	vadd.s32 v50, v30;
	v33 =	vor.u32 v12, v33  }
0x347: {  	v34 =	vmul.f32 $1.875000000e+00, v61;
	v35 =	vadd.f32 $1.258292000e+07, v35;
	v30 =	vand.u32 $0xFFFFFF80, v30  }
0x348: {  	v63 =	vadd.f32 $1.258292000e+07, v36;
	v38 =	vadd.f32 $1.258292000e+07, v38;
	v30 =	vor.u32 v12, v30  }
0x349: {  	v43 =	vor.u32 s25, v24;
	v35 =	vmax.f32 v35, $1.258291200e+07;
	[tilespmem:v28+s8+$0x0] =	vst.idx.add.f32.msk $0xffff, v20;
	v28 =	vadd.f32 $1.258292000e+07, v34  }
0x34a: {  	v44 =	vmax.f32 v63, $1.258291200e+07;
	v38 =	vmax.f32 v38, $1.258291200e+07;
	v35 =	vmin.f32 v35, $1.258292800e+07;
	v42 =	vld [tilespmem:s24+$0x460]  }
0x34b: {  	v38 =	vmin.f32 v38, $1.258292800e+07;
	v35 =	vshll.u32 v35, $0x9;
	v28 =	vmax.f32 v28, $1.258291200e+07;
	[tilespmem:v33+s8+$0x0] =	vst.idx.add.f32.msk $0xffff, v20  }
0x34c: {  	v38 =	vshll.u32 v38, $0x9;
	v45 =	vadd.s32 v43, v35;
	v28 =	vmin.f32 v28, $1.258292800e+07;
	v46 =	vld [tilespmem:s24+$0x4E0]  }
0x34d: {  	v34 =	vand.u32 $0xFFFFFF80, v45;
	v33 =	vmin.f32 v44, $1.258292800e+07;
	[tilespmem:v30+s8+$0x0] =	vst.idx.add.f32.msk $0xffff, v20;
	v28 =	vshll.u32 v28, $0x9  }
0x34e: {  	v30 =	vor.u32 v14, v34;
	v33 =	vshll.u32 v33, $0x9;
	v47 =	vld [tilespmem:s24+$0x560];
	v28 =	vadd.s32 v27, v28  }
0x34f: {  	v33 =	vadd.s32 v27, v33;
	v27 =	vadd.s32 v27, v38;
	v36 =	vmul.f32 $1.875000000e+00, v42  }
0x350: {  	v28 =	vand.u32 $0xFFFFFF80, v28;
	v27 =	vand.u32 $0xFFFFFF80, v27  }
0x351: {  	v28 =	vor.u32 v14, v28;
	v36 =	vadd.f32 $1.258292000e+07, v36;
	v35 =	vmul.f32 $1.875000000e+00, v46  }
0x352: {  	v32 =	vmul.f32 $1.875000000e+00, v32;
	v31 =	vadd.f32 $1.258292000e+07, v31;
	v27 =	vor.u32 v14, v27  }
0x353: {  	v55 =	vld [tilespmem:s22+$0x570];
	v34 =	vmul.f32 $1.875000000e+00, v47;
	v36 =	vmax.f32 v36, $1.258291200e+07;
	v35 =	vadd.f32 $1.258292000e+07, v35  }
0x354: {  	v32 =	vadd.f32 $1.258292000e+07, v32;
	v33 =	vand.u32 $0xFFFFFF80, v33;
	[tilespmem:v30+s8+$0x0] =	vst.idx.add.f32.msk $0xffff, v20;
	v36 =	vmin.f32 v36, $1.258292800e+07  }
0x355: {  	v50 =	vld [tilespmem:s24+$0x5F0];
	v30 =	vadd.f32 $1.258292000e+07, v34;
	v49 =	vshll.u32 v36, $0x9;
	v48 =	vmax.f32 v35, $1.258291200e+07  }
0x356: {  	v33 =	vor.u32 v14, v33;
	[tilespmem:v28+s8+$0x0] =	vst.idx.add.f32.msk $0xffff, v20;
	v35 =	vadd.s32 v43, v49;
	v34 =	vmin.f32 v48, $1.258292800e+07  }
0x357: {  	[tilespmem:v27+s8+$0x0] =	vst.idx.add.f32.msk $0xffff, v20;
	v28 =	vmax.f32 v30, $1.258291200e+07;
	v51 =	vand.u32 $0xFFFFFF80, v35;
	v30 =	vshll.u32 v34, $0x9  }
0x358: {  	v52 =	vld [tilespmem:s23+$0x470];
	v28 =	vmin.f32 v28, $1.258292800e+07;
	v34 =	vor.u32 v14, v51;
	v30 =	vadd.s32 v43, v30  }
0x359: {  	v37 =	vmul.f32 $1.875000000e+00, v55;
	v55 =	vld [tilespmem:s23+$0x570];
	v28 =	vshll.u32 v28, $0x9;
	v30 =	vand.u32 $0xFFFFFF80, v30  }
0x35a: {  	v31 =	vmax.f32 v31, $1.258291200e+07;
	v28 =	vadd.s32 v43, v28;
	v30 =	vor.u32 v14, v30  }
0x35b: {  	v32 =	vmax.f32 v32, $1.258291200e+07;
	[tilespmem:v33+s8+$0x0] =	vst.idx.add.f32.msk $0xffff, v20;
	v36 =	vmul.f32 $1.875000000e+00, v50;
	v27 =	vand.u32 $0xFFFFFF80, v28  }
0x35c: {  	v32 =	vmin.f32 v32, $1.258292800e+07;
	v53 =	vadd.f32 $1.258292000e+07, v37;
	v54 =	vld [tilespmem:s23+$0x4F0];
	v27 =	vor.u32 v14, v27  }
0x35d: {  	v32 =	vshll.u32 v32, $0x9;
	v36 =	vadd.f32 $1.258292000e+07, v36;
	v35 =	vmul.f32 $1.875000000e+00, v52;
	[tilespmem:v34+s8+$0x0] =	vst.idx.add.f32.msk $0xffff, v20  }
0x35e: {  	v28 =	vmin.f32 v31, $1.258292800e+07;
	v31 =	vmax.f32 v53, $1.258291200e+07;
	v33 =	vmul.f32 $1.875000000e+00, v55;
	v34 =	vld [tilespmem:s24+$0x470]  }
0x35f: {  	v57 =	vor.u32 s25, v25;
	v31 =	vmin.f32 v31, $1.258292800e+07;
	v35 =	vadd.f32 $1.258292000e+07, v35;
	[tilespmem:v30+s8+$0x0] =	vst.idx.add.f32.msk $0xffff, v20  }
0x360: {  	v28 =	vshll.u32 v28, $0x9;
	v36 =	vmax.f32 v36, $1.258291200e+07;
	v33 =	vadd.f32 $1.258292000e+07, v33;
	v56 =	vld [tilespmem:s24+$0x4F0]  }
0x361: {  	v31 =	vshll.u32 v31, $0x9;
	v28 =	vadd.s32 v26, v28;
	v35 =	vmax.f32 v35, $1.258291200e+07;
	[tilespmem:v27+s8+$0x0] =	vst.idx.add.f32.msk $0xffff, v20  }
0x362: {  	v33 =	vmax.f32 v33, $1.258291200e+07;
	v30 =	vadd.s32 v26, v32;
	v26 =	vadd.s32 v26, v31;
	v58 =	vld [tilespmem:s24+$0x570]  }
0x363: {  	v31 =	vmul.f32 $1.875000000e+00, v54;
	v35 =	vmin.f32 v35, $1.258292800e+07;
	v33 =	vmin.f32 v33, $1.258292800e+07  }
0x364: {  	v27 =	vmin.f32 v36, $1.258292800e+07;
	v35 =	vshll.u32 v35, $0x9;
	v33 =	vshll.u32 v33, $0x9  }
0x365: {  	v31 =	vadd.f32 $1.258292000e+07, v31;
	v27 =	vshll.u32 v27, $0x9;
	v34 =	vmul.f32 $1.875000000e+00, v34  }
0x366: {  	v35 =	vadd.s32 v29, v35;
	[tilespmem:v28+s8+$0x0] =	vst.idx.add.f32.msk $0xffff, v20;
	v28 =	vadd.s32 v29, v33;
	v32 =	vmul.f32 $1.875000000e+00, v56  }
0x367: {  	v31 =	vmax.f32 v31, $1.258291200e+07;
	v34 =	vadd.f32 $1.258292000e+07, v34;
	v37 =	vmul.f32 $1.875000000e+00, v58  }
0x368: {  	v27 =	vadd.s32 v57, v27;
	v31 =	vmin.f32 v31, $1.258292800e+07;
	v32 =	vadd.f32 $1.258292000e+07, v32  }
0x369: {  	v31 =	vshll.u32 v31, $0x9;
	v34 =	vmax.f32 v34, $1.258291200e+07;
	v37 =	vadd.f32 $1.258292000e+07, v37  }
0x36a: {  	v31 =	vadd.s32 v29, v31;
	v59 =	vmin.f32 v34, $1.258292800e+07;
	v29 =	vmax.f32 v32, $1.258291200e+07  }
0x36b: {  	[tilespmem:v30+s8+$0x0] =	vst.idx.add.f32.msk $0xffff, v20;
	v32 =	vshll.u32 v59, $0x9;
	v30 =	vmax.f32 v37, $1.258291200e+07;
	v29 =	vmin.f32 v29, $1.258292800e+07  }
0x36c: {  	[tilespmem:v26+s8+$0x0] =	vst.idx.add.f32.msk $0xffff, v20;
	v26 =	vmin.f32 v30, $1.258292800e+07;
	v29 =	vshll.u32 v29, $0x9;
	v30 =	vadd.s32 v57, v32  }
0x36d: {  	[tilespmem:v27+s8+$0x0] =	vst.idx.add.f32.msk $0xffff, v20;
	v26 =	vshll.u32 v26, $0x9;
	v27 =	vadd.s32 v57, v29  }
0x36e: {  	[tilespmem:v35+s8+$0x0] =	vst.idx.add.f32.msk $0xffff, v20;
	v26 =	vadd.s32 v57, v26  }
0x36f: {  	[tilespmem:v28+s8+$0x0] =	vst.idx.add.f32.msk $0xffff, v20  }
0x370: {  	[tilespmem:v31+s8+$0x0] =	vst.idx.add.f32.msk $0xffff, v20  }
0x371: {  	[tilespmem:v30+s8+$0x0] =	vst.idx.add.f32.msk $0xffff, v20  }
0x372: {  	p0 =	seq.s32 s19, $0x0;
	[tilespmem:v27+s8+$0x0] =	vst.idx.add.f32.msk $0xffff, v20  }
0x373: {  	s0 =	simm.s32 @!p0 $0x3;
	[tilespmem:v26+s8+$0x0] =	vst.idx.add.f32.msk $0xffff, v20  }
0x374: {  	_ =	swait.ge @!p0 [sflag:s0], $0x2000  }
0x375: {  	[sflag:s0] =	ssyncset.done @!p0 $0x0  }
0x376: {  	s16 =	simm.s32 $0x14010;
	[sflag:s0] =	ssyncadd.s32 @!p0 $0xFFFFE000  }
0x377: {  	v26 =	vld [tilespmem:s16+$0x0];
	_ =	sdelay $0x4  }
0x378: {  	v27 =	vld [tilespmem:s16+$0xFFFFFFF0];
	v26 =	vsub.f32 $6.400000000e+01, v26;
	_ =	sdelay $0x1  }
0x379: {  	(erf) = vrcp.f32 v26  }
0x37a: {  	s1 =	simm.s32 $0x0  }
0x37b: {  	s4 =	simm.s32 $0x10;
	s17 =	sand.u32 $0x180, s1  }
0x37c: {  	s6 =	sor.u32 $0x14200, s17;
	s24 =	sand.u32 $0x70, s4;
	v26 =	vsub.f32 $6.400000000e+01, v27  }
0x37d: {  	s9 =	sor.u32 s24, s6;
	[tilespmem:s16+$0x0] =	vst v0  }
0x37e: {  	v27 =	vld [tilespmem:s9+$0x0];
	(erf) = vrcp.f32 v26;
	_ =	sdelay $0x2  }
0x37f: {  	s22 =	simm.s32 $0x0;
	s23 =	sand.u32 $0x60, s1  }
0x380: {  	s26 =	sand.u32 $0x1000, s22;
	s25 =	sor.u32 s23, s6;
	s4 =	sand.u32 $0x400, s22;
	[tilespmem:s16+$0xFFFFFFF0] =	vst v0;
	v26 =	vpop (erf)  }
0x381: {  	s4 =	sor.u32 s4, s26;
	v28 =	vld [tilespmem:s25+$0x0];
	v27 =	vmul.f32 v26, v27  }
0x382: {  	s1 =	sor.u32 $0x10000, s4  }
0x383: {  	s2 =	sor.u32 $0x14400, s17;
	s22 =	sor.u32 s24, s1;
	[tilespmem:s9+$0x0] =	vst v0  }
0x384: {  	s5 =	sor.u32 s24, s2;
	[tilespmem:s22+$0x0] =	vst v27  }
0x385: {  	v29 =	vld [tilespmem:s5+$0x0];
	v27 =	vpop (erf)  }
0x386: {  	v28 =	vmul.f32 v27, v28  }
0x387: {  	[tilespmem:s25+$0x0] =	vst v0;
	s25 =	sor.u32 s23, s1  }
0x388: {  	s10 =	sor.u32 s23, s2;
	[tilespmem:s25+$0x0] =	vst v28  }
0x389: {  	v28 =	vld [tilespmem:s10+$0x0]  }
0x38a: {  	v29 =	vmul.f32 v29, v26  }
0x38b: {  	s12 =	sor.u32 $0x14600, s17;
	[tilespmem:s5+$0x0] =	vst v0  }
0x38c: {  	s14 =	sor.u32 s24, s12;
	[tilespmem:s22+$0x80] =	vst v29  }
0x38d: {  	v29 =	vld [tilespmem:s14+$0x0]  }
0x38e: {  	v28 =	vmul.f32 v28, v27  }
0x38f: {  	[tilespmem:s10+$0x0] =	vst v0  }
0x390: {  	s15 =	sor.u32 s23, s12;
	[tilespmem:s25+$0x80] =	vst v28  }
0x391: {  	v28 =	vld [tilespmem:s15+$0x0]  }
0x392: {  	v29 =	vmul.f32 v29, v26  }
0x393: {  	s16 =	sor.u32 $0x14800, s17;
	[tilespmem:s14+$0x0] =	vst v0  }
0x394: {  	s26 =	sor.u32 s24, s16;
	[tilespmem:s22+$0x100] =	vst v29  }
0x395: {  	v29 =	vld [tilespmem:s26+$0x0]  }
0x396: {  	v28 =	vmul.f32 v28, v27  }
0x397: {  	[tilespmem:s15+$0x0] =	vst v0  }
0x398: {  	s2 =	sor.u32 s23, s16;
	[tilespmem:s25+$0x100] =	vst v28  }
0x399: {  	v28 =	vld [tilespmem:s2+$0x0]  }
0x39a: {  	v29 =	vmul.f32 v29, v26  }
0x39b: {  	s5 =	sor.u32 $0x14A00, s17;
	[tilespmem:s26+$0x0] =	vst v0  }
0x39c: {  	s9 =	sor.u32 s24, s5;
	[tilespmem:s22+$0x180] =	vst v29  }
0x39d: {  	v29 =	vld [tilespmem:s9+$0x0]  }
0x39e: {  	v28 =	vmul.f32 v28, v27  }
0x39f: {  	[tilespmem:s2+$0x0] =	vst v0  }
0x3a0: {  	s10 =	sor.u32 s23, s5;
	[tilespmem:s25+$0x180] =	vst v28  }
0x3a1: {  	v28 =	vld [tilespmem:s10+$0x0]  }
0x3a2: {  	v29 =	vmul.f32 v29, v26  }
0x3a3: {  	s12 =	sor.u32 $0x14C00, s17;
	[tilespmem:s9+$0x0] =	vst v0  }
0x3a4: {  	s14 =	sor.u32 s24, s12;
	[tilespmem:s22+$0x200] =	vst v29  }
0x3a5: {  	v29 =	vld [tilespmem:s14+$0x0]  }
0x3a6: {  	v28 =	vmul.f32 v28, v27  }
0x3a7: {  	[tilespmem:s10+$0x0] =	vst v0  }
0x3a8: {  	s15 =	sor.u32 s23, s12;
	[tilespmem:s25+$0x200] =	vst v28  }
0x3a9: {  	v28 =	vld [tilespmem:s15+$0x0]  }
0x3aa: {  	v29 =	vmul.f32 v29, v26  }
0x3ab: {  	s16 =	sor.u32 $0x14E00, s17;
	[tilespmem:s14+$0x0] =	vst v0  }
0x3ac: {  	s26 =	sor.u32 s24, s16;
	[tilespmem:s22+$0x280] =	vst v29  }
0x3ad: {  	v29 =	vld [tilespmem:s26+$0x0]  }
0x3ae: {  	v28 =	vmul.f32 v28, v27  }
0x3af: {  	[tilespmem:s15+$0x0] =	vst v0  }
0x3b0: {  	s2 =	sor.u32 s23, s16;
	[tilespmem:s25+$0x280] =	vst v28  }
0x3b1: {  	v28 =	vld [tilespmem:s2+$0x0]  }
0x3b2: {  	s5 =	simm.s32 $0x14030;
	v29 =	vmul.f32 v29, v26  }
0x3b3: {  	v30 =	vld [tilespmem:s5+$0x0];
	s10 =	sor.u32 $0x15000, s17;
	[tilespmem:s26+$0x0] =	vst v0  }
0x3b4: {  	v31 =	vld [tilespmem:s5+$0xFFFFFFF0];
	s12 =	sor.u32 s24, s10;
	[tilespmem:s22+$0x300] =	vst v29  }
0x3b5: {  	v29 =	vld [tilespmem:s12+$0x0]  }
0x3b6: {  	v28 =	vmul.f32 v28, v27  }
0x3b7: {  	[tilespmem:s2+$0x0] =	vst v0  }
0x3b8: {  	[tilespmem:s25+$0x300] =	vst v28;
	v28 =	vsub.f32 $6.400000000e+01, v30  }
0x3b9: {  	v31 =	vsub.f32 $6.400000000e+01, v31;
	s9 =	sor.u32 s23, s10  }
0x3ba: {  	v30 =	vld [tilespmem:s9+$0x0];
	(erf) = vrcp.f32 v28;
	v28 =	vmul.f32 v29, v26  }
0x3bb: {  	s10 =	simm.s32 $0x20;
	s15 =	sor.u32 $0x15200, s17;
	[tilespmem:s12+$0x0] =	vst v0;
	(erf) = vrcp.f32 v31  }
0x3bc: {  	s0 =	simm.s32 $0x30;
	s16 =	sor.u32 s24, s15;
	s26 =	sand.u32 $0x180, s10;
	[tilespmem:s22+$0x380] =	vst v28  }
0x3bd: {  	s30 =	sand.u32 $0x70, s0;
	[tilespmem:s5+$0xFFFFFFF0] =	vst v0;
	s14 =	sor.u32 $0x14200, s26;
	v28 =	vld [tilespmem:s16+$0x0]  }
0x3be: {  	[tilespmem:s5+$0x0] =	vst v0;
	s29 =	sand.u32 $0x60, s10;
	s1 =	sor.u32 s30, s14  }
0x3bf: {  	s6 =	sor.u32 s29, s14;
	[tilespmem:s9+$0x0] =	vst v0;
	v29 =	vmul.f32 v30, v27;
	v30 =	vld [tilespmem:s1+$0x0]  }
0x3c0: {  	v31 =	vld [tilespmem:s6+$0x0];
	[tilespmem:s6+$0x0] =	vst v0  }
0x3c1: {  	s2 =	sor.u32 s23, s15;
	s9 =	simm.s32 $0x100;
	s6 =	simm.s32 $0x200;
	[tilespmem:s25+$0x380] =	vst v29  }
0x3c2: {  	s12 =	sor.u32 $0x10800, s4;
	s14 =	sand.u32 $0x400, s9;
	s5 =	sand.u32 $0x1000, s6;
	[tilespmem:s16+$0x0] =	vst v0;
	v60 =	vld [tilespmem:s2+$0x0];
	v61 =	vmul.f32 v28, v26  }
0x3c3: {  	s10 =	sor.u32 $0x15400, s17;
	s4 =	sor.u32 s14, s5;
	s16 =	sor.u32 s24, s12;
	[tilespmem:s2+$0x0] =	vst v0;
	v29 =	vpop (erf)  }
0x3c4: {  	s5 =	sor.u32 s24, s10;
	s2 =	sor.u32 $0x10000, s4;
	v30 =	vmul.f32 v29, v30;
	v28 =	vpop (erf);
	[tilespmem:s16+$0x0] =	vst v61  }
0x3c5: {  	s14 =	sor.u32 $0x14400, s26;
	[tilespmem:s1+$0x0] =	vst v0;
	s31 =	sor.u32 s30, s2;
	v31 =	vmul.f32 v28, v31;
	v33 =	vld [tilespmem:s5+$0x0]  }
0x3c6: {  	s1 =	sor.u32 s30, s14;
	s28 =	sor.u32 s29, s2;
	[tilespmem:s31+$0x0] =	vst v30  }
0x3c7: {  	s14 =	sor.u32 s29, s14;
	v30 =	vmul.f32 v60, v27;
	[tilespmem:s28+$0x0] =	vst v31;
	v31 =	vld [tilespmem:s1+$0x0]  }
0x3c8: {  	s12 =	sor.u32 s23, s12;
	[tilespmem:s5+$0x0] =	vst v0;
	v62 =	vld [tilespmem:s14+$0x0]  }
0x3c9: {  	s10 =	sor.u32 s23, s10;
	[tilespmem:s12+$0x0] =	vst v30  }
0x3ca: {  	[tilespmem:s1+$0x0] =	vst v0;
	v30 =	vld [tilespmem:s10+$0x0];
	v33 =	vmul.f32 v33, v26  }
0x3cb: {  	s16 =	sor.u32 $0x15600, s17;
	[tilespmem:s14+$0x0] =	vst v0  }
0x3cc: {  	s2 =	sor.u32 s24, s16;
	v31 =	vmul.f32 v31, v29;
	[tilespmem:s22+$0x880] =	vst v33  }
0x3cd: {  	s5 =	sor.u32 $0x14600, s26;
	[tilespmem:s10+$0x0] =	vst v0;
	v32 =	vmul.f32 v62, v28;
	v33 =	vld [tilespmem:s2+$0x0]  }
0x3ce: {  	s15 =	sor.u32 s30, s5;
	[tilespmem:s31+$0x80] =	vst v31  }
0x3cf: {  	s14 =	sor.u32 s29, s5;
	v30 =	vmul.f32 v30, v27;
	[tilespmem:s28+$0x80] =	vst v32;
	v31 =	vld [tilespmem:s15+$0x0]  }
0x3d0: {  	[tilespmem:s2+$0x0] =	vst v0;
	v32 =	vld [tilespmem:s14+$0x0]  }
0x3d1: {  	s10 =	sor.u32 s23, s16;
	[tilespmem:s25+$0x880] =	vst v30  }
0x3d2: {  	[tilespmem:s15+$0x0] =	vst v0;
	v30 =	vld [tilespmem:s10+$0x0];
	v33 =	vmul.f32 v33, v26  }
0x3d3: {  	s16 =	sor.u32 $0x15800, s17;
	[tilespmem:s14+$0x0] =	vst v0  }
0x3d4: {  	s2 =	sor.u32 s24, s16;
	v31 =	vmul.f32 v31, v29;
	[tilespmem:s22+$0x900] =	vst v33  }
0x3d5: {  	s5 =	sor.u32 $0x14800, s26;
	[tilespmem:s10+$0x0] =	vst v0;
	v32 =	vmul.f32 v32, v28;
	v33 =	vld [tilespmem:s2+$0x0]  }
0x3d6: {  	s15 =	sor.u32 s30, s5;
	[tilespmem:s31+$0x100] =	vst v31  }
0x3d7: {  	s14 =	sor.u32 s29, s5;
	v30 =	vmul.f32 v30, v27;
	[tilespmem:s28+$0x100] =	vst v32;
	v31 =	vld [tilespmem:s15+$0x0]  }
0x3d8: {  	[tilespmem:s2+$0x0] =	vst v0;
	v32 =	vld [tilespmem:s14+$0x0]  }
0x3d9: {  	s10 =	sor.u32 s23, s16;
	[tilespmem:s25+$0x900] =	vst v30  }
0x3da: {  	[tilespmem:s15+$0x0] =	vst v0;
	v30 =	vld [tilespmem:s10+$0x0];
	v33 =	vmul.f32 v33, v26  }
0x3db: {  	s16 =	sor.u32 $0x15A00, s17;
	[tilespmem:s14+$0x0] =	vst v0  }
0x3dc: {  	s2 =	sor.u32 s24, s16;
	v31 =	vmul.f32 v31, v29;
	[tilespmem:s22+$0x980] =	vst v33  }
0x3dd: {  	s5 =	sor.u32 $0x14A00, s26;
	[tilespmem:s10+$0x0] =	vst v0;
	v32 =	vmul.f32 v32, v28;
	v33 =	vld [tilespmem:s2+$0x0]  }
0x3de: {  	s15 =	sor.u32 s30, s5;
	[tilespmem:s31+$0x180] =	vst v31  }
0x3df: {  	s14 =	sor.u32 s29, s5;
	v30 =	vmul.f32 v30, v27;
	[tilespmem:s28+$0x180] =	vst v32;
	v31 =	vld [tilespmem:s15+$0x0]  }
0x3e0: {  	[tilespmem:s2+$0x0] =	vst v0;
	v32 =	vld [tilespmem:s14+$0x0]  }
0x3e1: {  	s10 =	sor.u32 s23, s16;
	[tilespmem:s25+$0x980] =	vst v30  }
0x3e2: {  	[tilespmem:s15+$0x0] =	vst v0;
	v30 =	vld [tilespmem:s10+$0x0];
	v33 =	vmul.f32 v33, v26  }
0x3e3: {  	s16 =	sor.u32 $0x15C00, s17;
	[tilespmem:s14+$0x0] =	vst v0  }
0x3e4: {  	s2 =	sor.u32 s24, s16;
	v31 =	vmul.f32 v31, v29;
	[tilespmem:s22+$0xA00] =	vst v33  }
0x3e5: {  	s5 =	sor.u32 $0x14C00, s26;
	[tilespmem:s10+$0x0] =	vst v0;
	v32 =	vmul.f32 v32, v28;
	v33 =	vld [tilespmem:s2+$0x0]  }
0x3e6: {  	s15 =	sor.u32 s30, s5;
	[tilespmem:s31+$0x200] =	vst v31  }
0x3e7: {  	s14 =	sor.u32 s29, s5;
	v30 =	vmul.f32 v30, v27;
	[tilespmem:s28+$0x200] =	vst v32;
	v31 =	vld [tilespmem:s15+$0x0]  }
0x3e8: {  	[tilespmem:s2+$0x0] =	vst v0;
	v32 =	vld [tilespmem:s14+$0x0]  }
0x3e9: {  	s10 =	sor.u32 s23, s16;
	[tilespmem:s25+$0xA00] =	vst v30  }
0x3ea: {  	[tilespmem:s15+$0x0] =	vst v0;
	v30 =	vld [tilespmem:s10+$0x0];
	v33 =	vmul.f32 v33, v26  }
0x3eb: {  	s16 =	sor.u32 $0x15E00, s17;
	[tilespmem:s14+$0x0] =	vst v0  }
0x3ec: {  	s2 =	sor.u32 s24, s16;
	v31 =	vmul.f32 v31, v29;
	[tilespmem:s22+$0xA80] =	vst v33  }
0x3ed: {  	s5 =	sor.u32 $0x14E00, s26;
	[tilespmem:s10+$0x0] =	vst v0;
	v32 =	vmul.f32 v32, v28;
	v63 =	vld [tilespmem:s2+$0x0]  }
0x3ee: {  	s10 =	sor.u32 s30, s5;
	[tilespmem:s31+$0x280] =	vst v31  }
0x3ef: {  	s15 =	sor.u32 s29, s5;
	v30 =	vmul.f32 v30, v27;
	[tilespmem:s28+$0x280] =	vst v32;
	v33 =	vld [tilespmem:s10+$0x0]  }
0x3f0: {  	[tilespmem:s2+$0x0] =	vst v0;
	v32 =	vld [tilespmem:s15+$0x0]  }
0x3f1: {  	s16 =	sor.u32 s23, s16;
	[tilespmem:s25+$0xA80] =	vst v30  }
0x3f2: {  	[tilespmem:s15+$0x0] =	vst v0;
	v30 =	vld [tilespmem:s16+$0x0];
	v31 =	vmul.f32 v63, v26  }
0x3f3: {  	s1 =	sor.u32 $0x16000, s17;
	s15 =	simm.s32 $0x2;
	[tilespmem:s16+$0x0] =	vst v0;
	s16 =	simm.s32 $0x14050  }
.LBB2_7:
0x3f4: {  	v34 =	vld [tilespmem:s16+$0x0];
	v33 =	vmul.f32 v33, v29;
	s12 =	sor.u32 s23, s1;
	[tilespmem:s22+$0xB00] =	vst v31;
	s1 =	sor.u32 s24, s1;
	s23 =	smov.u32 s29  }
0x3f5: {  	s15 =	sadd.s32 $0x2, s15;
	s14 =	sor.u32 $0x15000, s26;
	s24 =	smov.u32 s30;
	v31 =	vmul.f32 v32, v28;
	[tilespmem:s10+$0x0] =	vst v0;
	v32 =	vld [tilespmem:s1+$0x0]  }
0x3f6: {  	p1 =	slt.u32 s15, $0x1E;
	s10 =	sor.u32 s23, s14;
	s14 =	sor.u32 s24, s14;
	v35 =	vld [tilespmem:s16+$0xFFFFFFF0];
	[tilespmem:s31+$0x300] =	vst v33  }
0x3f7: {  	[tilespmem:s16+$0xFFFFFFF0] =	vst v0;
	v33 =	vld [tilespmem:s14+$0x0];
	v30 =	vmul.f32 v30, v27  }
0x3f8: {  	[tilespmem:s28+$0x300] =	vst v31  }
0x3f9: {  	v31 =	vld [tilespmem:s10+$0x0];
	[tilespmem:s10+$0x0] =	vst v0  }
0x3fa: {  	v34 =	vsub.f32 $6.400000000e+01, v34;
	[tilespmem:s25+$0xB00] =	vst v30;
	v30 =	vmul.f32 v32, v26;
	v26 =	vmov v29  }
0x3fb: {  	v29 =	vsub.f32 $6.400000000e+01, v35;
	v32 =	vld [tilespmem:s12+$0x0];
	[tilespmem:s1+$0x0] =	vst v0  }
0x3fc: {  	s0 =	sadd.s32 $0x20, s0;
	(erf) = vrcp.f32 v34;
	v33 =	vmul.f32 v33, v26;
	[tilespmem:s22+$0xB80] =	vst v30;
	s22 =	smov.u32 s31  }
0x3fd: {  	s10 =	sor.u32 $0x15200, s26;
	s1 =	sadd.s32 $0xFFFFFFF0, s0;
	(erf) = vrcp.f32 v29;
	[tilespmem:s14+$0x0] =	vst v0  }
0x3fe: {  	s17 =	sand.u32 $0x180, s1;
	s29 =	sand.u32 $0x60, s1;
	s1 =	sor.u32 s24, s10;
	v29 =	vmul.f32 v31, v28;
	[tilespmem:s22+$0x380] =	vst v33  }
0x3ff: {  	s30 =	sand.u32 $0x70, s0;
	s10 =	sor.u32 s23, s10;
	s14 =	sor.u32 $0x14200, s17;
	v30 =	vld [tilespmem:s1+$0x0];
	[tilespmem:s12+$0x0] =	vst v0  }
0x400: {  	s12 =	sor.u32 s29, s14;
	s14 =	sor.u32 s30, s14;
	[tilespmem:s16+$0x0] =	vst v0;
	v31 =	vmul.f32 v32, v27;
	v27 =	vmov v28  }
0x401: {  	v28 =	vld [tilespmem:s14+$0x0];
	[tilespmem:s28+$0x380] =	vst v29  }
0x402: {  	v32 =	vld [tilespmem:s12+$0x0];
	[tilespmem:s12+$0x0] =	vst v0  }
0x403: {  	s6 =	sadd.s32 $0x200, s6;
	s9 =	sadd.s32 $0x100, s9;
	v33 =	vld [tilespmem:s10+$0x0];
	[tilespmem:s10+$0x0] =	vst v0  }
0x404: {  	s31 =	sor.u32 $0x10800, s4;
	s12 =	sand.u32 $0x400, s9;
	s10 =	sand.u32 $0x1000, s6;
	v30 =	vmul.f32 v30, v26;
	[tilespmem:s25+$0xB80] =	vst v31  }
0x405: {  	s4 =	sor.u32 s12, s10;
	s10 =	sor.u32 $0x15400, s26;
	v29 =	vpop (erf);
	[tilespmem:s1+$0x0] =	vst v0;
	s1 =	sor.u32 s24, s31  }
0x406: {  	s2 =	sor.u32 s23, s31;
	s12 =	sor.u32 $0x10000, s4;
	v31 =	vmul.f32 v29, v28;
	v28 =	vpop (erf);
	[tilespmem:s1+$0x0] =	vst v30;
	s1 =	sor.u32 s24, s10  }
0x407: {  	s25 =	sor.u32 $0x14400, s17;
	s5 =	sor.u32 s29, s12;
	s31 =	sor.u32 s30, s12;
	v30 =	vmul.f32 v28, v32;
	[tilespmem:s14+$0x0] =	vst v0;
	v32 =	vld [tilespmem:s1+$0x0]  }
0x408: {  	s12 =	sor.u32 s29, s25;
	s10 =	sor.u32 s23, s10;
	s14 =	sor.u32 s30, s25;
	[tilespmem:s31+$0x0] =	vst v31;
	v31 =	vmul.f32 v33, v27  }
0x409: {  	s25 =	smov.u32 s28;
	s28 =	smov.u32 s5;
	[tilespmem:s5+$0x0] =	vst v30;
	v30 =	vld [tilespmem:s14+$0x0]  }
0x40a: {  	v33 =	vld [tilespmem:s12+$0x0];
	[tilespmem:s12+$0x0] =	vst v0  }
0x40b: {  	[tilespmem:s2+$0x0] =	vst v31  }
0x40c: {  	v31 =	vld [tilespmem:s10+$0x0];
	[tilespmem:s10+$0x0] =	vst v0;
	v32 =	vmul.f32 v32, v26  }
0x40d: {  	s2 =	sor.u32 $0x15600, s26;
	[tilespmem:s1+$0x0] =	vst v0  }
0x40e: {  	s1 =	sor.u32 s23, s2;
	s2 =	sor.u32 s24, s2;
	v30 =	vmul.f32 v30, v29;
	[tilespmem:s22+$0x880] =	vst v32  }
0x40f: {  	s5 =	sor.u32 $0x14600, s17;
	v32 =	vmul.f32 v33, v28;
	[tilespmem:s14+$0x0] =	vst v0;
	v33 =	vld [tilespmem:s2+$0x0]  }
0x410: {  	s10 =	sor.u32 s29, s5;
	s5 =	sor.u32 s30, s5;
	[tilespmem:s31+$0x80] =	vst v30  }
0x411: {  	[tilespmem:s28+$0x80] =	vst v32;
	v30 =	vld [tilespmem:s5+$0x0];
	v31 =	vmul.f32 v31, v27  }
0x412: {  	v32 =	vld [tilespmem:s10+$0x0];
	[tilespmem:s10+$0x0] =	vst v0  }
0x413: {  	[tilespmem:s25+$0x880] =	vst v31  }
0x414: {  	v31 =	vld [tilespmem:s1+$0x0];
	[tilespmem:s1+$0x0] =	vst v0;
	v33 =	vmul.f32 v33, v26  }
0x415: {  	s1 =	sor.u32 $0x15800, s26;
	[tilespmem:s2+$0x0] =	vst v0  }
0x416: {  	s2 =	sor.u32 s23, s1;
	s1 =	sor.u32 s24, s1;
	v30 =	vmul.f32 v30, v29;
	[tilespmem:s22+$0x900] =	vst v33  }
0x417: {  	s10 =	sor.u32 $0x14800, s17;
	v32 =	vmul.f32 v32, v28;
	[tilespmem:s5+$0x0] =	vst v0;
	v33 =	vld [tilespmem:s1+$0x0]  }
0x418: {  	s5 =	sor.u32 s29, s10;
	s10 =	sor.u32 s30, s10;
	[tilespmem:s31+$0x100] =	vst v30  }
0x419: {  	[tilespmem:s28+$0x100] =	vst v32;
	v30 =	vld [tilespmem:s10+$0x0];
	v31 =	vmul.f32 v31, v27  }
0x41a: {  	v32 =	vld [tilespmem:s5+$0x0];
	[tilespmem:s5+$0x0] =	vst v0  }
0x41b: {  	[tilespmem:s25+$0x900] =	vst v31  }
0x41c: {  	v31 =	vld [tilespmem:s2+$0x0];
	[tilespmem:s2+$0x0] =	vst v0;
	v33 =	vmul.f32 v33, v26  }
0x41d: {  	s2 =	sor.u32 $0x15A00, s26;
	[tilespmem:s1+$0x0] =	vst v0  }
0x41e: {  	s1 =	sor.u32 s23, s2;
	s2 =	sor.u32 s24, s2;
	v30 =	vmul.f32 v30, v29;
	[tilespmem:s22+$0x980] =	vst v33  }
0x41f: {  	s5 =	sor.u32 $0x14A00, s17;
	v32 =	vmul.f32 v32, v28;
	[tilespmem:s10+$0x0] =	vst v0;
	v33 =	vld [tilespmem:s2+$0x0]  }
0x420: {  	s10 =	sor.u32 s29, s5;
	s5 =	sor.u32 s30, s5;
	[tilespmem:s31+$0x180] =	vst v30  }
0x421: {  	[tilespmem:s28+$0x180] =	vst v32;
	v30 =	vld [tilespmem:s5+$0x0];
	v31 =	vmul.f32 v31, v27  }
0x422: {  	v32 =	vld [tilespmem:s10+$0x0];
	[tilespmem:s10+$0x0] =	vst v0  }
0x423: {  	[tilespmem:s25+$0x980] =	vst v31  }
0x424: {  	v31 =	vld [tilespmem:s1+$0x0];
	[tilespmem:s1+$0x0] =	vst v0;
	v33 =	vmul.f32 v33, v26  }
0x425: {  	s1 =	sor.u32 $0x15C00, s26;
	[tilespmem:s2+$0x0] =	vst v0  }
0x426: {  	s2 =	sor.u32 s23, s1;
	s1 =	sor.u32 s24, s1;
	v30 =	vmul.f32 v30, v29;
	[tilespmem:s22+$0xA00] =	vst v33  }
0x427: {  	s10 =	sor.u32 $0x14C00, s17;
	v32 =	vmul.f32 v32, v28;
	[tilespmem:s5+$0x0] =	vst v0;
	v33 =	vld [tilespmem:s1+$0x0]  }
0x428: {  	s5 =	sor.u32 s29, s10;
	s10 =	sor.u32 s30, s10;
	[tilespmem:s31+$0x200] =	vst v30  }
0x429: {  	[tilespmem:s28+$0x200] =	vst v32;
	v30 =	vld [tilespmem:s10+$0x0];
	v31 =	vmul.f32 v31, v27  }
0x42a: {  	v32 =	vld [tilespmem:s5+$0x0];
	[tilespmem:s5+$0x0] =	vst v0  }
0x42b: {  	[tilespmem:s25+$0xA00] =	vst v31  }
0x42c: {  	v31 =	vld [tilespmem:s2+$0x0];
	[tilespmem:s2+$0x0] =	vst v0;
	v33 =	vmul.f32 v33, v26  }
0x42d: {  	s2 =	sor.u32 $0x15E00, s26;
	[tilespmem:s1+$0x0] =	vst v0  }
0x42e: {  	s1 =	sor.u32 s23, s2;
	s2 =	sor.u32 s24, s2;
	v30 =	vmul.f32 v30, v29;
	[tilespmem:s22+$0xA80] =	vst v33  }
0x42f: {  	s5 =	sor.u32 $0x14E00, s17;
	v32 =	vmul.f32 v32, v28;
	[tilespmem:s10+$0x0] =	vst v0;
	v34 =	vld [tilespmem:s2+$0x0]  }
0x430: {  	s12 =	sor.u32 s29, s5;
	s10 =	sor.u32 s30, s5;
	[tilespmem:s31+$0x280] =	vst v30  }
.Ltmp2:
0x431: {  	[tilespmem:s28+$0x280] =	vst v32;
	v33 =	vld [tilespmem:s10+$0x0];
	v30 =	vmul.f32 v31, v27;
	(pc) =	sbr.rel @p1 .LBB2_7-.Ltmp2, $4  }
0x432: {  	v32 =	vld [tilespmem:s12+$0x0];
	[tilespmem:s12+$0x0] =	vst v0  }
0x433: {  	[tilespmem:s25+$0xA80] =	vst v30  }
0x434: {  	v30 =	vld [tilespmem:s1+$0x0];
	[tilespmem:s1+$0x0] =	vst v0;
	v31 =	vmul.f32 v34, v26  }
0x435: {  	s16 =	sadd.s32 $0x20, s16;
	s1 =	sor.u32 $0x16000, s26;
	s26 =	smov.u32 s17;
	[tilespmem:s2+$0x0] =	vst v0  }
0x436: {  	v33 =	vmul.f32 v33, v29  }
0x437: {  	s0 =	sor.u32 $0x15000, s26;
	[tilespmem:s10+$0x0] =	vst v0  }
0x438: {  	v32 =	vmul.f32 v32, v28;
	s2 =	sor.u32 s30, s0;
	[tilespmem:s31+$0x300] =	vst v33  }
0x439: {  	v33 =	vld [tilespmem:s2+$0x0]  }
0x43a: {  	s0 =	sor.u32 s29, s0;
	[tilespmem:s28+$0x300] =	vst v32  }
0x43b: {  	v32 =	vld [tilespmem:s0+$0x0];
	_ =	sdelay $0x2  }
0x43c: {  	v33 =	vmul.f32 v33, v29  }
0x43d: {  	s5 =	sor.u32 $0x15200, s26;
	[tilespmem:s2+$0x0] =	vst v0  }
0x43e: {  	s12 =	sor.u32 s30, s5;
	v32 =	vmul.f32 v32, v28;
	[tilespmem:s31+$0x380] =	vst v33  }
0x43f: {  	[tilespmem:s0+$0x0] =	vst v0;
	v33 =	vld [tilespmem:s12+$0x0]  }
0x440: {  	s14 =	sor.u32 s29, s5;
	[tilespmem:s28+$0x380] =	vst v32  }
0x441: {  	v32 =	vld [tilespmem:s14+$0x0];
	_ =	sdelay $0x2  }
0x442: {  	s4 =	sor.u32 $0x10800, s4;
	v33 =	vmul.f32 v33, v29  }
0x443: {  	s15 =	sor.u32 $0x15400, s26;
	s16 =	sor.u32 s30, s4;
	[tilespmem:s12+$0x0] =	vst v0  }
0x444: {  	s17 =	sor.u32 s30, s15;
	v32 =	vmul.f32 v32, v28;
	[tilespmem:s16+$0x0] =	vst v33  }
0x445: {  	s6 =	sor.u32 s29, s4;
	[tilespmem:s14+$0x0] =	vst v0;
	v33 =	vld [tilespmem:s17+$0x0]  }
0x446: {  	s9 =	sor.u32 s29, s15;
	[tilespmem:s6+$0x0] =	vst v32  }
0x447: {  	v32 =	vld [tilespmem:s9+$0x0];
	_ =	sdelay $0x2  }
0x448: {  	v33 =	vmul.f32 v33, v29  }
0x449: {  	s10 =	sor.u32 $0x15600, s26;
	[tilespmem:s17+$0x0] =	vst v0  }
0x44a: {  	s12 =	sor.u32 s30, s10;
	v32 =	vmul.f32 v32, v28;
	[tilespmem:s31+$0x880] =	vst v33  }
0x44b: {  	[tilespmem:s9+$0x0] =	vst v0;
	v33 =	vld [tilespmem:s12+$0x0]  }
0x44c: {  	s0 =	sor.u32 s29, s10;
	[tilespmem:s28+$0x880] =	vst v32  }
0x44d: {  	v32 =	vld [tilespmem:s0+$0x0];
	_ =	sdelay $0x2  }
0x44e: {  	v33 =	vmul.f32 v33, v29  }
0x44f: {  	s14 =	sor.u32 $0x15800, s26;
	[tilespmem:s12+$0x0] =	vst v0  }
0x450: {  	s15 =	sor.u32 s30, s14;
	v32 =	vmul.f32 v32, v28;
	[tilespmem:s31+$0x900] =	vst v33  }
0x451: {  	[tilespmem:s0+$0x0] =	vst v0;
	v33 =	vld [tilespmem:s15+$0x0]  }
0x452: {  	s16 =	sor.u32 s29, s14;
	[tilespmem:s28+$0x900] =	vst v32  }
0x453: {  	v32 =	vld [tilespmem:s16+$0x0];
	_ =	sdelay $0x2  }
0x454: {  	v33 =	vmul.f32 v33, v29  }
0x455: {  	s17 =	sor.u32 $0x15A00, s26;
	[tilespmem:s15+$0x0] =	vst v0  }
0x456: {  	s5 =	sor.u32 s30, s17;
	v32 =	vmul.f32 v32, v28;
	[tilespmem:s31+$0x980] =	vst v33  }
0x457: {  	[tilespmem:s16+$0x0] =	vst v0;
	v33 =	vld [tilespmem:s5+$0x0]  }
0x458: {  	s6 =	sor.u32 s29, s17;
	[tilespmem:s28+$0x980] =	vst v32  }
0x459: {  	v32 =	vld [tilespmem:s6+$0x0];
	_ =	sdelay $0x2  }
0x45a: {  	v33 =	vmul.f32 v33, v29  }
0x45b: {  	s9 =	sor.u32 $0x15C00, s26;
	[tilespmem:s5+$0x0] =	vst v0  }
0x45c: {  	s10 =	sor.u32 s30, s9;
	v32 =	vmul.f32 v32, v28;
	[tilespmem:s31+$0xA00] =	vst v33  }
0x45d: {  	[tilespmem:s6+$0x0] =	vst v0;
	v33 =	vld [tilespmem:s10+$0x0]  }
0x45e: {  	s12 =	sor.u32 s29, s9;
	[tilespmem:s28+$0xA00] =	vst v32  }
0x45f: {  	v32 =	vld [tilespmem:s12+$0x0];
	_ =	sdelay $0x2  }
0x460: {  	v33 =	vmul.f32 v33, v29  }
0x461: {  	s14 =	sor.u32 $0x15E00, s26;
	[tilespmem:s10+$0x0] =	vst v0  }
0x462: {  	s15 =	sor.u32 s30, s14;
	v32 =	vmul.f32 v32, v28;
	[tilespmem:s31+$0xA80] =	vst v33  }
0x463: {  	[tilespmem:s12+$0x0] =	vst v0;
	v33 =	vld [tilespmem:s15+$0x0]  }
0x464: {  	s16 =	sor.u32 s29, s14;
	[tilespmem:s28+$0xA80] =	vst v32  }
0x465: {  	v32 =	vld [tilespmem:s16+$0x0]  }
0x466: {  	[tilespmem:s22+$0xB00] =	vst v31;
	v30 =	vmul.f32 v30, v27;
	s17 =	sor.u32 s24, s1  }
0x467: {  	v31 =	vld [tilespmem:s17+$0x0]  }
0x468: {  	[tilespmem:s25+$0xB00] =	vst v30;
	s24 =	sor.u32 s23, s1;
	v30 =	vmul.f32 v33, v29  }
0x469: {  	s26 =	sor.u32 $0x16000, s26;
	v37 =	vld [tilespmem:s24+$0x0];
	[tilespmem:s15+$0x0] =	vst v0  }
0x46a: {  	s30 =	sor.u32 s30, s26;
	[tilespmem:s31+$0xB00] =	vst v30;
	v30 =	vmul.f32 v32, v28  }
0x46b: {  	[tilespmem:s16+$0x0] =	vst v0;
	v38 =	vld [tilespmem:s30+$0x0]  }
0x46c: {  	v26 =	vmul.f32 v31, v26;
	s5 =	sor.u32 s29, s26;
	[tilespmem:s28+$0xB00] =	vst v30  }
0x46d: {  	[tilespmem:s17+$0x0] =	vst v0;
	v30 =	vld [tilespmem:s5+$0x0]  }
0x46e: {  	[tilespmem:s22+$0xB80] =	vst v26;
	v26 =	vmul.f32 v37, v27  }
0x46f: {  	[tilespmem:s24+$0x0] =	vst v0  }
0x470: {  	[tilespmem:s25+$0xB80] =	vst v26;
	v26 =	vmul.f32 v38, v29  }
0x471: {  	[tilespmem:s30+$0x0] =	vst v0  }
0x472: {  	[tilespmem:s31+$0xB80] =	vst v26;
	v26 =	vmul.f32 v30, v28  }
0x473: {  	s6 =	sshll.u32 s21, $0x9;
	[tilespmem:s5+$0x0] =	vst v0  }
0x474: {  	p1 =	seq.s32 s19, $0xF;
	s9 =	simm.s32 $0x10000;
	s0 =	sadd.s32 s7, s6;
	[tilespmem:s28+$0xB80] =	vst v26  }
0x475: {  	[hbm4b:s0+s3] =	stream.linear.scatter [tilespmem:s9], [sflag:$0x3], $0x2000, $0x38;
	[tilespmem:$0x16200] =	vst v63  }
0x476: {  	s10 =	simm.s32 $0x0;
	s0 =	sshll.u32 @!p1 s21, $0xB;
	s1 =	rddreg [dreg:$0x5]  }
0x477: {  	s12 =	simm.s32 $0x0;
	s0 =	sadd.s32 @!p1 s0, s1;
	s1 =	simm.s32 @!p1 $0x0  }
0x478: {  	[tilespmem:s1], [sflag:$0x1] =	stream.linear.gather @!p1 [hbm4b:s0+s1], $0x8000, $0x38;
	[tilespmem:$0x16200] =	vst v63  }
0x479: {  	s14 =	sand.u32 $0x3800, s10;
	s1 =	sand.u32 $0x3FFFC000, s12;
	_ =	swait.ge [sflag:s13], $0x8000  }
0x47a: {  	s0 =	sand.u32 $0x200, s10;
	s1 =	sor.u32 s14, s1;
	[sflag:s13] =	ssyncset.done $0x0  }
0x47b: {  	s21 =	sor.u32 s0, s1;
	[sflag:s13] =	ssyncadd.s32 $0xFFFF8000  }
0x47c: {  	v26 =	vld [tilespmem:s21+$0x8180];
	_ =	sdelay $0x4  }
0x47d: {  	v26 =	vmul.f32 $1.875000000e+00, v26;
	_ =	sdelay $0x1  }
0x47e: {  	v26 =	vadd.f32 $1.258292000e+07, v26;
	_ =	sdelay $0x1  }
0x47f: {  	s15 =	simm.s32 $0x0;
	v26 =	vmax.f32 v26, $1.258291200e+07  }
0x480: {  	s16 =	sand.u32 $0xFFFFFF00, s15;
	v26 =	vmin.f32 v26, $1.258292800e+07  }
0x481: {  	v27 =	vor.u32 s16, v2;
	v26 =	vshll.u32 v26, $0x9  }
0x482: {  	v26 =	vadd.s32 v27, v26  }
0x483: {  	v26 =	vand.u32 $0xFFFFFF00, v26  }
0x484: {  	v26 =	vor.u32 v1, v26;
	_ =	sdelay $0x4  }
0x485: {  	[tilespmem:v26+s8+$0x0] =	vst.idx.add.f32.msk $0xffff, v20  }
0x486: {  	v26 =	vld [tilespmem:s21+$0x8190];
	_ =	sdelay $0x4  }
0x487: {  	v26 =	vmul.f32 $1.875000000e+00, v26;
	_ =	sdelay $0x1  }
0x488: {  	v26 =	vadd.f32 $1.258292000e+07, v26;
	_ =	sdelay $0x1  }
0x489: {  	v26 =	vmax.f32 v26, $1.258291200e+07  }
0x48a: {  	v26 =	vmin.f32 v26, $1.258292800e+07  }
0x48b: {  	v28 =	vor.u32 s16, v3;
	v26 =	vshll.u32 v26, $0x9  }
0x48c: {  	v26 =	vadd.s32 v28, v26  }
0x48d: {  	v29 =	vld [tilespmem:s21+$0x8000];
	v26 =	vand.u32 $0xFFFFFF00, v26  }
0x48e: {  	v31 =	vld [tilespmem:s21+$0x8100];
	v26 =	vor.u32 v4, v26  }
0x48f: {  	v30 =	vld [tilespmem:s21+$0x8080];
	_ =	sdelay $0x3  }
0x490: {  	v31 =	vmul.f32 $1.875000000e+00, v31;
	[tilespmem:v26+s8+$0x0] =	vst.idx.add.f32.msk $0xffff, v20  }
0x491: {  	v26 =	vmul.f32 $1.875000000e+00, v29;
	v29 =	vmul.f32 $1.875000000e+00, v30;
	v30 =	vld [tilespmem:s21+$0x81A0]  }
0x492: {  	v31 =	vadd.f32 $1.258292000e+07, v31  }
0x493: {  	v26 =	vadd.f32 $1.258292000e+07, v26  }
0x494: {  	v31 =	vmax.f32 v31, $1.258291200e+07;
	v29 =	vadd.f32 $1.258292000e+07, v29  }
0x495: {  	v31 =	vmin.f32 v31, $1.258292800e+07;
	v26 =	vmax.f32 v26, $1.258291200e+07  }
0x496: {  	v29 =	vmax.f32 v29, $1.258291200e+07;
	v26 =	vmin.f32 v26, $1.258292800e+07;
	v30 =	vmul.f32 $1.875000000e+00, v30  }
0x497: {  	v31 =	vshll.u32 v31, $0x9;
	v29 =	vmin.f32 v29, $1.258292800e+07;
	v26 =	vshll.u32 v26, $0x9  }
0x498: {  	v29 =	vshll.u32 v29, $0x9;
	v26 =	vadd.s32 v27, v26;
	v30 =	vadd.f32 $1.258292000e+07, v30  }
0x499: {  	v29 =	vadd.s32 v27, v29;
	v27 =	vadd.s32 v27, v31;
	v26 =	vand.u32 $0xFFFFFF00, v26  }
0x49a: {  	v29 =	vand.u32 $0xFFFFFF00, v29;
	v26 =	vor.u32 v1, v26;
	v30 =	vmax.f32 v30, $1.258291200e+07  }
0x49b: {  	v27 =	vand.u32 $0xFFFFFF00, v27;
	v29 =	vor.u32 v1, v29;
	v30 =	vmin.f32 v30, $1.258292800e+07  }
0x49c: {  	v31 =	vor.u32 s16, v5;
	v27 =	vor.u32 v1, v27;
	v30 =	vshll.u32 v30, $0x9  }
0x49d: {  	v30 =	vadd.s32 v31, v30  }
0x49e: {  	v30 =	vand.u32 $0xFFFFFF00, v30  }
0x49f: {  	[tilespmem:v26+s8+$0x0] =	vst.idx.add.f32.msk $0xffff, v20;
	v30 =	vor.u32 v6, v30  }
0x4a0: {  	[tilespmem:v29+s8+$0x0] =	vst.idx.add.f32.msk $0xffff, v20  }
0x4a1: {  	[tilespmem:v27+s8+$0x0] =	vst.idx.add.f32.msk $0xffff, v20  }
0x4a2: {  	v26 =	vld [tilespmem:s21+$0x8010]  }
0x4a3: {  	v29 =	vld [tilespmem:s21+$0x8090]  }
0x4a4: {  	[tilespmem:v30+s8+$0x0] =	vst.idx.add.f32.msk $0xffff, v20  }
0x4a5: {  	v27 =	vld [tilespmem:s21+$0x81B0];
	_ =	sdelay $0x3  }
0x4a6: {  	v26 =	vmul.f32 $1.875000000e+00, v26  }
0x4a7: {  	v30 =	vld [tilespmem:s21+$0x8110];
	v29 =	vmul.f32 $1.875000000e+00, v29;
	v27 =	vmul.f32 $1.875000000e+00, v27  }
0x4a8: {  	v26 =	vadd.f32 $1.258292000e+07, v26  }
0x4a9: {  	v29 =	vadd.f32 $1.258292000e+07, v29;
	v27 =	vadd.f32 $1.258292000e+07, v27  }
0x4aa: {  	v39 =	vor.u32 s16, v7;
	v26 =	vmax.f32 v26, $1.258291200e+07  }
0x4ab: {  	v29 =	vmax.f32 v29, $1.258291200e+07;
	v26 =	vmin.f32 v26, $1.258292800e+07;
	v27 =	vmax.f32 v27, $1.258291200e+07  }
0x4ac: {  	v30 =	vmul.f32 $1.875000000e+00, v30;
	v26 =	vshll.u32 v26, $0x9;
	v27 =	vmin.f32 v27, $1.258292800e+07  }
0x4ad: {  	v29 =	vmin.f32 v29, $1.258292800e+07;
	v26 =	vadd.s32 v28, v26;
	v27 =	vshll.u32 v27, $0x9  }
0x4ae: {  	v29 =	vshll.u32 v29, $0x9;
	v26 =	vand.u32 $0xFFFFFF00, v26;
	v27 =	vadd.s32 v39, v27  }
0x4af: {  	v30 =	vadd.f32 $1.258292000e+07, v30;
	v26 =	vor.u32 v4, v26;
	v27 =	vand.u32 $0xFFFFFF00, v27  }
0x4b0: {  	v29 =	vadd.s32 v28, v29;
	v27 =	vor.u32 v8, v27  }
0x4b1: {  	v29 =	vand.u32 $0xFFFFFF00, v29;
	v30 =	vmax.f32 v30, $1.258291200e+07  }
0x4b2: {  	v29 =	vor.u32 v4, v29;
	v30 =	vmin.f32 v30, $1.258292800e+07  }
0x4b3: {  	v30 =	vshll.u32 v30, $0x9  }
0x4b4: {  	v28 =	vadd.s32 v28, v30;
	[tilespmem:v26+s8+$0x0] =	vst.idx.add.f32.msk $0xffff, v20  }
0x4b5: {  	v28 =	vand.u32 $0xFFFFFF00, v28;
	[tilespmem:v27+s8+$0x0] =	vst.idx.add.f32.msk $0xffff, v20  }
0x4b6: {  	v26 =	vor.u32 v4, v28;
	v27 =	vld [tilespmem:s21+$0x81C0]  }
0x4b7: {  	[tilespmem:v29+s8+$0x0] =	vst.idx.add.f32.msk $0xffff, v20  }
0x4b8: {  	v28 =	vld [tilespmem:s21+$0x8020]  }
0x4b9: {  	v29 =	vld [tilespmem:s21+$0x80A0];
	_ =	sdelay $0x1  }
0x4ba: {  	[tilespmem:v26+s8+$0x0] =	vst.idx.add.f32.msk $0xffff, v20;
	v27 =	vmul.f32 $1.875000000e+00, v27  }
0x4bb: {  	v26 =	vld [tilespmem:s21+$0x8120]  }
0x4bc: {  	v27 =	vadd.f32 $1.258292000e+07, v27  }
0x4bd: {  	v28 =	vmul.f32 $1.875000000e+00, v28;
	v29 =	vmul.f32 $1.875000000e+00, v29  }
0x4be: {  	v27 =	vmax.f32 v27, $1.258291200e+07  }
0x4bf: {  	v28 =	vadd.f32 $1.258292000e+07, v28;
	v29 =	vadd.f32 $1.258292000e+07, v29;
	v27 =	vmin.f32 v27, $1.258292800e+07  }
0x4c0: {  	v30 =	vor.u32 s16, v9;
	v26 =	vmul.f32 $1.875000000e+00, v26;
	v27 =	vshll.u32 v27, $0x9  }
0x4c1: {  	v28 =	vmax.f32 v28, $1.258291200e+07;
	v29 =	vmax.f32 v29, $1.258291200e+07;
	v27 =	vadd.s32 v30, v27  }
0x4c2: {  	v28 =	vmin.f32 v28, $1.258292800e+07;
	v26 =	vadd.f32 $1.258292000e+07, v26;
	v27 =	vand.u32 $0xFFFFFF00, v27  }
0x4c3: {  	v29 =	vmin.f32 v29, $1.258292800e+07;
	v28 =	vshll.u32 v28, $0x9;
	v27 =	vor.u32 v10, v27  }
0x4c4: {  	v29 =	vshll.u32 v29, $0x9;
	v28 =	vadd.s32 v31, v28;
	v26 =	vmax.f32 v26, $1.258291200e+07  }
0x4c5: {  	v29 =	vadd.s32 v31, v29;
	v28 =	vand.u32 $0xFFFFFF00, v28;
	v26 =	vmin.f32 v26, $1.258292800e+07  }
0x4c6: {  	v29 =	vand.u32 $0xFFFFFF00, v29;
	v28 =	vor.u32 v6, v28;
	v26 =	vshll.u32 v26, $0x9  }
0x4c7: {  	v29 =	vor.u32 v6, v29;
	v26 =	vadd.s32 v31, v26  }
0x4c8: {  	v26 =	vand.u32 $0xFFFFFF00, v26;
	[tilespmem:v27+s8+$0x0] =	vst.idx.add.f32.msk $0xffff, v20  }
0x4c9: {  	v26 =	vor.u32 v6, v26;
	v27 =	vld [tilespmem:s21+$0x81D0];
	_ =	sdelay $0x1  }
0x4ca: {  	[tilespmem:v28+s8+$0x0] =	vst.idx.add.f32.msk $0xffff, v20  }
0x4cb: {  	[tilespmem:v29+s8+$0x0] =	vst.idx.add.f32.msk $0xffff, v20  }
0x4cc: {  	v28 =	vld [tilespmem:s21+$0x80B0]  }
0x4cd: {  	[tilespmem:v26+s8+$0x0] =	vst.idx.add.f32.msk $0xffff, v20;
	v27 =	vmul.f32 $1.875000000e+00, v27  }
0x4ce: {  	v26 =	vld [tilespmem:s21+$0x8030]  }
0x4cf: {  	v29 =	vld [tilespmem:s21+$0x8130];
	v27 =	vadd.f32 $1.258292000e+07, v27;
	_ =	sdelay $0x1  }
0x4d0: {  	v27 =	vmax.f32 v27, $1.258291200e+07  }
0x4d1: {  	v28 =	vmul.f32 $1.875000000e+00, v28;
	v27 =	vmin.f32 v27, $1.258292800e+07  }
0x4d2: {  	v31 =	vor.u32 s16, v11;
	v26 =	vmul.f32 $1.875000000e+00, v26;
	v27 =	vshll.u32 v27, $0x9  }
0x4d3: {  	v28 =	vadd.f32 $1.258292000e+07, v28;
	v29 =	vmul.f32 $1.875000000e+00, v29;
	v27 =	vadd.s32 v31, v27  }
0x4d4: {  	v26 =	vadd.f32 $1.258292000e+07, v26;
	v27 =	vand.u32 $0xFFFFFF00, v27  }
0x4d5: {  	v28 =	vmax.f32 v28, $1.258291200e+07;
	v29 =	vadd.f32 $1.258292000e+07, v29;
	v27 =	vor.u32 v12, v27  }
0x4d6: {  	v28 =	vmin.f32 v28, $1.258292800e+07;
	v26 =	vmax.f32 v26, $1.258291200e+07  }
0x4d7: {  	v28 =	vshll.u32 v28, $0x9;
	v26 =	vmin.f32 v26, $1.258292800e+07;
	v29 =	vmax.f32 v29, $1.258291200e+07  }
0x4d8: {  	v28 =	vadd.s32 v39, v28;
	v26 =	vshll.u32 v26, $0x9;
	v29 =	vmin.f32 v29, $1.258292800e+07  }
0x4d9: {  	v28 =	vand.u32 $0xFFFFFF00, v28;
	v26 =	vadd.s32 v39, v26;
	v29 =	vshll.u32 v29, $0x9  }
0x4da: {  	v28 =	vor.u32 v8, v28;
	v26 =	vand.u32 $0xFFFFFF00, v26;
	v29 =	vadd.s32 v39, v29;
	[tilespmem:v27+s8+$0x0] =	vst.idx.add.f32.msk $0xffff, v20  }
0x4db: {  	v26 =	vor.u32 v8, v26;
	v27 =	vand.u32 $0xFFFFFF00, v29;
	v29 =	vld [tilespmem:s21+$0x81E0]  }
0x4dc: {  	v27 =	vor.u32 v8, v27;
	_ =	sdelay $0x2  }
0x4dd: {  	[tilespmem:v28+s8+$0x0] =	vst.idx.add.f32.msk $0xffff, v20  }
0x4de: {  	[tilespmem:v26+s8+$0x0] =	vst.idx.add.f32.msk $0xffff, v20;
	v26 =	vmul.f32 $1.875000000e+00, v29  }
0x4df: {  	[tilespmem:v27+s8+$0x0] =	vst.idx.add.f32.msk $0xffff, v20  }
0x4e0: {  	v27 =	vld [tilespmem:s21+$0x8040];
	v26 =	vadd.f32 $1.258292000e+07, v26  }
0x4e1: {  	v29 =	vld [tilespmem:s21+$0x80C0]  }
0x4e2: {  	v26 =	vmax.f32 v26, $1.258291200e+07  }
0x4e3: {  	v40 =	vld [tilespmem:s21+$0x8140];
	v26 =	vmin.f32 v26, $1.258292800e+07  }
0x4e4: {  	v28 =	vor.u32 s16, v13;
	v26 =	vshll.u32 v26, $0x9  }
0x4e5: {  	v27 =	vmul.f32 $1.875000000e+00, v27;
	v26 =	vadd.s32 v28, v26  }
0x4e6: {  	v29 =	vmul.f32 $1.875000000e+00, v29;
	v26 =	vand.u32 $0xFFFFFF00, v26  }
0x4e7: {  	v27 =	vadd.f32 $1.258292000e+07, v27;
	v26 =	vor.u32 v14, v26  }
0x4e8: {  	v32 =	vmul.f32 $1.875000000e+00, v40;
	v29 =	vadd.f32 $1.258292000e+07, v29  }
0x4e9: {  	v27 =	vmax.f32 v27, $1.258291200e+07  }
0x4ea: {  	v32 =	vadd.f32 $1.258292000e+07, v32;
	v29 =	vmax.f32 v29, $1.258291200e+07;
	v27 =	vmin.f32 v27, $1.258292800e+07  }
0x4eb: {  	v29 =	vmin.f32 v29, $1.258292800e+07;
	v27 =	vshll.u32 v27, $0x9  }
0x4ec: {  	v32 =	vmax.f32 v32, $1.258291200e+07;
	v29 =	vshll.u32 v29, $0x9;
	v27 =	vadd.s32 v30, v27;
	[tilespmem:v26+s8+$0x0] =	vst.idx.add.f32.msk $0xffff, v20  }
0x4ed: {  	v32 =	vmin.f32 v32, $1.258292800e+07;
	v29 =	vadd.s32 v30, v29;
	v27 =	vand.u32 $0xFFFFFF00, v27;
	v41 =	vld [tilespmem:s21+$0x81F0]  }
0x4ee: {  	v29 =	vand.u32 $0xFFFFFF00, v29;
	v26 =	vshll.u32 v32, $0x9;
	v27 =	vor.u32 v10, v27  }
0x4ef: {  	v29 =	vor.u32 v10, v29;
	v26 =	vadd.s32 v30, v26  }
0x4f0: {  	v26 =	vand.u32 $0xFFFFFF00, v26  }
0x4f1: {  	v26 =	vor.u32 v10, v26  }
0x4f2: {  	v30 =	vmul.f32 $1.875000000e+00, v41  }
0x4f3: {  	[tilespmem:v27+s8+$0x0] =	vst.idx.add.f32.msk $0xffff, v20  }
0x4f4: {  	[tilespmem:v29+s8+$0x0] =	vst.idx.add.f32.msk $0xffff, v20;
	v27 =	vadd.f32 $1.258292000e+07, v30  }
0x4f5: {  	v29 =	vld [tilespmem:s21+$0x8050]  }
0x4f6: {  	[tilespmem:v26+s8+$0x0] =	vst.idx.add.f32.msk $0xffff, v20;
	v26 =	vmax.f32 v27, $1.258291200e+07  }
0x4f7: {  	v27 =	vld [tilespmem:s21+$0x80D0];
	v30 =	vmin.f32 v26, $1.258292800e+07  }
0x4f8: {  	v42 =	vld [tilespmem:s21+$0x8150];
	v26 =	vor.u32 s16, v15;
	v30 =	vshll.u32 v30, $0x9  }
0x4f9: {  	v30 =	vadd.s32 v26, v30  }
0x4fa: {  	v30 =	vand.u32 $0xFFFFFF00, v30  }
0x4fb: {  	v29 =	vmul.f32 $1.875000000e+00, v29;
	v30 =	vor.u32 v16, v30  }
0x4fc: {  	v27 =	vmul.f32 $1.875000000e+00, v27  }
0x4fd: {  	v29 =	vadd.f32 $1.258292000e+07, v29;
	v32 =	vmul.f32 $1.875000000e+00, v42  }
0x4fe: {  	v27 =	vadd.f32 $1.258292000e+07, v27  }
0x4ff: {  	s17 =	simm.s32 $0x400;
	s22 =	simm.s32 $0x400;
	v29 =	vmax.f32 v29, $1.258291200e+07;
	v32 =	vadd.f32 $1.258292000e+07, v32  }
0x500: {  	s24 =	simm.s32 $0x200;
	s1 =	sand.u32 $0x3800, s22;
	v29 =	vmin.f32 v29, $1.258292800e+07;
	v27 =	vmax.f32 v27, $1.258291200e+07;
	[tilespmem:v30+s8+$0x0] =	vst.idx.add.f32.msk $0xffff, v20  }
0x501: {  	s0 =	sand.u32 $0x3FFFC000, s17;
	v29 =	vshll.u32 v29, $0x9;
	v32 =	vmax.f32 v32, $1.258291200e+07;
	v27 =	vmin.f32 v27, $1.258292800e+07;
	v30 =	vld [tilespmem:s21+$0x8580]  }
0x502: {  	s2 =	sand.u32 $0x200, s24;
	s0 =	sor.u32 s1, s0;
	v29 =	vadd.s32 v31, v29;
	v32 =	vmin.f32 v32, $1.258292800e+07;
	v27 =	vshll.u32 v27, $0x9  }
0x503: {  	s22 =	sor.u32 s2, s0;
	v29 =	vand.u32 $0xFFFFFF00, v29;
	v32 =	vshll.u32 v32, $0x9;
	v27 =	vadd.s32 v31, v27  }
0x504: {  	v43 =	vld [tilespmem:s22+$0x8180];
	v29 =	vor.u32 v12, v29;
	v31 =	vadd.s32 v31, v32;
	v27 =	vand.u32 $0xFFFFFF00, v27  }
0x505: {  	v31 =	vand.u32 $0xFFFFFF00, v31;
	v27 =	vor.u32 v12, v27  }
0x506: {  	v31 =	vor.u32 v12, v31;
	v30 =	vmul.f32 $1.875000000e+00, v30;
	_ =	sdelay $0x1  }
0x507: {  	v30 =	vadd.f32 $1.258292000e+07, v30  }
0x508: {  	v44 =	vmul.f32 $1.875000000e+00, v43;
	[tilespmem:v29+s8+$0x0] =	vst.idx.add.f32.msk $0xffff, v20  }
0x509: {  	[tilespmem:v27+s8+$0x0] =	vst.idx.add.f32.msk $0xffff, v20;
	v29 =	vmax.f32 v30, $1.258291200e+07  }
0x50a: {  	[tilespmem:v31+s8+$0x0] =	vst.idx.add.f32.msk $0xffff, v20;
	v30 =	vadd.f32 $1.258292000e+07, v44;
	v29 =	vmin.f32 v29, $1.258292800e+07  }
0x50b: {  	v27 =	vor.u32 s16, v17;
	v31 =	vld [tilespmem:s21+$0x8060];
	v29 =	vshll.u32 v29, $0x9  }
0x50c: {  	s25 =	simm.s32 $0x10;
	v45 =	vld [tilespmem:s21+$0x80E0];
	v30 =	vmax.f32 v30, $1.258291200e+07;
	v29 =	vadd.s32 v27, v29  }
0x50d: {  	s28 =	sand.u32 $0xFFFFFF00, s25;
	v34 =	vld [tilespmem:s21+$0x8160];
	v30 =	vmin.f32 v30, $1.258292800e+07;
	v29 =	vand.u32 $0xFFFFFF80, v29  }
0x50e: {  	v46 =	vor.u32 s28, v2;
	v30 =	vshll.u32 v30, $0x9;
	v29 =	vor.u32 v1, v29  }
0x50f: {  	v30 =	vadd.s32 v46, v30  }
0x510: {  	v36 =	vld [tilespmem:s22+$0x8080];
	v30 =	vand.u32 $0xFFFFFF00, v30  }
0x511: {  	v31 =	vmul.f32 $1.875000000e+00, v31;
	v32 =	vmul.f32 $1.875000000e+00, v45;
	v30 =	vor.u32 v1, v30  }
0x512: {  	v34 =	vmul.f32 $1.875000000e+00, v34  }
0x513: {  	v31 =	vadd.f32 $1.258292000e+07, v31;
	[tilespmem:v29+s8+$0x0] =	vst.idx.add.f32.msk $0xffff, v20;
	v29 =	vadd.f32 $1.258292000e+07, v32  }
0x514: {  	v34 =	vadd.f32 $1.258292000e+07, v34;
	v47 =	vld [tilespmem:s21+$0x8590]  }
0x515: {  	v35 =	vld [tilespmem:s22+$0x8000];
	v50 =	vmul.f32 $1.875000000e+00, v36;
	v31 =	vmax.f32 v31, $1.258291200e+07;
	v29 =	vmax.f32 v29, $1.258291200e+07  }
0x516: {  	v34 =	vmax.f32 v34, $1.258291200e+07;
	[tilespmem:v30+s8+$0x0] =	vst.idx.add.f32.msk $0xffff, v20;
	v30 =	vmin.f32 v31, $1.258292800e+07;
	v29 =	vmin.f32 v29, $1.258292800e+07  }
0x517: {  	v34 =	vmin.f32 v34, $1.258292800e+07;
	v31 =	vld [tilespmem:s22+$0x8190];
	v30 =	vshll.u32 v30, $0x9;
	v29 =	vshll.u32 v29, $0x9  }
0x518: {  	v34 =	vshll.u32 v34, $0x9;
	v30 =	vadd.s32 v28, v30;
	v29 =	vadd.s32 v28, v29  }
0x519: {  	v28 =	vadd.s32 v28, v34;
	v32 =	vmul.f32 $1.875000000e+00, v47;
	v29 =	vand.u32 $0xFFFFFF00, v29  }
0x51a: {  	v37 =	vld [tilespmem:s22+$0x8100];
	v30 =	vand.u32 $0xFFFFFF00, v30;
	v28 =	vand.u32 $0xFFFFFF00, v28;
	v29 =	vor.u32 v14, v29  }
0x51b: {  	v48 =	vor.u32 v14, v30;
	v28 =	vor.u32 v14, v28;
	v30 =	vadd.f32 $1.258292000e+07, v32  }
0x51c: {  	v49 =	vmul.f32 $1.875000000e+00, v35;
	v31 =	vmul.f32 $1.875000000e+00, v31  }
0x51d: {  	v38 =	vor.u32 s28, v3;
	v52 =	vadd.f32 $1.258292000e+07, v50;
	v30 =	vmax.f32 v30, $1.258291200e+07  }
0x51e: {  	v32 =	vadd.f32 $1.258292000e+07, v49;
	v31 =	vadd.f32 $1.258292000e+07, v31;
	v51 =	vmin.f32 v30, $1.258292800e+07  }
0x51f: {  	v37 =	vmul.f32 $1.875000000e+00, v37;
	v30 =	vor.u32 s16, v18;
	v36 =	vshll.u32 v51, $0x9;
	[tilespmem:v29+s8+$0x0] =	vst.idx.add.f32.msk $0xffff, v20  }
0x520: {  	v31 =	vmax.f32 v31, $1.258291200e+07;
	v29 =	vmax.f32 v32, $1.258291200e+07;
	[tilespmem:v28+s8+$0x0] =	vst.idx.add.f32.msk $0xffff, v20;
	v28 =	vmax.f32 v52, $1.258291200e+07  }
0x521: {  	v36 =	vadd.s32 v30, v36;
	v31 =	vmin.f32 v31, $1.258292800e+07;
	v29 =	vmin.f32 v29, $1.258292800e+07  }
0x522: {  	v28 =	vmin.f32 v28, $1.258292800e+07;
	v36 =	vand.u32 $0xFFFFFF80, v36;
	v31 =	vshll.u32 v31, $0x9  }
0x523: {  	v29 =	vshll.u32 v29, $0x9;
	v53 =	vor.u32 v4, v36;
	v31 =	vadd.s32 v38, v31  }
0x524: {  	[tilespmem:v48+s8+$0x0] =	vst.idx.add.f32.msk $0xffff, v20;
	v28 =	vshll.u32 v28, $0x9;
	v29 =	vadd.s32 v46, v29;
	v31 =	vand.u32 $0xFFFFFF00, v31  }
0x525: {  	v55 =	vld [tilespmem:s21+$0x8070];
	v28 =	vadd.s32 v46, v28;
	v29 =	vand.u32 $0xFFFFFF00, v29;
	v31 =	vor.u32 v4, v31  }
0x526: {  	v58 =	vld [tilespmem:s21+$0x8170];
	v28 =	vand.u32 $0xFFFFFF00, v28;
	v29 =	vor.u32 v1, v29  }
0x527: {  	v54 =	vadd.f32 $1.258292000e+07, v37;
	v56 =	vld [tilespmem:s21+$0x80F0];
	v28 =	vor.u32 v1, v28  }
0x528: {  	[tilespmem:v53+s8+$0x0] =	vst.idx.add.f32.msk $0xffff, v20  }
0x529: {  	v32 =	vmax.f32 v54, $1.258291200e+07;
	v35 =	vld [tilespmem:s21+$0x85A0]  }
0x52a: {  	v32 =	vmin.f32 v32, $1.258292800e+07;
	v34 =	vmul.f32 $1.875000000e+00, v55;
	[tilespmem:v31+s8+$0x0] =	vst.idx.add.f32.msk $0xffff, v20  }
0x52b: {  	v32 =	vshll.u32 v32, $0x9;
	v33 =	vmul.f32 $1.875000000e+00, v58;
	[tilespmem:v29+s8+$0x0] =	vst.idx.add.f32.msk $0xffff, v20  }
0x52c: {  	v32 =	vadd.s32 v46, v32;
	v34 =	vadd.f32 $1.258292000e+07, v34;
	[tilespmem:v28+s8+$0x0] =	vst.idx.add.f32.msk $0xffff, v20  }
0x52d: {  	v33 =	vadd.f32 $1.258292000e+07, v33;
	v31 =	vand.u32 $0xFFFFFF00, v32;
	v28 =	vmul.f32 $1.875000000e+00, v56;
	v57 =	vld [tilespmem:s22+$0x81A0]  }
0x52e: {  	v39 =	vor.u32 s28, v5;
	v31 =	vor.u32 v1, v31;
	v59 =	vld [tilespmem:s22+$0x8010]  }
0x52f: {  	v34 =	vmax.f32 v34, $1.258291200e+07;
	v33 =	vmax.f32 v33, $1.258291200e+07;
	v28 =	vadd.f32 $1.258292000e+07, v28  }
0x530: {  	v34 =	vmin.f32 v34, $1.258292800e+07;
	v33 =	vmin.f32 v33, $1.258292800e+07;
	v29 =	vmul.f32 $1.875000000e+00, v35  }
0x531: {  	v34 =	vshll.u32 v34, $0x9;
	v33 =	vshll.u32 v33, $0x9;
	v28 =	vmax.f32 v28, $1.258291200e+07  }
0x532: {  	v34 =	vadd.s32 v26, v34;
	v28 =	vmin.f32 v28, $1.258292800e+07;
	v29 =	vadd.f32 $1.258292000e+07, v29  }
0x533: {  	v32 =	vmul.f32 $1.875000000e+00, v57;
	[tilespmem:v31+s8+$0x0] =	vst.idx.add.f32.msk $0xffff, v20;
	v35 =	vmul.f32 $1.875000000e+00, v59;
	v28 =	vshll.u32 v28, $0x9  }
0x534: {  	v31 =	vld [tilespmem:s22+$0x8090];
	v28 =	vadd.s32 v26, v28;
	v26 =	vadd.s32 v26, v33;
	v29 =	vmax.f32 v29, $1.258291200e+07  }
0x535: {  	v60 =	vld [tilespmem:s22+$0x8110];
	v32 =	vadd.f32 $1.258292000e+07, v32;
	v35 =	vadd.f32 $1.258292000e+07, v35;
	v61 =	vmin.f32 v29, $1.258292800e+07  }
0x536: {  	v28 =	vand.u32 $0xFFFFFF00, v28;
	v29 =	vor.u32 s16, v19;
	v37 =	vshll.u32 v61, $0x9  }
0x537: {  	v26 =	vand.u32 $0xFFFFFF00, v26;
	v32 =	vmax.f32 v32, $1.258291200e+07;
	v37 =	vadd.s32 v29, v37  }
0x538: {  	v28 =	vor.u32 v16, v28;
	v32 =	vmin.f32 v32, $1.258292800e+07;
	v37 =	vand.u32 $0xFFFFFF80, v37  }
0x539: {  	v31 =	vmul.f32 $1.875000000e+00, v31;
	v32 =	vshll.u32 v32, $0x9;
	v37 =	vor.u32 v6, v37  }
0x53a: {  	v43 =	vor.u32 v16, v26;
	v36 =	vmul.f32 $1.875000000e+00, v60;
	v32 =	vadd.s32 v39, v32  }
0x53b: {  	v35 =	vmax.f32 v35, $1.258291200e+07;
	v31 =	vadd.f32 $1.258292000e+07, v31;
	v32 =	vand.u32 $0xFFFFFF00, v32  }
0x53c: {  	v35 =	vmin.f32 v35, $1.258292800e+07;
	v36 =	vadd.f32 $1.258292000e+07, v36;
	v32 =	vor.u32 v6, v32  }
0x53d: {  	v35 =	vshll.u32 v35, $0x9;
	[tilespmem:v28+s8+$0x0] =	vst.idx.add.f32.msk $0xffff, v20;
	v31 =	vmax.f32 v31, $1.258291200e+07  }
0x53e: {  	v35 =	vadd.s32 v38, v35;
	v31 =	vmin.f32 v31, $1.258292800e+07;
	v36 =	vmax.f32 v36, $1.258291200e+07;
	[tilespmem:v37+s8+$0x0] =	vst.idx.add.f32.msk $0xffff, v20  }
0x53f: {  	v35 =	vand.u32 $0xFFFFFF00, v35;
	v31 =	vshll.u32 v31, $0x9;
	v36 =	vmin.f32 v36, $1.258292800e+07;
	v37 =	vld [tilespmem:s21+$0x85B0]  }
0x540: {  	[tilespmem:v43+s8+$0x0] =	vst.idx.add.f32.msk $0xffff, v20;
	v35 =	vor.u32 v4, v35;
	v31 =	vadd.s32 v38, v31;
	v36 =	vshll.u32 v36, $0x9  }
0x541: {  	v31 =	vand.u32 $0xFFFFFF00, v31;
	v62 =	vadd.s32 v38, v36;
	[tilespmem:v32+s8+$0x0] =	vst.idx.add.f32.msk $0xffff, v20  }
0x542: {  	v32 =	vand.u32 $0xFFFFFF00, v62;
	v31 =	vor.u32 v4, v31;
	v63 =	vld [tilespmem:s22+$0x81B0]  }
0x543: {  	v49 =	vld [tilespmem:s21+$0x8480];
	v32 =	vor.u32 v4, v32  }
0x544: {  	v50 =	vld [tilespmem:s21+$0x8500];
	v37 =	vmul.f32 $1.875000000e+00, v37  }
0x545: {  	[tilespmem:v35+s8+$0x0] =	vst.idx.add.f32.msk $0xffff, v20  }
0x546: {  	v44 =	vld [tilespmem:s22+$0x8020];
	v40 =	vadd.f32 $1.258292000e+07, v37  }
0x547: {  	v38 =	vand.u32 $0xFFFFFF00, v34;
	[tilespmem:v31+s8+$0x0] =	vst.idx.add.f32.msk $0xffff, v20;
	v41 =	vmul.f32 $1.875000000e+00, v63  }
0x548: {  	v33 =	vor.u32 v16, v38;
	[tilespmem:v32+s8+$0x0] =	vst.idx.add.f32.msk $0xffff, v20;
	v31 =	vmax.f32 v40, $1.258291200e+07  }
0x549: {  	v45 =	vld [tilespmem:s22+$0x80A0];
	v42 =	vadd.f32 $1.258292000e+07, v41;
	v31 =	vmin.f32 v31, $1.258292800e+07  }
0x54a: {  	v26 =	vor.u32 s16, v21;
	v36 =	vmul.f32 $1.875000000e+00, v49;
	v46 =	vld [tilespmem:s22+$0x8120];
	v31 =	vshll.u32 v31, $0x9  }
0x54b: {  	v38 =	vmul.f32 $1.875000000e+00, v50;
	v32 =	vmax.f32 v42, $1.258291200e+07;
	v31 =	vadd.s32 v26, v31  }
0x54c: {  	v36 =	vadd.f32 $1.258292000e+07, v36;
	v32 =	vmin.f32 v32, $1.258292800e+07;
	v31 =	vand.u32 $0xFFFFFF80, v31  }
0x54d: {  	[tilespmem:v33+s8+$0x0] =	vst.idx.add.f32.msk $0xffff, v20;
	v33 =	vor.u32 s28, v7;
	v32 =	vshll.u32 v32, $0x9;
	v28 =	vor.u32 v8, v31  }
0x54e: {  	v38 =	vadd.f32 $1.258292000e+07, v38;
	v35 =	vmul.f32 $1.875000000e+00, v44;
	v31 =	vadd.s32 v33, v32  }
0x54f: {  	v48 =	vmul.f32 $1.875000000e+00, v45;
	v37 =	vmul.f32 $1.875000000e+00, v46;
	v31 =	vand.u32 $0xFFFFFF00, v31  }
0x550: {  	v36 =	vmax.f32 v36, $1.258291200e+07;
	v35 =	vadd.f32 $1.258292000e+07, v35;
	v31 =	vor.u32 v8, v31  }
0x551: {  	v36 =	vmin.f32 v36, $1.258292800e+07;
	v47 =	vld [tilespmem:s21+$0x8400];
	v34 =	vadd.f32 $1.258292000e+07, v48;
	v37 =	vadd.f32 $1.258292000e+07, v37  }
0x552: {  	v59 =	vmax.f32 v38, $1.258291200e+07;
	v36 =	vshll.u32 v36, $0x9;
	[tilespmem:v28+s8+$0x0] =	vst.idx.add.f32.msk $0xffff, v20  }
0x553: {  	v35 =	vmax.f32 v35, $1.258291200e+07;
	v34 =	vmax.f32 v34, $1.258291200e+07;
	v37 =	vmax.f32 v37, $1.258291200e+07;
	v52 =	vld [tilespmem:s21+$0x85C0]  }
0x554: {  	v51 =	vmin.f32 v35, $1.258292800e+07;
	v34 =	vmin.f32 v34, $1.258292800e+07;
	v53 =	vmin.f32 v37, $1.258292800e+07  }
0x555: {  	v32 =	vshll.u32 v51, $0x9;
	[tilespmem:v31+s8+$0x0] =	vst.idx.add.f32.msk $0xffff, v20;
	v31 =	vshll.u32 v34, $0x9;
	v34 =	vshll.u32 v53, $0x9  }
0x556: {  	v36 =	vadd.s32 v27, v36;
	v32 =	vadd.s32 v39, v32;
	v54 =	vld [tilespmem:s22+$0x81C0];
	v34 =	vadd.s32 v39, v34  }
0x557: {  	v28 =	vmul.f32 $1.875000000e+00, v47;
	v31 =	vadd.s32 v39, v31;
	v34 =	vand.u32 $0xFFFFFF00, v34  }
0x558: {  	v31 =	vand.u32 $0xFFFFFF00, v31;
	v34 =	vor.u32 v6, v34;
	v35 =	vmul.f32 $1.875000000e+00, v52  }
0x559: {  	v32 =	vand.u32 $0xFFFFFF00, v32;
	v28 =	vadd.f32 $1.258292000e+07, v28;
	v31 =	vor.u32 v6, v31  }
0x55a: {  	v36 =	vand.u32 $0xFFFFFF80, v36;
	v32 =	vor.u32 v6, v32;
	v35 =	vadd.f32 $1.258292000e+07, v35  }
0x55b: {  	v36 =	vor.u32 v1, v36;
	v28 =	vmax.f32 v28, $1.258291200e+07;
	v37 =	vmul.f32 $1.875000000e+00, v54  }
0x55c: {  	v57 =	vmin.f32 v28, $1.258292800e+07;
	v28 =	vor.u32 s16, v22;
	v55 =	vmax.f32 v35, $1.258291200e+07  }
0x55d: {  	v56 =	vadd.f32 $1.258292000e+07, v37;
	[tilespmem:v34+s8+$0x0] =	vst.idx.add.f32.msk $0xffff, v20;
	v34 =	vmin.f32 v59, $1.258292800e+07;
	v37 =	vshll.u32 v57, $0x9  }
0x55e: {  	[tilespmem:v31+s8+$0x0] =	vst.idx.add.f32.msk $0xffff, v20;
	v31 =	vmin.f32 v55, $1.258292800e+07;
	v37 =	vadd.s32 v27, v37;
	v34 =	vshll.u32 v34, $0x9  }
0x55f: {  	[tilespmem:v32+s8+$0x0] =	vst.idx.add.f32.msk $0xffff, v20;
	v31 =	vshll.u32 v31, $0x9;
	v58 =	vmax.f32 v56, $1.258291200e+07;
	v37 =	vand.u32 $0xFFFFFF80, v37  }
0x560: {  	v61 =	vld [tilespmem:s22+$0x80B0];
	v27 =	vadd.s32 v27, v34;
	v31 =	vadd.s32 v28, v31;
	v32 =	vmin.f32 v58, $1.258292800e+07  }
0x561: {  	v60 =	vld [tilespmem:s22+$0x8030];
	v37 =	vor.u32 v1, v37;
	v27 =	vand.u32 $0xFFFFFF80, v27;
	v62 =	vand.u32 $0xFFFFFF80, v31  }
0x562: {  	v40 =	vld [tilespmem:s22+$0x8130];
	v31 =	vor.u32 s28, v9;
	v32 =	vshll.u32 v32, $0x9;
	v27 =	vor.u32 v1, v27  }
0x563: {  	v39 =	vor.u32 v10, v62;
	v32 =	vadd.s32 v31, v32  }
0x564: {  	[tilespmem:v36+s8+$0x0] =	vst.idx.add.f32.msk $0xffff, v20;
	v32 =	vand.u32 $0xFFFFFF00, v32  }
0x565: {  	v51 =	vld [tilespmem:s21+$0x8490];
	v38 =	vmul.f32 $1.875000000e+00, v61;
	v32 =	vor.u32 v10, v32  }
0x566: {  	v35 =	vmul.f32 $1.875000000e+00, v60;
	[tilespmem:v37+s8+$0x0] =	vst.idx.add.f32.msk $0xffff, v20  }
0x567: {  	v40 =	vmul.f32 $1.875000000e+00, v40;
	v38 =	vadd.f32 $1.258292000e+07, v38;
	[tilespmem:v27+s8+$0x0] =	vst.idx.add.f32.msk $0xffff, v20  }
0x568: {  	v63 =	vadd.f32 $1.258292000e+07, v35;
	[tilespmem:v39+s8+$0x0] =	vst.idx.add.f32.msk $0xffff, v20  }
0x569: {  	v43 =	vadd.f32 $1.258292000e+07, v40;
	v46 =	vmax.f32 v38, $1.258291200e+07;
	v42 =	vld [tilespmem:s21+$0x85D0]  }
0x56a: {  	v44 =	vmax.f32 v63, $1.258291200e+07;
	v48 =	vmin.f32 v46, $1.258292800e+07;
	[tilespmem:v32+s8+$0x0] =	vst.idx.add.f32.msk $0xffff, v20  }
0x56b: {  	v47 =	vmax.f32 v43, $1.258291200e+07;
	v32 =	vmin.f32 v44, $1.258292800e+07;
	v36 =	vshll.u32 v48, $0x9;
	v45 =	vld [tilespmem:s22+$0x81D0]  }
0x56c: {  	v52 =	vld [tilespmem:s21+$0x8510];
	v49 =	vmin.f32 v47, $1.258292800e+07;
	v32 =	vshll.u32 v32, $0x9;
	v36 =	vadd.s32 v33, v36  }
0x56d: {  	v50 =	vld [tilespmem:s21+$0x8410];
	v37 =	vshll.u32 v49, $0x9;
	v32 =	vadd.s32 v33, v32;
	v27 =	vand.u32 $0xFFFFFF00, v36  }
0x56e: {  	v33 =	vadd.s32 v33, v37;
	v32 =	vand.u32 $0xFFFFFF00, v32;
	v53 =	vor.u32 v8, v27  }
0x56f: {  	v33 =	vand.u32 $0xFFFFFF00, v33;
	v35 =	vmul.f32 $1.875000000e+00, v42;
	v32 =	vor.u32 v8, v32  }
0x570: {  	v33 =	vor.u32 v8, v33;
	v34 =	vmul.f32 $1.875000000e+00, v45  }
0x571: {  	v37 =	vmul.f32 $1.875000000e+00, v51;
	v36 =	vmul.f32 $1.875000000e+00, v52;
	v35 =	vadd.f32 $1.258292000e+07, v35  }
0x572: {  	v54 =	vmul.f32 $1.875000000e+00, v50;
	v34 =	vadd.f32 $1.258292000e+07, v34  }
0x573: {  	v57 =	vadd.f32 $1.258292000e+07, v37;
	v36 =	vadd.f32 $1.258292000e+07, v36;
	v27 =	vmax.f32 v35, $1.258291200e+07;
	[tilespmem:v53+s8+$0x0] =	vst.idx.add.f32.msk $0xffff, v20  }
0x574: {  	v35 =	vadd.f32 $1.258292000e+07, v54;
	v55 =	vmin.f32 v27, $1.258292800e+07;
	[tilespmem:v32+s8+$0x0] =	vst.idx.add.f32.msk $0xffff, v20;
	v34 =	vmax.f32 v34, $1.258291200e+07  }
0x575: {  	v27 =	vor.u32 s16, v23;
	[tilespmem:v33+s8+$0x0] =	vst.idx.add.f32.msk $0xffff, v20;
	v38 =	vshll.u32 v55, $0x9;
	v34 =	vmin.f32 v34, $1.258292800e+07  }
0x576: {  	v32 =	vor.u32 s28, v11;
	v58 =	vld [tilespmem:s22+$0x8040];
	v38 =	vadd.s32 v27, v38;
	v34 =	vshll.u32 v34, $0x9  }
0x577: {  	v35 =	vmax.f32 v35, $1.258291200e+07;
	v59 =	vld [tilespmem:s22+$0x8140];
	v38 =	vand.u32 $0xFFFFFF80, v38;
	v34 =	vadd.s32 v32, v34  }
0x578: {  	v39 =	vld [tilespmem:s22+$0x80C0];
	v35 =	vmin.f32 v35, $1.258292800e+07;
	v38 =	vor.u32 v12, v38;
	v56 =	vand.u32 $0xFFFFFF00, v34  }
0x579: {  	v36 =	vmax.f32 v36, $1.258291200e+07;
	v35 =	vshll.u32 v35, $0x9;
	v33 =	vor.u32 v12, v56  }
0x57a: {  	v36 =	vmin.f32 v36, $1.258292800e+07;
	v35 =	vadd.s32 v30, v35;
	v34 =	vmax.f32 v57, $1.258291200e+07  }
0x57b: {  	v36 =	vshll.u32 v36, $0x9;
	v35 =	vand.u32 $0xFFFFFF80, v35;
	v34 =	vmin.f32 v34, $1.258292800e+07  }
0x57c: {  	v37 =	vmul.f32 $1.875000000e+00, v58;
	v63 =	vmul.f32 $1.875000000e+00, v59;
	v34 =	vshll.u32 v34, $0x9  }
0x57d: {  	v61 =	vmul.f32 $1.875000000e+00, v39;
	v35 =	vor.u32 v4, v35;
	v34 =	vadd.s32 v30, v34;
	[tilespmem:v38+s8+$0x0] =	vst.idx.add.f32.msk $0xffff, v20  }
0x57e: {  	v30 =	vadd.s32 v30, v36;
	v37 =	vadd.f32 $1.258292000e+07, v37;
	v39 =	vadd.f32 $1.258292000e+07, v63;
	[tilespmem:v33+s8+$0x0] =	vst.idx.add.f32.msk $0xffff, v20  }
0x57f: {  	v60 =	vand.u32 $0xFFFFFF80, v34;
	v30 =	vand.u32 $0xFFFFFF80, v30;
	v34 =	vadd.f32 $1.258292000e+07, v61;
	v62 =	vld [tilespmem:s22+$0x81E0]  }
0x580: {  	v38 =	vld [tilespmem:s21+$0x85E0];
	v30 =	vor.u32 v4, v30;
	v37 =	vmax.f32 v37, $1.258291200e+07;
	v39 =	vmax.f32 v39, $1.258291200e+07  }
0x581: {  	v33 =	vor.u32 v4, v60;
	v37 =	vmin.f32 v37, $1.258292800e+07;
	v34 =	vmax.f32 v34, $1.258291200e+07  }
0x582: {  	v39 =	vmin.f32 v39, $1.258292800e+07;
	[tilespmem:v35+s8+$0x0] =	vst.idx.add.f32.msk $0xffff, v20;
	v34 =	vmin.f32 v34, $1.258292800e+07;
	v37 =	vshll.u32 v37, $0x9  }
0x583: {  	v41 =	vshll.u32 v39, $0x9;
	v43 =	vld [tilespmem:s21+$0x8420];
	v34 =	vshll.u32 v34, $0x9;
	v40 =	vadd.s32 v31, v37  }
0x584: {  	v34 =	vadd.s32 v31, v34;
	v35 =	vand.u32 $0xFFFFFF00, v40;
	v36 =	vmul.f32 $1.875000000e+00, v62  }
0x585: {  	v38 =	vmul.f32 $1.875000000e+00, v38;
	[tilespmem:v30+s8+$0x0] =	vst.idx.add.f32.msk $0xffff, v20;
	v30 =	vadd.s32 v31, v41;
	v31 =	vor.u32 v10, v35  }
0x586: {  	v34 =	vand.u32 $0xFFFFFF00, v34;
	[tilespmem:v33+s8+$0x0] =	vst.idx.add.f32.msk $0xffff, v20;
	v30 =	vand.u32 $0xFFFFFF00, v30;
	v36 =	vadd.f32 $1.258292000e+07, v36  }
0x587: {  	v44 =	vor.u32 v10, v34;
	v46 =	vld [tilespmem:s21+$0x8520];
	v30 =	vor.u32 v10, v30  }
0x588: {  	v45 =	vld [tilespmem:s21+$0x84A0];
	v38 =	vadd.f32 $1.258292000e+07, v38;
	v35 =	vmul.f32 $1.875000000e+00, v43;
	v42 =	vmax.f32 v36, $1.258291200e+07  }
0x589: {  	v34 =	vor.u32 s28, v13;
	v33 =	vmin.f32 v42, $1.258292800e+07  }
0x58a: {  	v35 =	vadd.f32 $1.258292000e+07, v35;
	[tilespmem:v31+s8+$0x0] =	vst.idx.add.f32.msk $0xffff, v20;
	v31 =	vmax.f32 v38, $1.258291200e+07;
	v33 =	vshll.u32 v33, $0x9  }
0x58b: {  	v47 =	vmin.f32 v31, $1.258292800e+07;
	v31 =	vor.u32 s16, v24;
	v33 =	vadd.s32 v34, v33  }
0x58c: {  	[tilespmem:v44+s8+$0x0] =	vst.idx.add.f32.msk $0xffff, v20;
	v48 =	vmul.f32 $1.875000000e+00, v46;
	v35 =	vmax.f32 v35, $1.258291200e+07;
	v33 =	vand.u32 $0xFFFFFF00, v33  }
0x58d: {  	v37 =	vmul.f32 $1.875000000e+00, v45;
	[tilespmem:v30+s8+$0x0] =	vst.idx.add.f32.msk $0xffff, v20;
	v30 =	vshll.u32 v47, $0x9;
	v33 =	vor.u32 v14, v33  }
0x58e: {  	v50 =	vld [tilespmem:s22+$0x80D0];
	v35 =	vmin.f32 v35, $1.258292800e+07;
	v30 =	vadd.s32 v31, v30  }
0x58f: {  	v49 =	vld [tilespmem:s22+$0x8050];
	v36 =	vadd.f32 $1.258292000e+07, v48;
	v37 =	vadd.f32 $1.258292000e+07, v37;
	v30 =	vand.u32 $0xFFFFFF80, v30  }
0x590: {  	v35 =	vshll.u32 v35, $0x9;
	v30 =	vor.u32 v14, v30  }
0x591: {  	v35 =	vadd.s32 v29, v35;
	v36 =	vmax.f32 v36, $1.258291200e+07;
	v51 =	vmax.f32 v37, $1.258291200e+07  }
0x592: {  	v35 =	vand.u32 $0xFFFFFF80, v35;
	v36 =	vmin.f32 v36, $1.258292800e+07;
	[tilespmem:v33+s8+$0x0] =	vst.idx.add.f32.msk $0xffff, v20;
	v33 =	vmin.f32 v51, $1.258292800e+07  }
0x593: {  	v53 =	vld [tilespmem:s22+$0x8150];
	v35 =	vor.u32 v6, v35;
	v55 =	vmul.f32 $1.875000000e+00, v50;
	v33 =	vshll.u32 v33, $0x9  }
0x594: {  	v54 =	vmul.f32 $1.875000000e+00, v49;
	v36 =	vshll.u32 v36, $0x9;
	v52 =	vld [tilespmem:s22+$0x81F0];
	v33 =	vadd.s32 v29, v33  }
0x595: {  	[tilespmem:v30+s8+$0x0] =	vst.idx.add.f32.msk $0xffff, v20;
	v30 =	vadd.f32 $1.258292000e+07, v55;
	v29 =	vadd.s32 v29, v36;
	v33 =	vand.u32 $0xFFFFFF80, v33  }
0x596: {  	v29 =	vand.u32 $0xFFFFFF80, v29;
	v33 =	vor.u32 v6, v33  }
0x597: {  	v30 =	vmax.f32 v30, $1.258291200e+07;
	v36 =	vadd.f32 $1.258292000e+07, v54;
	v29 =	vor.u32 v6, v29  }
0x598: {  	[tilespmem:v35+s8+$0x0] =	vst.idx.add.f32.msk $0xffff, v20;
	v30 =	vmin.f32 v30, $1.258292800e+07  }
0x599: {  	v59 =	vld [tilespmem:s21+$0x8430];
	v30 =	vshll.u32 v30, $0x9;
	v36 =	vmax.f32 v36, $1.258291200e+07;
	v37 =	vmul.f32 $1.875000000e+00, v52  }
0x59a: {  	v56 =	vmul.f32 $1.875000000e+00, v53;
	v30 =	vadd.s32 v32, v30;
	v36 =	vmin.f32 v36, $1.258292800e+07  }
0x59b: {  	s26 =	simm.s32 $0x800;
	s25 =	simm.s32 $0x800;
	v30 =	vand.u32 $0xFFFFFF00, v30;
	v36 =	vshll.u32 v36, $0x9;
	v37 =	vadd.f32 $1.258292000e+07, v37;
	[tilespmem:v33+s8+$0x0] =	vst.idx.add.f32.msk $0xffff, v20  }
0x59c: {  	s29 =	sand.u32 $0x3800, s25;
	s0 =	sand.u32 $0x3FFFC000, s26;
	s26 =	simm.s32 $0x400;
	v30 =	vor.u32 v12, v30;
	v36 =	vadd.s32 v32, v36;
	[tilespmem:v29+s8+$0x0] =	vst.idx.add.f32.msk $0xffff, v20  }
0x59d: {  	s30 =	sand.u32 $0x200, s26;
	s0 =	sor.u32 s29, s0;
	v57 =	vadd.f32 $1.258292000e+07, v56;
	v36 =	vand.u32 $0xFFFFFF00, v36;
	v58 =	vmax.f32 v37, $1.258291200e+07;
	v61 =	vld [tilespmem:s21+$0x84B0]  }
0x59e: {  	s23 =	sor.u32 s30, s0;
	v44 =	vor.u32 v12, v36;
	v62 =	vld [tilespmem:s21+$0x8530];
	v37 =	vmul.f32 $1.875000000e+00, v59;
	v35 =	vmin.f32 v58, $1.258292800e+07  }
0x59f: {  	v42 =	vld [tilespmem:s23+$0x8080];
	v38 =	vmax.f32 v57, $1.258291200e+07;
	v33 =	vor.u32 s28, v15;
	v35 =	vshll.u32 v35, $0x9  }
0x5a0: {  	v63 =	vld [tilespmem:s21+$0x85F0];
	v60 =	vmin.f32 v38, $1.258292800e+07;
	v45 =	vadd.f32 $1.258292000e+07, v37;
	v29 =	vadd.s32 v33, v35  }
0x5a1: {  	[tilespmem:v30+s8+$0x0] =	vst.idx.add.f32.msk $0xffff, v20;
	v35 =	vshll.u32 v60, $0x9;
	v29 =	vand.u32 $0xFFFFFF00, v29  }
0x5a2: {  	v55 =	vld [tilespmem:s22+$0x80E0];
	v32 =	vadd.s32 v32, v35;
	v36 =	vmax.f32 v45, $1.258291200e+07;
	v29 =	vor.u32 v16, v29  }
0x5a3: {  	[tilespmem:v44+s8+$0x0] =	vst.idx.add.f32.msk $0xffff, v20;
	v32 =	vand.u32 $0xFFFFFF00, v32;
	v46 =	vmul.f32 $1.875000000e+00, v61;
	v47 =	vmul.f32 $1.875000000e+00, v62  }
0x5a4: {  	s31 =	simm.s32 $0x20;
	v36 =	vmin.f32 v36, $1.258292800e+07;
	v54 =	vld [tilespmem:s22+$0x8060];
	v32 =	vor.u32 v12, v32  }
0x5a5: {  	s24 =	sand.u32 $0xFFFFFF00, s31;
	v62 =	vld [tilespmem:s23+$0x8180];
	v49 =	vshll.u32 v36, $0x9;
	v37 =	vadd.f32 $1.258292000e+07, v46;
	v50 =	vadd.f32 $1.258292000e+07, v47  }
0x5a6: {  	v43 =	vor.u32 s24, v2;
	v30 =	vadd.s32 v26, v49  }
0x5a7: {  	v30 =	vand.u32 $0xFFFFFF80, v30;
	v51 =	vmax.f32 v37, $1.258291200e+07;
	v53 =	vmax.f32 v50, $1.258291200e+07;
	[tilespmem:v29+s8+$0x0] =	vst.idx.add.f32.msk $0xffff, v20  }
0x5a8: {  	v30 =	vor.u32 v8, v30;
	v37 =	vmul.f32 $1.875000000e+00, v55;
	v55 =	vmul.f32 $1.875000000e+00, v42;
	v48 =	vld [tilespmem:s22+$0x8580]  }
0x5a9: {  	v29 =	vmul.f32 $1.875000000e+00, v63;
	v52 =	vmin.f32 v51, $1.258292800e+07;
	v35 =	vmin.f32 v53, $1.258292800e+07  }
0x5aa: {  	v36 =	vmul.f32 $1.875000000e+00, v54;
	v49 =	vmul.f32 $1.875000000e+00, v62;
	[tilespmem:v32+s8+$0x0] =	vst.idx.add.f32.msk $0xffff, v20;
	v32 =	vshll.u32 v52, $0x9  }
0x5ab: {  	v35 =	vshll.u32 v35, $0x9;
	v37 =	vadd.f32 $1.258292000e+07, v37;
	v29 =	vadd.f32 $1.258292000e+07, v29  }
0x5ac: {  	v32 =	vadd.s32 v26, v32;
	v26 =	vadd.s32 v26, v35;
	v36 =	vadd.f32 $1.258292000e+07, v36  }
0x5ad: {  	v38 =	vadd.f32 $1.258292000e+07, v49;
	v32 =	vand.u32 $0xFFFFFF80, v32;
	v56 =	vmul.f32 $1.875000000e+00, v48  }
0x5ae: {  	v26 =	vand.u32 $0xFFFFFF80, v26;
	v37 =	vmax.f32 v37, $1.258291200e+07;
	v29 =	vmax.f32 v29, $1.258291200e+07  }
0x5af: {  	v57 =	vld [tilespmem:s22+$0x8160];
	v32 =	vor.u32 v8, v32;
	v59 =	vor.u32 v8, v26;
	v58 =	vadd.f32 $1.258292000e+07, v56  }
0x5b0: {  	v26 =	vor.u32 s16, v25;
	[tilespmem:v30+s8+$0x0] =	vst.idx.add.f32.msk $0xffff, v20;
	v30 =	vor.u32 s28, v17;
	v36 =	vmax.f32 v36, $1.258291200e+07  }
0x5b1: {  	v37 =	vmin.f32 v37, $1.258292800e+07;
	v38 =	vmax.f32 v38, $1.258291200e+07;
	v35 =	vmax.f32 v58, $1.258291200e+07  }
0x5b2: {  	v29 =	vmin.f32 v29, $1.258292800e+07;
	v36 =	vmin.f32 v36, $1.258292800e+07;
	v35 =	vmin.f32 v35, $1.258292800e+07  }
0x5b3: {  	v37 =	vshll.u32 v37, $0x9;
	v38 =	vmin.f32 v38, $1.258292800e+07;
	v35 =	vshll.u32 v35, $0x9  }
0x5b4: {  	v60 =	vld [tilespmem:s21+$0x8440];
	v29 =	vshll.u32 v29, $0x9;
	v36 =	vshll.u32 v36, $0x9;
	v35 =	vadd.s32 v30, v35  }
0x5b5: {  	v44 =	vld [tilespmem:s23+$0x8100];
	v37 =	vadd.s32 v34, v37;
	v39 =	vmul.f32 $1.875000000e+00, v57;
	v35 =	vand.u32 $0xFFFFFF80, v35  }
0x5b6: {  	v36 =	vadd.s32 v34, v36;
	v46 =	vand.u32 $0xFFFFFF00, v37;
	[tilespmem:v32+s8+$0x0] =	vst.idx.add.f32.msk $0xffff, v20;
	v35 =	vor.u32 v1, v35  }
0x5b7: {  	v36 =	vand.u32 $0xFFFFFF00, v36;
	v32 =	vadd.s32 v26, v29;
	v29 =	vadd.f32 $1.258292000e+07, v39;
	[tilespmem:v59+s8+$0x0] =	vst.idx.add.f32.msk $0xffff, v20  }
0x5b8: {  	v38 =	vshll.u32 v38, $0x9;
	v63 =	vor.u32 v14, v36;
	v36 =	vor.u32 v14, v46;
	v61 =	vld [tilespmem:s21+$0x84C0]  }
0x5b9: {  	v38 =	vadd.s32 v43, v38;
	v41 =	vld [tilespmem:s21+$0x8540];
	v40 =	vmul.f32 $1.875000000e+00, v60;
	v29 =	vmax.f32 v29, $1.258291200e+07  }
0x5ba: {  	v52 =	vld [tilespmem:s23+$0x8000];
	v38 =	vand.u32 $0xFFFFFF00, v38;
	v29 =	vmin.f32 v29, $1.258292800e+07  }
0x5bb: {  	v59 =	vadd.f32 $1.258292000e+07, v55;
	v47 =	vadd.f32 $1.258292000e+07, v40;
	v29 =	vshll.u32 v29, $0x9;
	[tilespmem:v35+s8+$0x0] =	vst.idx.add.f32.msk $0xffff, v20  }
0x5bc: {  	v57 =	vmul.f32 $1.875000000e+00, v44;
	v38 =	vor.u32 v1, v38;
	v29 =	vadd.s32 v34, v29;
	v50 =	vld [tilespmem:s22+$0x8590]  }
0x5bd: {  	v37 =	vmax.f32 v47, $1.258291200e+07;
	[tilespmem:v36+s8+$0x0] =	vst.idx.add.f32.msk $0xffff, v20;
	v34 =	vor.u32 s28, v18;
	v36 =	vmax.f32 v59, $1.258291200e+07  }
0x5be: {  	v29 =	vand.u32 $0xFFFFFF00, v29;
	v48 =	vmul.f32 $1.875000000e+00, v61;
	v51 =	vmul.f32 $1.875000000e+00, v41  }
0x5bf: {  	v37 =	vmin.f32 v37, $1.258292800e+07;
	v41 =	vmul.f32 $1.875000000e+00, v52;
	v36 =	vmin.f32 v36, $1.258292800e+07  }
0x5c0: {  	[tilespmem:v63+s8+$0x0] =	vst.idx.add.f32.msk $0xffff, v20;
	v29 =	vor.u32 v14, v29;
	v37 =	vshll.u32 v37, $0x9;
	v36 =	vshll.u32 v36, $0x9  }
0x5c1: {  	v58 =	vld [tilespmem:s22+$0x8070];
	v40 =	vadd.f32 $1.258292000e+07, v51;
	v37 =	vadd.s32 v28, v37;
	v39 =	vmul.f32 $1.875000000e+00, v50  }
0x5c2: {  	v56 =	vadd.f32 $1.258292000e+07, v41;
	v41 =	vadd.f32 $1.258292000e+07, v57;
	v36 =	vadd.s32 v43, v36  }
0x5c3: {  	v36 =	vand.u32 $0xFFFFFF00, v36;
	v40 =	vmax.f32 v40, $1.258291200e+07;
	v39 =	vadd.f32 $1.258292000e+07, v39  }
0x5c4: {  	v41 =	vmax.f32 v41, $1.258291200e+07;
	v36 =	vor.u32 v1, v36;
	v35 =	vadd.f32 $1.258292000e+07, v48  }
0x5c5: {  	v40 =	vmin.f32 v40, $1.258292800e+07;
	v41 =	vmin.f32 v41, $1.258292800e+07;
	v53 =	vmax.f32 v39, $1.258291200e+07  }
0x5c6: {  	v42 =	vmul.f32 $1.875000000e+00, v58;
	v41 =	vshll.u32 v41, $0x9;
	v39 =	vmin.f32 v53, $1.258292800e+07  }
0x5c7: {  	v54 =	vshll.u32 v40, $0x9;
	[tilespmem:v29+s8+$0x0] =	vst.idx.add.f32.msk $0xffff, v20;
	v41 =	vadd.s32 v43, v41;
	v29 =	vshll.u32 v39, $0x9  }
0x5c8: {  	[tilespmem:v38+s8+$0x0] =	vst.idx.add.f32.msk $0xffff, v20;
	v35 =	vmax.f32 v35, $1.258291200e+07;
	v41 =	vand.u32 $0xFFFFFF00, v41;
	v29 =	vadd.s32 v34, v29  }
0x5c9: {  	v63 =	vld [tilespmem:s22+$0x8170];
	v42 =	vadd.f32 $1.258292000e+07, v42;
	v41 =	vor.u32 v1, v41;
	v29 =	vand.u32 $0xFFFFFF80, v29  }
0x5ca: {  	v62 =	vld [tilespmem:s23+$0x8190];
	v35 =	vmin.f32 v35, $1.258292800e+07;
	v39 =	vmax.f32 v56, $1.258291200e+07;
	v29 =	vor.u32 v4, v29  }
0x5cb: {  	v35 =	vshll.u32 v35, $0x9;
	v42 =	vmax.f32 v42, $1.258291200e+07;
	[tilespmem:v36+s8+$0x0] =	vst.idx.add.f32.msk $0xffff, v20;
	v61 =	vmin.f32 v39, $1.258292800e+07  }
0x5cc: {  	v35 =	vadd.s32 v28, v35;
	v28 =	vadd.s32 v28, v54;
	v54 =	vld [tilespmem:s23+$0x8090];
	v38 =	vshll.u32 v61, $0x9  }
0x5cd: {  	v60 =	vld [tilespmem:s22+$0x80F0];
	v37 =	vand.u32 $0xFFFFFF80, v37;
	v42 =	vmin.f32 v42, $1.258292800e+07;
	v38 =	vadd.s32 v43, v38  }
0x5ce: {  	v42 =	vshll.u32 v42, $0x9;
	v50 =	vmul.f32 $1.875000000e+00, v63;
	[tilespmem:v41+s8+$0x0] =	vst.idx.add.f32.msk $0xffff, v20;
	v38 =	vand.u32 $0xFFFFFF00, v38  }
0x5cf: {  	v42 =	vadd.s32 v33, v42;
	v39 =	vmul.f32 $1.875000000e+00, v62;
	[tilespmem:v29+s8+$0x0] =	vst.idx.add.f32.msk $0xffff, v20;
	v29 =	vor.u32 v1, v38  }
0x5d0: {  	v37 =	vor.u32 v10, v37;
	v42 =	vand.u32 $0xFFFFFF00, v42;
	v49 =	vld [tilespmem:s22+$0x85A0]  }
0x5d1: {  	v57 =	vld [tilespmem:s23+$0x8110];
	v44 =	vmul.f32 $1.875000000e+00, v54;
	v39 =	vadd.f32 $1.258292000e+07, v39;
	v43 =	vadd.f32 $1.258292000e+07, v50  }
0x5d2: {  	v48 =	vmul.f32 $1.875000000e+00, v60;
	v36 =	vor.u32 s24, v3;
	v42 =	vor.u32 v16, v42  }
0x5d3: {  	v60 =	vadd.f32 $1.258292000e+07, v44;
	v39 =	vmax.f32 v39, $1.258291200e+07;
	v52 =	vmax.f32 v43, $1.258291200e+07  }
0x5d4: {  	v40 =	vmin.f32 v52, $1.258292800e+07;
	v38 =	vadd.f32 $1.258292000e+07, v48;
	[tilespmem:v29+s8+$0x0] =	vst.idx.add.f32.msk $0xffff, v20;
	v29 =	vmin.f32 v39, $1.258292800e+07  }
0x5d5: {  	v56 =	vshll.u32 v40, $0x9;
	v51 =	vmul.f32 $1.875000000e+00, v49;
	v29 =	vshll.u32 v29, $0x9;
	v53 =	vld [tilespmem:s23+$0x8010]  }
0x5d6: {  	v40 =	vmul.f32 $1.875000000e+00, v57;
	v38 =	vmax.f32 v38, $1.258291200e+07;
	v29 =	vadd.s32 v36, v29  }
0x5d7: {  	v38 =	vmin.f32 v38, $1.258292800e+07;
	v39 =	vadd.f32 $1.258292000e+07, v51;
	v29 =	vand.u32 $0xFFFFFF00, v29  }
0x5d8: {  	v40 =	vadd.f32 $1.258292000e+07, v40;
	v38 =	vshll.u32 v38, $0x9;
	v55 =	vor.u32 v4, v29  }
0x5d9: {  	v38 =	vadd.s32 v33, v38;
	v33 =	vadd.s32 v33, v56;
	v29 =	vmax.f32 v39, $1.258291200e+07  }
0x5da: {  	v38 =	vand.u32 $0xFFFFFF00, v38;
	v45 =	vmin.f32 v29, $1.258292800e+07;
	v43 =	vmul.f32 $1.875000000e+00, v53  }
0x5db: {  	[tilespmem:v42+s8+$0x0] =	vst.idx.add.f32.msk $0xffff, v20;
	v33 =	vand.u32 $0xFFFFFF00, v33;
	v29 =	vor.u32 s28, v19;
	v45 =	vshll.u32 v45, $0x9  }
0x5dc: {  	v38 =	vor.u32 v16, v38;
	v51 =	vld [tilespmem:s22+$0x8400];
	v45 =	vadd.s32 v29, v45;
	v58 =	vadd.f32 $1.258292000e+07, v43  }
0x5dd: {  	v33 =	vor.u32 v16, v33;
	v43 =	vmax.f32 v60, $1.258291200e+07;
	v45 =	vand.u32 $0xFFFFFF80, v45;
	[tilespmem:v55+s8+$0x0] =	vst.idx.add.f32.msk $0xffff, v20  }
0x5de: {  	v59 =	vor.u32 v6, v45;
	v61 =	vld [tilespmem:s23+$0x81A0];
	v62 =	vmax.f32 v58, $1.258291200e+07;
	v45 =	vmin.f32 v43, $1.258292800e+07  }
0x5df: {  	[tilespmem:v37+s8+$0x0] =	vst.idx.add.f32.msk $0xffff, v20;
	v40 =	vmax.f32 v40, $1.258291200e+07;
	v37 =	vmin.f32 v62, $1.258292800e+07;
	v42 =	vshll.u32 v45, $0x9  }
0x5e0: {  	v63 =	vld [tilespmem:s21+$0x8450];
	v49 =	vmin.f32 v40, $1.258292800e+07;
	v37 =	vshll.u32 v37, $0x9;
	v46 =	vadd.s32 v36, v42  }
0x5e1: {  	[tilespmem:v38+s8+$0x0] =	vst.idx.add.f32.msk $0xffff, v20;
	v38 =	vshll.u32 v49, $0x9;
	v37 =	vadd.s32 v36, v37;
	v50 =	vand.u32 $0xFFFFFF00, v46  }
0x5e2: {  	[tilespmem:v33+s8+$0x0] =	vst.idx.add.f32.msk $0xffff, v20;
	v41 =	vmul.f32 $1.875000000e+00, v51;
	v37 =	vand.u32 $0xFFFFFF00, v37;
	v40 =	vor.u32 v4, v50  }
0x5e3: {  	v52 =	vld [tilespmem:s22+$0x8480];
	v36 =	vadd.s32 v36, v38;
	v47 =	vmul.f32 $1.875000000e+00, v61;
	v37 =	vor.u32 v4, v37  }
0x5e4: {  	v35 =	vand.u32 $0xFFFFFF80, v35;
	v55 =	vld [tilespmem:s22+$0x8500];
	v53 =	vand.u32 $0xFFFFFF00, v36  }
0x5e5: {  	v41 =	vadd.f32 $1.258292000e+07, v41;
	[tilespmem:v59+s8+$0x0] =	vst.idx.add.f32.msk $0xffff, v20;
	v33 =	vor.u32 v4, v53;
	v42 =	vadd.f32 $1.258292000e+07, v47  }
0x5e6: {  	v28 =	vand.u32 $0xFFFFFF80, v28;
	v35 =	vor.u32 v10, v35;
	v48 =	vld [tilespmem:s22+$0x85B0]  }
0x5e7: {  	v28 =	vor.u32 v10, v28;
	v41 =	vmax.f32 v41, $1.258291200e+07;
	v54 =	vmax.f32 v42, $1.258291200e+07;
	[tilespmem:v40+s8+$0x0] =	vst.idx.add.f32.msk $0xffff, v20  }
0x5e8: {  	v57 =	vor.u32 s24, v5;
	v41 =	vmin.f32 v41, $1.258292800e+07;
	v36 =	vmin.f32 v54, $1.258292800e+07;
	[tilespmem:v37+s8+$0x0] =	vst.idx.add.f32.msk $0xffff, v20  }
0x5e9: {  	v38 =	vmul.f32 $1.875000000e+00, v55;
	v41 =	vshll.u32 v41, $0x9;
	v61 =	vld [tilespmem:s23+$0x80A0];
	v36 =	vshll.u32 v36, $0x9  }
0x5ea: {  	v39 =	vmul.f32 $1.875000000e+00, v63;
	v41 =	vadd.s32 v30, v41;
	[tilespmem:v33+s8+$0x0] =	vst.idx.add.f32.msk $0xffff, v20;
	v36 =	vadd.s32 v57, v36  }
0x5eb: {  	v38 =	vadd.f32 $1.258292000e+07, v38;
	v56 =	vmul.f32 $1.875000000e+00, v48;
	v60 =	vld [tilespmem:s23+$0x8020];
	v36 =	vand.u32 $0xFFFFFF00, v36  }
0x5ec: {  	v59 =	vmul.f32 $1.875000000e+00, v52;
	v41 =	vand.u32 $0xFFFFFF80, v41;
	v62 =	vld [tilespmem:s23+$0x8120];
	v36 =	vor.u32 v6, v36  }
0x5ed: {  	v41 =	vor.u32 v1, v41;
	v38 =	vmax.f32 v38, $1.258291200e+07;
	v58 =	vadd.f32 $1.258292000e+07, v56  }
0x5ee: {  	v42 =	vadd.f32 $1.258292000e+07, v59;
	v38 =	vmin.f32 v38, $1.258292800e+07;
	v33 =	vor.u32 s28, v21  }
0x5ef: {  	v38 =	vshll.u32 v38, $0x9;
	v40 =	vmax.f32 v58, $1.258291200e+07;
	v44 =	vmul.f32 $1.875000000e+00, v61  }
0x5f0: {  	v42 =	vmax.f32 v42, $1.258291200e+07;
	v40 =	vmin.f32 v40, $1.258292800e+07;
	v43 =	vmul.f32 $1.875000000e+00, v60  }
0x5f1: {  	v45 =	vmul.f32 $1.875000000e+00, v62;
	v40 =	vshll.u32 v40, $0x9;
	v44 =	vadd.f32 $1.258292000e+07, v44;
	[tilespmem:v36+s8+$0x0] =	vst.idx.add.f32.msk $0xffff, v20  }
0x5f2: {  	v48 =	vmin.f32 v42, $1.258292800e+07;
	v40 =	vadd.s32 v33, v40;
	v49 =	vadd.f32 $1.258292000e+07, v43;
	v50 =	vld [tilespmem:s23+$0x81B0]  }
0x5f3: {  	v45 =	vadd.f32 $1.258292000e+07, v45;
	v40 =	vand.u32 $0xFFFFFF80, v40;
	v44 =	vmax.f32 v44, $1.258291200e+07  }
0x5f4: {  	v63 =	vor.u32 v8, v40;
	v40 =	vshll.u32 v48, $0x9;
	v42 =	vmax.f32 v49, $1.258291200e+07  }
0x5f5: {  	v44 =	vmin.f32 v44, $1.258292800e+07;
	v51 =	vmax.f32 v45, $1.258291200e+07;
	v45 =	vor.u32 s24, v7  }
0x5f6: {  	[tilespmem:v35+s8+$0x0] =	vst.idx.add.f32.msk $0xffff, v20;
	v42 =	vmin.f32 v42, $1.258292800e+07;
	v44 =	vshll.u32 v44, $0x9;
	v36 =	vmin.f32 v51, $1.258292800e+07  }
0x5f7: {  	[tilespmem:v28+s8+$0x0] =	vst.idx.add.f32.msk $0xffff, v20;
	v40 =	vadd.s32 v30, v40;
	v30 =	vadd.s32 v30, v38;
	v43 =	vmul.f32 $1.875000000e+00, v50  }
0x5f8: {  	v58 =	vld [tilespmem:s21+$0x84D0];
	v42 =	vshll.u32 v42, $0x9;
	v44 =	vadd.s32 v57, v44;
	v36 =	vshll.u32 v36, $0x9  }
0x5f9: {  	v60 =	vld [tilespmem:s21+$0x8550];
	v38 =	vand.u32 $0xFFFFFF80, v30;
	v42 =	vadd.s32 v57, v42;
	v43 =	vadd.f32 $1.258292000e+07, v43  }
0x5fa: {  	v53 =	vadd.s32 v57, v36;
	v55 =	vand.u32 $0xFFFFFF00, v44;
	v38 =	vor.u32 v1, v38  }
0x5fb: {  	v42 =	vand.u32 $0xFFFFFF00, v42;
	v56 =	vor.u32 v6, v55;
	v57 =	vmax.f32 v43, $1.258291200e+07  }
0x5fc: {  	v28 =	vand.u32 $0xFFFFFF00, v53;
	[tilespmem:v63+s8+$0x0] =	vst.idx.add.f32.msk $0xffff, v20;
	v54 =	vor.u32 v6, v42;
	v37 =	vmin.f32 v57, $1.258292800e+07  }
0x5fd: {  	v47 =	vmul.f32 $1.875000000e+00, v58;
	v28 =	vor.u32 v6, v28;
	v52 =	vld [tilespmem:s22+$0x85C0];
	v37 =	vshll.u32 v37, $0x9  }
0x5fe: {  	v39 =	vadd.f32 $1.258292000e+07, v39;
	[tilespmem:v41+s8+$0x0] =	vst.idx.add.f32.msk $0xffff, v20;
	v48 =	vmul.f32 $1.875000000e+00, v60;
	v37 =	vadd.s32 v45, v37  }
0x5ff: {  	v62 =	vand.u32 $0xFFFFFF80, v40;
	v40 =	vadd.f32 $1.258292000e+07, v47;
	[tilespmem:v38+s8+$0x0] =	vst.idx.add.f32.msk $0xffff, v20;
	v61 =	vand.u32 $0xFFFFFF00, v37  }
0x600: {  	v36 =	vadd.f32 $1.258292000e+07, v48;
	[tilespmem:v56+s8+$0x0] =	vst.idx.add.f32.msk $0xffff, v20;
	v63 =	vor.u32 v8, v61  }
0x601: {  	v39 =	vmax.f32 v39, $1.258291200e+07;
	v30 =	vor.u32 s28, v22;
	v40 =	vmax.f32 v40, $1.258291200e+07;
	[tilespmem:v54+s8+$0x0] =	vst.idx.add.f32.msk $0xffff, v20  }
0x602: {  	v36 =	vmax.f32 v36, $1.258291200e+07;
	v53 =	vmin.f32 v40, $1.258292800e+07;
	[tilespmem:v28+s8+$0x0] =	vst.idx.add.f32.msk $0xffff, v20;
	v59 =	vmul.f32 $1.875000000e+00, v52  }
0x603: {  	v36 =	vmin.f32 v36, $1.258292800e+07;
	v50 =	vld [tilespmem:s23+$0x80B0];
	v52 =	vmin.f32 v39, $1.258292800e+07;
	v39 =	vshll.u32 v53, $0x9  }
0x604: {  	v51 =	vld [tilespmem:s23+$0x8130];
	v35 =	vshll.u32 v52, $0x9;
	v39 =	vadd.s32 v27, v39;
	v43 =	vadd.f32 $1.258292000e+07, v59  }
0x605: {  	v36 =	vshll.u32 v36, $0x9;
	v37 =	vor.u32 v1, v62;
	v35 =	vadd.s32 v27, v35;
	[tilespmem:v63+s8+$0x0] =	vst.idx.add.f32.msk $0xffff, v20  }
0x606: {  	v27 =	vadd.s32 v27, v36;
	v35 =	vand.u32 $0xFFFFFF80, v35;
	v46 =	vmax.f32 v43, $1.258291200e+07;
	v54 =	vld [tilespmem:s23+$0x81C0]  }
0x607: {  	v48 =	vld [tilespmem:s22+$0x8510];
	v27 =	vand.u32 $0xFFFFFF80, v27;
	v35 =	vor.u32 v12, v35;
	v28 =	vmin.f32 v46, $1.258292800e+07  }
0x608: {  	v49 =	vld [tilespmem:s23+$0x8030];
	v56 =	vmul.f32 $1.875000000e+00, v50;
	v27 =	vor.u32 v12, v27;
	v28 =	vshll.u32 v28, $0x9  }
0x609: {  	v39 =	vand.u32 $0xFFFFFF80, v39;
	v61 =	vld [tilespmem:s22+$0x8410];
	v57 =	vmul.f32 $1.875000000e+00, v51;
	v28 =	vadd.s32 v30, v28  }
0x60a: {  	v39 =	vor.u32 v12, v39;
	v42 =	vadd.f32 $1.258292000e+07, v56;
	[tilespmem:v37+s8+$0x0] =	vst.idx.add.f32.msk $0xffff, v20;
	v28 =	vand.u32 $0xFFFFFF80, v28  }
0x60b: {  	v36 =	vadd.f32 $1.258292000e+07, v57;
	v63 =	vld [tilespmem:s22+$0x8490];
	v28 =	vor.u32 v10, v28;
	v40 =	vmul.f32 $1.875000000e+00, v54  }
0x60c: {  	v44 =	vmul.f32 $1.875000000e+00, v48;
	v43 =	vor.u32 s24, v9;
	v59 =	vmax.f32 v42, $1.258291200e+07;
	[tilespmem:v35+s8+$0x0] =	vst.idx.add.f32.msk $0xffff, v20  }
0x60d: {  	v37 =	vmin.f32 v59, $1.258292800e+07;
	v36 =	vmax.f32 v36, $1.258291200e+07;
	[tilespmem:v27+s8+$0x0] =	vst.idx.add.f32.msk $0xffff, v20;
	v40 =	vadd.f32 $1.258292000e+07, v40  }
0x60e: {  	v55 =	vmul.f32 $1.875000000e+00, v49;
	v37 =	vshll.u32 v37, $0x9;
	v36 =	vmin.f32 v36, $1.258292800e+07;
	v51 =	vld [tilespmem:s21+$0x8460]  }
0x60f: {  	v46 =	vld [tilespmem:s21+$0x8560];
	v36 =	vshll.u32 v36, $0x9;
	v37 =	vadd.s32 v45, v37;
	v60 =	vmax.f32 v40, $1.258291200e+07  }
0x610: {  	v37 =	vand.u32 $0xFFFFFF00, v37;
	v36 =	vadd.s32 v45, v36;
	[tilespmem:v28+s8+$0x0] =	vst.idx.add.f32.msk $0xffff, v20;
	v38 =	vmin.f32 v60, $1.258292800e+07  }
0x611: {  	v37 =	vor.u32 v8, v37;
	v42 =	vmul.f32 $1.875000000e+00, v63;
	v58 =	vld [tilespmem:s22+$0x85D0];
	v38 =	vshll.u32 v38, $0x9  }
0x612: {  	[tilespmem:v39+s8+$0x0] =	vst.idx.add.f32.msk $0xffff, v20;
	v36 =	vand.u32 $0xFFFFFF00, v36;
	v28 =	vadd.f32 $1.258292000e+07, v55;
	v38 =	vadd.s32 v43, v38  }
0x613: {  	v52 =	vld [tilespmem:s21+$0x84E0];
	v55 =	vadd.f32 $1.258292000e+07, v44;
	v36 =	vor.u32 v8, v36;
	v49 =	vand.u32 $0xFFFFFF00, v38  }
0x614: {  	v54 =	vadd.f32 $1.258292000e+07, v42;
	v28 =	vmax.f32 v28, $1.258291200e+07;
	v35 =	vor.u32 v10, v49  }
0x615: {  	v39 =	vmul.f32 $1.875000000e+00, v51;
	v51 =	vmul.f32 $1.875000000e+00, v46;
	v28 =	vmin.f32 v28, $1.258292800e+07  }
0x616: {  	v57 =	vmax.f32 v55, $1.258291200e+07;
	v28 =	vshll.u32 v28, $0x9;
	v62 =	vmul.f32 $1.875000000e+00, v58  }
0x617: {  	v39 =	vadd.f32 $1.258292000e+07, v39;
	v40 =	vmul.f32 $1.875000000e+00, v61;
	v28 =	vadd.s32 v45, v28  }
0x618: {  	v61 =	vmul.f32 $1.875000000e+00, v52;
	v27 =	vand.u32 $0xFFFFFF00, v28;
	v41 =	vadd.f32 $1.258292000e+07, v62  }
0x619: {  	v45 =	vor.u32 s24, v11;
	v39 =	vmax.f32 v39, $1.258291200e+07;
	v27 =	vor.u32 v8, v27;
	[tilespmem:v35+s8+$0x0] =	vst.idx.add.f32.msk $0xffff, v20  }
0x61a: {  	v28 =	vor.u32 s28, v23;
	v40 =	vadd.f32 $1.258292000e+07, v40;
	v50 =	vmax.f32 v41, $1.258291200e+07;
	v56 =	vld [tilespmem:s23+$0x81D0]  }
0x61b: {  	v58 =	vmin.f32 v57, $1.258292800e+07;
	v39 =	vmin.f32 v39, $1.258292800e+07;
	v38 =	vmin.f32 v50, $1.258292800e+07  }
0x61c: {  	[tilespmem:v37+s8+$0x0] =	vst.idx.add.f32.msk $0xffff, v20;
	v37 =	vshll.u32 v58, $0x9;
	v40 =	vmax.f32 v40, $1.258291200e+07;
	v38 =	vshll.u32 v38, $0x9  }
0x61d: {  	v39 =	vshll.u32 v39, $0x9;
	v40 =	vmin.f32 v40, $1.258292800e+07;
	v49 =	vld [tilespmem:s23+$0x80C0];
	v38 =	vadd.s32 v28, v38  }
0x61e: {  	v59 =	vshll.u32 v40, $0x9;
	[tilespmem:v27+s8+$0x0] =	vst.idx.add.f32.msk $0xffff, v20;
	v27 =	vmax.f32 v54, $1.258291200e+07;
	v38 =	vand.u32 $0xFFFFFF80, v38  }
0x61f: {  	v27 =	vmin.f32 v27, $1.258292800e+07;
	v53 =	vor.u32 v12, v38;
	v62 =	vmul.f32 $1.875000000e+00, v56  }
0x620: {  	v39 =	vadd.s32 v31, v39;
	v60 =	vld [tilespmem:s23+$0x8040];
	v27 =	vshll.u32 v27, $0x9;
	v38 =	vadd.s32 v34, v59  }
0x621: {  	v27 =	vadd.s32 v34, v27;
	v34 =	vadd.s32 v34, v37;
	v50 =	vadd.f32 $1.258292000e+07, v62  }
0x622: {  	[tilespmem:v36+s8+$0x0] =	vst.idx.add.f32.msk $0xffff, v20;
	v37 =	vmul.f32 $1.875000000e+00, v49;
	v48 =	vand.u32 $0xFFFFFF80, v38;
	v27 =	vand.u32 $0xFFFFFF80, v27  }
0x623: {  	v52 =	vld [tilespmem:s23+$0x8140];
	v34 =	vand.u32 $0xFFFFFF80, v34;
	v36 =	vor.u32 v4, v48;
	v38 =	vmax.f32 v50, $1.258291200e+07  }
0x624: {  	v27 =	vor.u32 v4, v27;
	v34 =	vor.u32 v4, v34;
	[tilespmem:v53+s8+$0x0] =	vst.idx.add.f32.msk $0xffff, v20;
	v38 =	vmin.f32 v38, $1.258292800e+07  }
0x625: {  	v37 =	vadd.f32 $1.258292000e+07, v37;
	v40 =	vmul.f32 $1.875000000e+00, v60;
	v63 =	vld [tilespmem:s22+$0x85E0];
	v38 =	vshll.u32 v38, $0x9  }
0x626: {  	v39 =	vand.u32 $0xFFFFFF80, v39;
	v41 =	vadd.f32 $1.258292000e+07, v51;
	v38 =	vadd.s32 v45, v38  }
0x627: {  	v37 =	vmax.f32 v37, $1.258291200e+07;
	v40 =	vadd.f32 $1.258292000e+07, v40;
	v38 =	vand.u32 $0xFFFFFF00, v38  }
0x628: {  	v53 =	vmul.f32 $1.875000000e+00, v52;
	v37 =	vmin.f32 v37, $1.258292800e+07;
	[tilespmem:v36+s8+$0x0] =	vst.idx.add.f32.msk $0xffff, v20;
	v38 =	vor.u32 v12, v38  }
0x629: {  	v39 =	vor.u32 v14, v39;
	v41 =	vmax.f32 v41, $1.258291200e+07;
	v37 =	vshll.u32 v37, $0x9;
	[tilespmem:v27+s8+$0x0] =	vst.idx.add.f32.msk $0xffff, v20  }
0x62a: {  	v40 =	vmax.f32 v40, $1.258291200e+07;
	[tilespmem:v34+s8+$0x0] =	vst.idx.add.f32.msk $0xffff, v20;
	v36 =	vadd.f32 $1.258292000e+07, v53;
	v42 =	vmul.f32 $1.875000000e+00, v63  }
0x62b: {  	v41 =	vmin.f32 v41, $1.258292800e+07;
	v37 =	vadd.s32 v43, v37;
	v54 =	vmin.f32 v40, $1.258292800e+07;
	v57 =	vld [tilespmem:s22+$0x84A0]  }
0x62c: {  	v58 =	vld [tilespmem:s22+$0x8520];
	v37 =	vand.u32 $0xFFFFFF00, v37;
	v36 =	vmax.f32 v36, $1.258291200e+07;
	v42 =	vadd.f32 $1.258292000e+07, v42  }
0x62d: {  	v34 =	vshll.u32 v54, $0x9;
	v37 =	vor.u32 v10, v37;
	v36 =	vmin.f32 v36, $1.258292800e+07;
	[tilespmem:v38+s8+$0x0] =	vst.idx.add.f32.msk $0xffff, v20  }
0x62e: {  	v34 =	vadd.s32 v43, v34;
	v36 =	vshll.u32 v36, $0x9;
	v27 =	vmax.f32 v42, $1.258291200e+07;
	v60 =	vld [tilespmem:s23+$0x81E0]  }
0x62f: {  	v56 =	vld [tilespmem:s22+$0x8420];
	v34 =	vand.u32 $0xFFFFFF00, v34;
	v36 =	vadd.s32 v43, v36;
	v55 =	vmin.f32 v27, $1.258292800e+07  }
0x630: {  	v34 =	vor.u32 v10, v34;
	v27 =	vor.u32 s28, v24;
	v40 =	vshll.u32 v55, $0x9  }
0x631: {  	v35 =	vadd.f32 $1.258292000e+07, v61;
	v36 =	vand.u32 $0xFFFFFF00, v36;
	v40 =	vadd.s32 v27, v40  }
0x632: {  	v61 =	vmul.f32 $1.875000000e+00, v57;
	v36 =	vor.u32 v10, v36;
	v40 =	vand.u32 $0xFFFFFF80, v40  }
0x633: {  	v62 =	vmul.f32 $1.875000000e+00, v58;
	[tilespmem:v37+s8+$0x0] =	vst.idx.add.f32.msk $0xffff, v20;
	v59 =	vor.u32 v14, v40;
	v63 =	vmul.f32 $1.875000000e+00, v60  }
0x634: {  	v35 =	vmax.f32 v35, $1.258291200e+07;
	v42 =	vmul.f32 $1.875000000e+00, v56;
	v49 =	vadd.f32 $1.258292000e+07, v61;
	v58 =	vld [tilespmem:s23+$0x80D0]  }
0x635: {  	v35 =	vmin.f32 v35, $1.258292800e+07;
	v44 =	vadd.f32 $1.258292000e+07, v62;
	[tilespmem:v34+s8+$0x0] =	vst.idx.add.f32.msk $0xffff, v20;
	v51 =	vadd.f32 $1.258292000e+07, v63  }
0x636: {  	v41 =	vshll.u32 v41, $0x9;
	v35 =	vshll.u32 v35, $0x9;
	v48 =	vadd.f32 $1.258292000e+07, v42;
	v57 =	vld [tilespmem:s23+$0x8050]  }
0x637: {  	v53 =	vmax.f32 v49, $1.258291200e+07;
	v56 =	vmax.f32 v44, $1.258291200e+07;
	[tilespmem:v36+s8+$0x0] =	vst.idx.add.f32.msk $0xffff, v20;
	v34 =	vmax.f32 v51, $1.258291200e+07  }
0x638: {  	v52 =	vmax.f32 v48, $1.258291200e+07;
	v36 =	vmin.f32 v56, $1.258292800e+07;
	[tilespmem:v59+s8+$0x0] =	vst.idx.add.f32.msk $0xffff, v20;
	v34 =	vmin.f32 v34, $1.258292800e+07  }
0x639: {  	v59 =	vshll.u32 v36, $0x9;
	v36 =	vor.u32 s24, v13;
	v50 =	vld [tilespmem:s22+$0x85F0];
	v34 =	vshll.u32 v34, $0x9  }
0x63a: {  	v55 =	vmin.f32 v53, $1.258292800e+07;
	v54 =	vmin.f32 v52, $1.258292800e+07;
	v34 =	vadd.s32 v36, v34  }
0x63b: {  	v38 =	vshll.u32 v55, $0x9;
	v37 =	vshll.u32 v54, $0x9;
	v60 =	vld [tilespmem:s23+$0x8150];
	v34 =	vand.u32 $0xFFFFFF00, v34  }
0x63c: {  	v38 =	vadd.s32 v29, v38;
	v37 =	vadd.s32 v29, v37;
	v34 =	vor.u32 v14, v34  }
0x63d: {  	v42 =	vmul.f32 $1.875000000e+00, v58;
	v37 =	vand.u32 $0xFFFFFF80, v37;
	v40 =	vmul.f32 $1.875000000e+00, v57  }
0x63e: {  	v37 =	vor.u32 v6, v37;
	v29 =	vadd.s32 v29, v59;
	v43 =	vmul.f32 $1.875000000e+00, v50  }
0x63f: {  	v42 =	vadd.f32 $1.258292000e+07, v42;
	v40 =	vadd.f32 $1.258292000e+07, v40;
	v44 =	vand.u32 $0xFFFFFF80, v29  }
0x640: {  	v44 =	vor.u32 v6, v44;
	v61 =	vmul.f32 $1.875000000e+00, v60;
	v43 =	vadd.f32 $1.258292000e+07, v43  }
0x641: {  	v38 =	vand.u32 $0xFFFFFF80, v38;
	v47 =	vmax.f32 v42, $1.258291200e+07;
	v63 =	vmax.f32 v40, $1.258291200e+07;
	[tilespmem:v34+s8+$0x0] =	vst.idx.add.f32.msk $0xffff, v20  }
0x642: {  	v40 =	vmin.f32 v47, $1.258292800e+07;
	v29 =	vmax.f32 v43, $1.258291200e+07;
	v43 =	vadd.f32 $1.258292000e+07, v61;
	v49 =	vld [tilespmem:s23+$0x81F0]  }
0x643: {  	v35 =	vadd.s32 v31, v35;
	v38 =	vor.u32 v6, v38;
	[tilespmem:v37+s8+$0x0] =	vst.idx.add.f32.msk $0xffff, v20;
	v50 =	vshll.u32 v40, $0x9  }
0x644: {  	v52 =	vld [tilespmem:s22+$0x8430];
	v37 =	vadd.s32 v45, v50;
	v48 =	vmax.f32 v43, $1.258291200e+07;
	v34 =	vmin.f32 v63, $1.258292800e+07  }
0x645: {  	v37 =	vand.u32 $0xFFFFFF00, v37;
	[tilespmem:v44+s8+$0x0] =	vst.idx.add.f32.msk $0xffff, v20;
	v42 =	vmin.f32 v48, $1.258292800e+07;
	v34 =	vshll.u32 v34, $0x9  }
0x646: {  	v37 =	vor.u32 v12, v37;
	v44 =	vld [tilespmem:s22+$0x8530];
	v51 =	vshll.u32 v42, $0x9;
	v34 =	vadd.s32 v45, v34  }
0x647: {  	v40 =	vadd.s32 v45, v51;
	v34 =	vand.u32 $0xFFFFFF00, v34;
	v54 =	vmul.f32 $1.875000000e+00, v49  }
0x648: {  	v31 =	vadd.s32 v31, v41;
	[tilespmem:v38+s8+$0x0] =	vst.idx.add.f32.msk $0xffff, v20;
	v53 =	vand.u32 $0xFFFFFF00, v40;
	v34 =	vor.u32 v12, v34  }
0x649: {  	v35 =	vand.u32 $0xFFFFFF80, v35;
	v55 =	vld [tilespmem:s22+$0x84B0];
	v38 =	vor.u32 v12, v53;
	v40 =	vadd.f32 $1.258292000e+07, v54  }
0x64a: {  	v35 =	vor.u32 v14, v35;
	v62 =	vmin.f32 v29, $1.258292800e+07;
	v42 =	vmul.f32 $1.875000000e+00, v52  }
0x64b: {  	v29 =	vor.u32 s28, v25;
	[tilespmem:v37+s8+$0x0] =	vst.idx.add.f32.msk $0xffff, v20;
	v60 =	vmul.f32 $1.875000000e+00, v44;
	v40 =	vmax.f32 v40, $1.258291200e+07  }
0x64c: {  	v46 =	vshll.u32 v62, $0x9;
	v62 =	vld [tilespmem:s23+$0x80E0];
	v56 =	vadd.f32 $1.258292000e+07, v42;
	v40 =	vmin.f32 v40, $1.258292800e+07  }
0x64d: {  	v41 =	vadd.f32 $1.258292000e+07, v60;
	[tilespmem:v34+s8+$0x0] =	vst.idx.add.f32.msk $0xffff, v20;
	v34 =	vor.u32 s24, v15;
	v57 =	vshll.u32 v40, $0x9  }
0x64e: {  	v58 =	vmul.f32 $1.875000000e+00, v55;
	v45 =	vadd.s32 v29, v46;
	[tilespmem:v38+s8+$0x0] =	vst.idx.add.f32.msk $0xffff, v20;
	v37 =	vadd.s32 v34, v57  }
0x64f: {  	v59 =	vmax.f32 v56, $1.258291200e+07;
	v49 =	vmax.f32 v41, $1.258291200e+07;
	v63 =	vld [tilespmem:s23+$0x8160];
	v37 =	vand.u32 $0xFFFFFF00, v37  }
0x650: {  	v38 =	vmin.f32 v59, $1.258292800e+07;
	v61 =	vld [tilespmem:s23+$0x8060];
	v40 =	vadd.f32 $1.258292000e+07, v58;
	v37 =	vor.u32 v16, v37  }
0x651: {  	v53 =	vmul.f32 $1.875000000e+00, v62;
	v50 =	vmin.f32 v49, $1.258292800e+07;
	v38 =	vshll.u32 v38, $0x9  }
0x652: {  	[tilespmem:v39+s8+$0x0] =	vst.idx.add.f32.msk $0xffff, v20;
	v39 =	vshll.u32 v50, $0x9;
	v38 =	vadd.s32 v33, v38;
	v40 =	vmax.f32 v40, $1.258291200e+07  }
0x653: {  	[tilespmem:v32+s8+$0x0] =	vst.idx.add.f32.msk $0xffff, v20;
	v42 =	vadd.f32 $1.258292000e+07, v53;
	v47 =	vand.u32 $0xFFFFFF80, v38;
	v48 =	vmin.f32 v40, $1.258292800e+07  }
0x654: {  	v51 =	vld [tilespmem:s21+$0x8470];
	v32 =	vor.u32 v8, v47;
	v56 =	vmul.f32 $1.875000000e+00, v63;
	v38 =	vshll.u32 v48, $0x9  }
0x655: {  	v52 =	vmul.f32 $1.875000000e+00, v61;
	v38 =	vadd.s32 v33, v38;
	v33 =	vadd.s32 v33, v39;
	[tilespmem:v37+s8+$0x0] =	vst.idx.add.f32.msk $0xffff, v20  }
0x656: {  	v62 =	vmax.f32 v42, $1.258291200e+07;
	v60 =	vadd.f32 $1.258292000e+07, v56;
	v33 =	vand.u32 $0xFFFFFF80, v33;
	v57 =	vld [tilespmem:s23+$0x8580]  }
0x657: {  	[tilespmem:v35+s8+$0x0] =	vst.idx.add.f32.msk $0xffff, v20;
	v55 =	vadd.f32 $1.258292000e+07, v52;
	v54 =	vand.u32 $0xFFFFFF80, v38;
	v58 =	vor.u32 v8, v33  }
0x658: {  	v31 =	vand.u32 $0xFFFFFF80, v31;
	[tilespmem:v45+s8+$0x0] =	vst.idx.add.f32.msk $0xffff, v20;
	v39 =	vmin.f32 v62, $1.258292800e+07;
	v37 =	vor.u32 v8, v54  }
0x659: {  	[tilespmem:v32+s8+$0x0] =	vst.idx.add.f32.msk $0xffff, v20;
	v38 =	vmax.f32 v60, $1.258291200e+07;
	v39 =	vshll.u32 v39, $0x9;
	v59 =	vmax.f32 v55, $1.258291200e+07  }
0x65a: {  	v32 =	vld [tilespmem:s21+$0x84F0];
	v33 =	vor.u32 v14, v31;
	v31 =	vmul.f32 $1.875000000e+00, v51;
	v61 =	vmin.f32 v59, $1.258292800e+07  }
0x65b: {  	v35 =	vld [tilespmem:s22+$0x8440];
	v38 =	vmin.f32 v38, $1.258292800e+07;
	v63 =	vshll.u32 v61, $0x9;
	v41 =	vmul.f32 $1.875000000e+00, v57  }
0x65c: {  	v39 =	vadd.s32 v36, v39;
	v38 =	vshll.u32 v38, $0x9;
	v40 =	vadd.s32 v36, v63;
	[tilespmem:v58+s8+$0x0] =	vst.idx.add.f32.msk $0xffff, v20  }
0x65d: {  	v36 =	vadd.s32 v36, v38;
	v40 =	vand.u32 $0xFFFFFF00, v40;
	[tilespmem:v37+s8+$0x0] =	vst.idx.add.f32.msk $0xffff, v20;
	v37 =	vadd.f32 $1.258292000e+07, v41  }
0x65e: {  	s28 =	simm.s32 $0x8;
	v39 =	vand.u32 $0xFFFFFF00, v39;
	v38 =	vor.u32 v14, v40;
	v40 =	vand.u32 $0xFFFFFF00, v36;
	v36 =	vld [tilespmem:s22+$0x84C0]  }
.LBB2_9:
0x65f: {  	s28 =	sadd.s32 $0x4, s28;
	v39 =	vor.u32 v14, v39;
	v40 =	vor.u32 v14, v40;
	v37 =	vmax.f32 v37, $1.258291200e+07;
	v41 =	vld [tilespmem:s22+$0x8540]  }
0x660: {  	s25 =	sadd.s32 $0x400, s25;
	v42 =	vmul.f32 $1.875000000e+00, v35;
	v32 =	vmul.f32 $1.875000000e+00, v32;
	s0 =	sshll.u32 s28, $0x8;
	p1 =	slt.u32 s28, $0x7C;
	v37 =	vmin.f32 v37, $1.258292800e+07;
	[tilespmem:v33+s8+$0x0] =	vst.idx.add.f32.msk $0xffff, v20  }
0x661: {  	v35 =	vor.u32 s24, v17;
	s26 =	sadd.s32 $0x200, s26;
	s1 =	sand.u32 $0x3800, s25;
	s0 =	sand.u32 $0x3FFFC000, s0;
	v33 =	vshll.u32 v37, $0x9;
	v37 =	vld [tilespmem:s21+$0x8570]  }
0x662: {  	v31 =	vadd.f32 $1.258292000e+07, v31;
	s2 =	sand.u32 $0x200, s26;
	v42 =	vadd.f32 $1.258292000e+07, v42;
	s21 =	smov.u32 s22;
	s0 =	sor.u32 s1, s0;
	v33 =	vadd.s32 v35, v33  }
0x663: {  	v32 =	vadd.f32 $1.258292000e+07, v32;
	s22 =	smov.u32 s23;
	[tilespmem:v38+s8+$0x0] =	vst.idx.add.f32.msk $0xffff, v20;
	v33 =	vand.u32 $0xFFFFFF80, v33;
	v36 =	vmul.f32 $1.875000000e+00, v36;
	s23 =	sor.u32 s2, s0  }
0x664: {  	v42 =	vmax.f32 v42, $1.258291200e+07;
	v38 =	vld [tilespmem:s23+$0x8180];
	v33 =	vor.u32 v1, v33;
	v41 =	vmul.f32 $1.875000000e+00, v41  }
0x665: {  	v44 =	vmax.f32 v31, $1.258291200e+07;
	v42 =	vmin.f32 v42, $1.258292800e+07;
	v43 =	vld [tilespmem:s23+$0x8000];
	v36 =	vadd.f32 $1.258292000e+07, v36  }
0x666: {  	v31 =	vshll.u32 v42, $0x9;
	v45 =	vld [tilespmem:s23+$0x8080];
	v41 =	vadd.f32 $1.258292000e+07, v41;
	v37 =	vmul.f32 $1.875000000e+00, v37  }
0x667: {  	v46 =	vadd.s32 v30, v31;
	v31 =	vmax.f32 v32, $1.258291200e+07;
	v42 =	vld [tilespmem:s23+$0x8100];
	v36 =	vmax.f32 v36, $1.258291200e+07  }
0x668: {  	v32 =	vand.u32 $0xFFFFFF80, v46;
	[tilespmem:v39+s8+$0x0] =	vst.idx.add.f32.msk $0xffff, v20;
	v36 =	vmin.f32 v36, $1.258292800e+07;
	v39 =	vmax.f32 v41, $1.258291200e+07  }
0x669: {  	v38 =	vmul.f32 $1.875000000e+00, v38;
	[tilespmem:v33+s8+$0x0] =	vst.idx.add.f32.msk $0xffff, v20;
	v33 =	vshll.u32 v36, $0x9;
	v36 =	vmin.f32 v39, $1.258292800e+07  }
0x66a: {  	v39 =	vmul.f32 $1.875000000e+00, v43;
	v41 =	vld [tilespmem:s22+$0x8590];
	v33 =	vadd.s32 v30, v33;
	v36 =	vshll.u32 v36, $0x9  }
0x66b: {  	v43 =	vmul.f32 $1.875000000e+00, v45;
	v38 =	vadd.f32 $1.258292000e+07, v38;
	[tilespmem:v40+s8+$0x0] =	vst.idx.add.f32.msk $0xffff, v20;
	v30 =	vadd.s32 v30, v36  }
0x66c: {  	v36 =	vadd.f32 $1.258292000e+07, v39;
	v39 =	vmul.f32 $1.875000000e+00, v42;
	v40 =	vld [tilespmem:s22+$0x8070];
	v42 =	vand.u32 $0xFFFFFF80, v33  }
0x66d: {  	s0 =	sshll.u32 s28, $0x2;
	v30 =	vand.u32 $0xFFFFFF80, v30;
	v33 =	vadd.f32 $1.258292000e+07, v43;
	v38 =	vmax.f32 v38, $1.258291200e+07;
	v43 =	vld [tilespmem:s22+$0x80F0]  }
0x66e: {  	s29 =	sand.u32 $0xFFFFFF00, s0;
	v36 =	vmax.f32 v36, $1.258291200e+07;
	v39 =	vadd.f32 $1.258292000e+07, v39;
	v38 =	vmin.f32 v38, $1.258292800e+07  }
0x66f: {  	v45 =	vor.u32 s29, v2;
	v38 =	vshll.u32 v38, $0x9;
	v46 =	vld [tilespmem:s22+$0x8170];
	v41 =	vmul.f32 $1.875000000e+00, v41  }
0x670: {  	v33 =	vmax.f32 v33, $1.258291200e+07;
	v39 =	vmax.f32 v39, $1.258291200e+07;
	v38 =	vadd.s32 v45, v38  }
0x671: {  	v36 =	vmin.f32 v36, $1.258292800e+07;
	v38 =	vand.u32 $0xFFFFFF00, v38;
	v41 =	vadd.f32 $1.258292000e+07, v41  }
0x672: {  	v33 =	vmin.f32 v33, $1.258292800e+07;
	v39 =	vmin.f32 v39, $1.258292800e+07;
	v38 =	vor.u32 v1, v38  }
0x673: {  	v36 =	vshll.u32 v36, $0x9;
	v33 =	vshll.u32 v33, $0x9;
	v41 =	vmax.f32 v41, $1.258291200e+07  }
0x674: {  	v36 =	vadd.s32 v45, v36;
	v39 =	vshll.u32 v39, $0x9;
	v41 =	vmin.f32 v41, $1.258292800e+07  }
0x675: {  	v47 =	vadd.s32 v45, v33;
	v33 =	vor.u32 s24, v18;
	v41 =	vshll.u32 v41, $0x9  }
0x676: {  	v36 =	vand.u32 $0xFFFFFF00, v36;
	v39 =	vadd.s32 v45, v39;
	v41 =	vadd.s32 v33, v41  }
0x677: {  	v45 =	vand.u32 $0xFFFFFF00, v47;
	v39 =	vand.u32 $0xFFFFFF00, v39;
	[tilespmem:v38+s8+$0x0] =	vst.idx.add.f32.msk $0xffff, v20;
	v38 =	vand.u32 $0xFFFFFF80, v41  }
0x678: {  	v36 =	vor.u32 v1, v36;
	v41 =	vor.u32 v1, v45;
	v45 =	vld [tilespmem:s23+$0x8190];
	v38 =	vor.u32 v4, v38  }
0x679: {  	v40 =	vmul.f32 $1.875000000e+00, v40;
	v43 =	vmul.f32 $1.875000000e+00, v43;
	v39 =	vor.u32 v1, v39  }
0x67a: {  	v32 =	vor.u32 v10, v32;
	v42 =	vor.u32 v10, v42;
	v46 =	vmul.f32 $1.875000000e+00, v46  }
0x67b: {  	v30 =	vor.u32 v10, v30;
	v40 =	vadd.f32 $1.258292000e+07, v40;
	v43 =	vadd.f32 $1.258292000e+07, v43  }
0x67c: {  	v44 =	vmin.f32 v44, $1.258292800e+07;
	v37 =	vadd.f32 $1.258292000e+07, v37;
	v46 =	vadd.f32 $1.258292000e+07, v46  }
0x67d: {  	v40 =	vmax.f32 v40, $1.258291200e+07;
	v43 =	vmax.f32 v43, $1.258291200e+07;
	v45 =	vmul.f32 $1.875000000e+00, v45;
	[tilespmem:v38+s8+$0x0] =	vst.idx.add.f32.msk $0xffff, v20  }
0x67e: {  	v38 =	vmin.f32 v40, $1.258292800e+07;
	v40 =	vmin.f32 v43, $1.258292800e+07;
	v43 =	vmax.f32 v46, $1.258291200e+07;
	v46 =	vld [tilespmem:s22+$0x85A0]  }
0x67f: {  	v38 =	vshll.u32 v38, $0x9;
	v43 =	vmin.f32 v43, $1.258292800e+07;
	[tilespmem:v36+s8+$0x0] =	vst.idx.add.f32.msk $0xffff, v20;
	v36 =	vadd.f32 $1.258292000e+07, v45  }
0x680: {  	v40 =	vshll.u32 v40, $0x9;
	v38 =	vadd.s32 v34, v38;
	[tilespmem:v41+s8+$0x0] =	vst.idx.add.f32.msk $0xffff, v20;
	v41 =	vshll.u32 v43, $0x9  }
0x681: {  	[tilespmem:v39+s8+$0x0] =	vst.idx.add.f32.msk $0xffff, v20;
	v36 =	vmax.f32 v36, $1.258291200e+07;
	v39 =	vadd.s32 v34, v40;
	v34 =	vadd.s32 v34, v41  }
0x682: {  	v38 =	vand.u32 $0xFFFFFF00, v38;
	v40 =	vld [tilespmem:s23+$0x8010];
	v36 =	vmin.f32 v36, $1.258292800e+07;
	v39 =	vand.u32 $0xFFFFFF00, v39  }
0x683: {  	v41 =	vor.u32 s29, v3;
	v43 =	vld [tilespmem:s23+$0x8090];
	v36 =	vshll.u32 v36, $0x9;
	v45 =	vmul.f32 $1.875000000e+00, v46  }
0x684: {  	v38 =	vor.u32 v16, v38;
	v34 =	vand.u32 $0xFFFFFF00, v34;
	v46 =	vld [tilespmem:s23+$0x8110];
	v36 =	vadd.s32 v41, v36  }
0x685: {  	v39 =	vor.u32 v16, v39;
	v36 =	vand.u32 $0xFFFFFF00, v36;
	v45 =	vadd.f32 $1.258292000e+07, v45;
	[tilespmem:v32+s8+$0x0] =	vst.idx.add.f32.msk $0xffff, v20  }
0x686: {  	v34 =	vor.u32 v16, v34;
	v32 =	vmax.f32 v37, $1.258291200e+07;
	v36 =	vor.u32 v4, v36;
	[tilespmem:v42+s8+$0x0] =	vst.idx.add.f32.msk $0xffff, v20  }
0x687: {  	v37 =	vmul.f32 $1.875000000e+00, v40;
	v40 =	vmax.f32 v45, $1.258291200e+07;
	[tilespmem:v30+s8+$0x0] =	vst.idx.add.f32.msk $0xffff, v20;
	v30 =	vmin.f32 v31, $1.258292800e+07  }
0x688: {  	v31 =	vmul.f32 $1.875000000e+00, v43;
	v40 =	vmin.f32 v40, $1.258292800e+07;
	v42 =	vld [tilespmem:s21+$0x8450];
	v43 =	vmin.f32 v32, $1.258292800e+07  }
0x689: {  	v32 =	vor.u32 s24, v19;
	v45 =	vmul.f32 $1.875000000e+00, v46;
	[tilespmem:v38+s8+$0x0] =	vst.idx.add.f32.msk $0xffff, v20;
	v38 =	vshll.u32 v40, $0x9  }
0x68a: {  	v37 =	vadd.f32 $1.258292000e+07, v37;
	v31 =	vadd.f32 $1.258292000e+07, v31;
	[tilespmem:v39+s8+$0x0] =	vst.idx.add.f32.msk $0xffff, v20;
	v38 =	vadd.s32 v32, v38  }
0x68b: {  	v39 =	vadd.f32 $1.258292000e+07, v45;
	[tilespmem:v36+s8+$0x0] =	vst.idx.add.f32.msk $0xffff, v20;
	v38 =	vand.u32 $0xFFFFFF80, v38;
	v36 =	vshll.u32 v44, $0x9  }
0x68c: {  	v37 =	vmax.f32 v37, $1.258291200e+07;
	v31 =	vmax.f32 v31, $1.258291200e+07;
	v40 =	vld [tilespmem:s23+$0x81A0];
	v38 =	vor.u32 v6, v38  }
0x68d: {  	v37 =	vmin.f32 v37, $1.258292800e+07;
	v31 =	vmin.f32 v31, $1.258292800e+07;
	v39 =	vmax.f32 v39, $1.258291200e+07;
	[tilespmem:v34+s8+$0x0] =	vst.idx.add.f32.msk $0xffff, v20  }
0x68e: {  	v34 =	vshll.u32 v37, $0x9;
	v31 =	vshll.u32 v31, $0x9;
	v37 =	vmin.f32 v39, $1.258292800e+07;
	v39 =	vld [tilespmem:s22+$0x8400]  }
0x68f: {  	v34 =	vadd.s32 v41, v34;
	v31 =	vadd.s32 v41, v31;
	v37 =	vshll.u32 v37, $0x9;
	v44 =	vld [tilespmem:s22+$0x8480]  }
0x690: {  	v34 =	vand.u32 $0xFFFFFF00, v34;
	v31 =	vand.u32 $0xFFFFFF00, v31;
	v37 =	vadd.s32 v41, v37;
	v41 =	vld [tilespmem:s22+$0x8500]  }
0x691: {  	v45 =	vor.u32 v4, v34;
	v34 =	vand.u32 $0xFFFFFF00, v37;
	v37 =	vmul.f32 $1.875000000e+00, v40;
	[tilespmem:v38+s8+$0x0] =	vst.idx.add.f32.msk $0xffff, v20  }
0x692: {  	v31 =	vor.u32 v4, v31;
	v38 =	vor.u32 v4, v34;
	v40 =	vld [tilespmem:s22+$0x85B0];
	v34 =	vmul.f32 $1.875000000e+00, v42  }
0x693: {  	v42 =	vadd.f32 $1.258292000e+07, v37;
	v39 =	vmul.f32 $1.875000000e+00, v39;
	v46 =	vld [tilespmem:s21+$0x84D0];
	v37 =	vshll.u32 v30, $0x9  }
0x694: {  	v30 =	vmul.f32 $1.875000000e+00, v44;
	v44 =	vadd.f32 $1.258292000e+07, v34;
	v47 =	vld [tilespmem:s21+$0x8550];
	v34 =	vshll.u32 v43, $0x9  }
0x695: {  	v42 =	vmax.f32 v42, $1.258291200e+07;
	v39 =	vadd.f32 $1.258292000e+07, v39;
	v41 =	vmul.f32 $1.875000000e+00, v41  }
0x696: {  	[tilespmem:v45+s8+$0x0] =	vst.idx.add.f32.msk $0xffff, v20;
	v42 =	vmin.f32 v42, $1.258292800e+07;
	v30 =	vadd.f32 $1.258292000e+07, v30;
	v43 =	vmax.f32 v44, $1.258291200e+07  }
0x697: {  	v44 =	vor.u32 s29, v5;
	[tilespmem:v31+s8+$0x0] =	vst.idx.add.f32.msk $0xffff, v20;
	v31 =	vshll.u32 v42, $0x9;
	v40 =	vmul.f32 $1.875000000e+00, v40  }
0x698: {  	[tilespmem:v38+s8+$0x0] =	vst.idx.add.f32.msk $0xffff, v20;
	v31 =	vadd.s32 v44, v31;
	v38 =	vmax.f32 v39, $1.258291200e+07;
	v39 =	vadd.f32 $1.258292000e+07, v41  }
0x699: {  	v30 =	vmax.f32 v30, $1.258291200e+07;
	v41 =	vld [tilespmem:s23+$0x8020];
	v31 =	vand.u32 $0xFFFFFF00, v31;
	v40 =	vadd.f32 $1.258292000e+07, v40  }
0x69a: {  	v42 =	vld [tilespmem:s23+$0x80A0];
	v45 =	vor.u32 v6, v31;
	v31 =	vmin.f32 v38, $1.258292800e+07;
	v38 =	vmax.f32 v39, $1.258291200e+07  }
0x69b: {  	v30 =	vmin.f32 v30, $1.258292800e+07;
	v39 =	vld [tilespmem:s23+$0x8120];
	v38 =	vmin.f32 v38, $1.258292800e+07;
	v40 =	vmax.f32 v40, $1.258291200e+07  }
0x69c: {  	v30 =	vshll.u32 v30, $0x9;
	v48 =	vshll.u32 v31, $0x9;
	v40 =	vmin.f32 v40, $1.258292800e+07  }
0x69d: {  	v31 =	vor.u32 s24, v21;
	v38 =	vshll.u32 v38, $0x9;
	v40 =	vshll.u32 v40, $0x9  }
0x69e: {  	v48 =	vadd.s32 v35, v48;
	v41 =	vmul.f32 $1.875000000e+00, v41;
	v40 =	vadd.s32 v31, v40  }
0x69f: {  	v30 =	vadd.s32 v35, v30;
	v42 =	vmul.f32 $1.875000000e+00, v42;
	[tilespmem:v45+s8+$0x0] =	vst.idx.add.f32.msk $0xffff, v20;
	v40 =	vand.u32 $0xFFFFFF80, v40  }
0x6a0: {  	v41 =	vadd.f32 $1.258292000e+07, v41;
	v39 =	vmul.f32 $1.875000000e+00, v39;
	v45 =	vld [tilespmem:s23+$0x81B0];
	v40 =	vor.u32 v8, v40  }
0x6a1: {  	v48 =	vand.u32 $0xFFFFFF80, v48;
	v35 =	vadd.s32 v35, v38;
	v42 =	vadd.f32 $1.258292000e+07, v42  }
0x6a2: {  	v30 =	vand.u32 $0xFFFFFF80, v30;
	v38 =	vmax.f32 v41, $1.258291200e+07;
	v39 =	vadd.f32 $1.258292000e+07, v39  }
0x6a3: {  	v35 =	vand.u32 $0xFFFFFF80, v35;
	v38 =	vmin.f32 v38, $1.258292800e+07;
	v41 =	vmax.f32 v42, $1.258291200e+07  }
0x6a4: {  	v38 =	vshll.u32 v38, $0x9;
	v41 =	vmin.f32 v41, $1.258292800e+07;
	v39 =	vmax.f32 v39, $1.258291200e+07  }
0x6a5: {  	v41 =	vshll.u32 v41, $0x9;
	v39 =	vmin.f32 v39, $1.258292800e+07;
	v42 =	vmul.f32 $1.875000000e+00, v45;
	[tilespmem:v40+s8+$0x0] =	vst.idx.add.f32.msk $0xffff, v20  }
0x6a6: {  	v38 =	vadd.s32 v44, v38;
	v40 =	vadd.s32 v44, v41;
	v39 =	vshll.u32 v39, $0x9;
	v41 =	vld [tilespmem:s22+$0x85C0]  }
0x6a7: {  	v38 =	vand.u32 $0xFFFFFF00, v38;
	v39 =	vadd.s32 v44, v39;
	v42 =	vadd.f32 $1.258292000e+07, v42  }
0x6a8: {  	v38 =	vor.u32 v6, v38;
	v40 =	vand.u32 $0xFFFFFF00, v40;
	v39 =	vand.u32 $0xFFFFFF00, v39  }
0x6a9: {  	v40 =	vor.u32 v6, v40;
	v39 =	vor.u32 v6, v39;
	v42 =	vmax.f32 v42, $1.258291200e+07  }
0x6aa: {  	v45 =	vor.u32 v1, v30;
	v44 =	vor.u32 v1, v48;
	v42 =	vmin.f32 v42, $1.258292800e+07  }
0x6ab: {  	v48 =	vor.u32 s29, v7;
	v30 =	vshll.u32 v42, $0x9;
	v41 =	vmul.f32 $1.875000000e+00, v41  }
0x6ac: {  	v35 =	vor.u32 v1, v35;
	v42 =	vmul.f32 $1.875000000e+00, v46;
	v30 =	vadd.s32 v48, v30  }
0x6ad: {  	[tilespmem:v38+s8+$0x0] =	vst.idx.add.f32.msk $0xffff, v20;
	v30 =	vand.u32 $0xFFFFFF00, v30;
	v38 =	vadd.f32 $1.258292000e+07, v41;
	v41 =	vmul.f32 $1.875000000e+00, v47  }
0x6ae: {  	v42 =	vadd.f32 $1.258292000e+07, v42;
	[tilespmem:v40+s8+$0x0] =	vst.idx.add.f32.msk $0xffff, v20;
	v40 =	vor.u32 v8, v30;
	v30 =	vmin.f32 v43, $1.258292800e+07  }
0x6af: {  	[tilespmem:v39+s8+$0x0] =	vst.idx.add.f32.msk $0xffff, v20;
	v38 =	vmax.f32 v38, $1.258291200e+07;
	v30 =	vshll.u32 v30, $0x9;
	v39 =	vadd.f32 $1.258292000e+07, v41  }
0x6b0: {  	v42 =	vmax.f32 v42, $1.258291200e+07;
	v41 =	vld [tilespmem:s23+$0x8030];
	v38 =	vmin.f32 v38, $1.258292800e+07;
	v43 =	vadd.s32 v28, v30  }
0x6b1: {  	v30 =	vor.u32 s24, v22;
	v46 =	vld [tilespmem:s23+$0x80B0];
	v38 =	vshll.u32 v38, $0x9;
	v39 =	vmax.f32 v39, $1.258291200e+07  }
0x6b2: {  	v42 =	vmin.f32 v42, $1.258292800e+07;
	v47 =	vld [tilespmem:s23+$0x8130];
	v38 =	vadd.s32 v30, v38;
	v39 =	vmin.f32 v39, $1.258292800e+07  }
0x6b3: {  	[tilespmem:v40+s8+$0x0] =	vst.idx.add.f32.msk $0xffff, v20;
	v38 =	vand.u32 $0xFFFFFF80, v38;
	v40 =	vshll.u32 v42, $0x9;
	v39 =	vshll.u32 v39, $0x9  }
0x6b4: {  	v42 =	vld [tilespmem:s23+$0x81C0];
	v38 =	vor.u32 v10, v38;
	v40 =	vadd.s32 v28, v40;
	v28 =	vadd.s32 v28, v39  }
0x6b5: {  	v39 =	vmul.f32 $1.875000000e+00, v41;
	[tilespmem:v44+s8+$0x0] =	vst.idx.add.f32.msk $0xffff, v20;
	v41 =	vand.u32 $0xFFFFFF80, v43;
	v40 =	vand.u32 $0xFFFFFF80, v40  }
0x6b6: {  	v28 =	vand.u32 $0xFFFFFF80, v28;
	v43 =	vmul.f32 $1.875000000e+00, v46;
	[tilespmem:v45+s8+$0x0] =	vst.idx.add.f32.msk $0xffff, v20;
	v41 =	vor.u32 v12, v41  }
0x6b7: {  	v39 =	vadd.f32 $1.258292000e+07, v39;
	v44 =	vmul.f32 $1.875000000e+00, v47;
	[tilespmem:v35+s8+$0x0] =	vst.idx.add.f32.msk $0xffff, v20;
	v35 =	vor.u32 v12, v40  }
0x6b8: {  	v36 =	vadd.s32 v26, v36;
	v28 =	vor.u32 v12, v28;
	v40 =	vadd.f32 $1.258292000e+07, v43;
	v43 =	vld [tilespmem:s22+$0x8410]  }
0x6b9: {  	v39 =	vmax.f32 v39, $1.258291200e+07;
	v44 =	vadd.f32 $1.258292000e+07, v44;
	v42 =	vmul.f32 $1.875000000e+00, v42;
	[tilespmem:v38+s8+$0x0] =	vst.idx.add.f32.msk $0xffff, v20  }
0x6ba: {  	v37 =	vadd.s32 v26, v37;
	v38 =	vmin.f32 v39, $1.258292800e+07;
	v39 =	vmax.f32 v40, $1.258291200e+07;
	v40 =	vld [tilespmem:s22+$0x85D0]  }
0x6bb: {  	v39 =	vmin.f32 v39, $1.258292800e+07;
	v44 =	vmax.f32 v44, $1.258291200e+07;
	v42 =	vadd.f32 $1.258292000e+07, v42;
	v45 =	vld [tilespmem:s22+$0x8490]  }
0x6bc: {  	v38 =	vshll.u32 v38, $0x9;
	v39 =	vshll.u32 v39, $0x9;
	v44 =	vmin.f32 v44, $1.258292800e+07;
	v46 =	vld [tilespmem:s22+$0x8510]  }
0x6bd: {  	v38 =	vadd.s32 v48, v38;
	v44 =	vshll.u32 v44, $0x9;
	v42 =	vmax.f32 v42, $1.258291200e+07;
	[tilespmem:v41+s8+$0x0] =	vst.idx.add.f32.msk $0xffff, v20  }
0x6be: {  	v39 =	vadd.s32 v48, v39;
	v41 =	vadd.s32 v48, v44;
	v42 =	vmin.f32 v42, $1.258292800e+07;
	[tilespmem:v35+s8+$0x0] =	vst.idx.add.f32.msk $0xffff, v20  }
0x6bf: {  	v35 =	vor.u32 s29, v9;
	v42 =	vshll.u32 v42, $0x9;
	v40 =	vmul.f32 $1.875000000e+00, v40;
	[tilespmem:v28+s8+$0x0] =	vst.idx.add.f32.msk $0xffff, v20  }
0x6c0: {  	v28 =	vand.u32 $0xFFFFFF00, v38;
	v38 =	vand.u32 $0xFFFFFF00, v39;
	v39 =	vadd.s32 v35, v42;
	v42 =	vld [tilespmem:s21+$0x8460]  }
0x6c1: {  	v41 =	vand.u32 $0xFFFFFF00, v41;
	v39 =	vand.u32 $0xFFFFFF00, v39;
	v40 =	vadd.f32 $1.258292000e+07, v40;
	v44 =	vld [tilespmem:s21+$0x84E0]  }
0x6c2: {  	v47 =	vor.u32 v8, v28;
	v38 =	vor.u32 v8, v38;
	v39 =	vor.u32 v10, v39;
	v48 =	vld [tilespmem:s21+$0x8560]  }
0x6c3: {  	v41 =	vor.u32 v8, v41;
	v28 =	vmul.f32 $1.875000000e+00, v43;
	v40 =	vmax.f32 v40, $1.258291200e+07;
	[tilespmem:v36+s8+$0x0] =	vst.idx.add.f32.msk $0xffff, v20  }
0x6c4: {  	v43 =	vmul.f32 $1.875000000e+00, v46;
	v36 =	vmul.f32 $1.875000000e+00, v45;
	v40 =	vmin.f32 v40, $1.258292800e+07;
	[tilespmem:v37+s8+$0x0] =	vst.idx.add.f32.msk $0xffff, v20  }
0x6c5: {  	v37 =	vadd.f32 $1.258292000e+07, v28;
	v28 =	vor.u32 s24, v23;
	v40 =	vshll.u32 v40, $0x9  }
0x6c6: {  	v43 =	vadd.f32 $1.258292000e+07, v43;
	v36 =	vadd.f32 $1.258292000e+07, v36;
	v40 =	vadd.s32 v28, v40  }
0x6c7: {  	v37 =	vmax.f32 v37, $1.258291200e+07;
	[tilespmem:v39+s8+$0x0] =	vst.idx.add.f32.msk $0xffff, v20;
	v39 =	vand.u32 $0xFFFFFF80, v40;
	v40 =	vmul.f32 $1.875000000e+00, v42  }
0x6c8: {  	v43 =	vmax.f32 v43, $1.258291200e+07;
	v36 =	vmax.f32 v36, $1.258291200e+07;
	v42 =	vld [tilespmem:s23+$0x81D0];
	v39 =	vor.u32 v12, v39  }
0x6c9: {  	v43 =	vmin.f32 v43, $1.258292800e+07;
	v37 =	vmin.f32 v37, $1.258292800e+07;
	v36 =	vmin.f32 v36, $1.258292800e+07;
	[tilespmem:v47+s8+$0x0] =	vst.idx.add.f32.msk $0xffff, v20  }
0x6ca: {  	v37 =	vshll.u32 v37, $0x9;
	v36 =	vshll.u32 v36, $0x9;
	[tilespmem:v38+s8+$0x0] =	vst.idx.add.f32.msk $0xffff, v20;
	v38 =	vshll.u32 v43, $0x9  }
0x6cb: {  	v37 =	vadd.s32 v33, v37;
	v36 =	vadd.s32 v33, v36;
	[tilespmem:v41+s8+$0x0] =	vst.idx.add.f32.msk $0xffff, v20;
	v41 =	vmul.f32 $1.875000000e+00, v44  }
0x6cc: {  	v37 =	vand.u32 $0xFFFFFF80, v37;
	v36 =	vand.u32 $0xFFFFFF80, v36;
	v33 =	vadd.s32 v33, v38;
	v43 =	vld [tilespmem:s23+$0x8040]  }
0x6cd: {  	v37 =	vor.u32 v4, v37;
	v33 =	vand.u32 $0xFFFFFF80, v33;
	v38 =	vmul.f32 $1.875000000e+00, v42;
	[tilespmem:v39+s8+$0x0] =	vst.idx.add.f32.msk $0xffff, v20  }
0x6ce: {  	v36 =	vor.u32 v4, v36;
	v39 =	vor.u32 v4, v33;
	v33 =	vmul.f32 $1.875000000e+00, v48;
	v42 =	vld [tilespmem:s22+$0x85E0]  }
0x6cf: {  	v34 =	vadd.s32 v26, v34;
	v26 =	vmovc v29;
	v40 =	vadd.f32 $1.258292000e+07, v40;
	v44 =	vld [tilespmem:s23+$0x80C0];
	v38 =	vadd.f32 $1.258292000e+07, v38  }
0x6d0: {  	v41 =	vadd.f32 $1.258292000e+07, v41;
	v33 =	vadd.f32 $1.258292000e+07, v33;
	v29 =	vld [tilespmem:s23+$0x8140]  }
0x6d1: {  	v40 =	vmax.f32 v40, $1.258291200e+07;
	v43 =	vmul.f32 $1.875000000e+00, v43;
	v38 =	vmax.f32 v38, $1.258291200e+07  }
0x6d2: {  	v38 =	vmin.f32 v38, $1.258292800e+07;
	[tilespmem:v37+s8+$0x0] =	vst.idx.add.f32.msk $0xffff, v20;
	v37 =	vmax.f32 v41, $1.258291200e+07;
	v41 =	vmax.f32 v33, $1.258291200e+07  }
0x6d3: {  	v33 =	vor.u32 s29, v11;
	v38 =	vshll.u32 v38, $0x9;
	[tilespmem:v36+s8+$0x0] =	vst.idx.add.f32.msk $0xffff, v20;
	v36 =	vmul.f32 $1.875000000e+00, v42  }
0x6d4: {  	v42 =	vadd.f32 $1.258292000e+07, v43;
	v43 =	vmul.f32 $1.875000000e+00, v44;
	v38 =	vadd.s32 v33, v38;
	[tilespmem:v39+s8+$0x0] =	vst.idx.add.f32.msk $0xffff, v20  }
0x6d5: {  	v29 =	vmul.f32 $1.875000000e+00, v29;
	v38 =	vand.u32 $0xFFFFFF00, v38;
	v39 =	vld [tilespmem:s22+$0x8420];
	v36 =	vadd.f32 $1.258292000e+07, v36  }
0x6d6: {  	v42 =	vmax.f32 v42, $1.258291200e+07;
	v43 =	vadd.f32 $1.258292000e+07, v43;
	v38 =	vor.u32 v12, v38;
	v44 =	vld [tilespmem:s22+$0x84A0]  }
0x6d7: {  	v42 =	vmin.f32 v42, $1.258292800e+07;
	v29 =	vadd.f32 $1.258292000e+07, v29;
	v45 =	vld [tilespmem:s22+$0x8520];
	v36 =	vmax.f32 v36, $1.258291200e+07  }
0x6d8: {  	v42 =	vshll.u32 v42, $0x9;
	v43 =	vmax.f32 v43, $1.258291200e+07;
	v36 =	vmin.f32 v36, $1.258292800e+07;
	[tilespmem:v34+s8+$0x0] =	vst.idx.add.f32.msk $0xffff, v20  }
0x6d9: {  	v34 =	vor.u32 s24, v24;
	v29 =	vmax.f32 v29, $1.258291200e+07;
	v36 =	vshll.u32 v36, $0x9  }
0x6da: {  	v43 =	vmin.f32 v43, $1.258292800e+07;
	v29 =	vmin.f32 v29, $1.258292800e+07;
	v36 =	vadd.s32 v34, v36  }
0x6db: {  	v43 =	vshll.u32 v43, $0x9;
	v29 =	vshll.u32 v29, $0x9;
	[tilespmem:v38+s8+$0x0] =	vst.idx.add.f32.msk $0xffff, v20;
	v36 =	vand.u32 $0xFFFFFF80, v36  }
0x6dc: {  	v38 =	vadd.s32 v35, v42;
	v42 =	vadd.s32 v35, v43;
	v43 =	vld [tilespmem:s23+$0x81E0];
	v36 =	vor.u32 v14, v36  }
0x6dd: {  	v38 =	vand.u32 $0xFFFFFF00, v38;
	v42 =	vand.u32 $0xFFFFFF00, v42;
	v29 =	vadd.s32 v35, v29  }
0x6de: {  	v35 =	vor.u32 v10, v38;
	v38 =	vor.u32 v10, v42;
	v29 =	vand.u32 $0xFFFFFF00, v29  }
0x6df: {  	v39 =	vmul.f32 $1.875000000e+00, v39;
	v42 =	vmul.f32 $1.875000000e+00, v44;
	v29 =	vor.u32 v10, v29  }
0x6e0: {  	v40 =	vmin.f32 v40, $1.258292800e+07;
	v37 =	vmin.f32 v37, $1.258292800e+07;
	v44 =	vmul.f32 $1.875000000e+00, v45  }
0x6e1: {  	v39 =	vadd.f32 $1.258292000e+07, v39;
	v42 =	vadd.f32 $1.258292000e+07, v42;
	v43 =	vmul.f32 $1.875000000e+00, v43;
	[tilespmem:v36+s8+$0x0] =	vst.idx.add.f32.msk $0xffff, v20  }
0x6e2: {  	v40 =	vshll.u32 v40, $0x9;
	v41 =	vmin.f32 v41, $1.258292800e+07;
	v36 =	vadd.f32 $1.258292000e+07, v44;
	v44 =	vld [tilespmem:s22+$0x85F0]  }
0x6e3: {  	v39 =	vmax.f32 v39, $1.258291200e+07;
	v42 =	vmax.f32 v42, $1.258291200e+07;
	[tilespmem:v35+s8+$0x0] =	vst.idx.add.f32.msk $0xffff, v20;
	v35 =	vadd.f32 $1.258292000e+07, v43  }
0x6e4: {  	v36 =	vmax.f32 v36, $1.258291200e+07;
	[tilespmem:v38+s8+$0x0] =	vst.idx.add.f32.msk $0xffff, v20;
	v38 =	vmin.f32 v39, $1.258292800e+07;
	v39 =	vmin.f32 v42, $1.258292800e+07  }
0x6e5: {  	v36 =	vmin.f32 v36, $1.258292800e+07;
	[tilespmem:v29+s8+$0x0] =	vst.idx.add.f32.msk $0xffff, v20;
	v29 =	vmax.f32 v35, $1.258291200e+07;
	v35 =	vshll.u32 v38, $0x9  }
0x6e6: {  	v39 =	vshll.u32 v39, $0x9;
	v42 =	vshll.u32 v36, $0x9;
	v38 =	vld [tilespmem:s23+$0x8050];
	v29 =	vmin.f32 v29, $1.258292800e+07  }
0x6e7: {  	v36 =	vor.u32 s29, v13;
	v43 =	vld [tilespmem:s23+$0x80D0];
	v29 =	vshll.u32 v29, $0x9;
	v44 =	vmul.f32 $1.875000000e+00, v44  }
0x6e8: {  	v35 =	vadd.s32 v32, v35;
	v39 =	vadd.s32 v32, v39;
	v45 =	vld [tilespmem:s23+$0x8150];
	v29 =	vadd.s32 v36, v29  }
0x6e9: {  	v32 =	vadd.s32 v32, v42;
	v29 =	vand.u32 $0xFFFFFF00, v29;
	v42 =	vadd.f32 $1.258292000e+07, v44  }
0x6ea: {  	v44 =	vor.u32 v14, v29;
	v29 =	vand.u32 $0xFFFFFF80, v35;
	v35 =	vand.u32 $0xFFFFFF80, v39  }
0x6eb: {  	v32 =	vand.u32 $0xFFFFFF80, v32;
	v38 =	vmul.f32 $1.875000000e+00, v38;
	v39 =	vmax.f32 v42, $1.258291200e+07  }
0x6ec: {  	v42 =	vmul.f32 $1.875000000e+00, v43;
	v43 =	vor.u32 v6, v29;
	v39 =	vmin.f32 v39, $1.258292800e+07  }
0x6ed: {  	v29 =	vor.u32 s24, v25;
	s24 =	smov.u32 s29;
	v45 =	vmul.f32 $1.875000000e+00, v45;
	v39 =	vshll.u32 v39, $0x9  }
0x6ee: {  	v38 =	vadd.f32 $1.258292000e+07, v38;
	v42 =	vadd.f32 $1.258292000e+07, v42;
	v39 =	vadd.s32 v29, v39  }
0x6ef: {  	v32 =	vor.u32 v6, v32;
	v35 =	vor.u32 v6, v35;
	v45 =	vadd.f32 $1.258292000e+07, v45;
	[tilespmem:v44+s8+$0x0] =	vst.idx.add.f32.msk $0xffff, v20  }
0x6f0: {  	v37 =	vshll.u32 v37, $0x9;
	v38 =	vmax.f32 v38, $1.258291200e+07;
	v42 =	vmax.f32 v42, $1.258291200e+07;
	v44 =	vld [tilespmem:s23+$0x81F0]  }
0x6f1: {  	v38 =	vmin.f32 v38, $1.258292800e+07;
	v42 =	vmin.f32 v42, $1.258292800e+07;
	v45 =	vmax.f32 v45, $1.258291200e+07;
	[tilespmem:v43+s8+$0x0] =	vst.idx.add.f32.msk $0xffff, v20  }
0x6f2: {  	v38 =	vshll.u32 v38, $0x9;
	v42 =	vshll.u32 v42, $0x9;
	v43 =	vmin.f32 v45, $1.258292800e+07;
	v45 =	vld [tilespmem:s22+$0x8430]  }
0x6f3: {  	v38 =	vadd.s32 v33, v38;
	v42 =	vadd.s32 v33, v42;
	v43 =	vshll.u32 v43, $0x9;
	[tilespmem:v39+s8+$0x0] =	vst.idx.add.f32.msk $0xffff, v20  }
0x6f4: {  	v38 =	vand.u32 $0xFFFFFF00, v38;
	v39 =	vand.u32 $0xFFFFFF00, v42;
	v33 =	vadd.s32 v33, v43;
	[tilespmem:v35+s8+$0x0] =	vst.idx.add.f32.msk $0xffff, v20  }
0x6f5: {  	v35 =	vor.u32 v12, v38;
	v33 =	vand.u32 $0xFFFFFF00, v33;
	v38 =	vmul.f32 $1.875000000e+00, v44;
	[tilespmem:v32+s8+$0x0] =	vst.idx.add.f32.msk $0xffff, v20  }
0x6f6: {  	v41 =	vshll.u32 v41, $0x9;
	v32 =	vor.u32 v12, v39;
	v33 =	vor.u32 v12, v33;
	v39 =	vld [tilespmem:s22+$0x84B0]  }
0x6f7: {  	v40 =	vadd.s32 v27, v40;
	v38 =	vadd.f32 $1.258292000e+07, v38;
	v42 =	vmul.f32 $1.875000000e+00, v45;
	v43 =	vld [tilespmem:s22+$0x8530]  }
0x6f8: {  	v40 =	vand.u32 $0xFFFFFF80, v40;
	v37 =	vadd.s32 v27, v37;
	v41 =	vadd.s32 v27, v41;
	v27 =	vmovc v34  }
0x6f9: {  	v37 =	vand.u32 $0xFFFFFF80, v37;
	v34 =	vmax.f32 v38, $1.258291200e+07;
	v38 =	vadd.f32 $1.258292000e+07, v42  }
0x6fa: {  	v40 =	vor.u32 v14, v40;
	v41 =	vand.u32 $0xFFFFFF80, v41;
	[tilespmem:v35+s8+$0x0] =	vst.idx.add.f32.msk $0xffff, v20;
	v35 =	vmin.f32 v34, $1.258292800e+07  }
0x6fb: {  	v34 =	vor.u32 s24, v15;
	[tilespmem:v32+s8+$0x0] =	vst.idx.add.f32.msk $0xffff, v20;
	v32 =	vshll.u32 v35, $0x9;
	v35 =	vmul.f32 $1.875000000e+00, v39  }
0x6fc: {  	[tilespmem:v33+s8+$0x0] =	vst.idx.add.f32.msk $0xffff, v20;
	v32 =	vadd.s32 v34, v32;
	v33 =	vmax.f32 v38, $1.258291200e+07;
	v38 =	vmul.f32 $1.875000000e+00, v43  }
0x6fd: {  	v39 =	vld [tilespmem:s23+$0x8060];
	v32 =	vand.u32 $0xFFFFFF00, v32;
	v33 =	vmin.f32 v33, $1.258292800e+07;
	v35 =	vadd.f32 $1.258292000e+07, v35  }
0x6fe: {  	v42 =	vld [tilespmem:s23+$0x80E0];
	v32 =	vor.u32 v16, v32;
	v33 =	vshll.u32 v33, $0x9;
	v38 =	vadd.f32 $1.258292000e+07, v38  }
0x6ff: {  	v37 =	vor.u32 v14, v37;
	v43 =	vld [tilespmem:s23+$0x8160];
	v33 =	vadd.s32 v31, v33;
	v35 =	vmax.f32 v35, $1.258291200e+07  }
0x700: {  	v33 =	vand.u32 $0xFFFFFF80, v33;
	v35 =	vmin.f32 v35, $1.258292800e+07;
	v38 =	vmax.f32 v38, $1.258291200e+07;
	[tilespmem:v40+s8+$0x0] =	vst.idx.add.f32.msk $0xffff, v20  }
0x701: {  	v33 =	vor.u32 v8, v33;
	v35 =	vshll.u32 v35, $0x9;
	v38 =	vmin.f32 v38, $1.258292800e+07;
	v40 =	vld [tilespmem:s21+$0x8470]  }
0x702: {  	v39 =	vmul.f32 $1.875000000e+00, v39;
	v35 =	vadd.s32 v31, v35;
	v38 =	vshll.u32 v38, $0x9  }
0x703: {  	v42 =	vmul.f32 $1.875000000e+00, v42;
	[tilespmem:v32+s8+$0x0] =	vst.idx.add.f32.msk $0xffff, v20;
	v32 =	vand.u32 $0xFFFFFF80, v35;
	v31 =	vadd.s32 v31, v38  }
0x704: {  	v35 =	vadd.f32 $1.258292000e+07, v39;
	v38 =	vmul.f32 $1.875000000e+00, v43;
	v39 =	vld [tilespmem:s23+$0x8580];
	v31 =	vand.u32 $0xFFFFFF80, v31  }
0x705: {  	v43 =	vor.u32 v8, v32;
	v42 =	vadd.f32 $1.258292000e+07, v42;
	v44 =	vor.u32 v8, v31;
	[tilespmem:v37+s8+$0x0] =	vst.idx.add.f32.msk $0xffff, v20  }
0x706: {  	v31 =	vmax.f32 v35, $1.258291200e+07;
	v32 =	vadd.f32 $1.258292000e+07, v38;
	[tilespmem:v33+s8+$0x0] =	vst.idx.add.f32.msk $0xffff, v20;
	v33 =	vor.u32 v14, v41  }
0x707: {  	v37 =	vmin.f32 v31, $1.258292800e+07;
	v38 =	vmax.f32 v42, $1.258291200e+07;
	v35 =	vld [tilespmem:s22+$0x8440];
	v31 =	vmul.f32 $1.875000000e+00, v40  }
.Ltmp3:
0x708: {  	v37 =	vshll.u32 v37, $0x9;
	v38 =	vmin.f32 v38, $1.258292800e+07;
	v40 =	vmax.f32 v32, $1.258291200e+07;
	v32 =	vld [tilespmem:s21+$0x84F0];
	(pc) =	sbr.rel @p1 .LBB2_9-.Ltmp3, $4  }
0x709: {  	v38 =	vshll.u32 v38, $0x9;
	v40 =	vmin.f32 v40, $1.258292800e+07;
	v39 =	vmul.f32 $1.875000000e+00, v39  }
0x70a: {  	v37 =	vadd.s32 v36, v37;
	v41 =	vadd.s32 v36, v38;
	v38 =	vshll.u32 v40, $0x9;
	[tilespmem:v43+s8+$0x0] =	vst.idx.add.f32.msk $0xffff, v20  }
0x70b: {  	v40 =	vand.u32 $0xFFFFFF00, v37;
	v36 =	vadd.s32 v36, v38;
	v37 =	vadd.f32 $1.258292000e+07, v39;
	[tilespmem:v44+s8+$0x0] =	vst.idx.add.f32.msk $0xffff, v20  }
0x70c: {  	v38 =	vor.u32 v14, v40;
	v39 =	vand.u32 $0xFFFFFF00, v41;
	v40 =	vand.u32 $0xFFFFFF00, v36;
	v36 =	vld [tilespmem:s22+$0x84C0]  }
0x70d: {  	_ = 	snop  }
0x70e: {  	v39 =	vor.u32 v14, v39  }
0x70f: {  	v40 =	vor.u32 v14, v40;
	_ =	sdelay $0x1  }
0x710: {  	[tilespmem:v38+s8+$0x0] =	vst.idx.add.f32.msk $0xffff, v20  }
0x711: {  	v38 =	vld [tilespmem:s23+$0x8070]  }
0x712: {  	[tilespmem:v39+s8+$0x0] =	vst.idx.add.f32.msk $0xffff, v20  }
0x713: {  	[tilespmem:v40+s8+$0x0] =	vst.idx.add.f32.msk $0xffff, v20  }
0x714: {  	v39 =	vld [tilespmem:s23+$0x80F0]  }
0x715: {  	v40 =	vld [tilespmem:s23+$0x8170];
	_ =	sdelay $0x1  }
0x716: {  	v38 =	vmul.f32 $1.875000000e+00, v38;
	_ =	sdelay $0x1  }
0x717: {  	v38 =	vadd.f32 $1.258292000e+07, v38;
	v39 =	vmul.f32 $1.875000000e+00, v39  }
0x718: {  	v40 =	vmul.f32 $1.875000000e+00, v40  }
0x719: {  	v38 =	vmax.f32 v38, $1.258291200e+07;
	v39 =	vadd.f32 $1.258292000e+07, v39  }
0x71a: {  	v38 =	vmin.f32 v38, $1.258292800e+07;
	v40 =	vadd.f32 $1.258292000e+07, v40  }
0x71b: {  	v38 =	vshll.u32 v38, $0x9;
	v39 =	vmax.f32 v39, $1.258291200e+07  }
0x71c: {  	v38 =	vadd.s32 v34, v38;
	v40 =	vmax.f32 v40, $1.258291200e+07;
	v39 =	vmin.f32 v39, $1.258292800e+07  }
0x71d: {  	v38 =	vand.u32 $0xFFFFFF00, v38;
	v40 =	vmin.f32 v40, $1.258292800e+07;
	v39 =	vshll.u32 v39, $0x9  }
0x71e: {  	v38 =	vor.u32 v16, v38;
	v40 =	vshll.u32 v40, $0x9;
	v39 =	vadd.s32 v34, v39  }
0x71f: {  	v54 =	vadd.s32 v34, v40;
	v39 =	vand.u32 $0xFFFFFF00, v39  }
0x720: {  	v34 =	vand.u32 $0xFFFFFF00, v54;
	v39 =	vor.u32 v16, v39  }
0x721: {  	v34 =	vor.u32 v16, v34;
	_ =	sdelay $0x1  }
0x722: {  	[tilespmem:v38+s8+$0x0] =	vst.idx.add.f32.msk $0xffff, v20  }
0x723: {  	v38 =	vld [tilespmem:s23+$0x8400]  }
0x724: {  	[tilespmem:v39+s8+$0x0] =	vst.idx.add.f32.msk $0xffff, v20  }
0x725: {  	[tilespmem:v34+s8+$0x0] =	vst.idx.add.f32.msk $0xffff, v20  }
0x726: {  	v37 =	vmax.f32 v37, $1.258291200e+07;
	v39 =	vld [tilespmem:s23+$0x8480]  }
0x727: {  	v37 =	vmin.f32 v37, $1.258292800e+07;
	v57 =	vld [tilespmem:s23+$0x8500]  }
0x728: {  	v55 =	vor.u32 s24, v17;
	v37 =	vshll.u32 v37, $0x9  }
0x729: {  	v37 =	vadd.s32 v55, v37;
	v38 =	vmul.f32 $1.875000000e+00, v38  }
0x72a: {  	v37 =	vand.u32 $0xFFFFFF80, v37  }
0x72b: {  	v56 =	vor.u32 v1, v37;
	v38 =	vadd.f32 $1.258292000e+07, v38;
	v39 =	vmul.f32 $1.875000000e+00, v39  }
0x72c: {  	v58 =	vmul.f32 $1.875000000e+00, v57  }
0x72d: {  	v38 =	vmax.f32 v38, $1.258291200e+07;
	v59 =	vadd.f32 $1.258292000e+07, v39  }
0x72e: {  	v38 =	vmin.f32 v38, $1.258292800e+07;
	v34 =	vadd.f32 $1.258292000e+07, v58  }
0x72f: {  	v38 =	vshll.u32 v38, $0x9;
	v37 =	vmax.f32 v59, $1.258291200e+07  }
0x730: {  	[tilespmem:v56+s8+$0x0] =	vst.idx.add.f32.msk $0xffff, v20;
	v38 =	vadd.s32 v55, v38;
	v34 =	vmax.f32 v34, $1.258291200e+07;
	v37 =	vmin.f32 v37, $1.258292800e+07  }
0x731: {  	v60 =	vld [tilespmem:s23+$0x8590];
	v38 =	vand.u32 $0xFFFFFF80, v38;
	v34 =	vmin.f32 v34, $1.258292800e+07;
	v37 =	vshll.u32 v37, $0x9  }
0x732: {  	v38 =	vor.u32 v1, v38;
	v34 =	vshll.u32 v34, $0x9;
	v37 =	vadd.s32 v55, v37  }
0x733: {  	v34 =	vadd.s32 v55, v34;
	v37 =	vand.u32 $0xFFFFFF80, v37  }
0x734: {  	v34 =	vand.u32 $0xFFFFFF80, v34;
	v37 =	vor.u32 v1, v37  }
0x735: {  	v34 =	vor.u32 v1, v34  }
0x736: {  	v39 =	vmul.f32 $1.875000000e+00, v60  }
0x737: {  	[tilespmem:v38+s8+$0x0] =	vst.idx.add.f32.msk $0xffff, v20  }
0x738: {  	v39 =	vadd.f32 $1.258292000e+07, v39;
	v62 =	vld [tilespmem:s23+$0x8410]  }
0x739: {  	[tilespmem:v37+s8+$0x0] =	vst.idx.add.f32.msk $0xffff, v20  }
0x73a: {  	v39 =	vmax.f32 v39, $1.258291200e+07;
	[tilespmem:v34+s8+$0x0] =	vst.idx.add.f32.msk $0xffff, v20  }
0x73b: {  	v61 =	vmin.f32 v39, $1.258292800e+07;
	v44 =	vld [tilespmem:s23+$0x8490]  }
0x73c: {  	v63 =	vor.u32 s24, v18;
	v38 =	vshll.u32 v61, $0x9;
	v46 =	vld [tilespmem:s23+$0x8510]  }
0x73d: {  	v43 =	vadd.s32 v63, v38  }
0x73e: {  	v37 =	vand.u32 $0xFFFFFF80, v43;
	v39 =	vmul.f32 $1.875000000e+00, v62  }
0x73f: {  	v45 =	vor.u32 v4, v37  }
0x740: {  	v39 =	vadd.f32 $1.258292000e+07, v39;
	v38 =	vmul.f32 $1.875000000e+00, v44  }
0x741: {  	v47 =	vmul.f32 $1.875000000e+00, v46  }
0x742: {  	v49 =	vmax.f32 v39, $1.258291200e+07;
	v48 =	vadd.f32 $1.258292000e+07, v38  }
0x743: {  	v38 =	vmin.f32 v49, $1.258292800e+07;
	v34 =	vadd.f32 $1.258292000e+07, v47  }
0x744: {  	[tilespmem:v45+s8+$0x0] =	vst.idx.add.f32.msk $0xffff, v20;
	v38 =	vshll.u32 v38, $0x9;
	v37 =	vmax.f32 v48, $1.258291200e+07  }
0x745: {  	v50 =	vld [tilespmem:s23+$0x85A0];
	v38 =	vadd.s32 v63, v38;
	v34 =	vmax.f32 v34, $1.258291200e+07;
	v37 =	vmin.f32 v37, $1.258292800e+07  }
0x746: {  	v38 =	vand.u32 $0xFFFFFF80, v38;
	v34 =	vmin.f32 v34, $1.258292800e+07;
	v37 =	vshll.u32 v37, $0x9  }
0x747: {  	v38 =	vor.u32 v4, v38;
	v34 =	vshll.u32 v34, $0x9;
	v37 =	vadd.s32 v63, v37  }
0x748: {  	v34 =	vadd.s32 v63, v34;
	v37 =	vand.u32 $0xFFFFFF80, v37  }
0x749: {  	v34 =	vand.u32 $0xFFFFFF80, v34;
	v37 =	vor.u32 v4, v37  }
0x74a: {  	v39 =	vmul.f32 $1.875000000e+00, v50;
	v34 =	vor.u32 v4, v34;
	_ =	sdelay $0x1  }
0x74b: {  	v39 =	vadd.f32 $1.258292000e+07, v39;
	[tilespmem:v38+s8+$0x0] =	vst.idx.add.f32.msk $0xffff, v20  }
0x74c: {  	v52 =	vld [tilespmem:s23+$0x8420]  }
0x74d: {  	v39 =	vmax.f32 v39, $1.258291200e+07;
	[tilespmem:v37+s8+$0x0] =	vst.idx.add.f32.msk $0xffff, v20  }
0x74e: {  	v51 =	vmin.f32 v39, $1.258292800e+07;
	[tilespmem:v34+s8+$0x0] =	vst.idx.add.f32.msk $0xffff, v20  }
0x74f: {  	v53 =	vor.u32 s24, v19;
	v38 =	vshll.u32 v51, $0x9;
	v55 =	vld [tilespmem:s23+$0x84A0]  }
0x750: {  	v54 =	vadd.s32 v53, v38;
	v57 =	vld [tilespmem:s23+$0x8520]  }
0x751: {  	v37 =	vand.u32 $0xFFFFFF80, v54  }
0x752: {  	v56 =	vor.u32 v6, v37;
	v39 =	vmul.f32 $1.875000000e+00, v52;
	_ =	sdelay $0x1  }
0x753: {  	v39 =	vadd.f32 $1.258292000e+07, v39;
	v38 =	vmul.f32 $1.875000000e+00, v55  }
0x754: {  	v58 =	vmul.f32 $1.875000000e+00, v57  }
0x755: {  	v60 =	vmax.f32 v39, $1.258291200e+07;
	v59 =	vadd.f32 $1.258292000e+07, v38  }
0x756: {  	[tilespmem:v56+s8+$0x0] =	vst.idx.add.f32.msk $0xffff, v20;
	v38 =	vmin.f32 v60, $1.258292800e+07;
	v34 =	vadd.f32 $1.258292000e+07, v58  }
0x757: {  	v61 =	vld [tilespmem:s23+$0x85B0];
	v38 =	vshll.u32 v38, $0x9;
	v37 =	vmax.f32 v59, $1.258291200e+07  }
0x758: {  	v38 =	vadd.s32 v53, v38;
	v34 =	vmax.f32 v34, $1.258291200e+07;
	v37 =	vmin.f32 v37, $1.258292800e+07  }
0x759: {  	v38 =	vand.u32 $0xFFFFFF80, v38;
	v34 =	vmin.f32 v34, $1.258292800e+07;
	v37 =	vshll.u32 v37, $0x9  }
0x75a: {  	v38 =	vor.u32 v6, v38;
	v34 =	vshll.u32 v34, $0x9;
	v37 =	vadd.s32 v53, v37  }
0x75b: {  	v35 =	vmul.f32 $1.875000000e+00, v35;
	v34 =	vadd.s32 v53, v34;
	v37 =	vand.u32 $0xFFFFFF80, v37  }
0x75c: {  	v41 =	vld [tilespmem:s22+$0x8540];
	v39 =	vmul.f32 $1.875000000e+00, v61;
	v34 =	vand.u32 $0xFFFFFF80, v34;
	v37 =	vor.u32 v6, v37  }
0x75d: {  	v34 =	vor.u32 v6, v34  }
0x75e: {  	v35 =	vadd.f32 $1.258292000e+07, v35;
	v39 =	vadd.f32 $1.258292000e+07, v39  }
0x75f: {  	[tilespmem:v38+s8+$0x0] =	vst.idx.add.f32.msk $0xffff, v20  }
0x760: {  	v36 =	vmul.f32 $1.875000000e+00, v36;
	v35 =	vmax.f32 v35, $1.258291200e+07;
	v39 =	vmax.f32 v39, $1.258291200e+07;
	v44 =	vld [tilespmem:s23+$0x8430]  }
0x761: {  	v35 =	vmin.f32 v35, $1.258292800e+07;
	v62 =	vmul.f32 $1.875000000e+00, v41;
	v63 =	vmin.f32 v39, $1.258292800e+07;
	[tilespmem:v37+s8+$0x0] =	vst.idx.add.f32.msk $0xffff, v20  }
0x762: {  	v36 =	vadd.f32 $1.258292000e+07, v36;
	v45 =	vor.u32 s24, v21;
	v38 =	vshll.u32 v63, $0x9;
	[tilespmem:v34+s8+$0x0] =	vst.idx.add.f32.msk $0xffff, v20  }
0x763: {  	v35 =	vshll.u32 v35, $0x9;
	v40 =	vadd.f32 $1.258292000e+07, v62;
	v46 =	vadd.s32 v45, v38;
	v47 =	vld [tilespmem:s23+$0x84B0]  }
0x764: {  	v35 =	vadd.s32 v30, v35;
	v36 =	vmax.f32 v36, $1.258291200e+07;
	v37 =	vand.u32 $0xFFFFFF80, v46;
	v50 =	vld [tilespmem:s23+$0x8530]  }
0x765: {  	v35 =	vand.u32 $0xFFFFFF80, v35;
	v40 =	vmax.f32 v40, $1.258291200e+07;
	v37 =	vor.u32 v8, v37  }
0x766: {  	v49 =	vmin.f32 v40, $1.258292800e+07;
	v48 =	vmin.f32 v36, $1.258292800e+07;
	v39 =	vmul.f32 $1.875000000e+00, v44  }
0x767: {  	v35 =	vor.u32 v10, v35;
	v36 =	vshll.u32 v49, $0x9;
	v34 =	vshll.u32 v48, $0x9  }
0x768: {  	v34 =	vadd.s32 v30, v34;
	v51 =	vadd.f32 $1.258292000e+07, v39;
	v38 =	vmul.f32 $1.875000000e+00, v47  }
0x769: {  	v30 =	vadd.s32 v30, v36;
	v34 =	vand.u32 $0xFFFFFF80, v34;
	v52 =	vmul.f32 $1.875000000e+00, v50  }
0x76a: {  	v30 =	vand.u32 $0xFFFFFF80, v30;
	[tilespmem:v37+s8+$0x0] =	vst.idx.add.f32.msk $0xffff, v20;
	v36 =	vmax.f32 v51, $1.258291200e+07;
	v38 =	vadd.f32 $1.258292000e+07, v38  }
0x76b: {  	v30 =	vor.u32 v10, v30;
	v53 =	vld [tilespmem:s23+$0x85C0];
	v36 =	vmin.f32 v36, $1.258292800e+07;
	v37 =	vadd.f32 $1.258292000e+07, v52  }
0x76c: {  	v34 =	vor.u32 v10, v34;
	v36 =	vshll.u32 v36, $0x9;
	v38 =	vmax.f32 v38, $1.258291200e+07  }
0x76d: {  	v36 =	vadd.s32 v45, v36;
	v55 =	vmax.f32 v37, $1.258291200e+07;
	v38 =	vmin.f32 v38, $1.258292800e+07  }
0x76e: {  	[tilespmem:v35+s8+$0x0] =	vst.idx.add.f32.msk $0xffff, v20;
	v54 =	vand.u32 $0xFFFFFF80, v36;
	v58 =	vmin.f32 v55, $1.258292800e+07;
	v56 =	vshll.u32 v38, $0x9  }
0x76f: {  	v60 =	vld [tilespmem:s22+$0x8450];
	v57 =	vor.u32 v8, v54;
	v35 =	vshll.u32 v58, $0x9;
	v59 =	vadd.s32 v45, v56  }
0x770: {  	[tilespmem:v30+s8+$0x0] =	vst.idx.add.f32.msk $0xffff, v20;
	v30 =	vmul.f32 $1.875000000e+00, v53;
	v35 =	vadd.s32 v45, v35;
	v36 =	vand.u32 $0xFFFFFF80, v59  }
0x771: {  	[tilespmem:v34+s8+$0x0] =	vst.idx.add.f32.msk $0xffff, v20;
	v35 =	vand.u32 $0xFFFFFF80, v35;
	v36 =	vor.u32 v8, v36  }
0x772: {  	v61 =	vld [tilespmem:s22+$0x84D0];
	v30 =	vadd.f32 $1.258292000e+07, v30;
	v35 =	vor.u32 v8, v35  }
0x773: {  	v62 =	vld [tilespmem:s22+$0x8550]  }
0x774: {  	v30 =	vmax.f32 v30, $1.258291200e+07;
	[tilespmem:v57+s8+$0x0] =	vst.idx.add.f32.msk $0xffff, v20  }
0x775: {  	v30 =	vmin.f32 v30, $1.258292800e+07;
	v34 =	vld [tilespmem:s23+$0x8440]  }
0x776: {  	v63 =	vor.u32 s24, v22;
	v30 =	vshll.u32 v30, $0x9;
	[tilespmem:v36+s8+$0x0] =	vst.idx.add.f32.msk $0xffff, v20  }
0x777: {  	v30 =	vadd.s32 v63, v30;
	[tilespmem:v35+s8+$0x0] =	vst.idx.add.f32.msk $0xffff, v20  }
0x778: {  	v30 =	vand.u32 $0xFFFFFF80, v30;
	v36 =	vld [tilespmem:s23+$0x84C0]  }
0x779: {  	v30 =	vor.u32 v10, v30;
	v45 =	vld [tilespmem:s23+$0x8540]  }
0x77a: {  	v34 =	vmul.f32 $1.875000000e+00, v34  }
0x77b: {  	v38 =	vmul.f32 $1.875000000e+00, v61  }
0x77c: {  	v44 =	vmul.f32 $1.875000000e+00, v60;
	v39 =	vmul.f32 $1.875000000e+00, v62;
	v34 =	vadd.f32 $1.258292000e+07, v34  }
0x77d: {  	v50 =	vor.u32 s24, v23;
	v47 =	vadd.f32 $1.258292000e+07, v38;
	v36 =	vmul.f32 $1.875000000e+00, v36  }
0x77e: {  	v39 =	vadd.f32 $1.258292000e+07, v39;
	[tilespmem:v30+s8+$0x0] =	vst.idx.add.f32.msk $0xffff, v20;
	v46 =	vmul.f32 $1.875000000e+00, v45;
	v30 =	vmax.f32 v34, $1.258291200e+07  }
0x77f: {  	v37 =	vmax.f32 v47, $1.258291200e+07;
	v48 =	vld [tilespmem:s23+$0x85D0];
	v36 =	vadd.f32 $1.258292000e+07, v36;
	v30 =	vmin.f32 v30, $1.258292800e+07  }
0x780: {  	v39 =	vmax.f32 v39, $1.258291200e+07;
	v34 =	vadd.f32 $1.258292000e+07, v46;
	v30 =	vshll.u32 v30, $0x9  }
0x781: {  	v35 =	vadd.f32 $1.258292000e+07, v44;
	v36 =	vmax.f32 v36, $1.258291200e+07;
	v30 =	vadd.s32 v63, v30  }
0x782: {  	v34 =	vmax.f32 v34, $1.258291200e+07;
	v36 =	vmin.f32 v36, $1.258292800e+07;
	v30 =	vand.u32 $0xFFFFFF80, v30  }
0x783: {  	v34 =	vmin.f32 v34, $1.258292800e+07;
	v36 =	vshll.u32 v36, $0x9;
	v30 =	vor.u32 v10, v30  }
0x784: {  	v38 =	vmul.f32 $1.875000000e+00, v48;
	v34 =	vshll.u32 v34, $0x9;
	v36 =	vadd.s32 v63, v36  }
0x785: {  	v35 =	vmax.f32 v35, $1.258291200e+07;
	v34 =	vadd.s32 v63, v34;
	v36 =	vand.u32 $0xFFFFFF80, v36  }
0x786: {  	v38 =	vadd.f32 $1.258292000e+07, v38;
	v34 =	vand.u32 $0xFFFFFF80, v34;
	v36 =	vor.u32 v10, v36  }
0x787: {  	v37 =	vmin.f32 v37, $1.258292800e+07;
	v35 =	vmin.f32 v35, $1.258292800e+07;
	v34 =	vor.u32 v10, v34  }
0x788: {  	v37 =	vshll.u32 v37, $0x9;
	v35 =	vshll.u32 v35, $0x9;
	v38 =	vmax.f32 v38, $1.258291200e+07  }
0x789: {  	v37 =	vadd.s32 v28, v37;
	v35 =	vadd.s32 v28, v35;
	[tilespmem:v30+s8+$0x0] =	vst.idx.add.f32.msk $0xffff, v20;
	v38 =	vmin.f32 v38, $1.258292800e+07  }
0x78a: {  	v51 =	vand.u32 $0xFFFFFF80, v37;
	v35 =	vand.u32 $0xFFFFFF80, v35;
	v49 =	vld [tilespmem:s23+$0x8450];
	v38 =	vshll.u32 v38, $0x9  }
0x78b: {  	v35 =	vor.u32 v12, v35;
	v30 =	vmin.f32 v39, $1.258292800e+07;
	v52 =	vadd.s32 v50, v38;
	[tilespmem:v36+s8+$0x0] =	vst.idx.add.f32.msk $0xffff, v20  }
0x78c: {  	v30 =	vshll.u32 v30, $0x9;
	v36 =	vor.u32 v12, v51;
	v37 =	vand.u32 $0xFFFFFF80, v52;
	[tilespmem:v34+s8+$0x0] =	vst.idx.add.f32.msk $0xffff, v20  }
0x78d: {  	v28 =	vadd.s32 v28, v30;
	v53 =	vld [tilespmem:s23+$0x84D0];
	v30 =	vor.u32 v12, v37  }
0x78e: {  	v28 =	vand.u32 $0xFFFFFF80, v28;
	v34 =	vld [tilespmem:s23+$0x8550]  }
0x78f: {  	[tilespmem:v33+s8+$0x0] =	vst.idx.add.f32.msk $0xffff, v20;
	v28 =	vor.u32 v12, v28;
	v54 =	vmul.f32 $1.875000000e+00, v49  }
0x790: {  	[tilespmem:v35+s8+$0x0] =	vst.idx.add.f32.msk $0xffff, v20  }
0x791: {  	v33 =	vadd.f32 $1.258292000e+07, v54;
	[tilespmem:v36+s8+$0x0] =	vst.idx.add.f32.msk $0xffff, v20  }
0x792: {  	v56 =	vmul.f32 $1.875000000e+00, v53;
	[tilespmem:v30+s8+$0x0] =	vst.idx.add.f32.msk $0xffff, v20  }
0x793: {  	v57 =	vmul.f32 $1.875000000e+00, v34;
	v36 =	vld [tilespmem:s22+$0x84E0];
	v30 =	vmax.f32 v33, $1.258291200e+07  }
0x794: {  	[tilespmem:v28+s8+$0x0] =	vst.idx.add.f32.msk $0xffff, v20;
	v58 =	vadd.f32 $1.258292000e+07, v56;
	v30 =	vmin.f32 v30, $1.258292800e+07  }
0x795: {  	v59 =	vld [tilespmem:s23+$0x85E0];
	v28 =	vshll.u32 v30, $0x9;
	v30 =	vadd.f32 $1.258292000e+07, v57  }
0x796: {  	v62 =	vld [tilespmem:s22+$0x8560];
	v60 =	vmax.f32 v58, $1.258291200e+07  }
0x797: {  	v61 =	vld [tilespmem:s22+$0x8460];
	v28 =	vadd.s32 v50, v28;
	v33 =	vmin.f32 v60, $1.258292800e+07;
	v30 =	vmax.f32 v30, $1.258291200e+07  }
0x798: {  	v28 =	vand.u32 $0xFFFFFF80, v28;
	v36 =	vmul.f32 $1.875000000e+00, v36;
	v33 =	vshll.u32 v33, $0x9  }
0x799: {  	v30 =	vmin.f32 v30, $1.258292800e+07;
	v28 =	vor.u32 v12, v28;
	v33 =	vadd.s32 v50, v33  }
0x79a: {  	v35 =	vmul.f32 $1.875000000e+00, v59;
	v30 =	vshll.u32 v30, $0x9;
	v33 =	vand.u32 $0xFFFFFF80, v33  }
0x79b: {  	v38 =	vmul.f32 $1.875000000e+00, v62;
	v30 =	vadd.s32 v50, v30;
	v33 =	vor.u32 v12, v33  }
0x79c: {  	v34 =	vmul.f32 $1.875000000e+00, v61;
	v35 =	vadd.f32 $1.258292000e+07, v35;
	v30 =	vand.u32 $0xFFFFFF80, v30  }
0x79d: {  	v63 =	vadd.f32 $1.258292000e+07, v36;
	v38 =	vadd.f32 $1.258292000e+07, v38;
	v30 =	vor.u32 v12, v30  }
0x79e: {  	v43 =	vor.u32 s24, v24;
	v35 =	vmax.f32 v35, $1.258291200e+07;
	[tilespmem:v28+s8+$0x0] =	vst.idx.add.f32.msk $0xffff, v20;
	v28 =	vadd.f32 $1.258292000e+07, v34  }
0x79f: {  	v44 =	vmax.f32 v63, $1.258291200e+07;
	v38 =	vmax.f32 v38, $1.258291200e+07;
	v35 =	vmin.f32 v35, $1.258292800e+07;
	v42 =	vld [tilespmem:s23+$0x8460]  }
0x7a0: {  	v38 =	vmin.f32 v38, $1.258292800e+07;
	v35 =	vshll.u32 v35, $0x9;
	v28 =	vmax.f32 v28, $1.258291200e+07;
	[tilespmem:v33+s8+$0x0] =	vst.idx.add.f32.msk $0xffff, v20  }
0x7a1: {  	v38 =	vshll.u32 v38, $0x9;
	v45 =	vadd.s32 v43, v35;
	v28 =	vmin.f32 v28, $1.258292800e+07;
	v46 =	vld [tilespmem:s23+$0x84E0]  }
0x7a2: {  	v34 =	vand.u32 $0xFFFFFF80, v45;
	v33 =	vmin.f32 v44, $1.258292800e+07;
	[tilespmem:v30+s8+$0x0] =	vst.idx.add.f32.msk $0xffff, v20;
	v28 =	vshll.u32 v28, $0x9  }
0x7a3: {  	v30 =	vor.u32 v14, v34;
	v33 =	vshll.u32 v33, $0x9;
	v47 =	vld [tilespmem:s23+$0x8560];
	v28 =	vadd.s32 v27, v28  }
0x7a4: {  	v33 =	vadd.s32 v27, v33;
	v27 =	vadd.s32 v27, v38;
	v36 =	vmul.f32 $1.875000000e+00, v42  }
0x7a5: {  	v28 =	vand.u32 $0xFFFFFF80, v28;
	v27 =	vand.u32 $0xFFFFFF80, v27  }
0x7a6: {  	v28 =	vor.u32 v14, v28;
	v36 =	vadd.f32 $1.258292000e+07, v36;
	v35 =	vmul.f32 $1.875000000e+00, v46  }
0x7a7: {  	v32 =	vmul.f32 $1.875000000e+00, v32;
	v31 =	vadd.f32 $1.258292000e+07, v31;
	v27 =	vor.u32 v14, v27  }
0x7a8: {  	v55 =	vld [tilespmem:s21+$0x8570];
	v34 =	vmul.f32 $1.875000000e+00, v47;
	v36 =	vmax.f32 v36, $1.258291200e+07;
	v35 =	vadd.f32 $1.258292000e+07, v35  }
0x7a9: {  	v32 =	vadd.f32 $1.258292000e+07, v32;
	v33 =	vand.u32 $0xFFFFFF80, v33;
	[tilespmem:v30+s8+$0x0] =	vst.idx.add.f32.msk $0xffff, v20;
	v36 =	vmin.f32 v36, $1.258292800e+07  }
0x7aa: {  	v50 =	vld [tilespmem:s23+$0x85F0];
	v30 =	vadd.f32 $1.258292000e+07, v34;
	v49 =	vshll.u32 v36, $0x9;
	v48 =	vmax.f32 v35, $1.258291200e+07  }
0x7ab: {  	v33 =	vor.u32 v14, v33;
	[tilespmem:v28+s8+$0x0] =	vst.idx.add.f32.msk $0xffff, v20;
	v35 =	vadd.s32 v43, v49;
	v34 =	vmin.f32 v48, $1.258292800e+07  }
0x7ac: {  	[tilespmem:v27+s8+$0x0] =	vst.idx.add.f32.msk $0xffff, v20;
	v28 =	vmax.f32 v30, $1.258291200e+07;
	v51 =	vand.u32 $0xFFFFFF80, v35;
	v30 =	vshll.u32 v34, $0x9  }
0x7ad: {  	v52 =	vld [tilespmem:s22+$0x8470];
	v28 =	vmin.f32 v28, $1.258292800e+07;
	v34 =	vor.u32 v14, v51;
	v30 =	vadd.s32 v43, v30  }
0x7ae: {  	v37 =	vmul.f32 $1.875000000e+00, v55;
	v55 =	vld [tilespmem:s22+$0x8570];
	v28 =	vshll.u32 v28, $0x9;
	v30 =	vand.u32 $0xFFFFFF80, v30  }
0x7af: {  	v31 =	vmax.f32 v31, $1.258291200e+07;
	v28 =	vadd.s32 v43, v28;
	v30 =	vor.u32 v14, v30  }
0x7b0: {  	v32 =	vmax.f32 v32, $1.258291200e+07;
	[tilespmem:v33+s8+$0x0] =	vst.idx.add.f32.msk $0xffff, v20;
	v36 =	vmul.f32 $1.875000000e+00, v50;
	v27 =	vand.u32 $0xFFFFFF80, v28  }
0x7b1: {  	v32 =	vmin.f32 v32, $1.258292800e+07;
	v53 =	vadd.f32 $1.258292000e+07, v37;
	v54 =	vld [tilespmem:s22+$0x84F0];
	v27 =	vor.u32 v14, v27  }
0x7b2: {  	v32 =	vshll.u32 v32, $0x9;
	v36 =	vadd.f32 $1.258292000e+07, v36;
	v35 =	vmul.f32 $1.875000000e+00, v52;
	[tilespmem:v34+s8+$0x0] =	vst.idx.add.f32.msk $0xffff, v20  }
0x7b3: {  	v28 =	vmin.f32 v31, $1.258292800e+07;
	v31 =	vmax.f32 v53, $1.258291200e+07;
	v33 =	vmul.f32 $1.875000000e+00, v55;
	v34 =	vld [tilespmem:s23+$0x8470]  }
0x7b4: {  	v57 =	vor.u32 s24, v25;
	v31 =	vmin.f32 v31, $1.258292800e+07;
	v35 =	vadd.f32 $1.258292000e+07, v35;
	[tilespmem:v30+s8+$0x0] =	vst.idx.add.f32.msk $0xffff, v20  }
0x7b5: {  	v28 =	vshll.u32 v28, $0x9;
	v36 =	vmax.f32 v36, $1.258291200e+07;
	v33 =	vadd.f32 $1.258292000e+07, v33;
	v56 =	vld [tilespmem:s23+$0x84F0]  }
0x7b6: {  	v31 =	vshll.u32 v31, $0x9;
	v28 =	vadd.s32 v26, v28;
	v35 =	vmax.f32 v35, $1.258291200e+07;
	[tilespmem:v27+s8+$0x0] =	vst.idx.add.f32.msk $0xffff, v20  }
0x7b7: {  	v33 =	vmax.f32 v33, $1.258291200e+07;
	v30 =	vadd.s32 v26, v32;
	v26 =	vadd.s32 v26, v31;
	v58 =	vld [tilespmem:s23+$0x8570]  }
0x7b8: {  	v31 =	vmul.f32 $1.875000000e+00, v54;
	v35 =	vmin.f32 v35, $1.258292800e+07;
	v33 =	vmin.f32 v33, $1.258292800e+07  }
0x7b9: {  	v27 =	vmin.f32 v36, $1.258292800e+07;
	v35 =	vshll.u32 v35, $0x9;
	v33 =	vshll.u32 v33, $0x9  }
0x7ba: {  	v31 =	vadd.f32 $1.258292000e+07, v31;
	v27 =	vshll.u32 v27, $0x9;
	v34 =	vmul.f32 $1.875000000e+00, v34  }
0x7bb: {  	v35 =	vadd.s32 v29, v35;
	[tilespmem:v28+s8+$0x0] =	vst.idx.add.f32.msk $0xffff, v20;
	v28 =	vadd.s32 v29, v33;
	v32 =	vmul.f32 $1.875000000e+00, v56  }
0x7bc: {  	v31 =	vmax.f32 v31, $1.258291200e+07;
	v34 =	vadd.f32 $1.258292000e+07, v34;
	v37 =	vmul.f32 $1.875000000e+00, v58  }
0x7bd: {  	v27 =	vadd.s32 v57, v27;
	v31 =	vmin.f32 v31, $1.258292800e+07;
	v32 =	vadd.f32 $1.258292000e+07, v32  }
0x7be: {  	v31 =	vshll.u32 v31, $0x9;
	v34 =	vmax.f32 v34, $1.258291200e+07;
	v37 =	vadd.f32 $1.258292000e+07, v37  }
0x7bf: {  	v31 =	vadd.s32 v29, v31;
	v59 =	vmin.f32 v34, $1.258292800e+07;
	v29 =	vmax.f32 v32, $1.258291200e+07  }
0x7c0: {  	[tilespmem:v30+s8+$0x0] =	vst.idx.add.f32.msk $0xffff, v20;
	v32 =	vshll.u32 v59, $0x9;
	v30 =	vmax.f32 v37, $1.258291200e+07;
	v29 =	vmin.f32 v29, $1.258292800e+07  }
0x7c1: {  	[tilespmem:v26+s8+$0x0] =	vst.idx.add.f32.msk $0xffff, v20;
	v26 =	vmin.f32 v30, $1.258292800e+07;
	v29 =	vshll.u32 v29, $0x9;
	v30 =	vadd.s32 v57, v32  }
0x7c2: {  	[tilespmem:v27+s8+$0x0] =	vst.idx.add.f32.msk $0xffff, v20;
	v26 =	vshll.u32 v26, $0x9;
	v27 =	vadd.s32 v57, v29  }
0x7c3: {  	[tilespmem:v35+s8+$0x0] =	vst.idx.add.f32.msk $0xffff, v20;
	v26 =	vadd.s32 v57, v26  }
0x7c4: {  	[tilespmem:v28+s8+$0x0] =	vst.idx.add.f32.msk $0xffff, v20  }
0x7c5: {  	[tilespmem:v31+s8+$0x0] =	vst.idx.add.f32.msk $0xffff, v20  }
0x7c6: {  	[tilespmem:v30+s8+$0x0] =	vst.idx.add.f32.msk $0xffff, v20  }
0x7c7: {  	[tilespmem:v27+s8+$0x0] =	vst.idx.add.f32.msk $0xffff, v20  }
0x7c8: {  	s0 =	simm.s32 @!p0 $0x4;
	[tilespmem:v26+s8+$0x0] =	vst.idx.add.f32.msk $0xffff, v20  }
0x7c9: {  	_ =	swait.ge @!p0 [sflag:s0], $0x2000  }
0x7ca: {  	[sflag:s0] =	ssyncset.done @!p0 $0x0  }
0x7cb: {  	s26 =	simm.s32 $0x14010;
	[sflag:s0] =	ssyncadd.s32 @!p0 $0xFFFFE000  }
0x7cc: {  	v26 =	vld [tilespmem:s26+$0x0];
	_ =	sdelay $0x4  }
0x7cd: {  	v27 =	vld [tilespmem:s26+$0xFFFFFFF0];
	v26 =	vsub.f32 $6.400000000e+01, v26;
	_ =	sdelay $0x1  }
0x7ce: {  	(erf) = vrcp.f32 v26  }
0x7cf: {  	s1 =	simm.s32 $0x0  }
0x7d0: {  	s2 =	simm.s32 $0x10;
	s17 =	sand.u32 $0x180, s1  }
0x7d1: {  	s4 =	sor.u32 $0x14200, s17;
	s23 =	sand.u32 $0x70, s2;
	v26 =	vsub.f32 $6.400000000e+01, v27  }
0x7d2: {  	s2 =	sor.u32 s23, s4;
	[tilespmem:s26+$0x0] =	vst v0  }
0x7d3: {  	v27 =	vld [tilespmem:s2+$0x0];
	(erf) = vrcp.f32 v26;
	_ =	sdelay $0x2  }
0x7d4: {  	s5 =	simm.s32 $0x0;
	s22 =	sand.u32 $0x60, s1  }
0x7d5: {  	s6 =	sand.u32 $0x1000, s5;
	s9 =	sand.u32 $0x400, s5;
	s31 =	sor.u32 s22, s4;
	[tilespmem:s26+$0xFFFFFFF0] =	vst v0;
	v26 =	vpop (erf)  }
0x7d6: {  	s4 =	sor.u32 s9, s6;
	v28 =	vld [tilespmem:s31+$0x0];
	v27 =	vmul.f32 v26, v27  }
0x7d7: {  	s1 =	sor.u32 $0x12000, s4  }
0x7d8: {  	s10 =	sor.u32 $0x14400, s17;
	s21 =	sor.u32 s23, s1;
	[tilespmem:s2+$0x0] =	vst v0  }
0x7d9: {  	s12 =	sor.u32 s23, s10;
	[tilespmem:s21+$0x0] =	vst v27  }
0x7da: {  	v29 =	vld [tilespmem:s12+$0x0];
	v27 =	vpop (erf)  }
0x7db: {  	v28 =	vmul.f32 v27, v28  }
0x7dc: {  	s24 =	sor.u32 s22, s1;
	[tilespmem:s31+$0x0] =	vst v0  }
0x7dd: {  	s14 =	sor.u32 s22, s10;
	[tilespmem:s24+$0x0] =	vst v28  }
0x7de: {  	v28 =	vld [tilespmem:s14+$0x0]  }
0x7df: {  	v29 =	vmul.f32 v29, v26  }
0x7e0: {  	s15 =	sor.u32 $0x14600, s17;
	[tilespmem:s12+$0x0] =	vst v0  }
0x7e1: {  	s16 =	sor.u32 s23, s15;
	[tilespmem:s21+$0x80] =	vst v29  }
0x7e2: {  	v29 =	vld [tilespmem:s16+$0x0]  }
0x7e3: {  	v28 =	vmul.f32 v28, v27  }
0x7e4: {  	[tilespmem:s14+$0x0] =	vst v0  }
0x7e5: {  	s25 =	sor.u32 s22, s15;
	[tilespmem:s24+$0x80] =	vst v28  }
0x7e6: {  	v28 =	vld [tilespmem:s25+$0x0]  }
0x7e7: {  	v29 =	vmul.f32 v29, v26  }
0x7e8: {  	s26 =	sor.u32 $0x14800, s17;
	[tilespmem:s16+$0x0] =	vst v0  }
0x7e9: {  	s31 =	sor.u32 s23, s26;
	[tilespmem:s21+$0x100] =	vst v29  }
0x7ea: {  	v29 =	vld [tilespmem:s31+$0x0]  }
0x7eb: {  	v28 =	vmul.f32 v28, v27  }
0x7ec: {  	[tilespmem:s25+$0x0] =	vst v0  }
0x7ed: {  	s5 =	sor.u32 s22, s26;
	[tilespmem:s24+$0x100] =	vst v28  }
0x7ee: {  	v28 =	vld [tilespmem:s5+$0x0]  }
0x7ef: {  	v29 =	vmul.f32 v29, v26  }
0x7f0: {  	s6 =	sor.u32 $0x14A00, s17;
	[tilespmem:s31+$0x0] =	vst v0  }
0x7f1: {  	s9 =	sor.u32 s23, s6;
	[tilespmem:s21+$0x180] =	vst v29  }
0x7f2: {  	v29 =	vld [tilespmem:s9+$0x0]  }
0x7f3: {  	v28 =	vmul.f32 v28, v27  }
0x7f4: {  	[tilespmem:s5+$0x0] =	vst v0  }
0x7f5: {  	s10 =	sor.u32 s22, s6;
	[tilespmem:s24+$0x180] =	vst v28  }
0x7f6: {  	v28 =	vld [tilespmem:s10+$0x0]  }
0x7f7: {  	v29 =	vmul.f32 v29, v26  }
0x7f8: {  	s12 =	sor.u32 $0x14C00, s17;
	[tilespmem:s9+$0x0] =	vst v0  }
0x7f9: {  	s14 =	sor.u32 s23, s12;
	[tilespmem:s21+$0x200] =	vst v29  }
0x7fa: {  	v29 =	vld [tilespmem:s14+$0x0]  }
0x7fb: {  	v28 =	vmul.f32 v28, v27  }
0x7fc: {  	[tilespmem:s10+$0x0] =	vst v0  }
0x7fd: {  	s15 =	sor.u32 s22, s12;
	[tilespmem:s24+$0x200] =	vst v28  }
0x7fe: {  	v28 =	vld [tilespmem:s15+$0x0]  }
0x7ff: {  	v29 =	vmul.f32 v29, v26  }
0x800: {  	s16 =	sor.u32 $0x14E00, s17;
	[tilespmem:s14+$0x0] =	vst v0  }
0x801: {  	s25 =	sor.u32 s23, s16;
	[tilespmem:s21+$0x280] =	vst v29  }
0x802: {  	v29 =	vld [tilespmem:s25+$0x0]  }
0x803: {  	v28 =	vmul.f32 v28, v27  }
0x804: {  	[tilespmem:s15+$0x0] =	vst v0  }
0x805: {  	s26 =	sor.u32 s22, s16;
	[tilespmem:s24+$0x280] =	vst v28  }
0x806: {  	v28 =	vld [tilespmem:s26+$0x0]  }
0x807: {  	s31 =	simm.s32 $0x14030;
	v29 =	vmul.f32 v29, v26  }
0x808: {  	v30 =	vld [tilespmem:s31+$0x0];
	s10 =	sor.u32 $0x15000, s17;
	[tilespmem:s25+$0x0] =	vst v0  }
0x809: {  	v31 =	vld [tilespmem:s31+$0xFFFFFFF0];
	s12 =	sor.u32 s23, s10;
	[tilespmem:s21+$0x300] =	vst v29  }
0x80a: {  	v29 =	vld [tilespmem:s12+$0x0]  }
0x80b: {  	v28 =	vmul.f32 v28, v27  }
0x80c: {  	[tilespmem:s26+$0x0] =	vst v0  }
0x80d: {  	[tilespmem:s24+$0x300] =	vst v28;
	v28 =	vsub.f32 $6.400000000e+01, v30  }
0x80e: {  	v31 =	vsub.f32 $6.400000000e+01, v31;
	s5 =	sor.u32 s22, s10  }
0x80f: {  	v30 =	vld [tilespmem:s5+$0x0];
	(erf) = vrcp.f32 v28;
	v28 =	vmul.f32 v29, v26  }
0x810: {  	s6 =	simm.s32 $0x20;
	s9 =	sor.u32 $0x15200, s17;
	[tilespmem:s12+$0x0] =	vst v0;
	(erf) = vrcp.f32 v31  }
0x811: {  	s0 =	simm.s32 $0x30;
	s2 =	sor.u32 s23, s9;
	s25 =	sand.u32 $0x180, s6;
	[tilespmem:s21+$0x380] =	vst v28  }
0x812: {  	s29 =	sand.u32 $0x70, s0;
	[tilespmem:s31+$0xFFFFFFF0] =	vst v0;
	s10 =	sor.u32 $0x14200, s25;
	v28 =	vld [tilespmem:s2+$0x0]  }
0x813: {  	s28 =	sand.u32 $0x60, s6;
	[tilespmem:s31+$0x0] =	vst v0;
	s1 =	sor.u32 s29, s10  }
0x814: {  	s14 =	sor.u32 s28, s10;
	[tilespmem:s5+$0x0] =	vst v0;
	v29 =	vmul.f32 v30, v27;
	v30 =	vld [tilespmem:s1+$0x0]  }
0x815: {  	v31 =	vld [tilespmem:s14+$0x0];
	[tilespmem:s14+$0x0] =	vst v0  }
0x816: {  	s15 =	sor.u32 s22, s9;
	s9 =	simm.s32 $0x100;
	s6 =	simm.s32 $0x200;
	[tilespmem:s24+$0x380] =	vst v29  }
0x817: {  	s16 =	sand.u32 $0x1000, s6;
	s26 =	sand.u32 $0x400, s9;
	s12 =	sor.u32 $0x12800, s4;
	[tilespmem:s2+$0x0] =	vst v0;
	v60 =	vld [tilespmem:s15+$0x0];
	v61 =	vmul.f32 v28, v26  }
0x818: {  	s31 =	sor.u32 $0x15400, s17;
	s4 =	sor.u32 s26, s16;
	s14 =	sor.u32 s23, s12;
	[tilespmem:s1+$0x0] =	vst v0;
	v29 =	vpop (erf)  }
0x819: {  	s10 =	sor.u32 $0x12000, s4;
	s2 =	sor.u32 s23, s31;
	v30 =	vmul.f32 v29, v30;
	v28 =	vpop (erf);
	[tilespmem:s14+$0x0] =	vst v61  }
0x81a: {  	s30 =	sor.u32 s29, s10;
	[tilespmem:s15+$0x0] =	vst v0;
	s14 =	sor.u32 $0x14400, s25;
	v31 =	vmul.f32 v28, v31;
	v33 =	vld [tilespmem:s2+$0x0]  }
0x81b: {  	s26 =	sor.u32 s28, s10;
	s1 =	sor.u32 s29, s14;
	[tilespmem:s30+$0x0] =	vst v30  }
0x81c: {  	s16 =	sor.u32 s28, s14;
	v30 =	vmul.f32 v60, v27;
	[tilespmem:s26+$0x0] =	vst v31;
	v31 =	vld [tilespmem:s1+$0x0]  }
0x81d: {  	s15 =	sor.u32 s22, s12;
	[tilespmem:s2+$0x0] =	vst v0;
	v62 =	vld [tilespmem:s16+$0x0]  }
0x81e: {  	s5 =	sor.u32 s22, s31;
	[tilespmem:s15+$0x0] =	vst v30  }
0x81f: {  	[tilespmem:s1+$0x0] =	vst v0;
	v30 =	vld [tilespmem:s5+$0x0];
	v33 =	vmul.f32 v33, v26  }
0x820: {  	s31 =	sor.u32 $0x15600, s17;
	[tilespmem:s16+$0x0] =	vst v0  }
0x821: {  	s12 =	sor.u32 s23, s31;
	v31 =	vmul.f32 v31, v29;
	[tilespmem:s21+$0x880] =	vst v33  }
0x822: {  	s14 =	sor.u32 $0x14600, s25;
	[tilespmem:s5+$0x0] =	vst v0;
	v32 =	vmul.f32 v62, v28;
	v33 =	vld [tilespmem:s12+$0x0]  }
0x823: {  	s15 =	sor.u32 s29, s14;
	[tilespmem:s30+$0x80] =	vst v31  }
0x824: {  	s10 =	sor.u32 s28, s14;
	v30 =	vmul.f32 v30, v27;
	[tilespmem:s26+$0x80] =	vst v32;
	v31 =	vld [tilespmem:s15+$0x0]  }
0x825: {  	[tilespmem:s12+$0x0] =	vst v0;
	v32 =	vld [tilespmem:s10+$0x0]  }
0x826: {  	s5 =	sor.u32 s22, s31;
	[tilespmem:s24+$0x880] =	vst v30  }
0x827: {  	[tilespmem:s15+$0x0] =	vst v0;
	v30 =	vld [tilespmem:s5+$0x0];
	v33 =	vmul.f32 v33, v26  }
0x828: {  	s16 =	sor.u32 $0x15800, s17;
	[tilespmem:s10+$0x0] =	vst v0  }
0x829: {  	s31 =	sor.u32 s23, s16;
	v31 =	vmul.f32 v31, v29;
	[tilespmem:s21+$0x900] =	vst v33  }
0x82a: {  	s12 =	sor.u32 $0x14800, s25;
	[tilespmem:s5+$0x0] =	vst v0;
	v32 =	vmul.f32 v32, v28;
	v33 =	vld [tilespmem:s31+$0x0]  }
0x82b: {  	s14 =	sor.u32 s29, s12;
	[tilespmem:s30+$0x100] =	vst v31  }
0x82c: {  	s10 =	sor.u32 s28, s12;
	v30 =	vmul.f32 v30, v27;
	[tilespmem:s26+$0x100] =	vst v32;
	v31 =	vld [tilespmem:s14+$0x0]  }
0x82d: {  	[tilespmem:s31+$0x0] =	vst v0;
	v32 =	vld [tilespmem:s10+$0x0]  }
0x82e: {  	s5 =	sor.u32 s22, s16;
	[tilespmem:s24+$0x900] =	vst v30  }
0x82f: {  	[tilespmem:s14+$0x0] =	vst v0;
	v30 =	vld [tilespmem:s5+$0x0];
	v33 =	vmul.f32 v33, v26  }
0x830: {  	s15 =	sor.u32 $0x15A00, s17;
	[tilespmem:s10+$0x0] =	vst v0  }
0x831: {  	s16 =	sor.u32 s23, s15;
	v31 =	vmul.f32 v31, v29;
	[tilespmem:s21+$0x980] =	vst v33  }
0x832: {  	s31 =	sor.u32 $0x14A00, s25;
	[tilespmem:s5+$0x0] =	vst v0;
	v32 =	vmul.f32 v32, v28;
	v33 =	vld [tilespmem:s16+$0x0]  }
0x833: {  	s12 =	sor.u32 s29, s31;
	[tilespmem:s30+$0x180] =	vst v31  }
0x834: {  	s10 =	sor.u32 s28, s31;
	v30 =	vmul.f32 v30, v27;
	[tilespmem:s26+$0x180] =	vst v32;
	v31 =	vld [tilespmem:s12+$0x0]  }
0x835: {  	[tilespmem:s16+$0x0] =	vst v0;
	v32 =	vld [tilespmem:s10+$0x0]  }
0x836: {  	s5 =	sor.u32 s22, s15;
	[tilespmem:s24+$0x980] =	vst v30  }
0x837: {  	[tilespmem:s12+$0x0] =	vst v0;
	v30 =	vld [tilespmem:s5+$0x0];
	v33 =	vmul.f32 v33, v26  }
0x838: {  	s14 =	sor.u32 $0x15C00, s17;
	[tilespmem:s10+$0x0] =	vst v0  }
0x839: {  	s15 =	sor.u32 s23, s14;
	v31 =	vmul.f32 v31, v29;
	[tilespmem:s21+$0xA00] =	vst v33  }
0x83a: {  	s16 =	sor.u32 $0x14C00, s25;
	[tilespmem:s5+$0x0] =	vst v0;
	v32 =	vmul.f32 v32, v28;
	v33 =	vld [tilespmem:s15+$0x0]  }
0x83b: {  	s31 =	sor.u32 s29, s16;
	[tilespmem:s30+$0x200] =	vst v31  }
0x83c: {  	s10 =	sor.u32 s28, s16;
	v30 =	vmul.f32 v30, v27;
	[tilespmem:s26+$0x200] =	vst v32;
	v31 =	vld [tilespmem:s31+$0x0]  }
0x83d: {  	[tilespmem:s15+$0x0] =	vst v0;
	v32 =	vld [tilespmem:s10+$0x0]  }
0x83e: {  	s5 =	sor.u32 s22, s14;
	[tilespmem:s24+$0xA00] =	vst v30  }
0x83f: {  	[tilespmem:s31+$0x0] =	vst v0;
	v30 =	vld [tilespmem:s5+$0x0];
	v33 =	vmul.f32 v33, v26  }
0x840: {  	s12 =	sor.u32 $0x15E00, s17;
	[tilespmem:s10+$0x0] =	vst v0  }
0x841: {  	s14 =	sor.u32 s23, s12;
	v31 =	vmul.f32 v31, v29;
	[tilespmem:s21+$0xA80] =	vst v33  }
0x842: {  	s16 =	sor.u32 $0x14E00, s25;
	[tilespmem:s5+$0x0] =	vst v0;
	v32 =	vmul.f32 v32, v28;
	v63 =	vld [tilespmem:s14+$0x0]  }
0x843: {  	s10 =	sor.u32 s29, s16;
	[tilespmem:s30+$0x280] =	vst v31  }
0x844: {  	s31 =	sor.u32 s28, s16;
	v30 =	vmul.f32 v30, v27;
	[tilespmem:s26+$0x280] =	vst v32;
	v33 =	vld [tilespmem:s10+$0x0]  }
0x845: {  	[tilespmem:s14+$0x0] =	vst v0;
	v32 =	vld [tilespmem:s31+$0x0]  }
0x846: {  	s2 =	sor.u32 s22, s12;
	[tilespmem:s24+$0xA80] =	vst v30  }
0x847: {  	[tilespmem:s31+$0x0] =	vst v0;
	v30 =	vld [tilespmem:s2+$0x0];
	v31 =	vmul.f32 v63, v26  }
0x848: {  	s1 =	sor.u32 $0x16000, s17;
	s15 =	simm.s32 $0x2;
	s16 =	simm.s32 $0x14050;
	[tilespmem:s2+$0x0] =	vst v0  }
.LBB2_11:
0x849: {  	v34 =	vld [tilespmem:s16+$0x0];
	v33 =	vmul.f32 v33, v29;
	s2 =	sor.u32 s22, s1;
	[tilespmem:s21+$0xB00] =	vst v31;
	s1 =	sor.u32 s23, s1;
	s22 =	smov.u32 s28  }
0x84a: {  	s15 =	sadd.s32 $0x2, s15;
	s5 =	sor.u32 $0x15000, s25;
	s23 =	smov.u32 s29;
	v31 =	vmul.f32 v32, v28;
	[tilespmem:s10+$0x0] =	vst v0;
	v32 =	vld [tilespmem:s1+$0x0]  }
0x84b: {  	p0 =	slt.u32 s15, $0x1E;
	s10 =	sor.u32 s22, s5;
	s5 =	sor.u32 s23, s5;
	v35 =	vld [tilespmem:s16+$0xFFFFFFF0];
	[tilespmem:s30+$0x300] =	vst v33  }
0x84c: {  	[tilespmem:s16+$0xFFFFFFF0] =	vst v0;
	v33 =	vld [tilespmem:s5+$0x0];
	v30 =	vmul.f32 v30, v27  }
0x84d: {  	[tilespmem:s26+$0x300] =	vst v31  }
0x84e: {  	v31 =	vld [tilespmem:s10+$0x0];
	[tilespmem:s10+$0x0] =	vst v0  }
0x84f: {  	v34 =	vsub.f32 $6.400000000e+01, v34;
	[tilespmem:s24+$0xB00] =	vst v30;
	v30 =	vmul.f32 v32, v26;
	v26 =	vmov v29  }
0x850: {  	v29 =	vsub.f32 $6.400000000e+01, v35;
	v32 =	vld [tilespmem:s2+$0x0];
	[tilespmem:s1+$0x0] =	vst v0  }
0x851: {  	s0 =	sadd.s32 $0x20, s0;
	(erf) = vrcp.f32 v34;
	v33 =	vmul.f32 v33, v26;
	[tilespmem:s21+$0xB80] =	vst v30;
	s21 =	smov.u32 s30  }
0x852: {  	s10 =	sor.u32 $0x15200, s25;
	s1 =	sadd.s32 $0xFFFFFFF0, s0;
	(erf) = vrcp.f32 v29;
	[tilespmem:s5+$0x0] =	vst v0  }
0x853: {  	s17 =	sand.u32 $0x180, s1;
	s28 =	sand.u32 $0x60, s1;
	s1 =	sor.u32 s23, s10;
	v29 =	vmul.f32 v31, v28;
	[tilespmem:s21+$0x380] =	vst v33  }
0x854: {  	s29 =	sand.u32 $0x70, s0;
	s10 =	sor.u32 s22, s10;
	s5 =	sor.u32 $0x14200, s17;
	v30 =	vld [tilespmem:s1+$0x0];
	[tilespmem:s2+$0x0] =	vst v0  }
0x855: {  	s2 =	sor.u32 s28, s5;
	s5 =	sor.u32 s29, s5;
	[tilespmem:s16+$0x0] =	vst v0;
	v31 =	vmul.f32 v32, v27;
	v27 =	vmov v28  }
0x856: {  	v28 =	vld [tilespmem:s5+$0x0];
	[tilespmem:s26+$0x380] =	vst v29  }
0x857: {  	v32 =	vld [tilespmem:s2+$0x0];
	[tilespmem:s2+$0x0] =	vst v0  }
0x858: {  	s6 =	sadd.s32 $0x200, s6;
	s9 =	sadd.s32 $0x100, s9;
	v33 =	vld [tilespmem:s10+$0x0];
	[tilespmem:s10+$0x0] =	vst v0  }
0x859: {  	s12 =	sor.u32 $0x12800, s4;
	s2 =	sand.u32 $0x1000, s6;
	s10 =	sand.u32 $0x400, s9;
	v30 =	vmul.f32 v30, v26;
	[tilespmem:s24+$0xB80] =	vst v31  }
0x85a: {  	s4 =	sor.u32 s10, s2;
	s2 =	sor.u32 $0x15400, s25;
	v29 =	vpop (erf);
	[tilespmem:s1+$0x0] =	vst v0;
	s1 =	sor.u32 s23, s12  }
0x85b: {  	s10 =	sor.u32 $0x12000, s4;
	s12 =	sor.u32 s22, s12;
	v31 =	vmul.f32 v29, v28;
	v28 =	vpop (erf);
	[tilespmem:s1+$0x0] =	vst v30;
	s1 =	sor.u32 s23, s2  }
0x85c: {  	s24 =	sor.u32 $0x14400, s17;
	s14 =	sor.u32 s28, s10;
	s30 =	sor.u32 s29, s10;
	v30 =	vmul.f32 v28, v32;
	[tilespmem:s5+$0x0] =	vst v0;
	v32 =	vld [tilespmem:s1+$0x0]  }
0x85d: {  	s10 =	sor.u32 s29, s24;
	s2 =	sor.u32 s22, s2;
	s5 =	sor.u32 s28, s24;
	[tilespmem:s30+$0x0] =	vst v31;
	v31 =	vmul.f32 v33, v27  }
0x85e: {  	s24 =	smov.u32 s26;
	s26 =	smov.u32 s14;
	[tilespmem:s14+$0x0] =	vst v30;
	v30 =	vld [tilespmem:s10+$0x0]  }
0x85f: {  	v33 =	vld [tilespmem:s5+$0x0];
	[tilespmem:s5+$0x0] =	vst v0  }
0x860: {  	[tilespmem:s12+$0x0] =	vst v31  }
0x861: {  	v31 =	vld [tilespmem:s2+$0x0];
	[tilespmem:s2+$0x0] =	vst v0;
	v32 =	vmul.f32 v32, v26  }
0x862: {  	s2 =	sor.u32 $0x15600, s25;
	[tilespmem:s1+$0x0] =	vst v0  }
0x863: {  	s1 =	sor.u32 s22, s2;
	s2 =	sor.u32 s23, s2;
	v30 =	vmul.f32 v30, v29;
	[tilespmem:s21+$0x880] =	vst v32  }
0x864: {  	s5 =	sor.u32 $0x14600, s17;
	v32 =	vmul.f32 v33, v28;
	[tilespmem:s10+$0x0] =	vst v0;
	v33 =	vld [tilespmem:s2+$0x0]  }
0x865: {  	s10 =	sor.u32 s28, s5;
	s5 =	sor.u32 s29, s5;
	[tilespmem:s30+$0x80] =	vst v30  }
0x866: {  	[tilespmem:s26+$0x80] =	vst v32;
	v30 =	vld [tilespmem:s5+$0x0];
	v31 =	vmul.f32 v31, v27  }
0x867: {  	v32 =	vld [tilespmem:s10+$0x0];
	[tilespmem:s10+$0x0] =	vst v0  }
0x868: {  	[tilespmem:s24+$0x880] =	vst v31  }
0x869: {  	v31 =	vld [tilespmem:s1+$0x0];
	[tilespmem:s1+$0x0] =	vst v0;
	v33 =	vmul.f32 v33, v26  }
0x86a: {  	s1 =	sor.u32 $0x15800, s25;
	[tilespmem:s2+$0x0] =	vst v0  }
0x86b: {  	s2 =	sor.u32 s22, s1;
	s1 =	sor.u32 s23, s1;
	v30 =	vmul.f32 v30, v29;
	[tilespmem:s21+$0x900] =	vst v33  }
0x86c: {  	s10 =	sor.u32 $0x14800, s17;
	v32 =	vmul.f32 v32, v28;
	[tilespmem:s5+$0x0] =	vst v0;
	v33 =	vld [tilespmem:s1+$0x0]  }
0x86d: {  	s5 =	sor.u32 s28, s10;
	s10 =	sor.u32 s29, s10;
	[tilespmem:s30+$0x100] =	vst v30  }
0x86e: {  	[tilespmem:s26+$0x100] =	vst v32;
	v30 =	vld [tilespmem:s10+$0x0];
	v31 =	vmul.f32 v31, v27  }
0x86f: {  	v32 =	vld [tilespmem:s5+$0x0];
	[tilespmem:s5+$0x0] =	vst v0  }
0x870: {  	[tilespmem:s24+$0x900] =	vst v31  }
0x871: {  	v31 =	vld [tilespmem:s2+$0x0];
	[tilespmem:s2+$0x0] =	vst v0;
	v33 =	vmul.f32 v33, v26  }
0x872: {  	s2 =	sor.u32 $0x15A00, s25;
	[tilespmem:s1+$0x0] =	vst v0  }
0x873: {  	s1 =	sor.u32 s22, s2;
	s2 =	sor.u32 s23, s2;
	v30 =	vmul.f32 v30, v29;
	[tilespmem:s21+$0x980] =	vst v33  }
0x874: {  	s5 =	sor.u32 $0x14A00, s17;
	v32 =	vmul.f32 v32, v28;
	[tilespmem:s10+$0x0] =	vst v0;
	v33 =	vld [tilespmem:s2+$0x0]  }
0x875: {  	s10 =	sor.u32 s28, s5;
	s5 =	sor.u32 s29, s5;
	[tilespmem:s30+$0x180] =	vst v30  }
0x876: {  	[tilespmem:s26+$0x180] =	vst v32;
	v30 =	vld [tilespmem:s5+$0x0];
	v31 =	vmul.f32 v31, v27  }
0x877: {  	v32 =	vld [tilespmem:s10+$0x0];
	[tilespmem:s10+$0x0] =	vst v0  }
0x878: {  	[tilespmem:s24+$0x980] =	vst v31  }
0x879: {  	v31 =	vld [tilespmem:s1+$0x0];
	[tilespmem:s1+$0x0] =	vst v0;
	v33 =	vmul.f32 v33, v26  }
0x87a: {  	s1 =	sor.u32 $0x15C00, s25;
	[tilespmem:s2+$0x0] =	vst v0  }
0x87b: {  	s2 =	sor.u32 s22, s1;
	s1 =	sor.u32 s23, s1;
	v30 =	vmul.f32 v30, v29;
	[tilespmem:s21+$0xA00] =	vst v33  }
0x87c: {  	s10 =	sor.u32 $0x14C00, s17;
	v32 =	vmul.f32 v32, v28;
	[tilespmem:s5+$0x0] =	vst v0;
	v33 =	vld [tilespmem:s1+$0x0]  }
0x87d: {  	s5 =	sor.u32 s28, s10;
	s10 =	sor.u32 s29, s10;
	[tilespmem:s30+$0x200] =	vst v30  }
0x87e: {  	[tilespmem:s26+$0x200] =	vst v32;
	v30 =	vld [tilespmem:s10+$0x0];
	v31 =	vmul.f32 v31, v27  }
0x87f: {  	v32 =	vld [tilespmem:s5+$0x0];
	[tilespmem:s5+$0x0] =	vst v0  }
0x880: {  	[tilespmem:s24+$0xA00] =	vst v31  }
0x881: {  	v31 =	vld [tilespmem:s2+$0x0];
	[tilespmem:s2+$0x0] =	vst v0;
	v33 =	vmul.f32 v33, v26  }
0x882: {  	s2 =	sor.u32 $0x15E00, s25;
	[tilespmem:s1+$0x0] =	vst v0  }
0x883: {  	s1 =	sor.u32 s22, s2;
	s2 =	sor.u32 s23, s2;
	v30 =	vmul.f32 v30, v29;
	[tilespmem:s21+$0xA80] =	vst v33  }
0x884: {  	s5 =	sor.u32 $0x14E00, s17;
	v32 =	vmul.f32 v32, v28;
	[tilespmem:s10+$0x0] =	vst v0;
	v34 =	vld [tilespmem:s2+$0x0]  }
0x885: {  	s12 =	sor.u32 s28, s5;
	s10 =	sor.u32 s29, s5;
	[tilespmem:s30+$0x280] =	vst v30  }
.Ltmp4:
0x886: {  	[tilespmem:s26+$0x280] =	vst v32;
	v33 =	vld [tilespmem:s10+$0x0];
	v30 =	vmul.f32 v31, v27;
	(pc) =	sbr.rel @p0 .LBB2_11-.Ltmp4, $4  }
0x887: {  	v32 =	vld [tilespmem:s12+$0x0];
	[tilespmem:s12+$0x0] =	vst v0  }
0x888: {  	[tilespmem:s24+$0xA80] =	vst v30  }
0x889: {  	v30 =	vld [tilespmem:s1+$0x0];
	[tilespmem:s1+$0x0] =	vst v0;
	v31 =	vmul.f32 v34, v26  }
0x88a: {  	s16 =	sadd.s32 $0x20, s16;
	s1 =	sor.u32 $0x16000, s25;
	s25 =	smov.u32 s17;
	[tilespmem:s2+$0x0] =	vst v0  }
0x88b: {  	v33 =	vmul.f32 v33, v29  }
0x88c: {  	s0 =	sor.u32 $0x15000, s25;
	[tilespmem:s10+$0x0] =	vst v0  }
0x88d: {  	v32 =	vmul.f32 v32, v28;
	s2 =	sor.u32 s29, s0;
	[tilespmem:s30+$0x300] =	vst v33  }
0x88e: {  	v33 =	vld [tilespmem:s2+$0x0]  }
0x88f: {  	s0 =	sor.u32 s28, s0;
	[tilespmem:s26+$0x300] =	vst v32  }
0x890: {  	v32 =	vld [tilespmem:s0+$0x0];
	_ =	sdelay $0x2  }
0x891: {  	v33 =	vmul.f32 v33, v29  }
0x892: {  	s5 =	sor.u32 $0x15200, s25;
	[tilespmem:s2+$0x0] =	vst v0  }
0x893: {  	s15 =	sor.u32 s29, s5;
	v32 =	vmul.f32 v32, v28;
	[tilespmem:s30+$0x380] =	vst v33  }
0x894: {  	[tilespmem:s0+$0x0] =	vst v0;
	v33 =	vld [tilespmem:s15+$0x0]  }
0x895: {  	s16 =	sor.u32 s28, s5;
	[tilespmem:s26+$0x380] =	vst v32  }
0x896: {  	v32 =	vld [tilespmem:s16+$0x0];
	_ =	sdelay $0x2  }
0x897: {  	s4 =	sor.u32 $0x12800, s4;
	v33 =	vmul.f32 v33, v29  }
0x898: {  	s17 =	sor.u32 $0x15400, s25;
	s31 =	sor.u32 s29, s4;
	[tilespmem:s15+$0x0] =	vst v0  }
0x899: {  	s6 =	sor.u32 s29, s17;
	v32 =	vmul.f32 v32, v28;
	[tilespmem:s31+$0x0] =	vst v33  }
0x89a: {  	s9 =	sor.u32 s28, s4;
	[tilespmem:s16+$0x0] =	vst v0;
	v33 =	vld [tilespmem:s6+$0x0]  }
0x89b: {  	s10 =	sor.u32 s28, s17;
	[tilespmem:s9+$0x0] =	vst v32  }
0x89c: {  	v32 =	vld [tilespmem:s10+$0x0];
	_ =	sdelay $0x2  }
0x89d: {  	v33 =	vmul.f32 v33, v29  }
0x89e: {  	s12 =	sor.u32 $0x15600, s25;
	[tilespmem:s6+$0x0] =	vst v0  }
0x89f: {  	s14 =	sor.u32 s29, s12;
	v32 =	vmul.f32 v32, v28;
	[tilespmem:s30+$0x880] =	vst v33  }
0x8a0: {  	[tilespmem:s10+$0x0] =	vst v0;
	v33 =	vld [tilespmem:s14+$0x0]  }
0x8a1: {  	s0 =	sor.u32 s28, s12;
	[tilespmem:s26+$0x880] =	vst v32  }
0x8a2: {  	v32 =	vld [tilespmem:s0+$0x0];
	_ =	sdelay $0x2  }
0x8a3: {  	v33 =	vmul.f32 v33, v29  }
0x8a4: {  	s15 =	sor.u32 $0x15800, s25;
	[tilespmem:s14+$0x0] =	vst v0  }
0x8a5: {  	s16 =	sor.u32 s29, s15;
	v32 =	vmul.f32 v32, v28;
	[tilespmem:s30+$0x900] =	vst v33  }
0x8a6: {  	[tilespmem:s0+$0x0] =	vst v0;
	v33 =	vld [tilespmem:s16+$0x0]  }
0x8a7: {  	s17 =	sor.u32 s28, s15;
	[tilespmem:s26+$0x900] =	vst v32  }
0x8a8: {  	v32 =	vld [tilespmem:s17+$0x0];
	_ =	sdelay $0x2  }
0x8a9: {  	v33 =	vmul.f32 v33, v29  }
0x8aa: {  	s31 =	sor.u32 $0x15A00, s25;
	[tilespmem:s16+$0x0] =	vst v0  }
0x8ab: {  	s5 =	sor.u32 s29, s31;
	v32 =	vmul.f32 v32, v28;
	[tilespmem:s30+$0x980] =	vst v33  }
0x8ac: {  	[tilespmem:s17+$0x0] =	vst v0;
	v33 =	vld [tilespmem:s5+$0x0]  }
0x8ad: {  	s6 =	sor.u32 s28, s31;
	[tilespmem:s26+$0x980] =	vst v32  }
0x8ae: {  	v32 =	vld [tilespmem:s6+$0x0];
	_ =	sdelay $0x2  }
0x8af: {  	v33 =	vmul.f32 v33, v29  }
0x8b0: {  	s9 =	sor.u32 $0x15C00, s25;
	[tilespmem:s5+$0x0] =	vst v0  }
0x8b1: {  	s10 =	sor.u32 s29, s9;
	v32 =	vmul.f32 v32, v28;
	[tilespmem:s30+$0xA00] =	vst v33  }
0x8b2: {  	[tilespmem:s6+$0x0] =	vst v0;
	v33 =	vld [tilespmem:s10+$0x0]  }
0x8b3: {  	s12 =	sor.u32 s28, s9;
	[tilespmem:s26+$0xA00] =	vst v32  }
0x8b4: {  	v32 =	vld [tilespmem:s12+$0x0];
	_ =	sdelay $0x2  }
0x8b5: {  	v33 =	vmul.f32 v33, v29  }
0x8b6: {  	s14 =	sor.u32 $0x15E00, s25;
	[tilespmem:s10+$0x0] =	vst v0  }
0x8b7: {  	s15 =	sor.u32 s29, s14;
	v32 =	vmul.f32 v32, v28;
	[tilespmem:s30+$0xA80] =	vst v33  }
0x8b8: {  	[tilespmem:s12+$0x0] =	vst v0;
	v33 =	vld [tilespmem:s15+$0x0]  }
0x8b9: {  	s16 =	sor.u32 s28, s14;
	[tilespmem:s26+$0xA80] =	vst v32  }
0x8ba: {  	v32 =	vld [tilespmem:s16+$0x0]  }
0x8bb: {  	[tilespmem:s21+$0xB00] =	vst v31;
	v30 =	vmul.f32 v30, v27;
	s17 =	sor.u32 s23, s1  }
0x8bc: {  	v31 =	vld [tilespmem:s17+$0x0]  }
0x8bd: {  	s22 =	sor.u32 s22, s1;
	[tilespmem:s24+$0xB00] =	vst v30;
	v60 =	vmul.f32 v33, v29  }
0x8be: {  	v61 =	vld [tilespmem:s22+$0x0];
	s23 =	sor.u32 $0x16000, s25;
	[tilespmem:s15+$0x0] =	vst v0  }
0x8bf: {  	s25 =	sor.u32 s29, s23;
	v62 =	vmul.f32 v32, v28;
	[tilespmem:s30+$0xB00] =	vst v60  }
0x8c0: {  	[tilespmem:s16+$0x0] =	vst v0;
	v63 =	vld [tilespmem:s25+$0x0]  }
0x8c1: {  	s28 =	sor.u32 s28, s23;
	v26 =	vmul.f32 v31, v26;
	[tilespmem:s26+$0xB00] =	vst v62  }
0x8c2: {  	[tilespmem:s17+$0x0] =	vst v0;
	v30 =	vld [tilespmem:s28+$0x0]  }
0x8c3: {  	[tilespmem:s21+$0xB80] =	vst v26;
	v26 =	vmul.f32 v61, v27  }
0x8c4: {  	s19 =	sadd.s32 $0x1, s19;
	[tilespmem:s22+$0x0] =	vst v0  }
0x8c5: {  	p0 =	sne.s32 s19, $0x10;
	[tilespmem:s24+$0xB80] =	vst v26;
	v26 =	vmul.f32 v63, v29  }
.Ltmp5:
0x8c6: {  	[tilespmem:s25+$0x0] =	vst v0;
	(pc) =	sbr.rel @p0 .LBB2_4-.Ltmp5, $4  }
0x8c7: {  	s29 =	sshll.u32 s20, $0x9;
	[tilespmem:s30+$0xB80] =	vst v26;
	v26 =	vmul.f32 v30, v28  }
0x8c8: {  	[tilespmem:s28+$0x0] =	vst v0;
	s30 =	sand.u32 $0x1FFFFC00, s29  }
0x8c9: {  	s31 =	simm.s32 $0x12000;
	s0 =	sadd.s32 s7, s30;
	[tilespmem:s26+$0xB80] =	vst v26  }
0x8ca: {  	[hbm4b:s0+s3] =	stream.linear.scatter [tilespmem:s31], [sflag:$0x4], $0x2000, $0x38;
	[tilespmem:$0x16200] =	vst v63  }
0x8cb: {  	s0 =	simm.s32 $0x3  }
0x8cc: {  	_ =	swait.ge [sflag:s0], $0x2000  }
0x8cd: {  	[sflag:s0] =	ssyncset.done $0x0  }
0x8ce: {  	s1 =	simm.s32 $0x4;
	[sflag:s0] =	ssyncadd.s32 $0xFFFFE000  }
0x8cf: {  	_ =	swait.ge [sflag:s1], $0x2000  }
0x8d0: {  	s2 =	rddreg [dreg:$0x7]  }
0x8d1: {  	s31 =	rddreg [dreg:$0x6];
	s2 =	sadd.s32 $0x1, s2  }
0x8d2: {  	p0 =	sne.s32 s2, s31  }
.Ltmp6:
0x8d3: {  	_ = 	snop;
	(pc) =	sbr.rel @p0 .LBB2_1-.Ltmp6, $3  }
0x8d4: {  	_ =	sdelay $0x1  }
0x8d5: {  	[sflag:s1] =	ssyncset.done $0x0  }
0x8d6: {  	[sflag:s1] =	ssyncadd.s32 $0xFFFFE000  }
0x8d7: {  	_ =	sfence.sel $0x180000  }
0x8d8: {  	[bflag:$0x0] =	sbarrier.arrive $0xFFFF  }
0x8d9: {  	_ =	strace $0x90000047  }
0x8da: {  	s0 =	stileid.u32;
	[bflag:$0x2] =	sbarrier.arrive $0xFFFF  }
0x8db: {  	p0 =	sne.s32 s0, $0x0;
	s0 =	rddreg [dreg:$0x2]  }
0x8dc: {  	s0 =	sadd.s32 @!p0 $0x100000, s0  }
0x8dd: {  	[sflag:s0] =	ssyncadd.tile.s32 @!p0 $0x1;
	_ =	shalt  }
.Lfunc_end2:
_tile_overlayer_lowered:
.L_overlay_start_2:
0x8de: {  	(tag) =	ssettag $0x2  }
0x8df: {  	s0 =	rddreg [dreg:$0x0];
	s2 =	stileid.u32  }
0x8e0: {  	s1 =	rddreg [dreg:$0x1];
	p0 =	sne.s32 s2, $0x0  }
0x8e1: {  	s3 =	rddreg [dreg:$0x2];
	[bflag:$0x3] =	sbarrier.arrive $0xFFFF;
	s2 =	simm.s32 @!p0 $0x1C05  }
0x8e2: {  	[timem:s3], [sflag:s2] =	dma.local @!p0 [hbm:s0], s1  }
0x8e3: {  	s0 =	simm.s32 @!p0 $0x5  }
0x8e4: {  	_ =	swait.ge @!p0 [sflag:s0], s1  }
0x8e5: {  	s1 =	ssub.s32 @!p0 $0x0, s1;
	[sflag:s0] =	ssyncset.done @!p0 $0x0  }
0x8e6: {  	[sflag:s0] =	ssyncadd.s32 @!p0 s1  }
0x8e7: {  	[bflag:$0x3] =	sbarrier.arrive $0xFFFF  }
0x8e8: {  	_ =	shalt  }

</sc_bundles>
